<compile_context>
chip_gen: v7x
topology: tpu7x:2x2x1
jax: 0.10.2.dev20260603
libtpu: 0.0.44.dev20260713+nightly
codegen_flags: <defaults>
</compile_context>

<pallas_src>
import functools

import jax
import jax.numpy as jnp
from jax import lax
from jax.experimental import pallas as pl
from jax.experimental.pallas import tpu as pltpu
from jax.experimental.pallas import tpu_sc as plsc

_N = 10000
_E = 320000
_D = 128
_NC = 2
_NS = 16
_CH = 80
_NB = 3


def _make_sc_agg():
    mesh = plsc.VectorSubcoreMesh(core_axis_name="c", subcore_axis_name="s")
    n_workers = _NC * _NS
    epw = _E // n_workers
    n_chunks = epw // _CH

    rpt0 = 624
    rpt1 = _N - (_NS - 1) * rpt0

    @functools.partial(
        pl.kernel,
        mesh=mesh,
        out_type=jax.ShapeDtypeStruct((_NC, _N, _D), jnp.float32),
        scratch_types=[
            pltpu.VMEM((2 * epw,), jnp.int32),
            pltpu.VMEM((_CH,), jnp.int32),
            pltpu.VMEM((_NB, _CH, _D), jnp.float32),
            pltpu.VMEM_SHARED((_N, _D), jnp.float32),
            pltpu.SemaphoreType.DMA,
            pltpu.SemaphoreType.DMA,
        ] + [pltpu.SemaphoreType.DMA] * _NB,
    )
    def sc_agg(x_hbm, ei_hbm, out_hbm,
               idx_v, dstc, rows, agg_sh, zsem, isem, *gsems):
        gsems = list(gsems)
        cid = lax.axis_index("c")
        sid = lax.axis_index("s")
        wid = sid * _NC + cid
        last = sid == _NS - 1
        r0 = sid * rpt0

        zv = jnp.zeros((16,), jnp.float32)
        for r in range(16):
            for l in range(_D // 16):
                rows[0, r, pl.ds(16 * l, 16)] = zv
        zstrip = rows.at[0, pl.ds(0, 16)]

        base = wid * epw
        pltpu.async_copy(ei_hbm.at[pl.ds(base, epw)],
                         idx_v.at[pl.ds(0, epw)], isem)
        pltpu.async_copy(ei_hbm.at[pl.ds(_E + base, epw)],
                         idx_v.at[pl.ds(epw, epw)], isem)

        def init(start, nrows):
            @pl.when(cid == 0)
            def _():
                pltpu.async_copy(x_hbm.at[pl.ds(start, nrows)],
                                 agg_sh.at[pl.ds(start, nrows)], zsem)
                pltpu.make_async_copy(x_hbm.at[pl.ds(start, nrows)],
                                      agg_sh.at[pl.ds(start, nrows)],
                                      zsem).wait()

            @pl.when(cid == 1)
            def _():
                for j in range(nrows // 16):
                    pltpu.async_copy(zstrip,
                                     agg_sh.at[pl.ds(start + 16 * j, 16)],
                                     zsem)
                for j in range(nrows // 16):
                    pltpu.make_async_copy(zstrip, agg_sh.at[pl.ds(0, 16)],
                                          zsem).wait()

        @pl.when(~last)
        def _():
            init(r0, rpt0)

        @pl.when(last)
        def _():
            init((_NS - 1) * rpt0, rpt1)

        pltpu.make_async_copy(ei_hbm.at[pl.ds(base, epw)],
                              idx_v.at[pl.ds(0, epw)], isem).wait()
        pltpu.make_async_copy(ei_hbm.at[pl.ds(base, epw)],
                              idx_v.at[pl.ds(0, epw)], isem).wait()
        plsc.subcore_barrier()

        def sl(c):
            return pl.ds(pl.multiple_of(c * _CH, _CH), _CH)

        def copy_dst(c):
            off = pl.multiple_of(epw + c * _CH, _CH)
            for j in range(_CH // 16):
                dstc[pl.ds(16 * j, 16)] = idx_v[pl.ds(off + 16 * j, 16)]

        def issue(c, k):
            pltpu.async_copy(x_hbm.at[idx_v.at[sl(c)]], rows.at[k], gsems[k])

        def step(c, k, issue_next):
            pltpu.make_async_copy(x_hbm.at[idx_v.at[sl(0)]], rows.at[k],
                                  gsems[k]).wait()
            copy_dst(c)
            pltpu.sync_copy(rows.at[k], agg_sh.at[dstc], add=True)
            if issue_next:
                @pl.when(c + _NB < n_chunks)
                def _():
                    issue(c + _NB, k)

        for k in range(_NB):
            issue(k, k)

        def body(i, carry):
            c0 = i * _NB
            for k in range(_NB):
                step(c0 + k, k, True)
            return carry

        lax.fori_loop(0, n_chunks // _NB, body, 0)
        ntail = n_chunks - _NB * (n_chunks // _NB)
        for t in range(ntail):
            step(n_chunks - ntail + t, t, False)
        plsc.subcore_barrier()

        @pl.when(~last)
        def _():
            pltpu.sync_copy(agg_sh.at[pl.ds(r0, rpt0)],
                            out_hbm.at[cid, pl.ds(r0, rpt0)])

        @pl.when(last)
        def _():
            pltpu.sync_copy(agg_sh.at[pl.ds((_NS - 1) * rpt0, rpt1)],
                            out_hbm.at[cid, pl.ds((_NS - 1) * rpt0, rpt1)])

    return sc_agg


_sc_agg = _make_sc_agg()

_BLK = 2000


def _mlp_body(a_ref, w1_ref, b1_ref, w2_ref, b2_ref, o_ref):
    h = a_ref[0] + a_ref[1]
    h = jnp.dot(h, w1_ref[...], preferred_element_type=jnp.float32) + b1_ref[...]
    h = jnp.maximum(h, 0.01 * h)
    h = jnp.dot(h, w2_ref[...], preferred_element_type=jnp.float32) + b2_ref[...]
    o_ref[...] = jnp.maximum(h, 0.01 * h)


def _tc_mlp(agg2, W1, b1, W2, b2):
    return pl.pallas_call(
        _mlp_body,
        grid=(_N // _BLK,),
        in_specs=[
            pl.BlockSpec((_NC, _BLK, _D), lambda i: (0, i, 0)),
            pl.BlockSpec((_D, _D), lambda i: (0, 0)),
            pl.BlockSpec((1, _D), lambda i: (0, 0)),
            pl.BlockSpec((_D, _D), lambda i: (0, 0)),
            pl.BlockSpec((1, _D), lambda i: (0, 0)),
        ],
        out_specs=pl.BlockSpec((_BLK, _D), lambda i: (i, 0)),
        out_shape=jax.ShapeDtypeStruct((_N, _D), jnp.float32),
    )(agg2, W1, b1.reshape(1, _D), W2, b2.reshape(1, _D))


def kernel(x, edge_index, W1, b1, W2, b2):
    agg2 = _sc_agg(x, edge_index.reshape(2 * _E))
    return _tc_mlp(agg2, W1, b1, W2, b2)

# --- scband reference (transcript-rebuilt; emitter-appended) ---
"""Pipeline reference for scband-my-ginconv-72086731096479 (READ-ONLY COPY).

The authoritative reference and input builder live on the scoring server;
editing this copy changes nothing except your own understanding.
"""

import jax, jax.numpy as jnp
import numpy as np

N = 10000
E = 320000
D = 128


def setup_inputs(seed: int = 0) -> dict:
    key = jax.random.key(seed)
    ks = jax.random.split(key, 6)
    x = jax.random.normal(ks[0], (N, D), dtype=jnp.float32)
    edge_index = jax.random.randint(ks[1], (2, E), 0, N, dtype=jnp.int32)
    scale = 1.0 / np.sqrt(D)
    W1 = jax.random.uniform(ks[2], (D, D), minval=-scale, maxval=scale, dtype=jnp.float32)
    b1 = jax.random.uniform(ks[3], (D,), minval=-scale, maxval=scale, dtype=jnp.float32)
    W2 = jax.random.uniform(ks[4], (D, D), minval=-scale, maxval=scale, dtype=jnp.float32)
    b2 = jax.random.uniform(ks[5], (D,), minval=-scale, maxval=scale, dtype=jnp.float32)
    return {"x": x, "edge_index": edge_index, "W1": W1, "b1": b1, "W2": W2, "b2": b2}


def reference(x, edge_index, W1, b1, W2, b2):
    # GINConv (eps=0, train_eps=False): out = nn((1+eps)*x + sum_{j in N(i)} x_j)
    src = edge_index[0]
    dst = edge_index[1]
    msgs = jnp.take(x, src, axis=0)                       # gather source node features [E, D]
    agg = jax.ops.segment_sum(msgs, dst, num_segments=N)  # scatter-add to destination nodes [N, D]
    h = x + agg                                           # (1 + eps) * x + aggregated, eps = 0
    # MLP([128,128,128]) = Linear->LeakyReLU->Linear->LeakyReLU (last_activation is LeakyReLU)
    h = jax.nn.leaky_relu(h @ W1 + b1, negative_slope=0.01)
    h = jax.nn.leaky_relu(h @ W2 + b2, negative_slope=0.01)
    return h

if __name__ == "__main__":
    import jax
    _d = setup_inputs()
    print(jax.jit(kernel)(*tuple(_d.values())))

</pallas_src>

<mosaic_0001>
#map = affine_map<(d0, d1) -> (0, 0)>
#map1 = affine_map<(d0, d1) -> (0)>
#map2 = affine_map<(d0, d1) -> (0, 0, 0)>
module attributes {stable_mosaic.version = 14 : i64} {
  func.func @sc_agg(%arg0: i32, %arg1: i32, %arg2: memref<10000x128xf32, #tpu.memory_space<hbm>>, %arg3: memref<640000xi32, #tpu.memory_space<hbm>>, %arg4: memref<2x10000x128xf32, #tpu.memory_space<hbm>>, %arg5: memref<20000xi32, #tpu.memory_space<vmem>>, %arg6: memref<80xi32, #tpu.memory_space<vmem>>, %arg7: memref<3x80x128xf32, #tpu.memory_space<vmem>>, %arg8: memref<10000x128xf32, #tpu.memory_space<vmem_shared>>, %arg9: memref<!tpu.dma_semaphore, #tpu.memory_space<semaphore_mem>>, %arg10: memref<!tpu.dma_semaphore, #tpu.memory_space<semaphore_mem>>, %arg11: memref<!tpu.dma_semaphore, #tpu.memory_space<semaphore_mem>>, %arg12: memref<!tpu.dma_semaphore, #tpu.memory_space<semaphore_mem>>, %arg13: memref<!tpu.dma_semaphore, #tpu.memory_space<semaphore_mem>>) attributes {dimension_semantics = [#tpu.dimension_semantics<core_parallel>, #tpu.dimension_semantics<subcore_parallel>], iteration_bounds = array<i64: 2, 16>, scalar_prefetch = 0 : i64, scratch_operands = 9 : i64, tpu.core_type = #tpu.core_type<sc_vector_subcore>, window_params = [{transform_indices = #map}, {transform_indices = #map1}, {transform_indices = #map2}]} {
    %mul3A = arith.constant 2 : i32
    %mul3A_0 = arith.muli %arg1, %mul3A : i32
    %add3A = arith.addi %mul3A_0, %arg0 : i32
    %eq3A = arith.constant 15 : i32
    %eq3A_1 = arith.cmpi eq, %arg1, %eq3A : i32
    %mul3A_2 = arith.constant 624 : i32
    %mul3A_3 = arith.muli %arg1, %mul3A_2 : i32
    %broadcast_in_dim3A = arith.constant 0.000000e+00 : f32
    %broadcast_in_dim3A_4 = vector.broadcast %broadcast_in_dim3A : f32 to vector<16xf32>
    %swap3A = arith.constant 0 : i32
    %swap3A_5 = arith.constant 0 : i32
    %swap3A_6 = arith.index_cast %swap3A : i32 to index
    %swap3A_7 = arith.index_cast %swap3A_5 : i32 to index
    %swap3A_8 = arith.constant 0 : index
    %swap3A_9 = tpu.vector_load %arg7[%swap3A_6, %swap3A_7, %swap3A_8] {strides = array<i32>} : memref<3x80x128xf32, #tpu.memory_space<vmem>>, vector<1x1x16xf32>,
    %swap3A_10 = vector.shape_cast %swap3A_9 : vector<1x1x16xf32> to vector<16xf32>
    %swap3A_11 = vector.shape_cast %broadcast_in_dim3A_4 : vector<16xf32> to vector<1x1x16xf32>
    tpu.vector_store %arg7[%swap3A_6, %swap3A_7, %swap3A_8], %swap3A_11 {strides = array<i32>} : memref<3x80x128xf32, #tpu.memory_space<vmem>>, vector<1x1x16xf32>,
    %swap3A_12 = arith.constant 0 : i32
    %swap3A_13 = arith.constant 0 : i32
    %swap3A_14 = arith.index_cast %swap3A_12 : i32 to index
    %swap3A_15 = arith.index_cast %swap3A_13 : i32 to index
    %swap3A_16 = arith.constant 16 : index
    %swap3A_17 = tpu.vector_load %arg7[%swap3A_14, %swap3A_15, %swap3A_16] {strides = array<i32>} : memref<3x80x128xf32, #tpu.memory_space<vmem>>, vector<1x1x16xf32>,
    %swap3A_18 = vector.shape_cast %swap3A_17 : vector<1x1x16xf32> to vector<16xf32>
    %swap3A_19 = vector.shape_cast %broadcast_in_dim3A_4 : vector<16xf32> to vector<1x1x16xf32>
    tpu.vector_store %arg7[%swap3A_14, %swap3A_15, %swap3A_16], %swap3A_19 {strides = array<i32>} : memref<3x80x128xf32, #tpu.memory_space<vmem>>, vector<1x1x16xf32>,
    %swap3A_20 = arith.constant 0 : i32
    %swap3A_21 = arith.constant 0 : i32
    %swap3A_22 = arith.index_cast %swap3A_20 : i32 to index
    %swap3A_23 = arith.index_cast %swap3A_21 : i32 to index
    %swap3A_24 = arith.constant 32 : index
    %swap3A_25 = tpu.vector_load %arg7[%swap3A_22, %swap3A_23, %swap3A_24] {strides = array<i32>} : memref<3x80x128xf32, #tpu.memory_space<vmem>>, vector<1x1x16xf32>,
    %swap3A_26 = vector.shape_cast %swap3A_25 : vector<1x1x16xf32> to vector<16xf32>
    %swap3A_27 = vector.shape_cast %broadcast_in_dim3A_4 : vector<16xf32> to vector<1x1x16xf32>
    tpu.vector_store %arg7[%swap3A_22, %swap3A_23, %swap3A_24], %swap3A_27 {strides = array<i32>} : memref<3x80x128xf32, #tpu.memory_space<vmem>>, vector<1x1x16xf32>,
    %swap3A_28 = arith.constant 0 : i32
    %swap3A_29 = arith.constant 0 : i32
    %swap3A_30 = arith.index_cast %swap3A_28 : i32 to index
    %swap3A_31 = arith.index_cast %swap3A_29 : i32 to index
    %swap3A_32 = arith.constant 48 : index
    %swap3A_33 = tpu.vector_load %arg7[%swap3A_30, %swap3A_31, %swap3A_32] {strides = array<i32>} : memref<3x80x128xf32, #tpu.memory_space<vmem>>, vector<1x1x16xf32>,
    %swap3A_34 = vector.shape_cast %swap3A_33 : vector<1x1x16xf32> to vector<16xf32>
    %swap3A_35 = vector.shape_cast %broadcast_in_dim3A_4 : vector<16xf32> to vector<1x1x16xf32>
    tpu.vector_store %arg7[%swap3A_30, %swap3A_31, %swap3A_32], %swap3A_35 {strides = array<i32>} : memref<3x80x128xf32, #tpu.memory_space<vmem>>, vector<1x1x16xf32>,
    %swap3A_36 = arith.constant 0 : i32
    %swap3A_37 = arith.constant 0 : i32
    %swap3A_38 = arith.index_cast %swap3A_36 : i32 to index
    %swap3A_39 = arith.index_cast %swap3A_37 : i32 to index
    %swap3A_40 = arith.constant 64 : index
    %swap3A_41 = tpu.vector_load %arg7[%swap3A_38, %swap3A_39, %swap3A_40] {strides = array<i32>} : memref<3x80x128xf32, #tpu.memory_space<vmem>>, vector<1x1x16xf32>,
    %swap3A_42 = vector.shape_cast %swap3A_41 : vector<1x1x16xf32> to vector<16xf32>
    %swap3A_43 = vector.shape_cast %broadcast_in_dim3A_4 : vector<16xf32> to vector<1x1x16xf32>
    tpu.vector_store %arg7[%swap3A_38, %swap3A_39, %swap3A_40], %swap3A_43 {strides = array<i32>} : memref<3x80x128xf32, #tpu.memory_space<vmem>>, vector<1x1x16xf32>,
    %swap3A_44 = arith.constant 0 : i32
    %swap3A_45 = arith.constant 0 : i32
    %swap3A_46 = arith.index_cast %swap3A_44 : i32 to index
    %swap3A_47 = arith.index_cast %swap3A_45 : i32 to index
    %swap3A_48 = arith.constant 80 : index
    %swap3A_49 = tpu.vector_load %arg7[%swap3A_46, %swap3A_47, %swap3A_48] {strides = array<i32>} : memref<3x80x128xf32, #tpu.memory_space<vmem>>, vector<1x1x16xf32>,
    %swap3A_50 = vector.shape_cast %swap3A_49 : vector<1x1x16xf32> to vector<16xf32>
    %swap3A_51 = vector.shape_cast %broadcast_in_dim3A_4 : vector<16xf32> to vector<1x1x16xf32>
    tpu.vector_store %arg7[%swap3A_46, %swap3A_47, %swap3A_48], %swap3A_51 {strides = array<i32>} : memref<3x80x128xf32, #tpu.memory_space<vmem>>, vector<1x1x16xf32>,
    %swap3A_52 = arith.constant 0 : i32
    %swap3A_53 = arith.constant 0 : i32
    %swap3A_54 = arith.index_cast %swap3A_52 : i32 to index
    %swap3A_55 = arith.index_cast %swap3A_53 : i32 to index
    %swap3A_56 = arith.constant 96 : index
    %swap3A_57 = tpu.vector_load %arg7[%swap3A_54, %swap3A_55, %swap3A_56] {strides = array<i32>} : memref<3x80x128xf32, #tpu.memory_space<vmem>>, vector<1x1x16xf32>,
    %swap3A_58 = vector.shape_cast %swap3A_57 : vector<1x1x16xf32> to vector<16xf32>
    %swap3A_59 = vector.shape_cast %broadcast_in_dim3A_4 : vector<16xf32> to vector<1x1x16xf32>
    tpu.vector_store %arg7[%swap3A_54, %swap3A_55, %swap3A_56], %swap3A_59 {strides = array<i32>} : memref<3x80x128xf32, #tpu.memory_space<vmem>>, vector<1x1x16xf32>,
    %swap3A_60 = arith.constant 0 : i32
    %swap3A_61 = arith.constant 0 : i32
    %swap3A_62 = arith.index_cast %swap3A_60 : i32 to index
    %swap3A_63 = arith.index_cast %swap3A_61 : i32 to index
    %swap3A_64 = arith.constant 112 : index
    %swap3A_65 = tpu.vector_load %arg7[%swap3A_62, %swap3A_63, %swap3A_64] {strides = array<i32>} : memref<3x80x128xf32, #tpu.memory_space<vmem>>, vector<1x1x16xf32>,
    %swap3A_66 = vector.shape_cast %swap3A_65 : vector<1x1x16xf32> to vector<16xf32>
    %swap3A_67 = vector.shape_cast %broadcast_in_dim3A_4 : vector<16xf32> to vector<1x1x16xf32>
    tpu.vector_store %arg7[%swap3A_62, %swap3A_63, %swap3A_64], %swap3A_67 {strides = array<i32>} : memref<3x80x128xf32, #tpu.memory_space<vmem>>, vector<1x1x16xf32>,
    %swap3A_68 = arith.constant 0 : i32
    %swap3A_69 = arith.constant 1 : i32
    %swap3A_70 = arith.index_cast %swap3A_68 : i32 to index
    %swap3A_71 = arith.index_cast %swap3A_69 : i32 to index
    %swap3A_72 = arith.constant 0 : index
    %swap3A_73 = tpu.vector_load %arg7[%swap3A_70, %swap3A_71, %swap3A_72] {strides = array<i32>} : memref<3x80x128xf32, #tpu.memory_space<vmem>>, vector<1x1x16xf32>,
    %swap3A_74 = vector.shape_cast %swap3A_73 : vector<1x1x16xf32> to vector<16xf32>
    %swap3A_75 = vector.shape_cast %broadcast_in_dim3A_4 : vector<16xf32> to vector<1x1x16xf32>
    tpu.vector_store %arg7[%swap3A_70, %swap3A_71, %swap3A_72], %swap3A_75 {strides = array<i32>} : memref<3x80x128xf32, #tpu.memory_space<vmem>>, vector<1x1x16xf32>,
    %swap3A_76 = arith.constant 0 : i32
    %swap3A_77 = arith.constant 1 : i32
    %swap3A_78 = arith.index_cast %swap3A_76 : i32 to index
    %swap3A_79 = arith.index_cast %swap3A_77 : i32 to index
    %swap3A_80 = arith.constant 16 : index
    %swap3A_81 = tpu.vector_load %arg7[%swap3A_78, %swap3A_79, %swap3A_80] {strides = array<i32>} : memref<3x80x128xf32, #tpu.memory_space<vmem>>, vector<1x1x16xf32>,
    %swap3A_82 = vector.shape_cast %swap3A_81 : vector<1x1x16xf32> to vector<16xf32>
    %swap3A_83 = vector.shape_cast %broadcast_in_dim3A_4 : vector<16xf32> to vector<1x1x16xf32>
    tpu.vector_store %arg7[%swap3A_78, %swap3A_79, %swap3A_80], %swap3A_83 {strides = array<i32>} : memref<3x80x128xf32, #tpu.memory_space<vmem>>, vector<1x1x16xf32>,
    %swap3A_84 = arith.constant 0 : i32
    %swap3A_85 = arith.constant 1 : i32
    %swap3A_86 = arith.index_cast %swap3A_84 : i32 to index
    %swap3A_87 = arith.index_cast %swap3A_85 : i32 to index
    %swap3A_88 = arith.constant 32 : index
    %swap3A_89 = tpu.vector_load %arg7[%swap3A_86, %swap3A_87, %swap3A_88] {strides = array<i32>} : memref<3x80x128xf32, #tpu.memory_space<vmem>>, vector<1x1x16xf32>,
    %swap3A_90 = vector.shape_cast %swap3A_89 : vector<1x1x16xf32> to vector<16xf32>
    %swap3A_91 = vector.shape_cast %broadcast_in_dim3A_4 : vector<16xf32> to vector<1x1x16xf32>
    tpu.vector_store %arg7[%swap3A_86, %swap3A_87, %swap3A_88], %swap3A_91 {strides = array<i32>} : memref<3x80x128xf32, #tpu.memory_space<vmem>>, vector<1x1x16xf32>,
    %swap3A_92 = arith.constant 0 : i32
    %swap3A_93 = arith.constant 1 : i32
    %swap3A_94 = arith.index_cast %swap3A_92 : i32 to index
    %swap3A_95 = arith.index_cast %swap3A_93 : i32 to index
    %swap3A_96 = arith.constant 48 : index
    %swap3A_97 = tpu.vector_load %arg7[%swap3A_94, %swap3A_95, %swap3A_96] {strides = array<i32>} : memref<3x80x128xf32, #tpu.memory_space<vmem>>, vector<1x1x16xf32>,
    %swap3A_98 = vector.shape_cast %swap3A_97 : vector<1x1x16xf32> to vector<16xf32>
    %swap3A_99 = vector.shape_cast %broadcast_in_dim3A_4 : vector<16xf32> to vector<1x1x16xf32>
    tpu.vector_store %arg7[%swap3A_94, %swap3A_95, %swap3A_96], %swap3A_99 {strides = array<i32>} : memref<3x80x128xf32, #tpu.memory_space<vmem>>, vector<1x1x16xf32>,
    %swap3A_100 = arith.constant 0 : i32
    %swap3A_101 = arith.constant 1 : i32
    %swap3A_102 = arith.index_cast %swap3A_100 : i32 to index
    %swap3A_103 = arith.index_cast %swap3A_101 : i32 to index
    %swap3A_104 = arith.constant 64 : index
    %swap3A_105 = tpu.vector_load %arg7[%swap3A_102, %swap3A_103, %swap3A_104] {strides = array<i32>} : memref<3x80x128xf32, #tpu.memory_space<vmem>>, vector<1x1x16xf32>,
    %swap3A_106 = vector.shape_cast %swap3A_105 : vector<1x1x16xf32> to vector<16xf32>
    %swap3A_107 = vector.shape_cast %broadcast_in_dim3A_4 : vector<16xf32> to vector<1x1x16xf32>
    tpu.vector_store %arg7[%swap3A_102, %swap3A_103, %swap3A_104], %swap3A_107 {strides = array<i32>} : memref<3x80x128xf32, #tpu.memory_space<vmem>>, vector<1x1x16xf32>,
    %swap3A_108 = arith.constant 0 : i32
    %swap3A_109 = arith.constant 1 : i32
    %swap3A_110 = arith.index_cast %swap3A_108 : i32 to index
    %swap3A_111 = arith.index_cast %swap3A_109 : i32 to index
    %swap3A_112 = arith.constant 80 : index
    %swap3A_113 = tpu.vector_load %arg7[%swap3A_110, %swap3A_111, %swap3A_112] {strides = array<i32>} : memref<3x80x128xf32, #tpu.memory_space<vmem>>, vector<1x1x16xf32>,
    %swap3A_114 = vector.shape_cast %swap3A_113 : vector<1x1x16xf32> to vector<16xf32>
    %swap3A_115 = vector.shape_cast %broadcast_in_dim3A_4 : vector<16xf32> to vector<1x1x16xf32>
    tpu.vector_store %arg7[%swap3A_110, %swap3A_111, %swap3A_112], %swap3A_115 {strides = array<i32>} : memref<3x80x128xf32, #tpu.memory_space<vmem>>, vector<1x1x16xf32>,
    %swap3A_116 = arith.constant 0 : i32
    %swap3A_117 = arith.constant 1 : i32
    %swap3A_118 = arith.index_cast %swap3A_116 : i32 to index
    %swap3A_119 = arith.index_cast %swap3A_117 : i32 to index
    %swap3A_120 = arith.constant 96 : index
    %swap3A_121 = tpu.vector_load %arg7[%swap3A_118, %swap3A_119, %swap3A_120] {strides = array<i32>} : memref<3x80x128xf32, #tpu.memory_space<vmem>>, vector<1x1x16xf32>,
    %swap3A_122 = vector.shape_cast %swap3A_121 : vector<1x1x16xf32> to vector<16xf32>
    %swap3A_123 = vector.shape_cast %broadcast_in_dim3A_4 : vector<16xf32> to vector<1x1x16xf32>
    tpu.vector_store %arg7[%swap3A_118, %swap3A_119, %swap3A_120], %swap3A_123 {strides = array<i32>} : memref<3x80x128xf32, #tpu.memory_space<vmem>>, vector<1x1x16xf32>,
    %swap3A_124 = arith.constant 0 : i32
    %swap3A_125 = arith.constant 1 : i32
    %swap3A_126 = arith.index_cast %swap3A_124 : i32 to index
    %swap3A_127 = arith.index_cast %swap3A_125 : i32 to index
    %swap3A_128 = arith.constant 112 : index
    %swap3A_129 = tpu.vector_load %arg7[%swap3A_126, %swap3A_127, %swap3A_128] {strides = array<i32>} : memref<3x80x128xf32, #tpu.memory_space<vmem>>, vector<1x1x16xf32>,
    %swap3A_130 = vector.shape_cast %swap3A_129 : vector<1x1x16xf32> to vector<16xf32>
    %swap3A_131 = vector.shape_cast %broadcast_in_dim3A_4 : vector<16xf32> to vector<1x1x16xf32>
    tpu.vector_store %arg7[%swap3A_126, %swap3A_127, %swap3A_128], %swap3A_131 {strides = array<i32>} : memref<3x80x128xf32, #tpu.memory_space<vmem>>, vector<1x1x16xf32>,
    %swap3A_132 = arith.constant 0 : i32
    %swap3A_133 = arith.constant 2 : i32
    %swap3A_134 = arith.index_cast %swap3A_132 : i32 to index
    %swap3A_135 = arith.index_cast %swap3A_133 : i32 to index
    %swap3A_136 = arith.constant 0 : index
    %swap3A_137 = tpu.vector_load %arg7[%swap3A_134, %swap3A_135, %swap3A_136] {strides = array<i32>} : memref<3x80x128xf32, #tpu.memory_space<vmem>>, vector<1x1x16xf32>,
    %swap3A_138 = vector.shape_cast %swap3A_137 : vector<1x1x16xf32> to vector<16xf32>
    %swap3A_139 = vector.shape_cast %broadcast_in_dim3A_4 : vector<16xf32> to vector<1x1x16xf32>
    tpu.vector_store %arg7[%swap3A_134, %swap3A_135, %swap3A_136], %swap3A_139 {strides = array<i32>} : memref<3x80x128xf32, #tpu.memory_space<vmem>>, vector<1x1x16xf32>,
    %swap3A_140 = arith.constant 0 : i32
    %swap3A_141 = arith.constant 2 : i32
    %swap3A_142 = arith.index_cast %swap3A_140 : i32 to index
    %swap3A_143 = arith.index_cast %swap3A_141 : i32 to index
    %swap3A_144 = arith.constant 16 : index
    %swap3A_145 = tpu.vector_load %arg7[%swap3A_142, %swap3A_143, %swap3A_144] {strides = array<i32>} : memref<3x80x128xf32, #tpu.memory_space<vmem>>, vector<1x1x16xf32>,
    %swap3A_146 = vector.shape_cast %swap3A_145 : vector<1x1x16xf32> to vector<16xf32>
    %swap3A_147 = vector.shape_cast %broadcast_in_dim3A_4 : vector<16xf32> to vector<1x1x16xf32>
    tpu.vector_store %arg7[%swap3A_142, %swap3A_143, %swap3A_144], %swap3A_147 {strides = array<i32>} : memref<3x80x128xf32, #tpu.memory_space<vmem>>, vector<1x1x16xf32>,
    %swap3A_148 = arith.constant 0 : i32
    %swap3A_149 = arith.constant 2 : i32
    %swap3A_150 = arith.index_cast %swap3A_148 : i32 to index
    %swap3A_151 = arith.index_cast %swap3A_149 : i32 to index
    %swap3A_152 = arith.constant 32 : index
    %swap3A_153 = tpu.vector_load %arg7[%swap3A_150, %swap3A_151, %swap3A_152] {strides = array<i32>} : memref<3x80x128xf32, #tpu.memory_space<vmem>>, vector<1x1x16xf32>,
    %swap3A_154 = vector.shape_cast %swap3A_153 : vector<1x1x16xf32> to vector<16xf32>
    %swap3A_155 = vector.shape_cast %broadcast_in_dim3A_4 : vector<16xf32> to vector<1x1x16xf32>
    tpu.vector_store %arg7[%swap3A_150, %swap3A_151, %swap3A_152], %swap3A_155 {strides = array<i32>} : memref<3x80x128xf32, #tpu.memory_space<vmem>>, vector<1x1x16xf32>,
    %swap3A_156 = arith.constant 0 : i32
    %swap3A_157 = arith.constant 2 : i32
    %swap3A_158 = arith.index_cast %swap3A_156 : i32 to index
    %swap3A_159 = arith.index_cast %swap3A_157 : i32 to index
    %swap3A_160 = arith.constant 48 : index
    %swap3A_161 = tpu.vector_load %arg7[%swap3A_158, %swap3A_159, %swap3A_160] {strides = array<i32>} : memref<3x80x128xf32, #tpu.memory_space<vmem>>, vector<1x1x16xf32>,
    %swap3A_162 = vector.shape_cast %swap3A_161 : vector<1x1x16xf32> to vector<16xf32>
    %swap3A_163 = vector.shape_cast %broadcast_in_dim3A_4 : vector<16xf32> to vector<1x1x16xf32>
    tpu.vector_store %arg7[%swap3A_158, %swap3A_159, %swap3A_160], %swap3A_163 {strides = array<i32>} : memref<3x80x128xf32, #tpu.memory_space<vmem>>, vector<1x1x16xf32>,
    %swap3A_164 = arith.constant 0 : i32
    %swap3A_165 = arith.constant 2 : i32
    %swap3A_166 = arith.index_cast %swap3A_164 : i32 to index
    %swap3A_167 = arith.index_cast %swap3A_165 : i32 to index
    %swap3A_168 = arith.constant 64 : index
    %swap3A_169 = tpu.vector_load %arg7[%swap3A_166, %swap3A_167, %swap3A_168] {strides = array<i32>} : memref<3x80x128xf32, #tpu.memory_space<vmem>>, vector<1x1x16xf32>,
    %swap3A_170 = vector.shape_cast %swap3A_169 : vector<1x1x16xf32> to vector<16xf32>
    %swap3A_171 = vector.shape_cast %broadcast_in_dim3A_4 : vector<16xf32> to vector<1x1x16xf32>
    tpu.vector_store %arg7[%swap3A_166, %swap3A_167, %swap3A_168], %swap3A_171 {strides = array<i32>} : memref<3x80x128xf32, #tpu.memory_space<vmem>>, vector<1x1x16xf32>,
    %swap3A_172 = arith.constant 0 : i32
    %swap3A_173 = arith.constant 2 : i32
    %swap3A_174 = arith.index_cast %swap3A_172 : i32 to index
    %swap3A_175 = arith.index_cast %swap3A_173 : i32 to index
    %swap3A_176 = arith.constant 80 : index
    %swap3A_177 = tpu.vector_load %arg7[%swap3A_174, %swap3A_175, %swap3A_176] {strides = array<i32>} : memref<3x80x128xf32, #tpu.memory_space<vmem>>, vector<1x1x16xf32>,
    %swap3A_178 = vector.shape_cast %swap3A_177 : vector<1x1x16xf32> to vector<16xf32>
    %swap3A_179 = vector.shape_cast %broadcast_in_dim3A_4 : vector<16xf32> to vector<1x1x16xf32>
    tpu.vector_store %arg7[%swap3A_174, %swap3A_175, %swap3A_176], %swap3A_179 {strides = array<i32>} : memref<3x80x128xf32, #tpu.memory_space<vmem>>, vector<1x1x16xf32>,
    %swap3A_180 = arith.constant 0 : i32
    %swap3A_181 = arith.constant 2 : i32
    %swap3A_182 = arith.index_cast %swap3A_180 : i32 to index
    %swap3A_183 = arith.index_cast %swap3A_181 : i32 to index
    %swap3A_184 = arith.constant 96 : index
    %swap3A_185 = tpu.vector_load %arg7[%swap3A_182, %swap3A_183, %swap3A_184] {strides = array<i32>} : memref<3x80x128xf32, #tpu.memory_space<vmem>>, vector<1x1x16xf32>,
    %swap3A_186 = vector.shape_cast %swap3A_185 : vector<1x1x16xf32> to vector<16xf32>
    %swap3A_187 = vector.shape_cast %broadcast_in_dim3A_4 : vector<16xf32> to vector<1x1x16xf32>
    tpu.vector_store %arg7[%swap3A_182, %swap3A_183, %swap3A_184], %swap3A_187 {strides = array<i32>} : memref<3x80x128xf32, #tpu.memory_space<vmem>>, vector<1x1x16xf32>,
    %swap3A_188 = arith.constant 0 : i32
    %swap3A_189 = arith.constant 2 : i32
    %swap3A_190 = arith.index_cast %swap3A_188 : i32 to index
    %swap3A_191 = arith.index_cast %swap3A_189 : i32 to index
    %swap3A_192 = arith.constant 112 : index
    %swap3A_193 = tpu.vector_load %arg7[%swap3A_190, %swap3A_191, %swap3A_192] {strides = array<i32>} : memref<3x80x128xf32, #tpu.memory_space<vmem>>, vector<1x1x16xf32>,
    %swap3A_194 = vector.shape_cast %swap3A_193 : vector<1x1x16xf32> to vector<16xf32>
    %swap3A_195 = vector.shape_cast %broadcast_in_dim3A_4 : vector<16xf32> to vector<1x1x16xf32>
    tpu.vector_store %arg7[%swap3A_190, %swap3A_191, %swap3A_192], %swap3A_195 {strides = array<i32>} : memref<3x80x128xf32, #tpu.memory_space<vmem>>, vector<1x1x16xf32>,
    %swap3A_196 = arith.constant 0 : i32
    %swap3A_197 = arith.constant 3 : i32
    %swap3A_198 = arith.index_cast %swap3A_196 : i32 to index
    %swap3A_199 = arith.index_cast %swap3A_197 : i32 to index
    %swap3A_200 = arith.constant 0 : index
    %swap3A_201 = tpu.vector_load %arg7[%swap3A_198, %swap3A_199, %swap3A_200] {strides = array<i32>} : memref<3x80x128xf32, #tpu.memory_space<vmem>>, vector<1x1x16xf32>,
    %swap3A_202 = vector.shape_cast %swap3A_201 : vector<1x1x16xf32> to vector<16xf32>
    %swap3A_203 = vector.shape_cast %broadcast_in_dim3A_4 : vector<16xf32> to vector<1x1x16xf32>
    tpu.vector_store %arg7[%swap3A_198, %swap3A_199, %swap3A_200], %swap3A_203 {strides = array<i32>} : memref<3x80x128xf32, #tpu.memory_space<vmem>>, vector<1x1x16xf32>,
    %swap3A_204 = arith.constant 0 : i32
    %swap3A_205 = arith.constant 3 : i32
    %swap3A_206 = arith.index_cast %swap3A_204 : i32 to index
    %swap3A_207 = arith.index_cast %swap3A_205 : i32 to index
    %swap3A_208 = arith.constant 16 : index
    %swap3A_209 = tpu.vector_load %arg7[%swap3A_206, %swap3A_207, %swap3A_208] {strides = array<i32>} : memref<3x80x128xf32, #tpu.memory_space<vmem>>, vector<1x1x16xf32>,
    %swap3A_210 = vector.shape_cast %swap3A_209 : vector<1x1x16xf32> to vector<16xf32>
    %swap3A_211 = vector.shape_cast %broadcast_in_dim3A_4 : vector<16xf32> to vector<1x1x16xf32>
    tpu.vector_store %arg7[%swap3A_206, %swap3A_207, %swap3A_208], %swap3A_211 {strides = array<i32>} : memref<3x80x128xf32, #tpu.memory_space<vmem>>, vector<1x1x16xf32>,
    %swap3A_212 = arith.constant 0 : i32
    %swap3A_213 = arith.constant 3 : i32
    %swap3A_214 = arith.index_cast %swap3A_212 : i32 to index
    %swap3A_215 = arith.index_cast %swap3A_213 : i32 to index
    %swap3A_216 = arith.constant 32 : index
    %swap3A_217 = tpu.vector_load %arg7[%swap3A_214, %swap3A_215, %swap3A_216] {strides = array<i32>} : memref<3x80x128xf32, #tpu.memory_space<vmem>>, vector<1x1x16xf32>,
    %swap3A_218 = vector.shape_cast %swap3A_217 : vector<1x1x16xf32> to vector<16xf32>
    %swap3A_219 = vector.shape_cast %broadcast_in_dim3A_4 : vector<16xf32> to vector<1x1x16xf32>
    tpu.vector_store %arg7[%swap3A_214, %swap3A_215, %swap3A_216], %swap3A_219 {strides = array<i32>} : memref<3x80x128xf32, #tpu.memory_space<vmem>>, vector<1x1x16xf32>,
    %swap3A_220 = arith.constant 0 : i32
    %swap3A_221 = arith.constant 3 : i32
    %swap3A_222 = arith.index_cast %swap3A_220 : i32 to index
    %swap3A_223 = arith.index_cast %swap3A_221 : i32 to index
    %swap3A_224 = arith.constant 48 : index
    %swap3A_225 = tpu.vector_load %arg7[%swap3A_222, %swap3A_223, %swap3A_224] {strides = array<i32>} : memref<3x80x128xf32, #tpu.memory_space<vmem>>, vector<1x1x16xf32>,
    %swap3A_226 = vector.shape_cast %swap3A_225 : vector<1x1x16xf32> to vector<16xf32>
    %swap3A_227 = vector.shape_cast %broadcast_in_dim3A_4 : vector<16xf32> to vector<1x1x16xf32>
    tpu.vector_store %arg7[%swap3A_222, %swap3A_223, %swap3A_224], %swap3A_227 {strides = array<i32>} : memref<3x80x128xf32, #tpu.memory_space<vmem>>, vector<1x1x16xf32>,
    %swap3A_228 = arith.constant 0 : i32
    %swap3A_229 = arith.constant 3 : i32
    %swap3A_230 = arith.index_cast %swap3A_228 : i32 to index
    %swap3A_231 = arith.index_cast %swap3A_229 : i32 to index
    %swap3A_232 = arith.constant 64 : index
    %swap3A_233 = tpu.vector_load %arg7[%swap3A_230, %swap3A_231, %swap3A_232] {strides = array<i32>} : memref<3x80x128xf32, #tpu.memory_space<vmem>>, vector<1x1x16xf32>,
    %swap3A_234 = vector.shape_cast %swap3A_233 : vector<1x1x16xf32> to vector<16xf32>
    %swap3A_235 = vector.shape_cast %broadcast_in_dim3A_4 : vector<16xf32> to vector<1x1x16xf32>
    tpu.vector_store %arg7[%swap3A_230, %swap3A_231, %swap3A_232], %swap3A_235 {strides = array<i32>} : memref<3x80x128xf32, #tpu.memory_space<vmem>>, vector<1x1x16xf32>,
    %swap3A_236 = arith.constant 0 : i32
    %swap3A_237 = arith.constant 3 : i32
    %swap3A_238 = arith.index_cast %swap3A_236 : i32 to index
    %swap3A_239 = arith.index_cast %swap3A_237 : i32 to index
    %swap3A_240 = arith.constant 80 : index
    %swap3A_241 = tpu.vector_load %arg7[%swap3A_238, %swap3A_239, %swap3A_240] {strides = array<i32>} : memref<3x80x128xf32, #tpu.memory_space<vmem>>, vector<1x1x16xf32>,
    %swap3A_242 = vector.shape_cast %swap3A_241 : vector<1x1x16xf32> to vector<16xf32>
    %swap3A_243 = vector.shape_cast %broadcast_in_dim3A_4 : vector<16xf32> to vector<1x1x16xf32>
    tpu.vector_store %arg7[%swap3A_238, %swap3A_239, %swap3A_240], %swap3A_243 {strides = array<i32>} : memref<3x80x128xf32, #tpu.memory_space<vmem>>, vector<1x1x16xf32>,
    %swap3A_244 = arith.constant 0 : i32
    %swap3A_245 = arith.constant 3 : i32
    %swap3A_246 = arith.index_cast %swap3A_244 : i32 to index
    %swap3A_247 = arith.index_cast %swap3A_245 : i32 to index
    %swap3A_248 = arith.constant 96 : index
    %swap3A_249 = tpu.vector_load %arg7[%swap3A_246, %swap3A_247, %swap3A_248] {strides = array<i32>} : memref<3x80x128xf32, #tpu.memory_space<vmem>>, vector<1x1x16xf32>,
    %swap3A_250 = vector.shape_cast %swap3A_249 : vector<1x1x16xf32> to vector<16xf32>
    %swap3A_251 = vector.shape_cast %broadcast_in_dim3A_4 : vector<16xf32> to vector<1x1x16xf32>
    tpu.vector_store %arg7[%swap3A_246, %swap3A_247, %swap3A_248], %swap3A_251 {strides = array<i32>} : memref<3x80x128xf32, #tpu.memory_space<vmem>>, vector<1x1x16xf32>,
    %swap3A_252 = arith.constant 0 : i32
    %swap3A_253 = arith.constant 3 : i32
    %swap3A_254 = arith.index_cast %swap3A_252 : i32 to index
    %swap3A_255 = arith.index_cast %swap3A_253 : i32 to index
    %swap3A_256 = arith.constant 112 : index
    %swap3A_257 = tpu.vector_load %arg7[%swap3A_254, %swap3A_255, %swap3A_256] {strides = array<i32>} : memref<3x80x128xf32, #tpu.memory_space<vmem>>, vector<1x1x16xf32>,
    %swap3A_258 = vector.shape_cast %swap3A_257 : vector<1x1x16xf32> to vector<16xf32>
    %swap3A_259 = vector.shape_cast %broadcast_in_dim3A_4 : vector<16xf32> to vector<1x1x16xf32>
    tpu.vector_store %arg7[%swap3A_254, %swap3A_255, %swap3A_256], %swap3A_259 {strides = array<i32>} : memref<3x80x128xf32, #tpu.memory_space<vmem>>, vector<1x1x16xf32>,
    %swap3A_260 = arith.constant 0 : i32
    %swap3A_261 = arith.constant 4 : i32
    %swap3A_262 = arith.index_cast %swap3A_260 : i32 to index
    %swap3A_263 = arith.index_cast %swap3A_261 : i32 to index
    %swap3A_264 = arith.constant 0 : index
    %swap3A_265 = tpu.vector_load %arg7[%swap3A_262, %swap3A_263, %swap3A_264] {strides = array<i32>} : memref<3x80x128xf32, #tpu.memory_space<vmem>>, vector<1x1x16xf32>,
    %swap3A_266 = vector.shape_cast %swap3A_265 : vector<1x1x16xf32> to vector<16xf32>
    %swap3A_267 = vector.shape_cast %broadcast_in_dim3A_4 : vector<16xf32> to vector<1x1x16xf32>
    tpu.vector_store %arg7[%swap3A_262, %swap3A_263, %swap3A_264], %swap3A_267 {strides = array<i32>} : memref<3x80x128xf32, #tpu.memory_space<vmem>>, vector<1x1x16xf32>,
    %swap3A_268 = arith.constant 0 : i32
    %swap3A_269 = arith.constant 4 : i32
    %swap3A_270 = arith.index_cast %swap3A_268 : i32 to index
    %swap3A_271 = arith.index_cast %swap3A_269 : i32 to index
    %swap3A_272 = arith.constant 16 : index
    %swap3A_273 = tpu.vector_load %arg7[%swap3A_270, %swap3A_271, %swap3A_272] {strides = array<i32>} : memref<3x80x128xf32, #tpu.memory_space<vmem>>, vector<1x1x16xf32>,
    %swap3A_274 = vector.shape_cast %swap3A_273 : vector<1x1x16xf32> to vector<16xf32>
    %swap3A_275 = vector.shape_cast %broadcast_in_dim3A_4 : vector<16xf32> to vector<1x1x16xf32>
    tpu.vector_store %arg7[%swap3A_270, %swap3A_271, %swap3A_272], %swap3A_275 {strides = array<i32>} : memref<3x80x128xf32, #tpu.memory_space<vmem>>, vector<1x1x16xf32>,
    %swap3A_276 = arith.constant 0 : i32
    %swap3A_277 = arith.constant 4 : i32
    %swap3A_278 = arith.index_cast %swap3A_276 : i32 to index
    %swap3A_279 = arith.index_cast %swap3A_277 : i32 to index
    %swap3A_280 = arith.constant 32 : index
    %swap3A_281 = tpu.vector_load %arg7[%swap3A_278, %swap3A_279, %swap3A_280] {strides = array<i32>} : memref<3x80x128xf32, #tpu.memory_space<vmem>>, vector<1x1x16xf32>,
    %swap3A_282 = vector.shape_cast %swap3A_281 : vector<1x1x16xf32> to vector<16xf32>
    %swap3A_283 = vector.shape_cast %broadcast_in_dim3A_4 : vector<16xf32> to vector<1x1x16xf32>
    tpu.vector_store %arg7[%swap3A_278, %swap3A_279, %swap3A_280], %swap3A_283 {strides = array<i32>} : memref<3x80x128xf32, #tpu.memory_space<vmem>>, vector<1x1x16xf32>,
    %swap3A_284 = arith.constant 0 : i32
    %swap3A_285 = arith.constant 4 : i32
    %swap3A_286 = arith.index_cast %swap3A_284 : i32 to index
    %swap3A_287 = arith.index_cast %swap3A_285 : i32 to index
    %swap3A_288 = arith.constant 48 : index
    %swap3A_289 = tpu.vector_load %arg7[%swap3A_286, %swap3A_287, %swap3A_288] {strides = array<i32>} : memref<3x80x128xf32, #tpu.memory_space<vmem>>, vector<1x1x16xf32>,
    %swap3A_290 = vector.shape_cast %swap3A_289 : vector<1x1x16xf32> to vector<16xf32>
    %swap3A_291 = vector.shape_cast %broadcast_in_dim3A_4 : vector<16xf32> to vector<1x1x16xf32>
    tpu.vector_store %arg7[%swap3A_286, %swap3A_287, %swap3A_288], %swap3A_291 {strides = array<i32>} : memref<3x80x128xf32, #tpu.memory_space<vmem>>, vector<1x1x16xf32>,
    %swap3A_292 = arith.constant 0 : i32
    %swap3A_293 = arith.constant 4 : i32
    %swap3A_294 = arith.index_cast %swap3A_292 : i32 to index
    %swap3A_295 = arith.index_cast %swap3A_293 : i32 to index
    %swap3A_296 = arith.constant 64 : index
    %swap3A_297 = tpu.vector_load %arg7[%swap3A_294, %swap3A_295, %swap3A_296] {strides = array<i32>} : memref<3x80x128xf32, #tpu.memory_space<vmem>>, vector<1x1x16xf32>,
    %swap3A_298 = vector.shape_cast %swap3A_297 : vector<1x1x16xf32> to vector<16xf32>
    %swap3A_299 = vector.shape_cast %broadcast_in_dim3A_4 : vector<16xf32> to vector<1x1x16xf32>
    tpu.vector_store %arg7[%swap3A_294, %swap3A_295, %swap3A_296], %swap3A_299 {strides = array<i32>} : memref<3x80x128xf32, #tpu.memory_space<vmem>>, vector<1x1x16xf32>,
    %swap3A_300 = arith.constant 0 : i32
    %swap3A_301 = arith.constant 4 : i32
    %swap3A_302 = arith.index_cast %swap3A_300 : i32 to index
    %swap3A_303 = arith.index_cast %swap3A_301 : i32 to index
    %swap3A_304 = arith.constant 80 : index
    %swap3A_305 = tpu.vector_load %arg7[%swap3A_302, %swap3A_303, %swap3A_304] {strides = array<i32>} : memref<3x80x128xf32, #tpu.memory_space<vmem>>, vector<1x1x16xf32>,
    %swap3A_306 = vector.shape_cast %swap3A_305 : vector<1x1x16xf32> to vector<16xf32>
    %swap3A_307 = vector.shape_cast %broadcast_in_dim3A_4 : vector<16xf32> to vector<1x1x16xf32>
    tpu.vector_store %arg7[%swap3A_302, %swap3A_303, %swap3A_304], %swap3A_307 {strides = array<i32>} : memref<3x80x128xf32, #tpu.memory_space<vmem>>, vector<1x1x16xf32>,
    %swap3A_308 = arith.constant 0 : i32
    %swap3A_309 = arith.constant 4 : i32
    %swap3A_310 = arith.index_cast %swap3A_308 : i32 to index
    %swap3A_311 = arith.index_cast %swap3A_309 : i32 to index
    %swap3A_312 = arith.constant 96 : index
    %swap3A_313 = tpu.vector_load %arg7[%swap3A_310, %swap3A_311, %swap3A_312] {strides = array<i32>} : memref<3x80x128xf32, #tpu.memory_space<vmem>>, vector<1x1x16xf32>,
    %swap3A_314 = vector.shape_cast %swap3A_313 : vector<1x1x16xf32> to vector<16xf32>
    %swap3A_315 = vector.shape_cast %broadcast_in_dim3A_4 : vector<16xf32> to vector<1x1x16xf32>
    tpu.vector_store %arg7[%swap3A_310, %swap3A_311, %swap3A_312], %swap3A_315 {strides = array<i32>} : memref<3x80x128xf32, #tpu.memory_space<vmem>>, vector<1x1x16xf32>,
    %swap3A_316 = arith.constant 0 : i32
    %swap3A_317 = arith.constant 4 : i32
    %swap3A_318 = arith.index_cast %swap3A_316 : i32 to index
    %swap3A_319 = arith.index_cast %swap3A_317 : i32 to index
    %swap3A_320 = arith.constant 112 : index
    %swap3A_321 = tpu.vector_load %arg7[%swap3A_318, %swap3A_319, %swap3A_320] {strides = array<i32>} : memref<3x80x128xf32, #tpu.memory_space<vmem>>, vector<1x1x16xf32>,
    %swap3A_322 = vector.shape_cast %swap3A_321 : vector<1x1x16xf32> to vector<16xf32>
    %swap3A_323 = vector.shape_cast %broadcast_in_dim3A_4 : vector<16xf32> to vector<1x1x16xf32>
    tpu.vector_store %arg7[%swap3A_318, %swap3A_319, %swap3A_320], %swap3A_323 {strides = array<i32>} : memref<3x80x128xf32, #tpu.memory_space<vmem>>, vector<1x1x16xf32>,
    %swap3A_324 = arith.constant 0 : i32
    %swap3A_325 = arith.constant 5 : i32
    %swap3A_326 = arith.index_cast %swap3A_324 : i32 to index
    %swap3A_327 = arith.index_cast %swap3A_325 : i32 to index
    %swap3A_328 = arith.constant 0 : index
    %swap3A_329 = tpu.vector_load %arg7[%swap3A_326, %swap3A_327, %swap3A_328] {strides = array<i32>} : memref<3x80x128xf32, #tpu.memory_space<vmem>>, vector<1x1x16xf32>,
    %swap3A_330 = vector.shape_cast %swap3A_329 : vector<1x1x16xf32> to vector<16xf32>
    %swap3A_331 = vector.shape_cast %broadcast_in_dim3A_4 : vector<16xf32> to vector<1x1x16xf32>
    tpu.vector_store %arg7[%swap3A_326, %swap3A_327, %swap3A_328], %swap3A_331 {strides = array<i32>} : memref<3x80x128xf32, #tpu.memory_space<vmem>>, vector<1x1x16xf32>,
    %swap3A_332 = arith.constant 0 : i32
    %swap3A_333 = arith.constant 5 : i32
    %swap3A_334 = arith.index_cast %swap3A_332 : i32 to index
    %swap3A_335 = arith.index_cast %swap3A_333 : i32 to index
    %swap3A_336 = arith.constant 16 : index
    %swap3A_337 = tpu.vector_load %arg7[%swap3A_334, %swap3A_335, %swap3A_336] {strides = array<i32>} : memref<3x80x128xf32, #tpu.memory_space<vmem>>, vector<1x1x16xf32>,
    %swap3A_338 = vector.shape_cast %swap3A_337 : vector<1x1x16xf32> to vector<16xf32>
    %swap3A_339 = vector.shape_cast %broadcast_in_dim3A_4 : vector<16xf32> to vector<1x1x16xf32>
    tpu.vector_store %arg7[%swap3A_334, %swap3A_335, %swap3A_336], %swap3A_339 {strides = array<i32>} : memref<3x80x128xf32, #tpu.memory_space<vmem>>, vector<1x1x16xf32>,
    %swap3A_340 = arith.constant 0 : i32
    %swap3A_341 = arith.constant 5 : i32
    %swap3A_342 = arith.index_cast %swap3A_340 : i32 to index
    %swap3A_343 = arith.index_cast %swap3A_341 : i32 to index
    %swap3A_344 = arith.constant 32 : index
    %swap3A_345 = tpu.vector_load %arg7[%swap3A_342, %swap3A_343, %swap3A_344] {strides = array<i32>} : memref<3x80x128xf32, #tpu.memory_space<vmem>>, vector<1x1x16xf32>,
    %swap3A_346 = vector.shape_cast %swap3A_345 : vector<1x1x16xf32> to vector<16xf32>
    %swap3A_347 = vector.shape_cast %broadcast_in_dim3A_4 : vector<16xf32> to vector<1x1x16xf32>
    tpu.vector_store %arg7[%swap3A_342, %swap3A_343, %swap3A_344], %swap3A_347 {strides = array<i32>} : memref<3x80x128xf32, #tpu.memory_space<vmem>>, vector<1x1x16xf32>,
    %swap3A_348 = arith.constant 0 : i32
    %swap3A_349 = arith.constant 5 : i32
    %swap3A_350 = arith.index_cast %swap3A_348 : i32 to index
    %swap3A_351 = arith.index_cast %swap3A_349 : i32 to index
    %swap3A_352 = arith.constant 48 : index
    %swap3A_353 = tpu.vector_load %arg7[%swap3A_350, %swap3A_351, %swap3A_352] {strides = array<i32>} : memref<3x80x128xf32, #tpu.memory_space<vmem>>, vector<1x1x16xf32>,
    %swap3A_354 = vector.shape_cast %swap3A_353 : vector<1x1x16xf32> to vector<16xf32>
    %swap3A_355 = vector.shape_cast %broadcast_in_dim3A_4 : vector<16xf32> to vector<1x1x16xf32>
    tpu.vector_store %arg7[%swap3A_350, %swap3A_351, %swap3A_352], %swap3A_355 {strides = array<i32>} : memref<3x80x128xf32, #tpu.memory_space<vmem>>, vector<1x1x16xf32>,
    %swap3A_356 = arith.constant 0 : i32
    %swap3A_357 = arith.constant 5 : i32
    %swap3A_358 = arith.index_cast %swap3A_356 : i32 to index
    %swap3A_359 = arith.index_cast %swap3A_357 : i32 to index
    %swap3A_360 = arith.constant 64 : index
    %swap3A_361 = tpu.vector_load %arg7[%swap3A_358, %swap3A_359, %swap3A_360] {strides = array<i32>} : memref<3x80x128xf32, #tpu.memory_space<vmem>>, vector<1x1x16xf32>,
    %swap3A_362 = vector.shape_cast %swap3A_361 : vector<1x1x16xf32> to vector<16xf32>
    %swap3A_363 = vector.shape_cast %broadcast_in_dim3A_4 : vector<16xf32> to vector<1x1x16xf32>
    tpu.vector_store %arg7[%swap3A_358, %swap3A_359, %swap3A_360], %swap3A_363 {strides = array<i32>} : memref<3x80x128xf32, #tpu.memory_space<vmem>>, vector<1x1x16xf32>,
    %swap3A_364 = arith.constant 0 : i32
    %swap3A_365 = arith.constant 5 : i32
    %swap3A_366 = arith.index_cast %swap3A_364 : i32 to index
    %swap3A_367 = arith.index_cast %swap3A_365 : i32 to index
    %swap3A_368 = arith.constant 80 : index
    %swap3A_369 = tpu.vector_load %arg7[%swap3A_366, %swap3A_367, %swap3A_368] {strides = array<i32>} : memref<3x80x128xf32, #tpu.memory_space<vmem>>, vector<1x1x16xf32>,
    %swap3A_370 = vector.shape_cast %swap3A_369 : vector<1x1x16xf32> to vector<16xf32>
    %swap3A_371 = vector.shape_cast %broadcast_in_dim3A_4 : vector<16xf32> to vector<1x1x16xf32>
    tpu.vector_store %arg7[%swap3A_366, %swap3A_367, %swap3A_368], %swap3A_371 {strides = array<i32>} : memref<3x80x128xf32, #tpu.memory_space<vmem>>, vector<1x1x16xf32>,
    %swap3A_372 = arith.constant 0 : i32
    %swap3A_373 = arith.constant 5 : i32
    %swap3A_374 = arith.index_cast %swap3A_372 : i32 to index
    %swap3A_375 = arith.index_cast %swap3A_373 : i32 to index
    %swap3A_376 = arith.constant 96 : index
    %swap3A_377 = tpu.vector_load %arg7[%swap3A_374, %swap3A_375, %swap3A_376] {strides = array<i32>} : memref<3x80x128xf32, #tpu.memory_space<vmem>>, vector<1x1x16xf32>,
    %swap3A_378 = vector.shape_cast %swap3A_377 : vector<1x1x16xf32> to vector<16xf32>
    %swap3A_379 = vector.shape_cast %broadcast_in_dim3A_4 : vector<16xf32> to vector<1x1x16xf32>
    tpu.vector_store %arg7[%swap3A_374, %swap3A_375, %swap3A_376], %swap3A_379 {strides = array<i32>} : memref<3x80x128xf32, #tpu.memory_space<vmem>>, vector<1x1x16xf32>,
    %swap3A_380 = arith.constant 0 : i32
    %swap3A_381 = arith.constant 5 : i32
    %swap3A_382 = arith.index_cast %swap3A_380 : i32 to index
    %swap3A_383 = arith.index_cast %swap3A_381 : i32 to index
    %swap3A_384 = arith.constant 112 : index
    %swap3A_385 = tpu.vector_load %arg7[%swap3A_382, %swap3A_383, %swap3A_384] {strides = array<i32>} : memref<3x80x128xf32, #tpu.memory_space<vmem>>, vector<1x1x16xf32>,
    %swap3A_386 = vector.shape_cast %swap3A_385 : vector<1x1x16xf32> to vector<16xf32>
    %swap3A_387 = vector.shape_cast %broadcast_in_dim3A_4 : vector<16xf32> to vector<1x1x16xf32>
    tpu.vector_store %arg7[%swap3A_382, %swap3A_383, %swap3A_384], %swap3A_387 {strides = array<i32>} : memref<3x80x128xf32, #tpu.memory_space<vmem>>, vector<1x1x16xf32>,
    %swap3A_388 = arith.constant 0 : i32
    %swap3A_389 = arith.constant 6 : i32
    %swap3A_390 = arith.index_cast %swap3A_388 : i32 to index
    %swap3A_391 = arith.index_cast %swap3A_389 : i32 to index
    %swap3A_392 = arith.constant 0 : index
    %swap3A_393 = tpu.vector_load %arg7[%swap3A_390, %swap3A_391, %swap3A_392] {strides = array<i32>} : memref<3x80x128xf32, #tpu.memory_space<vmem>>, vector<1x1x16xf32>,
    %swap3A_394 = vector.shape_cast %swap3A_393 : vector<1x1x16xf32> to vector<16xf32>
    %swap3A_395 = vector.shape_cast %broadcast_in_dim3A_4 : vector<16xf32> to vector<1x1x16xf32>
    tpu.vector_store %arg7[%swap3A_390, %swap3A_391, %swap3A_392], %swap3A_395 {strides = array<i32>} : memref<3x80x128xf32, #tpu.memory_space<vmem>>, vector<1x1x16xf32>,
    %swap3A_396 = arith.constant 0 : i32
    %swap3A_397 = arith.constant 6 : i32
    %swap3A_398 = arith.index_cast %swap3A_396 : i32 to index
    %swap3A_399 = arith.index_cast %swap3A_397 : i32 to index
    %swap3A_400 = arith.constant 16 : index
    %swap3A_401 = tpu.vector_load %arg7[%swap3A_398, %swap3A_399, %swap3A_400] {strides = array<i32>} : memref<3x80x128xf32, #tpu.memory_space<vmem>>, vector<1x1x16xf32>,
    %swap3A_402 = vector.shape_cast %swap3A_401 : vector<1x1x16xf32> to vector<16xf32>
    %swap3A_403 = vector.shape_cast %broadcast_in_dim3A_4 : vector<16xf32> to vector<1x1x16xf32>
    tpu.vector_store %arg7[%swap3A_398, %swap3A_399, %swap3A_400], %swap3A_403 {strides = array<i32>} : memref<3x80x128xf32, #tpu.memory_space<vmem>>, vector<1x1x16xf32>,
    %swap3A_404 = arith.constant 0 : i32
    %swap3A_405 = arith.constant 6 : i32
    %swap3A_406 = arith.index_cast %swap3A_404 : i32 to index
    %swap3A_407 = arith.index_cast %swap3A_405 : i32 to index
    %swap3A_408 = arith.constant 32 : index
    %swap3A_409 = tpu.vector_load %arg7[%swap3A_406, %swap3A_407, %swap3A_408] {strides = array<i32>} : memref<3x80x128xf32, #tpu.memory_space<vmem>>, vector<1x1x16xf32>,
    %swap3A_410 = vector.shape_cast %swap3A_409 : vector<1x1x16xf32> to vector<16xf32>
    %swap3A_411 = vector.shape_cast %broadcast_in_dim3A_4 : vector<16xf32> to vector<1x1x16xf32>
    tpu.vector_store %arg7[%swap3A_406, %swap3A_407, %swap3A_408], %swap3A_411 {strides = array<i32>} : memref<3x80x128xf32, #tpu.memory_space<vmem>>, vector<1x1x16xf32>,
    %swap3A_412 = arith.constant 0 : i32
    %swap3A_413 = arith.constant 6 : i32
    %swap3A_414 = arith.index_cast %swap3A_412 : i32 to index
    %swap3A_415 = arith.index_cast %swap3A_413 : i32 to index
    %swap3A_416 = arith.constant 48 : index
    %swap3A_417 = tpu.vector_load %arg7[%swap3A_414, %swap3A_415, %swap3A_416] {strides = array<i32>} : memref<3x80x128xf32, #tpu.memory_space<vmem>>, vector<1x1x16xf32>,
    %swap3A_418 = vector.shape_cast %swap3A_417 : vector<1x1x16xf32> to vector<16xf32>
    %swap3A_419 = vector.shape_cast %broadcast_in_dim3A_4 : vector<16xf32> to vector<1x1x16xf32>
    tpu.vector_store %arg7[%swap3A_414, %swap3A_415, %swap3A_416], %swap3A_419 {strides = array<i32>} : memref<3x80x128xf32, #tpu.memory_space<vmem>>, vector<1x1x16xf32>,
    %swap3A_420 = arith.constant 0 : i32
    %swap3A_421 = arith.constant 6 : i32
    %swap3A_422 = arith.index_cast %swap3A_420 : i32 to index
    %swap3A_423 = arith.index_cast %swap3A_421 : i32 to index
    %swap3A_424 = arith.constant 64 : index
    %swap3A_425 = tpu.vector_load %arg7[%swap3A_422, %swap3A_423, %swap3A_424] {strides = array<i32>} : memref<3x80x128xf32, #tpu.memory_space<vmem>>, vector<1x1x16xf32>,
    %swap3A_426 = vector.shape_cast %swap3A_425 : vector<1x1x16xf32> to vector<16xf32>
    %swap3A_427 = vector.shape_cast %broadcast_in_dim3A_4 : vector<16xf32> to vector<1x1x16xf32>
    tpu.vector_store %arg7[%swap3A_422, %swap3A_423, %swap3A_424], %swap3A_427 {strides = array<i32>} : memref<3x80x128xf32, #tpu.memory_space<vmem>>, vector<1x1x16xf32>,
    %swap3A_428 = arith.constant 0 : i32
    %swap3A_429 = arith.constant 6 : i32
    %swap3A_430 = arith.index_cast %swap3A_428 : i32 to index
    %swap3A_431 = arith.index_cast %swap3A_429 : i32 to index
    %swap3A_432 = arith.constant 80 : index
    %swap3A_433 = tpu.vector_load %arg7[%swap3A_430, %swap3A_431, %swap3A_432] {strides = array<i32>} : memref<3x80x128xf32, #tpu.memory_space<vmem>>, vector<1x1x16xf32>,
    %swap3A_434 = vector.shape_cast %swap3A_433 : vector<1x1x16xf32> to vector<16xf32>
    %swap3A_435 = vector.shape_cast %broadcast_in_dim3A_4 : vector<16xf32> to vector<1x1x16xf32>
    tpu.vector_store %arg7[%swap3A_430, %swap3A_431, %swap3A_432], %swap3A_435 {strides = array<i32>} : memref<3x80x128xf32, #tpu.memory_space<vmem>>, vector<1x1x16xf32>,
    %swap3A_436 = arith.constant 0 : i32
    %swap3A_437 = arith.constant 6 : i32
    %swap3A_438 = arith.index_cast %swap3A_436 : i32 to index
    %swap3A_439 = arith.index_cast %swap3A_437 : i32 to index
    %swap3A_440 = arith.constant 96 : index
    %swap3A_441 = tpu.vector_load %arg7[%swap3A_438, %swap3A_439, %swap3A_440] {strides = array<i32>} : memref<3x80x128xf32, #tpu.memory_space<vmem>>, vector<1x1x16xf32>,
    %swap3A_442 = vector.shape_cast %swap3A_441 : vector<1x1x16xf32> to vector<16xf32>
    %swap3A_443 = vector.shape_cast %broadcast_in_dim3A_4 : vector<16xf32> to vector<1x1x16xf32>
    tpu.vector_store %arg7[%swap3A_438, %swap3A_439, %swap3A_440], %swap3A_443 {strides = array<i32>} : memref<3x80x128xf32, #tpu.memory_space<vmem>>, vector<1x1x16xf32>,
    %swap3A_444 = arith.constant 0 : i32
    %swap3A_445 = arith.constant 6 : i32
    %swap3A_446 = arith.index_cast %swap3A_444 : i32 to index
    %swap3A_447 = arith.index_cast %swap3A_445 : i32 to index
    %swap3A_448 = arith.constant 112 : index
    %swap3A_449 = tpu.vector_load %arg7[%swap3A_446, %swap3A_447, %swap3A_448] {strides = array<i32>} : memref<3x80x128xf32, #tpu.memory_space<vmem>>, vector<1x1x16xf32>,
    %swap3A_450 = vector.shape_cast %swap3A_449 : vector<1x1x16xf32> to vector<16xf32>
    %swap3A_451 = vector.shape_cast %broadcast_in_dim3A_4 : vector<16xf32> to vector<1x1x16xf32>
    tpu.vector_store %arg7[%swap3A_446, %swap3A_447, %swap3A_448], %swap3A_451 {strides = array<i32>} : memref<3x80x128xf32, #tpu.memory_space<vmem>>, vector<1x1x16xf32>,
    %swap3A_452 = arith.constant 0 : i32
    %swap3A_453 = arith.constant 7 : i32
    %swap3A_454 = arith.index_cast %swap3A_452 : i32 to index
    %swap3A_455 = arith.index_cast %swap3A_453 : i32 to index
    %swap3A_456 = arith.constant 0 : index
    %swap3A_457 = tpu.vector_load %arg7[%swap3A_454, %swap3A_455, %swap3A_456] {strides = array<i32>} : memref<3x80x128xf32, #tpu.memory_space<vmem>>, vector<1x1x16xf32>,
    %swap3A_458 = vector.shape_cast %swap3A_457 : vector<1x1x16xf32> to vector<16xf32>
    %swap3A_459 = vector.shape_cast %broadcast_in_dim3A_4 : vector<16xf32> to vector<1x1x16xf32>
    tpu.vector_store %arg7[%swap3A_454, %swap3A_455, %swap3A_456], %swap3A_459 {strides = array<i32>} : memref<3x80x128xf32, #tpu.memory_space<vmem>>, vector<1x1x16xf32>,
    %swap3A_460 = arith.constant 0 : i32
    %swap3A_461 = arith.constant 7 : i32
    %swap3A_462 = arith.index_cast %swap3A_460 : i32 to index
    %swap3A_463 = arith.index_cast %swap3A_461 : i32 to index
    %swap3A_464 = arith.constant 16 : index
    %swap3A_465 = tpu.vector_load %arg7[%swap3A_462, %swap3A_463, %swap3A_464] {strides = array<i32>} : memref<3x80x128xf32, #tpu.memory_space<vmem>>, vector<1x1x16xf32>,
    %swap3A_466 = vector.shape_cast %swap3A_465 : vector<1x1x16xf32> to vector<16xf32>
    %swap3A_467 = vector.shape_cast %broadcast_in_dim3A_4 : vector<16xf32> to vector<1x1x16xf32>
    tpu.vector_store %arg7[%swap3A_462, %swap3A_463, %swap3A_464], %swap3A_467 {strides = array<i32>} : memref<3x80x128xf32, #tpu.memory_space<vmem>>, vector<1x1x16xf32>,
    %swap3A_468 = arith.constant 0 : i32
    %swap3A_469 = arith.constant 7 : i32
    %swap3A_470 = arith.index_cast %swap3A_468 : i32 to index
    %swap3A_471 = arith.index_cast %swap3A_469 : i32 to index
    %swap3A_472 = arith.constant 32 : index
    %swap3A_473 = tpu.vector_load %arg7[%swap3A_470, %swap3A_471, %swap3A_472] {strides = array<i32>} : memref<3x80x128xf32, #tpu.memory_space<vmem>>, vector<1x1x16xf32>,
    %swap3A_474 = vector.shape_cast %swap3A_473 : vector<1x1x16xf32> to vector<16xf32>
    %swap3A_475 = vector.shape_cast %broadcast_in_dim3A_4 : vector<16xf32> to vector<1x1x16xf32>
    tpu.vector_store %arg7[%swap3A_470, %swap3A_471, %swap3A_472], %swap3A_475 {strides = array<i32>} : memref<3x80x128xf32, #tpu.memory_space<vmem>>, vector<1x1x16xf32>,
    %swap3A_476 = arith.constant 0 : i32
    %swap3A_477 = arith.constant 7 : i32
    %swap3A_478 = arith.index_cast %swap3A_476 : i32 to index
    %swap3A_479 = arith.index_cast %swap3A_477 : i32 to index
    %swap3A_480 = arith.constant 48 : index
    %swap3A_481 = tpu.vector_load %arg7[%swap3A_478, %swap3A_479, %swap3A_480] {strides = array<i32>} : memref<3x80x128xf32, #tpu.memory_space<vmem>>, vector<1x1x16xf32>,
    %swap3A_482 = vector.shape_cast %swap3A_481 : vector<1x1x16xf32> to vector<16xf32>
    %swap3A_483 = vector.shape_cast %broadcast_in_dim3A_4 : vector<16xf32> to vector<1x1x16xf32>
    tpu.vector_store %arg7[%swap3A_478, %swap3A_479, %swap3A_480], %swap3A_483 {strides = array<i32>} : memref<3x80x128xf32, #tpu.memory_space<vmem>>, vector<1x1x16xf32>,
    %swap3A_484 = arith.constant 0 : i32
    %swap3A_485 = arith.constant 7 : i32
    %swap3A_486 = arith.index_cast %swap3A_484 : i32 to index
    %swap3A_487 = arith.index_cast %swap3A_485 : i32 to index
    %swap3A_488 = arith.constant 64 : index
    %swap3A_489 = tpu.vector_load %arg7[%swap3A_486, %swap3A_487, %swap3A_488] {strides = array<i32>} : memref<3x80x128xf32, #tpu.memory_space<vmem>>, vector<1x1x16xf32>,
    %swap3A_490 = vector.shape_cast %swap3A_489 : vector<1x1x16xf32> to vector<16xf32>
    %swap3A_491 = vector.shape_cast %broadcast_in_dim3A_4 : vector<16xf32> to vector<1x1x16xf32>
    tpu.vector_store %arg7[%swap3A_486, %swap3A_487, %swap3A_488], %swap3A_491 {strides = array<i32>} : memref<3x80x128xf32, #tpu.memory_space<vmem>>, vector<1x1x16xf32>,
    %swap3A_492 = arith.constant 0 : i32
    %swap3A_493 = arith.constant 7 : i32
    %swap3A_494 = arith.index_cast %swap3A_492 : i32 to index
    %swap3A_495 = arith.index_cast %swap3A_493 : i32 to index
    %swap3A_496 = arith.constant 80 : index
    %swap3A_497 = tpu.vector_load %arg7[%swap3A_494, %swap3A_495, %swap3A_496] {strides = array<i32>} : memref<3x80x128xf32, #tpu.memory_space<vmem>>, vector<1x1x16xf32>,
    %swap3A_498 = vector.shape_cast %swap3A_497 : vector<1x1x16xf32> to vector<16xf32>
    %swap3A_499 = vector.shape_cast %broadcast_in_dim3A_4 : vector<16xf32> to vector<1x1x16xf32>
    tpu.vector_store %arg7[%swap3A_494, %swap3A_495, %swap3A_496], %swap3A_499 {strides = array<i32>} : memref<3x80x128xf32, #tpu.memory_space<vmem>>, vector<1x1x16xf32>,
    %swap3A_500 = arith.constant 0 : i32
    %swap3A_501 = arith.constant 7 : i32
    %swap3A_502 = arith.index_cast %swap3A_500 : i32 to index
    %swap3A_503 = arith.index_cast %swap3A_501 : i32 to index
    %swap3A_504 = arith.constant 96 : index
    %swap3A_505 = tpu.vector_load %arg7[%swap3A_502, %swap3A_503, %swap3A_504] {strides = array<i32>} : memref<3x80x128xf32, #tpu.memory_space<vmem>>, vector<1x1x16xf32>,
    %swap3A_506 = vector.shape_cast %swap3A_505 : vector<1x1x16xf32> to vector<16xf32>
    %swap3A_507 = vector.shape_cast %broadcast_in_dim3A_4 : vector<16xf32> to vector<1x1x16xf32>
    tpu.vector_store %arg7[%swap3A_502, %swap3A_503, %swap3A_504], %swap3A_507 {strides = array<i32>} : memref<3x80x128xf32, #tpu.memory_space<vmem>>, vector<1x1x16xf32>,
    %swap3A_508 = arith.constant 0 : i32
    %swap3A_509 = arith.constant 7 : i32
    %swap3A_510 = arith.index_cast %swap3A_508 : i32 to index
    %swap3A_511 = arith.index_cast %swap3A_509 : i32 to index
    %swap3A_512 = arith.constant 112 : index
    %swap3A_513 = tpu.vector_load %arg7[%swap3A_510, %swap3A_511, %swap3A_512] {strides = array<i32>} : memref<3x80x128xf32, #tpu.memory_space<vmem>>, vector<1x1x16xf32>,
    %swap3A_514 = vector.shape_cast %swap3A_513 : vector<1x1x16xf32> to vector<16xf32>
    %swap3A_515 = vector.shape_cast %broadcast_in_dim3A_4 : vector<16xf32> to vector<1x1x16xf32>
    tpu.vector_store %arg7[%swap3A_510, %swap3A_511, %swap3A_512], %swap3A_515 {strides = array<i32>} : memref<3x80x128xf32, #tpu.memory_space<vmem>>, vector<1x1x16xf32>,
    %swap3A_516 = arith.constant 0 : i32
    %swap3A_517 = arith.constant 8 : i32
    %swap3A_518 = arith.index_cast %swap3A_516 : i32 to index
    %swap3A_519 = arith.index_cast %swap3A_517 : i32 to index
    %swap3A_520 = arith.constant 0 : index
    %swap3A_521 = tpu.vector_load %arg7[%swap3A_518, %swap3A_519, %swap3A_520] {strides = array<i32>} : memref<3x80x128xf32, #tpu.memory_space<vmem>>, vector<1x1x16xf32>,
    %swap3A_522 = vector.shape_cast %swap3A_521 : vector<1x1x16xf32> to vector<16xf32>
    %swap3A_523 = vector.shape_cast %broadcast_in_dim3A_4 : vector<16xf32> to vector<1x1x16xf32>
    tpu.vector_store %arg7[%swap3A_518, %swap3A_519, %swap3A_520], %swap3A_523 {strides = array<i32>} : memref<3x80x128xf32, #tpu.memory_space<vmem>>, vector<1x1x16xf32>,
    %swap3A_524 = arith.constant 0 : i32
    %swap3A_525 = arith.constant 8 : i32
    %swap3A_526 = arith.index_cast %swap3A_524 : i32 to index
    %swap3A_527 = arith.index_cast %swap3A_525 : i32 to index
    %swap3A_528 = arith.constant 16 : index
    %swap3A_529 = tpu.vector_load %arg7[%swap3A_526, %swap3A_527, %swap3A_528] {strides = array<i32>} : memref<3x80x128xf32, #tpu.memory_space<vmem>>, vector<1x1x16xf32>,
    %swap3A_530 = vector.shape_cast %swap3A_529 : vector<1x1x16xf32> to vector<16xf32>
    %swap3A_531 = vector.shape_cast %broadcast_in_dim3A_4 : vector<16xf32> to vector<1x1x16xf32>
    tpu.vector_store %arg7[%swap3A_526, %swap3A_527, %swap3A_528], %swap3A_531 {strides = array<i32>} : memref<3x80x128xf32, #tpu.memory_space<vmem>>, vector<1x1x16xf32>,
    %swap3A_532 = arith.constant 0 : i32
    %swap3A_533 = arith.constant 8 : i32
    %swap3A_534 = arith.index_cast %swap3A_532 : i32 to index
    %swap3A_535 = arith.index_cast %swap3A_533 : i32 to index
    %swap3A_536 = arith.constant 32 : index
    %swap3A_537 = tpu.vector_load %arg7[%swap3A_534, %swap3A_535, %swap3A_536] {strides = array<i32>} : memref<3x80x128xf32, #tpu.memory_space<vmem>>, vector<1x1x16xf32>,
    %swap3A_538 = vector.shape_cast %swap3A_537 : vector<1x1x16xf32> to vector<16xf32>
    %swap3A_539 = vector.shape_cast %broadcast_in_dim3A_4 : vector<16xf32> to vector<1x1x16xf32>
    tpu.vector_store %arg7[%swap3A_534, %swap3A_535, %swap3A_536], %swap3A_539 {strides = array<i32>} : memref<3x80x128xf32, #tpu.memory_space<vmem>>, vector<1x1x16xf32>,
    %swap3A_540 = arith.constant 0 : i32
    %swap3A_541 = arith.constant 8 : i32
    %swap3A_542 = arith.index_cast %swap3A_540 : i32 to index
    %swap3A_543 = arith.index_cast %swap3A_541 : i32 to index
    %swap3A_544 = arith.constant 48 : index
    %swap3A_545 = tpu.vector_load %arg7[%swap3A_542, %swap3A_543, %swap3A_544] {strides = array<i32>} : memref<3x80x128xf32, #tpu.memory_space<vmem>>, vector<1x1x16xf32>,
    %swap3A_546 = vector.shape_cast %swap3A_545 : vector<1x1x16xf32> to vector<16xf32>
    %swap3A_547 = vector.shape_cast %broadcast_in_dim3A_4 : vector<16xf32> to vector<1x1x16xf32>
    tpu.vector_store %arg7[%swap3A_542, %swap3A_543, %swap3A_544], %swap3A_547 {strides = array<i32>} : memref<3x80x128xf32, #tpu.memory_space<vmem>>, vector<1x1x16xf32>,
    %swap3A_548 = arith.constant 0 : i32
    %swap3A_549 = arith.constant 8 : i32
    %swap3A_550 = arith.index_cast %swap3A_548 : i32 to index
    %swap3A_551 = arith.index_cast %swap3A_549 : i32 to index
    %swap3A_552 = arith.constant 64 : index
    %swap3A_553 = tpu.vector_load %arg7[%swap3A_550, %swap3A_551, %swap3A_552] {strides = array<i32>} : memref<3x80x128xf32, #tpu.memory_space<vmem>>, vector<1x1x16xf32>,
    %swap3A_554 = vector.shape_cast %swap3A_553 : vector<1x1x16xf32> to vector<16xf32>
    %swap3A_555 = vector.shape_cast %broadcast_in_dim3A_4 : vector<16xf32> to vector<1x1x16xf32>
    tpu.vector_store %arg7[%swap3A_550, %swap3A_551, %swap3A_552], %swap3A_555 {strides = array<i32>} : memref<3x80x128xf32, #tpu.memory_space<vmem>>, vector<1x1x16xf32>,
    %swap3A_556 = arith.constant 0 : i32
    %swap3A_557 = arith.constant 8 : i32
    %swap3A_558 = arith.index_cast %swap3A_556 : i32 to index
    %swap3A_559 = arith.index_cast %swap3A_557 : i32 to index
    %swap3A_560 = arith.constant 80 : index
    %swap3A_561 = tpu.vector_load %arg7[%swap3A_558, %swap3A_559, %swap3A_560] {strides = array<i32>} : memref<3x80x128xf32, #tpu.memory_space<vmem>>, vector<1x1x16xf32>,
    %swap3A_562 = vector.shape_cast %swap3A_561 : vector<1x1x16xf32> to vector<16xf32>
    %swap3A_563 = vector.shape_cast %broadcast_in_dim3A_4 : vector<16xf32> to vector<1x1x16xf32>
    tpu.vector_store %arg7[%swap3A_558, %swap3A_559, %swap3A_560], %swap3A_563 {strides = array<i32>} : memref<3x80x128xf32, #tpu.memory_space<vmem>>, vector<1x1x16xf32>,
    %swap3A_564 = arith.constant 0 : i32
    %swap3A_565 = arith.constant 8 : i32
    %swap3A_566 = arith.index_cast %swap3A_564 : i32 to index
    %swap3A_567 = arith.index_cast %swap3A_565 : i32 to index
    %swap3A_568 = arith.constant 96 : index
    %swap3A_569 = tpu.vector_load %arg7[%swap3A_566, %swap3A_567, %swap3A_568] {strides = array<i32>} : memref<3x80x128xf32, #tpu.memory_space<vmem>>, vector<1x1x16xf32>,
    %swap3A_570 = vector.shape_cast %swap3A_569 : vector<1x1x16xf32> to vector<16xf32>
    %swap3A_571 = vector.shape_cast %broadcast_in_dim3A_4 : vector<16xf32> to vector<1x1x16xf32>
    tpu.vector_store %arg7[%swap3A_566, %swap3A_567, %swap3A_568], %swap3A_571 {strides = array<i32>} : memref<3x80x128xf32, #tpu.memory_space<vmem>>, vector<1x1x16xf32>,
    %swap3A_572 = arith.constant 0 : i32
    %swap3A_573 = arith.constant 8 : i32
    %swap3A_574 = arith.index_cast %swap3A_572 : i32 to index
    %swap3A_575 = arith.index_cast %swap3A_573 : i32 to index
    %swap3A_576 = arith.constant 112 : index
    %swap3A_577 = tpu.vector_load %arg7[%swap3A_574, %swap3A_575, %swap3A_576] {strides = array<i32>} : memref<3x80x128xf32, #tpu.memory_space<vmem>>, vector<1x1x16xf32>,
    %swap3A_578 = vector.shape_cast %swap3A_577 : vector<1x1x16xf32> to vector<16xf32>
    %swap3A_579 = vector.shape_cast %broadcast_in_dim3A_4 : vector<16xf32> to vector<1x1x16xf32>
    tpu.vector_store %arg7[%swap3A_574, %swap3A_575, %swap3A_576], %swap3A_579 {strides = array<i32>} : memref<3x80x128xf32, #tpu.memory_space<vmem>>, vector<1x1x16xf32>,
    %swap3A_580 = arith.constant 0 : i32
    %swap3A_581 = arith.constant 9 : i32
    %swap3A_582 = arith.index_cast %swap3A_580 : i32 to index
    %swap3A_583 = arith.index_cast %swap3A_581 : i32 to index
    %swap3A_584 = arith.constant 0 : index
    %swap3A_585 = tpu.vector_load %arg7[%swap3A_582, %swap3A_583, %swap3A_584] {strides = array<i32>} : memref<3x80x128xf32, #tpu.memory_space<vmem>>, vector<1x1x16xf32>,
    %swap3A_586 = vector.shape_cast %swap3A_585 : vector<1x1x16xf32> to vector<16xf32>
    %swap3A_587 = vector.shape_cast %broadcast_in_dim3A_4 : vector<16xf32> to vector<1x1x16xf32>
    tpu.vector_store %arg7[%swap3A_582, %swap3A_583, %swap3A_584], %swap3A_587 {strides = array<i32>} : memref<3x80x128xf32, #tpu.memory_space<vmem>>, vector<1x1x16xf32>,
    %swap3A_588 = arith.constant 0 : i32
    %swap3A_589 = arith.constant 9 : i32
    %swap3A_590 = arith.index_cast %swap3A_588 : i32 to index
    %swap3A_591 = arith.index_cast %swap3A_589 : i32 to index
    %swap3A_592 = arith.constant 16 : index
    %swap3A_593 = tpu.vector_load %arg7[%swap3A_590, %swap3A_591, %swap3A_592] {strides = array<i32>} : memref<3x80x128xf32, #tpu.memory_space<vmem>>, vector<1x1x16xf32>,
    %swap3A_594 = vector.shape_cast %swap3A_593 : vector<1x1x16xf32> to vector<16xf32>
    %swap3A_595 = vector.shape_cast %broadcast_in_dim3A_4 : vector<16xf32> to vector<1x1x16xf32>
    tpu.vector_store %arg7[%swap3A_590, %swap3A_591, %swap3A_592], %swap3A_595 {strides = array<i32>} : memref<3x80x128xf32, #tpu.memory_space<vmem>>, vector<1x1x16xf32>,
    %swap3A_596 = arith.constant 0 : i32
    %swap3A_597 = arith.constant 9 : i32
    %swap3A_598 = arith.index_cast %swap3A_596 : i32 to index
    %swap3A_599 = arith.index_cast %swap3A_597 : i32 to index
    %swap3A_600 = arith.constant 32 : index
    %swap3A_601 = tpu.vector_load %arg7[%swap3A_598, %swap3A_599, %swap3A_600] {strides = array<i32>} : memref<3x80x128xf32, #tpu.memory_space<vmem>>, vector<1x1x16xf32>,
    %swap3A_602 = vector.shape_cast %swap3A_601 : vector<1x1x16xf32> to vector<16xf32>
    %swap3A_603 = vector.shape_cast %broadcast_in_dim3A_4 : vector<16xf32> to vector<1x1x16xf32>
    tpu.vector_store %arg7[%swap3A_598, %swap3A_599, %swap3A_600], %swap3A_603 {strides = array<i32>} : memref<3x80x128xf32, #tpu.memory_space<vmem>>, vector<1x1x16xf32>,
    %swap3A_604 = arith.constant 0 : i32
    %swap3A_605 = arith.constant 9 : i32
    %swap3A_606 = arith.index_cast %swap3A_604 : i32 to index
    %swap3A_607 = arith.index_cast %swap3A_605 : i32 to index
    %swap3A_608 = arith.constant 48 : index
    %swap3A_609 = tpu.vector_load %arg7[%swap3A_606, %swap3A_607, %swap3A_608] {strides = array<i32>} : memref<3x80x128xf32, #tpu.memory_space<vmem>>, vector<1x1x16xf32>,
    %swap3A_610 = vector.shape_cast %swap3A_609 : vector<1x1x16xf32> to vector<16xf32>
    %swap3A_611 = vector.shape_cast %broadcast_in_dim3A_4 : vector<16xf32> to vector<1x1x16xf32>
    tpu.vector_store %arg7[%swap3A_606, %swap3A_607, %swap3A_608], %swap3A_611 {strides = array<i32>} : memref<3x80x128xf32, #tpu.memory_space<vmem>>, vector<1x1x16xf32>,
    %swap3A_612 = arith.constant 0 : i32
    %swap3A_613 = arith.constant 9 : i32
    %swap3A_614 = arith.index_cast %swap3A_612 : i32 to index
    %swap3A_615 = arith.index_cast %swap3A_613 : i32 to index
    %swap3A_616 = arith.constant 64 : index
    %swap3A_617 = tpu.vector_load %arg7[%swap3A_614, %swap3A_615, %swap3A_616] {strides = array<i32>} : memref<3x80x128xf32, #tpu.memory_space<vmem>>, vector<1x1x16xf32>,
    %swap3A_618 = vector.shape_cast %swap3A_617 : vector<1x1x16xf32> to vector<16xf32>
    %swap3A_619 = vector.shape_cast %broadcast_in_dim3A_4 : vector<16xf32> to vector<1x1x16xf32>
    tpu.vector_store %arg7[%swap3A_614, %swap3A_615, %swap3A_616], %swap3A_619 {strides = array<i32>} : memref<3x80x128xf32, #tpu.memory_space<vmem>>, vector<1x1x16xf32>,
    %swap3A_620 = arith.constant 0 : i32
    %swap3A_621 = arith.constant 9 : i32
    %swap3A_622 = arith.index_cast %swap3A_620 : i32 to index
    %swap3A_623 = arith.index_cast %swap3A_621 : i32 to index
    %swap3A_624 = arith.constant 80 : index
    %swap3A_625 = tpu.vector_load %arg7[%swap3A_622, %swap3A_623, %swap3A_624] {strides = array<i32>} : memref<3x80x128xf32, #tpu.memory_space<vmem>>, vector<1x1x16xf32>,
    %swap3A_626 = vector.shape_cast %swap3A_625 : vector<1x1x16xf32> to vector<16xf32>
    %swap3A_627 = vector.shape_cast %broadcast_in_dim3A_4 : vector<16xf32> to vector<1x1x16xf32>
    tpu.vector_store %arg7[%swap3A_622, %swap3A_623, %swap3A_624], %swap3A_627 {strides = array<i32>} : memref<3x80x128xf32, #tpu.memory_space<vmem>>, vector<1x1x16xf32>,
    %swap3A_628 = arith.constant 0 : i32
    %swap3A_629 = arith.constant 9 : i32
    %swap3A_630 = arith.index_cast %swap3A_628 : i32 to index
    %swap3A_631 = arith.index_cast %swap3A_629 : i32 to index
    %swap3A_632 = arith.constant 96 : index
    %swap3A_633 = tpu.vector_load %arg7[%swap3A_630, %swap3A_631, %swap3A_632] {strides = array<i32>} : memref<3x80x128xf32, #tpu.memory_space<vmem>>, vector<1x1x16xf32>,
    %swap3A_634 = vector.shape_cast %swap3A_633 : vector<1x1x16xf32> to vector<16xf32>
    %swap3A_635 = vector.shape_cast %broadcast_in_dim3A_4 : vector<16xf32> to vector<1x1x16xf32>
    tpu.vector_store %arg7[%swap3A_630, %swap3A_631, %swap3A_632], %swap3A_635 {strides = array<i32>} : memref<3x80x128xf32, #tpu.memory_space<vmem>>, vector<1x1x16xf32>,
    %swap3A_636 = arith.constant 0 : i32
    %swap3A_637 = arith.constant 9 : i32
    %swap3A_638 = arith.index_cast %swap3A_636 : i32 to index
    %swap3A_639 = arith.index_cast %swap3A_637 : i32 to index
    %swap3A_640 = arith.constant 112 : index
    %swap3A_641 = tpu.vector_load %arg7[%swap3A_638, %swap3A_639, %swap3A_640] {strides = array<i32>} : memref<3x80x128xf32, #tpu.memory_space<vmem>>, vector<1x1x16xf32>,
    %swap3A_642 = vector.shape_cast %swap3A_641 : vector<1x1x16xf32> to vector<16xf32>
    %swap3A_643 = vector.shape_cast %broadcast_in_dim3A_4 : vector<16xf32> to vector<1x1x16xf32>
    tpu.vector_store %arg7[%swap3A_638, %swap3A_639, %swap3A_640], %swap3A_643 {strides = array<i32>} : memref<3x80x128xf32, #tpu.memory_space<vmem>>, vector<1x1x16xf32>,
    %swap3A_644 = arith.constant 0 : i32
    %swap3A_645 = arith.constant 10 : i32
    %swap3A_646 = arith.index_cast %swap3A_644 : i32 to index
    %swap3A_647 = arith.index_cast %swap3A_645 : i32 to index
    %swap3A_648 = arith.constant 0 : index
    %swap3A_649 = tpu.vector_load %arg7[%swap3A_646, %swap3A_647, %swap3A_648] {strides = array<i32>} : memref<3x80x128xf32, #tpu.memory_space<vmem>>, vector<1x1x16xf32>,
    %swap3A_650 = vector.shape_cast %swap3A_649 : vector<1x1x16xf32> to vector<16xf32>
    %swap3A_651 = vector.shape_cast %broadcast_in_dim3A_4 : vector<16xf32> to vector<1x1x16xf32>
    tpu.vector_store %arg7[%swap3A_646, %swap3A_647, %swap3A_648], %swap3A_651 {strides = array<i32>} : memref<3x80x128xf32, #tpu.memory_space<vmem>>, vector<1x1x16xf32>,
    %swap3A_652 = arith.constant 0 : i32
    %swap3A_653 = arith.constant 10 : i32
    %swap3A_654 = arith.index_cast %swap3A_652 : i32 to index
    %swap3A_655 = arith.index_cast %swap3A_653 : i32 to index
    %swap3A_656 = arith.constant 16 : index
    %swap3A_657 = tpu.vector_load %arg7[%swap3A_654, %swap3A_655, %swap3A_656] {strides = array<i32>} : memref<3x80x128xf32, #tpu.memory_space<vmem>>, vector<1x1x16xf32>,
    %swap3A_658 = vector.shape_cast %swap3A_657 : vector<1x1x16xf32> to vector<16xf32>
    %swap3A_659 = vector.shape_cast %broadcast_in_dim3A_4 : vector<16xf32> to vector<1x1x16xf32>
    tpu.vector_store %arg7[%swap3A_654, %swap3A_655, %swap3A_656], %swap3A_659 {strides = array<i32>} : memref<3x80x128xf32, #tpu.memory_space<vmem>>, vector<1x1x16xf32>,
    %swap3A_660 = arith.constant 0 : i32
    %swap3A_661 = arith.constant 10 : i32
    %swap3A_662 = arith.index_cast %swap3A_660 : i32 to index
    %swap3A_663 = arith.index_cast %swap3A_661 : i32 to index
    %swap3A_664 = arith.constant 32 : index
    %swap3A_665 = tpu.vector_load %arg7[%swap3A_662, %swap3A_663, %swap3A_664] {strides = array<i32>} : memref<3x80x128xf32, #tpu.memory_space<vmem>>, vector<1x1x16xf32>,
    %swap3A_666 = vector.shape_cast %swap3A_665 : vector<1x1x16xf32> to vector<16xf32>
    %swap3A_667 = vector.shape_cast %broadcast_in_dim3A_4 : vector<16xf32> to vector<1x1x16xf32>
    tpu.vector_store %arg7[%swap3A_662, %swap3A_663, %swap3A_664], %swap3A_667 {strides = array<i32>} : memref<3x80x128xf32, #tpu.memory_space<vmem>>, vector<1x1x16xf32>,
    %swap3A_668 = arith.constant 0 : i32
    %swap3A_669 = arith.constant 10 : i32
    %swap3A_670 = arith.index_cast %swap3A_668 : i32 to index
    %swap3A_671 = arith.index_cast %swap3A_669 : i32 to index
    %swap3A_672 = arith.constant 48 : index
    %swap3A_673 = tpu.vector_load %arg7[%swap3A_670, %swap3A_671, %swap3A_672] {strides = array<i32>} : memref<3x80x128xf32, #tpu.memory_space<vmem>>, vector<1x1x16xf32>,
    %swap3A_674 = vector.shape_cast %swap3A_673 : vector<1x1x16xf32> to vector<16xf32>
    %swap3A_675 = vector.shape_cast %broadcast_in_dim3A_4 : vector<16xf32> to vector<1x1x16xf32>
    tpu.vector_store %arg7[%swap3A_670, %swap3A_671, %swap3A_672], %swap3A_675 {strides = array<i32>} : memref<3x80x128xf32, #tpu.memory_space<vmem>>, vector<1x1x16xf32>,
    %swap3A_676 = arith.constant 0 : i32
    %swap3A_677 = arith.constant 10 : i32
    %swap3A_678 = arith.index_cast %swap3A_676 : i32 to index
    %swap3A_679 = arith.index_cast %swap3A_677 : i32 to index
    %swap3A_680 = arith.constant 64 : index
    %swap3A_681 = tpu.vector_load %arg7[%swap3A_678, %swap3A_679, %swap3A_680] {strides = array<i32>} : memref<3x80x128xf32, #tpu.memory_space<vmem>>, vector<1x1x16xf32>,
    %swap3A_682 = vector.shape_cast %swap3A_681 : vector<1x1x16xf32> to vector<16xf32>
    %swap3A_683 = vector.shape_cast %broadcast_in_dim3A_4 : vector<16xf32> to vector<1x1x16xf32>
    tpu.vector_store %arg7[%swap3A_678, %swap3A_679, %swap3A_680], %swap3A_683 {strides = array<i32>} : memref<3x80x128xf32, #tpu.memory_space<vmem>>, vector<1x1x16xf32>,
    %swap3A_684 = arith.constant 0 : i32
    %swap3A_685 = arith.constant 10 : i32
    %swap3A_686 = arith.index_cast %swap3A_684 : i32 to index
    %swap3A_687 = arith.index_cast %swap3A_685 : i32 to index
    %swap3A_688 = arith.constant 80 : index
    %swap3A_689 = tpu.vector_load %arg7[%swap3A_686, %swap3A_687, %swap3A_688] {strides = array<i32>} : memref<3x80x128xf32, #tpu.memory_space<vmem>>, vector<1x1x16xf32>,
    %swap3A_690 = vector.shape_cast %swap3A_689 : vector<1x1x16xf32> to vector<16xf32>
    %swap3A_691 = vector.shape_cast %broadcast_in_dim3A_4 : vector<16xf32> to vector<1x1x16xf32>
    tpu.vector_store %arg7[%swap3A_686, %swap3A_687, %swap3A_688], %swap3A_691 {strides = array<i32>} : memref<3x80x128xf32, #tpu.memory_space<vmem>>, vector<1x1x16xf32>,
    %swap3A_692 = arith.constant 0 : i32
    %swap3A_693 = arith.constant 10 : i32
    %swap3A_694 = arith.index_cast %swap3A_692 : i32 to index
    %swap3A_695 = arith.index_cast %swap3A_693 : i32 to index
    %swap3A_696 = arith.constant 96 : index
    %swap3A_697 = tpu.vector_load %arg7[%swap3A_694, %swap3A_695, %swap3A_696] {strides = array<i32>} : memref<3x80x128xf32, #tpu.memory_space<vmem>>, vector<1x1x16xf32>,
    %swap3A_698 = vector.shape_cast %swap3A_697 : vector<1x1x16xf32> to vector<16xf32>
    %swap3A_699 = vector.shape_cast %broadcast_in_dim3A_4 : vector<16xf32> to vector<1x1x16xf32>
    tpu.vector_store %arg7[%swap3A_694, %swap3A_695, %swap3A_696], %swap3A_699 {strides = array<i32>} : memref<3x80x128xf32, #tpu.memory_space<vmem>>, vector<1x1x16xf32>,
    %swap3A_700 = arith.constant 0 : i32
    %swap3A_701 = arith.constant 10 : i32
    %swap3A_702 = arith.index_cast %swap3A_700 : i32 to index
    %swap3A_703 = arith.index_cast %swap3A_701 : i32 to index
    %swap3A_704 = arith.constant 112 : index
    %swap3A_705 = tpu.vector_load %arg7[%swap3A_702, %swap3A_703, %swap3A_704] {strides = array<i32>} : memref<3x80x128xf32, #tpu.memory_space<vmem>>, vector<1x1x16xf32>,
    %swap3A_706 = vector.shape_cast %swap3A_705 : vector<1x1x16xf32> to vector<16xf32>
    %swap3A_707 = vector.shape_cast %broadcast_in_dim3A_4 : vector<16xf32> to vector<1x1x16xf32>
    tpu.vector_store %arg7[%swap3A_702, %swap3A_703, %swap3A_704], %swap3A_707 {strides = array<i32>} : memref<3x80x128xf32, #tpu.memory_space<vmem>>, vector<1x1x16xf32>,
    %swap3A_708 = arith.constant 0 : i32
    %swap3A_709 = arith.constant 11 : i32
    %swap3A_710 = arith.index_cast %swap3A_708 : i32 to index
    %swap3A_711 = arith.index_cast %swap3A_709 : i32 to index
    %swap3A_712 = arith.constant 0 : index
    %swap3A_713 = tpu.vector_load %arg7[%swap3A_710, %swap3A_711, %swap3A_712] {strides = array<i32>} : memref<3x80x128xf32, #tpu.memory_space<vmem>>, vector<1x1x16xf32>,
    %swap3A_714 = vector.shape_cast %swap3A_713 : vector<1x1x16xf32> to vector<16xf32>
    %swap3A_715 = vector.shape_cast %broadcast_in_dim3A_4 : vector<16xf32> to vector<1x1x16xf32>
    tpu.vector_store %arg7[%swap3A_710, %swap3A_711, %swap3A_712], %swap3A_715 {strides = array<i32>} : memref<3x80x128xf32, #tpu.memory_space<vmem>>, vector<1x1x16xf32>,
    %swap3A_716 = arith.constant 0 : i32
    %swap3A_717 = arith.constant 11 : i32
    %swap3A_718 = arith.index_cast %swap3A_716 : i32 to index
    %swap3A_719 = arith.index_cast %swap3A_717 : i32 to index
    %swap3A_720 = arith.constant 16 : index
    %swap3A_721 = tpu.vector_load %arg7[%swap3A_718, %swap3A_719, %swap3A_720] {strides = array<i32>} : memref<3x80x128xf32, #tpu.memory_space<vmem>>, vector<1x1x16xf32>,
    %swap3A_722 = vector.shape_cast %swap3A_721 : vector<1x1x16xf32> to vector<16xf32>
    %swap3A_723 = vector.shape_cast %broadcast_in_dim3A_4 : vector<16xf32> to vector<1x1x16xf32>
    tpu.vector_store %arg7[%swap3A_718, %swap3A_719, %swap3A_720], %swap3A_723 {strides = array<i32>} : memref<3x80x128xf32, #tpu.memory_space<vmem>>, vector<1x1x16xf32>,
    %swap3A_724 = arith.constant 0 : i32
    %swap3A_725 = arith.constant 11 : i32
    %swap3A_726 = arith.index_cast %swap3A_724 : i32 to index
    %swap3A_727 = arith.index_cast %swap3A_725 : i32 to index
    %swap3A_728 = arith.constant 32 : index
    %swap3A_729 = tpu.vector_load %arg7[%swap3A_726, %swap3A_727, %swap3A_728] {strides = array<i32>} : memref<3x80x128xf32, #tpu.memory_space<vmem>>, vector<1x1x16xf32>,
    %swap3A_730 = vector.shape_cast %swap3A_729 : vector<1x1x16xf32> to vector<16xf32>
    %swap3A_731 = vector.shape_cast %broadcast_in_dim3A_4 : vector<16xf32> to vector<1x1x16xf32>
    tpu.vector_store %arg7[%swap3A_726, %swap3A_727, %swap3A_728], %swap3A_731 {strides = array<i32>} : memref<3x80x128xf32, #tpu.memory_space<vmem>>, vector<1x1x16xf32>,
    %swap3A_732 = arith.constant 0 : i32
    %swap3A_733 = arith.constant 11 : i32
    %swap3A_734 = arith.index_cast %swap3A_732 : i32 to index
    %swap3A_735 = arith.index_cast %swap3A_733 : i32 to index
    %swap3A_736 = arith.constant 48 : index
    %swap3A_737 = tpu.vector_load %arg7[%swap3A_734, %swap3A_735, %swap3A_736] {strides = array<i32>} : memref<3x80x128xf32, #tpu.memory_space<vmem>>, vector<1x1x16xf32>,
    %swap3A_738 = vector.shape_cast %swap3A_737 : vector<1x1x16xf32> to vector<16xf32>
    %swap3A_739 = vector.shape_cast %broadcast_in_dim3A_4 : vector<16xf32> to vector<1x1x16xf32>
    tpu.vector_store %arg7[%swap3A_734, %swap3A_735, %swap3A_736], %swap3A_739 {strides = array<i32>} : memref<3x80x128xf32, #tpu.memory_space<vmem>>, vector<1x1x16xf32>,
    %swap3A_740 = arith.constant 0 : i32
    %swap3A_741 = arith.constant 11 : i32
    %swap3A_742 = arith.index_cast %swap3A_740 : i32 to index
    %swap3A_743 = arith.index_cast %swap3A_741 : i32 to index
    %swap3A_744 = arith.constant 64 : index
    %swap3A_745 = tpu.vector_load %arg7[%swap3A_742, %swap3A_743, %swap3A_744] {strides = array<i32>} : memref<3x80x128xf32, #tpu.memory_space<vmem>>, vector<1x1x16xf32>,
    %swap3A_746 = vector.shape_cast %swap3A_745 : vector<1x1x16xf32> to vector<16xf32>
    %swap3A_747 = vector.shape_cast %broadcast_in_dim3A_4 : vector<16xf32> to vector<1x1x16xf32>
    tpu.vector_store %arg7[%swap3A_742, %swap3A_743, %swap3A_744], %swap3A_747 {strides = array<i32>} : memref<3x80x128xf32, #tpu.memory_space<vmem>>, vector<1x1x16xf32>,
    %swap3A_748 = arith.constant 0 : i32
    %swap3A_749 = arith.constant 11 : i32
    %swap3A_750 = arith.index_cast %swap3A_748 : i32 to index
    %swap3A_751 = arith.index_cast %swap3A_749 : i32 to index
    %swap3A_752 = arith.constant 80 : index
    %swap3A_753 = tpu.vector_load %arg7[%swap3A_750, %swap3A_751, %swap3A_752] {strides = array<i32>} : memref<3x80x128xf32, #tpu.memory_space<vmem>>, vector<1x1x16xf32>,
    %swap3A_754 = vector.shape_cast %swap3A_753 : vector<1x1x16xf32> to vector<16xf32>
    %swap3A_755 = vector.shape_cast %broadcast_in_dim3A_4 : vector<16xf32> to vector<1x1x16xf32>
    tpu.vector_store %arg7[%swap3A_750, %swap3A_751, %swap3A_752], %swap3A_755 {strides = array<i32>} : memref<3x80x128xf32, #tpu.memory_space<vmem>>, vector<1x1x16xf32>,
    %swap3A_756 = arith.constant 0 : i32
    %swap3A_757 = arith.constant 11 : i32
    %swap3A_758 = arith.index_cast %swap3A_756 : i32 to index
    %swap3A_759 = arith.index_cast %swap3A_757 : i32 to index
    %swap3A_760 = arith.constant 96 : index
    %swap3A_761 = tpu.vector_load %arg7[%swap3A_758, %swap3A_759, %swap3A_760] {strides = array<i32>} : memref<3x80x128xf32, #tpu.memory_space<vmem>>, vector<1x1x16xf32>,
    %swap3A_762 = vector.shape_cast %swap3A_761 : vector<1x1x16xf32> to vector<16xf32>
    %swap3A_763 = vector.shape_cast %broadcast_in_dim3A_4 : vector<16xf32> to vector<1x1x16xf32>
    tpu.vector_store %arg7[%swap3A_758, %swap3A_759, %swap3A_760], %swap3A_763 {strides = array<i32>} : memref<3x80x128xf32, #tpu.memory_space<vmem>>, vector<1x1x16xf32>,
    %swap3A_764 = arith.constant 0 : i32
    %swap3A_765 = arith.constant 11 : i32
    %swap3A_766 = arith.index_cast %swap3A_764 : i32 to index
    %swap3A_767 = arith.index_cast %swap3A_765 : i32 to index
    %swap3A_768 = arith.constant 112 : index
    %swap3A_769 = tpu.vector_load %arg7[%swap3A_766, %swap3A_767, %swap3A_768] {strides = array<i32>} : memref<3x80x128xf32, #tpu.memory_space<vmem>>, vector<1x1x16xf32>,
    %swap3A_770 = vector.shape_cast %swap3A_769 : vector<1x1x16xf32> to vector<16xf32>
    %swap3A_771 = vector.shape_cast %broadcast_in_dim3A_4 : vector<16xf32> to vector<1x1x16xf32>
    tpu.vector_store %arg7[%swap3A_766, %swap3A_767, %swap3A_768], %swap3A_771 {strides = array<i32>} : memref<3x80x128xf32, #tpu.memory_space<vmem>>, vector<1x1x16xf32>,
    %swap3A_772 = arith.constant 0 : i32
    %swap3A_773 = arith.constant 12 : i32
    %swap3A_774 = arith.index_cast %swap3A_772 : i32 to index
    %swap3A_775 = arith.index_cast %swap3A_773 : i32 to index
    %swap3A_776 = arith.constant 0 : index
    %swap3A_777 = tpu.vector_load %arg7[%swap3A_774, %swap3A_775, %swap3A_776] {strides = array<i32>} : memref<3x80x128xf32, #tpu.memory_space<vmem>>, vector<1x1x16xf32>,
    %swap3A_778 = vector.shape_cast %swap3A_777 : vector<1x1x16xf32> to vector<16xf32>
    %swap3A_779 = vector.shape_cast %broadcast_in_dim3A_4 : vector<16xf32> to vector<1x1x16xf32>
    tpu.vector_store %arg7[%swap3A_774, %swap3A_775, %swap3A_776], %swap3A_779 {strides = array<i32>} : memref<3x80x128xf32, #tpu.memory_space<vmem>>, vector<1x1x16xf32>,
    %swap3A_780 = arith.constant 0 : i32
    %swap3A_781 = arith.constant 12 : i32
    %swap3A_782 = arith.index_cast %swap3A_780 : i32 to index
    %swap3A_783 = arith.index_cast %swap3A_781 : i32 to index
    %swap3A_784 = arith.constant 16 : index
    %swap3A_785 = tpu.vector_load %arg7[%swap3A_782, %swap3A_783, %swap3A_784] {strides = array<i32>} : memref<3x80x128xf32, #tpu.memory_space<vmem>>, vector<1x1x16xf32>,
    %swap3A_786 = vector.shape_cast %swap3A_785 : vector<1x1x16xf32> to vector<16xf32>
    %swap3A_787 = vector.shape_cast %broadcast_in_dim3A_4 : vector<16xf32> to vector<1x1x16xf32>
    tpu.vector_store %arg7[%swap3A_782, %swap3A_783, %swap3A_784], %swap3A_787 {strides = array<i32>} : memref<3x80x128xf32, #tpu.memory_space<vmem>>, vector<1x1x16xf32>,
    %swap3A_788 = arith.constant 0 : i32
    %swap3A_789 = arith.constant 12 : i32
    %swap3A_790 = arith.index_cast %swap3A_788 : i32 to index
    %swap3A_791 = arith.index_cast %swap3A_789 : i32 to index
    %swap3A_792 = arith.constant 32 : index
    %swap3A_793 = tpu.vector_load %arg7[%swap3A_790, %swap3A_791, %swap3A_792] {strides = array<i32>} : memref<3x80x128xf32, #tpu.memory_space<vmem>>, vector<1x1x16xf32>,
    %swap3A_794 = vector.shape_cast %swap3A_793 : vector<1x1x16xf32> to vector<16xf32>
    %swap3A_795 = vector.shape_cast %broadcast_in_dim3A_4 : vector<16xf32> to vector<1x1x16xf32>
    tpu.vector_store %arg7[%swap3A_790, %swap3A_791, %swap3A_792], %swap3A_795 {strides = array<i32>} : memref<3x80x128xf32, #tpu.memory_space<vmem>>, vector<1x1x16xf32>,
    %swap3A_796 = arith.constant 0 : i32
    %swap3A_797 = arith.constant 12 : i32
    %swap3A_798 = arith.index_cast %swap3A_796 : i32 to index
    %swap3A_799 = arith.index_cast %swap3A_797 : i32 to index
    %swap3A_800 = arith.constant 48 : index
    %swap3A_801 = tpu.vector_load %arg7[%swap3A_798, %swap3A_799, %swap3A_800] {strides = array<i32>} : memref<3x80x128xf32, #tpu.memory_space<vmem>>, vector<1x1x16xf32>,
    %swap3A_802 = vector.shape_cast %swap3A_801 : vector<1x1x16xf32> to vector<16xf32>
    %swap3A_803 = vector.shape_cast %broadcast_in_dim3A_4 : vector<16xf32> to vector<1x1x16xf32>
    tpu.vector_store %arg7[%swap3A_798, %swap3A_799, %swap3A_800], %swap3A_803 {strides = array<i32>} : memref<3x80x128xf32, #tpu.memory_space<vmem>>, vector<1x1x16xf32>,
    %swap3A_804 = arith.constant 0 : i32
    %swap3A_805 = arith.constant 12 : i32
    %swap3A_806 = arith.index_cast %swap3A_804 : i32 to index
    %swap3A_807 = arith.index_cast %swap3A_805 : i32 to index
    %swap3A_808 = arith.constant 64 : index
    %swap3A_809 = tpu.vector_load %arg7[%swap3A_806, %swap3A_807, %swap3A_808] {strides = array<i32>} : memref<3x80x128xf32, #tpu.memory_space<vmem>>, vector<1x1x16xf32>,
    %swap3A_810 = vector.shape_cast %swap3A_809 : vector<1x1x16xf32> to vector<16xf32>
    %swap3A_811 = vector.shape_cast %broadcast_in_dim3A_4 : vector<16xf32> to vector<1x1x16xf32>
    tpu.vector_store %arg7[%swap3A_806, %swap3A_807, %swap3A_808], %swap3A_811 {strides = array<i32>} : memref<3x80x128xf32, #tpu.memory_space<vmem>>, vector<1x1x16xf32>,
    %swap3A_812 = arith.constant 0 : i32
    %swap3A_813 = arith.constant 12 : i32
    %swap3A_814 = arith.index_cast %swap3A_812 : i32 to index
    %swap3A_815 = arith.index_cast %swap3A_813 : i32 to index
    %swap3A_816 = arith.constant 80 : index
    %swap3A_817 = tpu.vector_load %arg7[%swap3A_814, %swap3A_815, %swap3A_816] {strides = array<i32>} : memref<3x80x128xf32, #tpu.memory_space<vmem>>, vector<1x1x16xf32>,
    %swap3A_818 = vector.shape_cast %swap3A_817 : vector<1x1x16xf32> to vector<16xf32>
    %swap3A_819 = vector.shape_cast %broadcast_in_dim3A_4 : vector<16xf32> to vector<1x1x16xf32>
    tpu.vector_store %arg7[%swap3A_814, %swap3A_815, %swap3A_816], %swap3A_819 {strides = array<i32>} : memref<3x80x128xf32, #tpu.memory_space<vmem>>, vector<1x1x16xf32>,
    %swap3A_820 = arith.constant 0 : i32
    %swap3A_821 = arith.constant 12 : i32
    %swap3A_822 = arith.index_cast %swap3A_820 : i32 to index
    %swap3A_823 = arith.index_cast %swap3A_821 : i32 to index
    %swap3A_824 = arith.constant 96 : index
    %swap3A_825 = tpu.vector_load %arg7[%swap3A_822, %swap3A_823, %swap3A_824] {strides = array<i32>} : memref<3x80x128xf32, #tpu.memory_space<vmem>>, vector<1x1x16xf32>,
    %swap3A_826 = vector.shape_cast %swap3A_825 : vector<1x1x16xf32> to vector<16xf32>
    %swap3A_827 = vector.shape_cast %broadcast_in_dim3A_4 : vector<16xf32> to vector<1x1x16xf32>
    tpu.vector_store %arg7[%swap3A_822, %swap3A_823, %swap3A_824], %swap3A_827 {strides = array<i32>} : memref<3x80x128xf32, #tpu.memory_space<vmem>>, vector<1x1x16xf32>,
    %swap3A_828 = arith.constant 0 : i32
    %swap3A_829 = arith.constant 12 : i32
    %swap3A_830 = arith.index_cast %swap3A_828 : i32 to index
    %swap3A_831 = arith.index_cast %swap3A_829 : i32 to index
    %swap3A_832 = arith.constant 112 : index
    %swap3A_833 = tpu.vector_load %arg7[%swap3A_830, %swap3A_831, %swap3A_832] {strides = array<i32>} : memref<3x80x128xf32, #tpu.memory_space<vmem>>, vector<1x1x16xf32>,
    %swap3A_834 = vector.shape_cast %swap3A_833 : vector<1x1x16xf32> to vector<16xf32>
    %swap3A_835 = vector.shape_cast %broadcast_in_dim3A_4 : vector<16xf32> to vector<1x1x16xf32>
    tpu.vector_store %arg7[%swap3A_830, %swap3A_831, %swap3A_832], %swap3A_835 {strides = array<i32>} : memref<3x80x128xf32, #tpu.memory_space<vmem>>, vector<1x1x16xf32>,
    %swap3A_836 = arith.constant 0 : i32
    %swap3A_837 = arith.constant 13 : i32
    %swap3A_838 = arith.index_cast %swap3A_836 : i32 to index
    %swap3A_839 = arith.index_cast %swap3A_837 : i32 to index
    %swap3A_840 = arith.constant 0 : index
    %swap3A_841 = tpu.vector_load %arg7[%swap3A_838, %swap3A_839, %swap3A_840] {strides = array<i32>} : memref<3x80x128xf32, #tpu.memory_space<vmem>>, vector<1x1x16xf32>,
    %swap3A_842 = vector.shape_cast %swap3A_841 : vector<1x1x16xf32> to vector<16xf32>
    %swap3A_843 = vector.shape_cast %broadcast_in_dim3A_4 : vector<16xf32> to vector<1x1x16xf32>
    tpu.vector_store %arg7[%swap3A_838, %swap3A_839, %swap3A_840], %swap3A_843 {strides = array<i32>} : memref<3x80x128xf32, #tpu.memory_space<vmem>>, vector<1x1x16xf32>,
    %swap3A_844 = arith.constant 0 : i32
    %swap3A_845 = arith.constant 13 : i32
    %swap3A_846 = arith.index_cast %swap3A_844 : i32 to index
    %swap3A_847 = arith.index_cast %swap3A_845 : i32 to index
    %swap3A_848 = arith.constant 16 : index
    %swap3A_849 = tpu.vector_load %arg7[%swap3A_846, %swap3A_847, %swap3A_848] {strides = array<i32>} : memref<3x80x128xf32, #tpu.memory_space<vmem>>, vector<1x1x16xf32>,
    %swap3A_850 = vector.shape_cast %swap3A_849 : vector<1x1x16xf32> to vector<16xf32>
    %swap3A_851 = vector.shape_cast %broadcast_in_dim3A_4 : vector<16xf32> to vector<1x1x16xf32>
    tpu.vector_store %arg7[%swap3A_846, %swap3A_847, %swap3A_848], %swap3A_851 {strides = array<i32>} : memref<3x80x128xf32, #tpu.memory_space<vmem>>, vector<1x1x16xf32>,
    %swap3A_852 = arith.constant 0 : i32
    %swap3A_853 = arith.constant 13 : i32
    %swap3A_854 = arith.index_cast %swap3A_852 : i32 to index
    %swap3A_855 = arith.index_cast %swap3A_853 : i32 to index
    %swap3A_856 = arith.constant 32 : index
    %swap3A_857 = tpu.vector_load %arg7[%swap3A_854, %swap3A_855, %swap3A_856] {strides = array<i32>} : memref<3x80x128xf32, #tpu.memory_space<vmem>>, vector<1x1x16xf32>,
    %swap3A_858 = vector.shape_cast %swap3A_857 : vector<1x1x16xf32> to vector<16xf32>
    %swap3A_859 = vector.shape_cast %broadcast_in_dim3A_4 : vector<16xf32> to vector<1x1x16xf32>
    tpu.vector_store %arg7[%swap3A_854, %swap3A_855, %swap3A_856], %swap3A_859 {strides = array<i32>} : memref<3x80x128xf32, #tpu.memory_space<vmem>>, vector<1x1x16xf32>,
    %swap3A_860 = arith.constant 0 : i32
    %swap3A_861 = arith.constant 13 : i32
    %swap3A_862 = arith.index_cast %swap3A_860 : i32 to index
    %swap3A_863 = arith.index_cast %swap3A_861 : i32 to index
    %swap3A_864 = arith.constant 48 : index
    %swap3A_865 = tpu.vector_load %arg7[%swap3A_862, %swap3A_863, %swap3A_864] {strides = array<i32>} : memref<3x80x128xf32, #tpu.memory_space<vmem>>, vector<1x1x16xf32>,
    %swap3A_866 = vector.shape_cast %swap3A_865 : vector<1x1x16xf32> to vector<16xf32>
    %swap3A_867 = vector.shape_cast %broadcast_in_dim3A_4 : vector<16xf32> to vector<1x1x16xf32>
    tpu.vector_store %arg7[%swap3A_862, %swap3A_863, %swap3A_864], %swap3A_867 {strides = array<i32>} : memref<3x80x128xf32, #tpu.memory_space<vmem>>, vector<1x1x16xf32>,
    %swap3A_868 = arith.constant 0 : i32
    %swap3A_869 = arith.constant 13 : i32
    %swap3A_870 = arith.index_cast %swap3A_868 : i32 to index
    %swap3A_871 = arith.index_cast %swap3A_869 : i32 to index
    %swap3A_872 = arith.constant 64 : index
    %swap3A_873 = tpu.vector_load %arg7[%swap3A_870, %swap3A_871, %swap3A_872] {strides = array<i32>} : memref<3x80x128xf32, #tpu.memory_space<vmem>>, vector<1x1x16xf32>,
    %swap3A_874 = vector.shape_cast %swap3A_873 : vector<1x1x16xf32> to vector<16xf32>
    %swap3A_875 = vector.shape_cast %broadcast_in_dim3A_4 : vector<16xf32> to vector<1x1x16xf32>
    tpu.vector_store %arg7[%swap3A_870, %swap3A_871, %swap3A_872], %swap3A_875 {strides = array<i32>} : memref<3x80x128xf32, #tpu.memory_space<vmem>>, vector<1x1x16xf32>,
    %swap3A_876 = arith.constant 0 : i32
    %swap3A_877 = arith.constant 13 : i32
    %swap3A_878 = arith.index_cast %swap3A_876 : i32 to index
    %swap3A_879 = arith.index_cast %swap3A_877 : i32 to index
    %swap3A_880 = arith.constant 80 : index
    %swap3A_881 = tpu.vector_load %arg7[%swap3A_878, %swap3A_879, %swap3A_880] {strides = array<i32>} : memref<3x80x128xf32, #tpu.memory_space<vmem>>, vector<1x1x16xf32>,
    %swap3A_882 = vector.shape_cast %swap3A_881 : vector<1x1x16xf32> to vector<16xf32>
    %swap3A_883 = vector.shape_cast %broadcast_in_dim3A_4 : vector<16xf32> to vector<1x1x16xf32>
    tpu.vector_store %arg7[%swap3A_878, %swap3A_879, %swap3A_880], %swap3A_883 {strides = array<i32>} : memref<3x80x128xf32, #tpu.memory_space<vmem>>, vector<1x1x16xf32>,
    %swap3A_884 = arith.constant 0 : i32
    %swap3A_885 = arith.constant 13 : i32
    %swap3A_886 = arith.index_cast %swap3A_884 : i32 to index
    %swap3A_887 = arith.index_cast %swap3A_885 : i32 to index
    %swap3A_888 = arith.constant 96 : index
    %swap3A_889 = tpu.vector_load %arg7[%swap3A_886, %swap3A_887, %swap3A_888] {strides = array<i32>} : memref<3x80x128xf32, #tpu.memory_space<vmem>>, vector<1x1x16xf32>,
    %swap3A_890 = vector.shape_cast %swap3A_889 : vector<1x1x16xf32> to vector<16xf32>
    %swap3A_891 = vector.shape_cast %broadcast_in_dim3A_4 : vector<16xf32> to vector<1x1x16xf32>
    tpu.vector_store %arg7[%swap3A_886, %swap3A_887, %swap3A_888], %swap3A_891 {strides = array<i32>} : memref<3x80x128xf32, #tpu.memory_space<vmem>>, vector<1x1x16xf32>,
    %swap3A_892 = arith.constant 0 : i32
    %swap3A_893 = arith.constant 13 : i32
    %swap3A_894 = arith.index_cast %swap3A_892 : i32 to index
    %swap3A_895 = arith.index_cast %swap3A_893 : i32 to index
    %swap3A_896 = arith.constant 112 : index
    %swap3A_897 = tpu.vector_load %arg7[%swap3A_894, %swap3A_895, %swap3A_896] {strides = array<i32>} : memref<3x80x128xf32, #tpu.memory_space<vmem>>, vector<1x1x16xf32>,
    %swap3A_898 = vector.shape_cast %swap3A_897 : vector<1x1x16xf32> to vector<16xf32>
    %swap3A_899 = vector.shape_cast %broadcast_in_dim3A_4 : vector<16xf32> to vector<1x1x16xf32>
    tpu.vector_store %arg7[%swap3A_894, %swap3A_895, %swap3A_896], %swap3A_899 {strides = array<i32>} : memref<3x80x128xf32, #tpu.memory_space<vmem>>, vector<1x1x16xf32>,
    %swap3A_900 = arith.constant 0 : i32
    %swap3A_901 = arith.constant 14 : i32
    %swap3A_902 = arith.index_cast %swap3A_900 : i32 to index
    %swap3A_903 = arith.index_cast %swap3A_901 : i32 to index
    %swap3A_904 = arith.constant 0 : index
    %swap3A_905 = tpu.vector_load %arg7[%swap3A_902, %swap3A_903, %swap3A_904] {strides = array<i32>} : memref<3x80x128xf32, #tpu.memory_space<vmem>>, vector<1x1x16xf32>,
    %swap3A_906 = vector.shape_cast %swap3A_905 : vector<1x1x16xf32> to vector<16xf32>
    %swap3A_907 = vector.shape_cast %broadcast_in_dim3A_4 : vector<16xf32> to vector<1x1x16xf32>
    tpu.vector_store %arg7[%swap3A_902, %swap3A_903, %swap3A_904], %swap3A_907 {strides = array<i32>} : memref<3x80x128xf32, #tpu.memory_space<vmem>>, vector<1x1x16xf32>,
    %swap3A_908 = arith.constant 0 : i32
    %swap3A_909 = arith.constant 14 : i32
    %swap3A_910 = arith.index_cast %swap3A_908 : i32 to index
    %swap3A_911 = arith.index_cast %swap3A_909 : i32 to index
    %swap3A_912 = arith.constant 16 : index
    %swap3A_913 = tpu.vector_load %arg7[%swap3A_910, %swap3A_911, %swap3A_912] {strides = array<i32>} : memref<3x80x128xf32, #tpu.memory_space<vmem>>, vector<1x1x16xf32>,
    %swap3A_914 = vector.shape_cast %swap3A_913 : vector<1x1x16xf32> to vector<16xf32>
    %swap3A_915 = vector.shape_cast %broadcast_in_dim3A_4 : vector<16xf32> to vector<1x1x16xf32>
    tpu.vector_store %arg7[%swap3A_910, %swap3A_911, %swap3A_912], %swap3A_915 {strides = array<i32>} : memref<3x80x128xf32, #tpu.memory_space<vmem>>, vector<1x1x16xf32>,
    %swap3A_916 = arith.constant 0 : i32
    %swap3A_917 = arith.constant 14 : i32
    %swap3A_918 = arith.index_cast %swap3A_916 : i32 to index
    %swap3A_919 = arith.index_cast %swap3A_917 : i32 to index
    %swap3A_920 = arith.constant 32 : index
    %swap3A_921 = tpu.vector_load %arg7[%swap3A_918, %swap3A_919, %swap3A_920] {strides = array<i32>} : memref<3x80x128xf32, #tpu.memory_space<vmem>>, vector<1x1x16xf32>,
    %swap3A_922 = vector.shape_cast %swap3A_921 : vector<1x1x16xf32> to vector<16xf32>
    %swap3A_923 = vector.shape_cast %broadcast_in_dim3A_4 : vector<16xf32> to vector<1x1x16xf32>
    tpu.vector_store %arg7[%swap3A_918, %swap3A_919, %swap3A_920], %swap3A_923 {strides = array<i32>} : memref<3x80x128xf32, #tpu.memory_space<vmem>>, vector<1x1x16xf32>,
    %swap3A_924 = arith.constant 0 : i32
    %swap3A_925 = arith.constant 14 : i32
    %swap3A_926 = arith.index_cast %swap3A_924 : i32 to index
    %swap3A_927 = arith.index_cast %swap3A_925 : i32 to index
    %swap3A_928 = arith.constant 48 : index
    %swap3A_929 = tpu.vector_load %arg7[%swap3A_926, %swap3A_927, %swap3A_928] {strides = array<i32>} : memref<3x80x128xf32, #tpu.memory_space<vmem>>, vector<1x1x16xf32>,
    %swap3A_930 = vector.shape_cast %swap3A_929 : vector<1x1x16xf32> to vector<16xf32>
    %swap3A_931 = vector.shape_cast %broadcast_in_dim3A_4 : vector<16xf32> to vector<1x1x16xf32>
    tpu.vector_store %arg7[%swap3A_926, %swap3A_927, %swap3A_928], %swap3A_931 {strides = array<i32>} : memref<3x80x128xf32, #tpu.memory_space<vmem>>, vector<1x1x16xf32>,
    %swap3A_932 = arith.constant 0 : i32
    %swap3A_933 = arith.constant 14 : i32
    %swap3A_934 = arith.index_cast %swap3A_932 : i32 to index
    %swap3A_935 = arith.index_cast %swap3A_933 : i32 to index
    %swap3A_936 = arith.constant 64 : index
    %swap3A_937 = tpu.vector_load %arg7[%swap3A_934, %swap3A_935, %swap3A_936] {strides = array<i32>} : memref<3x80x128xf32, #tpu.memory_space<vmem>>, vector<1x1x16xf32>,
    %swap3A_938 = vector.shape_cast %swap3A_937 : vector<1x1x16xf32> to vector<16xf32>
    %swap3A_939 = vector.shape_cast %broadcast_in_dim3A_4 : vector<16xf32> to vector<1x1x16xf32>
    tpu.vector_store %arg7[%swap3A_934, %swap3A_935, %swap3A_936], %swap3A_939 {strides = array<i32>} : memref<3x80x128xf32, #tpu.memory_space<vmem>>, vector<1x1x16xf32>,
    %swap3A_940 = arith.constant 0 : i32
    %swap3A_941 = arith.constant 14 : i32
    %swap3A_942 = arith.index_cast %swap3A_940 : i32 to index
    %swap3A_943 = arith.index_cast %swap3A_941 : i32 to index
    %swap3A_944 = arith.constant 80 : index
    %swap3A_945 = tpu.vector_load %arg7[%swap3A_942, %swap3A_943, %swap3A_944] {strides = array<i32>} : memref<3x80x128xf32, #tpu.memory_space<vmem>>, vector<1x1x16xf32>,
    %swap3A_946 = vector.shape_cast %swap3A_945 : vector<1x1x16xf32> to vector<16xf32>
    %swap3A_947 = vector.shape_cast %broadcast_in_dim3A_4 : vector<16xf32> to vector<1x1x16xf32>
    tpu.vector_store %arg7[%swap3A_942, %swap3A_943, %swap3A_944], %swap3A_947 {strides = array<i32>} : memref<3x80x128xf32, #tpu.memory_space<vmem>>, vector<1x1x16xf32>,
    %swap3A_948 = arith.constant 0 : i32
    %swap3A_949 = arith.constant 14 : i32
    %swap3A_950 = arith.index_cast %swap3A_948 : i32 to index
    %swap3A_951 = arith.index_cast %swap3A_949 : i32 to index
    %swap3A_952 = arith.constant 96 : index
    %swap3A_953 = tpu.vector_load %arg7[%swap3A_950, %swap3A_951, %swap3A_952] {strides = array<i32>} : memref<3x80x128xf32, #tpu.memory_space<vmem>>, vector<1x1x16xf32>,
    %swap3A_954 = vector.shape_cast %swap3A_953 : vector<1x1x16xf32> to vector<16xf32>
    %swap3A_955 = vector.shape_cast %broadcast_in_dim3A_4 : vector<16xf32> to vector<1x1x16xf32>
    tpu.vector_store %arg7[%swap3A_950, %swap3A_951, %swap3A_952], %swap3A_955 {strides = array<i32>} : memref<3x80x128xf32, #tpu.memory_space<vmem>>, vector<1x1x16xf32>,
    %swap3A_956 = arith.constant 0 : i32
    %swap3A_957 = arith.constant 14 : i32
    %swap3A_958 = arith.index_cast %swap3A_956 : i32 to index
    %swap3A_959 = arith.index_cast %swap3A_957 : i32 to index
    %swap3A_960 = arith.constant 112 : index
    %swap3A_961 = tpu.vector_load %arg7[%swap3A_958, %swap3A_959, %swap3A_960] {strides = array<i32>} : memref<3x80x128xf32, #tpu.memory_space<vmem>>, vector<1x1x16xf32>,
    %swap3A_962 = vector.shape_cast %swap3A_961 : vector<1x1x16xf32> to vector<16xf32>
    %swap3A_963 = vector.shape_cast %broadcast_in_dim3A_4 : vector<16xf32> to vector<1x1x16xf32>
    tpu.vector_store %arg7[%swap3A_958, %swap3A_959, %swap3A_960], %swap3A_963 {strides = array<i32>} : memref<3x80x128xf32, #tpu.memory_space<vmem>>, vector<1x1x16xf32>,
    %swap3A_964 = arith.constant 0 : i32
    %swap3A_965 = arith.constant 15 : i32
    %swap3A_966 = arith.index_cast %swap3A_964 : i32 to index
    %swap3A_967 = arith.index_cast %swap3A_965 : i32 to index
    %swap3A_968 = arith.constant 0 : index
    %swap3A_969 = tpu.vector_load %arg7[%swap3A_966, %swap3A_967, %swap3A_968] {strides = array<i32>} : memref<3x80x128xf32, #tpu.memory_space<vmem>>, vector<1x1x16xf32>,
    %swap3A_970 = vector.shape_cast %swap3A_969 : vector<1x1x16xf32> to vector<16xf32>
    %swap3A_971 = vector.shape_cast %broadcast_in_dim3A_4 : vector<16xf32> to vector<1x1x16xf32>
    tpu.vector_store %arg7[%swap3A_966, %swap3A_967, %swap3A_968], %swap3A_971 {strides = array<i32>} : memref<3x80x128xf32, #tpu.memory_space<vmem>>, vector<1x1x16xf32>,
    %swap3A_972 = arith.constant 0 : i32
    %swap3A_973 = arith.constant 15 : i32
    %swap3A_974 = arith.index_cast %swap3A_972 : i32 to index
    %swap3A_975 = arith.index_cast %swap3A_973 : i32 to index
    %swap3A_976 = arith.constant 16 : index
    %swap3A_977 = tpu.vector_load %arg7[%swap3A_974, %swap3A_975, %swap3A_976] {strides = array<i32>} : memref<3x80x128xf32, #tpu.memory_space<vmem>>, vector<1x1x16xf32>,
    %swap3A_978 = vector.shape_cast %swap3A_977 : vector<1x1x16xf32> to vector<16xf32>
    %swap3A_979 = vector.shape_cast %broadcast_in_dim3A_4 : vector<16xf32> to vector<1x1x16xf32>
    tpu.vector_store %arg7[%swap3A_974, %swap3A_975, %swap3A_976], %swap3A_979 {strides = array<i32>} : memref<3x80x128xf32, #tpu.memory_space<vmem>>, vector<1x1x16xf32>,
    %swap3A_980 = arith.constant 0 : i32
    %swap3A_981 = arith.constant 15 : i32
    %swap3A_982 = arith.index_cast %swap3A_980 : i32 to index
    %swap3A_983 = arith.index_cast %swap3A_981 : i32 to index
    %swap3A_984 = arith.constant 32 : index
    %swap3A_985 = tpu.vector_load %arg7[%swap3A_982, %swap3A_983, %swap3A_984] {strides = array<i32>} : memref<3x80x128xf32, #tpu.memory_space<vmem>>, vector<1x1x16xf32>,
    %swap3A_986 = vector.shape_cast %swap3A_985 : vector<1x1x16xf32> to vector<16xf32>
    %swap3A_987 = vector.shape_cast %broadcast_in_dim3A_4 : vector<16xf32> to vector<1x1x16xf32>
    tpu.vector_store %arg7[%swap3A_982, %swap3A_983, %swap3A_984], %swap3A_987 {strides = array<i32>} : memref<3x80x128xf32, #tpu.memory_space<vmem>>, vector<1x1x16xf32>,
    %swap3A_988 = arith.constant 0 : i32
    %swap3A_989 = arith.constant 15 : i32
    %swap3A_990 = arith.index_cast %swap3A_988 : i32 to index
    %swap3A_991 = arith.index_cast %swap3A_989 : i32 to index
    %swap3A_992 = arith.constant 48 : index
    %swap3A_993 = tpu.vector_load %arg7[%swap3A_990, %swap3A_991, %swap3A_992] {strides = array<i32>} : memref<3x80x128xf32, #tpu.memory_space<vmem>>, vector<1x1x16xf32>,
    %swap3A_994 = vector.shape_cast %swap3A_993 : vector<1x1x16xf32> to vector<16xf32>
    %swap3A_995 = vector.shape_cast %broadcast_in_dim3A_4 : vector<16xf32> to vector<1x1x16xf32>
    tpu.vector_store %arg7[%swap3A_990, %swap3A_991, %swap3A_992], %swap3A_995 {strides = array<i32>} : memref<3x80x128xf32, #tpu.memory_space<vmem>>, vector<1x1x16xf32>,
    %swap3A_996 = arith.constant 0 : i32
    %swap3A_997 = arith.constant 15 : i32
    %swap3A_998 = arith.index_cast %swap3A_996 : i32 to index
    %swap3A_999 = arith.index_cast %swap3A_997 : i32 to index
    %swap3A_1000 = arith.constant 64 : index
    %swap3A_1001 = tpu.vector_load %arg7[%swap3A_998, %swap3A_999, %swap3A_1000] {strides = array<i32>} : memref<3x80x128xf32, #tpu.memory_space<vmem>>, vector<1x1x16xf32>,
    %swap3A_1002 = vector.shape_cast %swap3A_1001 : vector<1x1x16xf32> to vector<16xf32>
    %swap3A_1003 = vector.shape_cast %broadcast_in_dim3A_4 : vector<16xf32> to vector<1x1x16xf32>
    tpu.vector_store %arg7[%swap3A_998, %swap3A_999, %swap3A_1000], %swap3A_1003 {strides = array<i32>} : memref<3x80x128xf32, #tpu.memory_space<vmem>>, vector<1x1x16xf32>,
    %swap3A_1004 = arith.constant 0 : i32
    %swap3A_1005 = arith.constant 15 : i32
    %swap3A_1006 = arith.index_cast %swap3A_1004 : i32 to index
    %swap3A_1007 = arith.index_cast %swap3A_1005 : i32 to index
    %swap3A_1008 = arith.constant 80 : index
    %swap3A_1009 = tpu.vector_load %arg7[%swap3A_1006, %swap3A_1007, %swap3A_1008] {strides = array<i32>} : memref<3x80x128xf32, #tpu.memory_space<vmem>>, vector<1x1x16xf32>,
    %swap3A_1010 = vector.shape_cast %swap3A_1009 : vector<1x1x16xf32> to vector<16xf32>
    %swap3A_1011 = vector.shape_cast %broadcast_in_dim3A_4 : vector<16xf32> to vector<1x1x16xf32>
    tpu.vector_store %arg7[%swap3A_1006, %swap3A_1007, %swap3A_1008], %swap3A_1011 {strides = array<i32>} : memref<3x80x128xf32, #tpu.memory_space<vmem>>, vector<1x1x16xf32>,
    %swap3A_1012 = arith.constant 0 : i32
    %swap3A_1013 = arith.constant 15 : i32
    %swap3A_1014 = arith.index_cast %swap3A_1012 : i32 to index
    %swap3A_1015 = arith.index_cast %swap3A_1013 : i32 to index
    %swap3A_1016 = arith.constant 96 : index
    %swap3A_1017 = tpu.vector_load %arg7[%swap3A_1014, %swap3A_1015, %swap3A_1016] {strides = array<i32>} : memref<3x80x128xf32, #tpu.memory_space<vmem>>, vector<1x1x16xf32>,
    %swap3A_1018 = vector.shape_cast %swap3A_1017 : vector<1x1x16xf32> to vector<16xf32>
    %swap3A_1019 = vector.shape_cast %broadcast_in_dim3A_4 : vector<16xf32> to vector<1x1x16xf32>
    tpu.vector_store %arg7[%swap3A_1014, %swap3A_1015, %swap3A_1016], %swap3A_1019 {strides = array<i32>} : memref<3x80x128xf32, #tpu.memory_space<vmem>>, vector<1x1x16xf32>,
    %swap3A_1020 = arith.constant 0 : i32
    %swap3A_1021 = arith.constant 15 : i32
    %swap3A_1022 = arith.index_cast %swap3A_1020 : i32 to index
    %swap3A_1023 = arith.index_cast %swap3A_1021 : i32 to index
    %swap3A_1024 = arith.constant 112 : index
    %swap3A_1025 = tpu.vector_load %arg7[%swap3A_1022, %swap3A_1023, %swap3A_1024] {strides = array<i32>} : memref<3x80x128xf32, #tpu.memory_space<vmem>>, vector<1x1x16xf32>,
    %swap3A_1026 = vector.shape_cast %swap3A_1025 : vector<1x1x16xf32> to vector<16xf32>
    %swap3A_1027 = vector.shape_cast %broadcast_in_dim3A_4 : vector<16xf32> to vector<1x1x16xf32>
    tpu.vector_store %arg7[%swap3A_1022, %swap3A_1023, %swap3A_1024], %swap3A_1027 {strides = array<i32>} : memref<3x80x128xf32, #tpu.memory_space<vmem>>, vector<1x1x16xf32>,
    %mul3A_1028 = arith.constant 10000 : i32
    %mul3A_1029 = arith.muli %add3A, %mul3A_1028 : i32
    %dma_start3A = arith.constant 0 : i32
    %dma_start3A_1030 = tpu.memref_slice %arg5[%dma_start3A] : memref<20000xi32, #tpu.memory_space<vmem>> -> memref<10000xi32, #tpu.memory_space<vmem>>
    %dma_start3A_1031 = tpu.memref_slice %arg3[%mul3A_1029] : memref<640000xi32, #tpu.memory_space<hbm>> -> memref<10000xi32, #tpu.memory_space<hbm>>
    %dma_start3A_1032 = arith.constant 0 : i32
    %dma_start3A_1033 = tpu.memref_slice %arg5[%dma_start3A_1032] : memref<20000xi32, #tpu.memory_space<vmem>> -> memref<10000xi32, #tpu.memory_space<vmem>>
    %dma_start3A_1034 = tpu.memref_slice %arg3[%mul3A_1029] : memref<640000xi32, #tpu.memory_space<hbm>> -> memref<10000xi32, #tpu.memory_space<hbm>>
    tpu.enqueue_dma source(%dma_start3A_1034 : memref<10000xi32, #tpu.memory_space<hbm>>) target(%dma_start3A_1033 : memref<10000xi32, #tpu.memory_space<vmem>>) target_semaphore(%arg10 : memref<!tpu.dma_semaphore, #tpu.memory_space<semaphore_mem>>)
    %add3A_1035 = arith.constant 320000 : i32
    %add3A_1036 = arith.addi %add3A_1035, %mul3A_1029 : i32
    %dma_start3A_1037 = arith.constant 10000 : i32
    %dma_start3A_1038 = tpu.memref_slice %arg5[%dma_start3A_1037] : memref<20000xi32, #tpu.memory_space<vmem>> -> memref<10000xi32, #tpu.memory_space<vmem>>
    %dma_start3A_1039 = tpu.memref_slice %arg3[%add3A_1036] : memref<640000xi32, #tpu.memory_space<hbm>> -> memref<10000xi32, #tpu.memory_space<hbm>>
    %dma_start3A_1040 = arith.constant 10000 : i32
    %dma_start3A_1041 = tpu.memref_slice %arg5[%dma_start3A_1040] : memref<20000xi32, #tpu.memory_space<vmem>> -> memref<10000xi32, #tpu.memory_space<vmem>>
    %dma_start3A_1042 = tpu.memref_slice %arg3[%add3A_1036] : memref<640000xi32, #tpu.memory_space<hbm>> -> memref<10000xi32, #tpu.memory_space<hbm>>
    tpu.enqueue_dma source(%dma_start3A_1042 : memref<10000xi32, #tpu.memory_space<hbm>>) target(%dma_start3A_1041 : memref<10000xi32, #tpu.memory_space<vmem>>) target_semaphore(%arg10 : memref<!tpu.dma_semaphore, #tpu.memory_space<semaphore_mem>>)
    %not3A = arith.constant true
    %not3A_1043 = arith.xori %eq3A_1, %not3A : i1
    %convert_element_type3A = arith.extui %not3A_1043 : i1 to i32
    %cond3A = arith.constant 0 : i32
    %cond3A_1044 = arith.constant 0 : i32
    %cond3A_1045 = arith.cmpi ne, %convert_element_type3A, %cond3A_1044 : i32
    scf.if %cond3A_1045 {
      %eq3A_1223 = arith.constant 0 : i32
      %eq3A_1224 = arith.cmpi eq, %arg0, %eq3A_1223 : i32
      %convert_element_type3A_1225 = arith.extui %eq3A_1224 : i1 to i32
      %cond3A_1226 = arith.constant 0 : i32
      %cond3A_1227 = arith.cmpi ne, %convert_element_type3A_1225, %cond3A_1226 : i32
      scf.if %cond3A_1227 {
        %dma_start3A_1233 = arith.constant 0 : i32
        %dma_start3A_1234 = tpu.memref_slice %arg8[%mul3A_3, %dma_start3A_1233] : memref<10000x128xf32, #tpu.memory_space<vmem_shared>> -> memref<624x128xf32, #tpu.memory_space<vmem_shared>>
        %dma_start3A_1235 = arith.constant 0 : i32
        %dma_start3A_1236 = tpu.memref_slice %arg2[%mul3A_3, %dma_start3A_1235] : memref<10000x128xf32, #tpu.memory_space<hbm>> -> memref<624x128xf32, #tpu.memory_space<hbm>>
        tpu.enqueue_dma source(%dma_start3A_1236 : memref<624x128xf32, #tpu.memory_space<hbm>>) target(%dma_start3A_1234 : memref<624x128xf32, #tpu.memory_space<vmem_shared>>) target_semaphore(%arg9 : memref<!tpu.dma_semaphore, #tpu.memory_space<semaphore_mem>>)
        %dma_wait3A_1237 = arith.constant 0 : i32
        %dma_wait3A_1238 = tpu.memref_slice %arg8[%mul3A_3, %dma_wait3A_1237] : memref<10000x128xf32, #tpu.memory_space<vmem_shared>> -> memref<624x128xf32, #tpu.memory_space<vmem_shared>>
        %dma_wait3A_1239 = arith.constant 0 : i32
        %dma_wait3A_1240 = tpu.memref_slice %arg2[%mul3A_3, %dma_wait3A_1239] : memref<10000x128xf32, #tpu.memory_space<hbm>> -> memref<624x128xf32, #tpu.memory_space<hbm>>
        tpu.wait_dma2 semaphore(%arg9 : memref<!tpu.dma_semaphore, #tpu.memory_space<semaphore_mem>>) src(%dma_wait3A_1240 : memref<624x128xf32, #tpu.memory_space<hbm>>) dst(%dma_wait3A_1238 : memref<624x128xf32, #tpu.memory_space<vmem_shared>>)
      } else {
      }
      %eq3A_1228 = arith.constant 1 : i32
      %eq3A_1229 = arith.cmpi eq, %arg0, %eq3A_1228 : i32
      %convert_element_type3A_1230 = arith.extui %eq3A_1229 : i1 to i32
      %cond3A_1231 = arith.constant 0 : i32
      %cond3A_1232 = arith.cmpi ne, %convert_element_type3A_1230, %cond3A_1231 : i32
      scf.if %cond3A_1232 {
        %add3A_1233 = arith.constant 0 : i32
        %add3A_1234 = arith.addi %mul3A_3, %add3A_1233 : i32
        %dma_start3A_1235 = arith.constant 0 : i32
        %dma_start3A_1236 = arith.constant 0 : i32
        %dma_start3A_1237 = tpu.memref_slice %arg7[%cond3A, %dma_start3A_1235, %dma_start3A_1236] : memref<3x80x128xf32, #tpu.memory_space<vmem>> -> memref<1x16x128xf32, #tpu.memory_space<vmem>>
        %dma_start3A_1238 = tpu.memref_squeeze %dma_start3A_1237 : memref<1x16x128xf32, #tpu.memory_space<vmem>> -> memref<16x128xf32, #tpu.memory_space<vmem>>
        %dma_start3A_1239 = arith.constant 0 : i32
        %dma_start3A_1240 = tpu.memref_slice %arg8[%add3A_1234, %dma_start3A_1239] : memref<10000x128xf32, #tpu.memory_space<vmem_shared>> -> memref<16x128xf32, #tpu.memory_space<vmem_shared>>
        %dma_start3A_1241 = arith.constant 0 : i32
        %dma_start3A_1242 = tpu.memref_slice %arg8[%add3A_1234, %dma_start3A_1241] : memref<10000x128xf32, #tpu.memory_space<vmem_shared>> -> memref<16x128xf32, #tpu.memory_space<vmem_shared>>
        %dma_start3A_1243 = arith.constant 0 : i32
        %dma_start3A_1244 = arith.constant 0 : i32
        %dma_start3A_1245 = tpu.memref_slice %arg7[%cond3A, %dma_start3A_1243, %dma_start3A_1244] : memref<3x80x128xf32, #tpu.memory_space<vmem>> -> memref<1x16x128xf32, #tpu.memory_space<vmem>>
        %dma_start3A_1246 = tpu.memref_squeeze %dma_start3A_1245 : memref<1x16x128xf32, #tpu.memory_space<vmem>> -> memref<16x128xf32, #tpu.memory_space<vmem>>
        tpu.enqueue_dma source(%dma_start3A_1246 : memref<16x128xf32, #tpu.memory_space<vmem>>) target(%dma_start3A_1242 : memref<16x128xf32, #tpu.memory_space<vmem_shared>>) target_semaphore(%arg9 : memref<!tpu.dma_semaphore, #tpu.memory_space<semaphore_mem>>)
        %add3A_1247 = arith.constant 16 : i32
        %add3A_1248 = arith.addi %mul3A_3, %add3A_1247 : i32
        %dma_start3A_1249 = arith.constant 0 : i32
        %dma_start3A_1250 = arith.constant 0 : i32
        %dma_start3A_1251 = tpu.memref_slice %arg7[%cond3A, %dma_start3A_1249, %dma_start3A_1250] : memref<3x80x128xf32, #tpu.memory_space<vmem>> -> memref<1x16x128xf32, #tpu.memory_space<vmem>>
        %dma_start3A_1252 = tpu.memref_squeeze %dma_start3A_1251 : memref<1x16x128xf32, #tpu.memory_space<vmem>> -> memref<16x128xf32, #tpu.memory_space<vmem>>
        %dma_start3A_1253 = arith.constant 0 : i32
        %dma_start3A_1254 = tpu.memref_slice %arg8[%add3A_1248, %dma_start3A_1253] : memref<10000x128xf32, #tpu.memory_space<vmem_shared>> -> memref<16x128xf32, #tpu.memory_space<vmem_shared>>
        %dma_start3A_1255 = arith.constant 0 : i32
        %dma_start3A_1256 = tpu.memref_slice %arg8[%add3A_1248, %dma_start3A_1255] : memref<10000x128xf32, #tpu.memory_space<vmem_shared>> -> memref<16x128xf32, #tpu.memory_space<vmem_shared>>
        %dma_start3A_1257 = arith.constant 0 : i32
        %dma_start3A_1258 = arith.constant 0 : i32
        %dma_start3A_1259 = tpu.memref_slice %arg7[%cond3A, %dma_start3A_1257, %dma_start3A_1258] : memref<3x80x128xf32, #tpu.memory_space<vmem>> -> memref<1x16x128xf32, #tpu.memory_space<vmem>>
        %dma_start3A_1260 = tpu.memref_squeeze %dma_start3A_1259 : memref<1x16x128xf32, #tpu.memory_space<vmem>> -> memref<16x128xf32, #tpu.memory_space<vmem>>
        tpu.enqueue_dma source(%dma_start3A_1260 : memref<16x128xf32, #tpu.memory_space<vmem>>) target(%dma_start3A_1256 : memref<16x128xf32, #tpu.memory_space<vmem_shared>>) target_semaphore(%arg9 : memref<!tpu.dma_semaphore, #tpu.memory_space<semaphore_mem>>)
        %add3A_1261 = arith.constant 32 : i32
        %add3A_1262 = arith.addi %mul3A_3, %add3A_1261 : i32
        %dma_start3A_1263 = arith.constant 0 : i32
        %dma_start3A_1264 = arith.constant 0 : i32
        %dma_start3A_1265 = tpu.memref_slice %arg7[%cond3A, %dma_start3A_1263, %dma_start3A_1264] : memref<3x80x128xf32, #tpu.memory_space<vmem>> -> memref<1x16x128xf32, #tpu.memory_space<vmem>>
        %dma_start3A_1266 = tpu.memref_squeeze %dma_start3A_1265 : memref<1x16x128xf32, #tpu.memory_space<vmem>> -> memref<16x128xf32, #tpu.memory_space<vmem>>
        %dma_start3A_1267 = arith.constant 0 : i32
        %dma_start3A_1268 = tpu.memref_slice %arg8[%add3A_1262, %dma_start3A_1267] : memref<10000x128xf32, #tpu.memory_space<vmem_shared>> -> memref<16x128xf32, #tpu.memory_space<vmem_shared>>
        %dma_start3A_1269 = arith.constant 0 : i32
        %dma_start3A_1270 = tpu.memref_slice %arg8[%add3A_1262, %dma_start3A_1269] : memref<10000x128xf32, #tpu.memory_space<vmem_shared>> -> memref<16x128xf32, #tpu.memory_space<vmem_shared>>
        %dma_start3A_1271 = arith.constant 0 : i32
        %dma_start3A_1272 = arith.constant 0 : i32
        %dma_start3A_1273 = tpu.memref_slice %arg7[%cond3A, %dma_start3A_1271, %dma_start3A_1272] : memref<3x80x128xf32, #tpu.memory_space<vmem>> -> memref<1x16x128xf32, #tpu.memory_space<vmem>>
        %dma_start3A_1274 = tpu.memref_squeeze %dma_start3A_1273 : memref<1x16x128xf32, #tpu.memory_space<vmem>> -> memref<16x128xf32, #tpu.memory_space<vmem>>
        tpu.enqueue_dma source(%dma_start3A_1274 : memref<16x128xf32, #tpu.memory_space<vmem>>) target(%dma_start3A_1270 : memref<16x128xf32, #tpu.memory_space<vmem_shared>>) target_semaphore(%arg9 : memref<!tpu.dma_semaphore, #tpu.memory_space<semaphore_mem>>)
        %add3A_1275 = arith.constant 48 : i32
        %add3A_1276 = arith.addi %mul3A_3, %add3A_1275 : i32
        %dma_start3A_1277 = arith.constant 0 : i32
        %dma_start3A_1278 = arith.constant 0 : i32
        %dma_start3A_1279 = tpu.memref_slice %arg7[%cond3A, %dma_start3A_1277, %dma_start3A_1278] : memref<3x80x128xf32, #tpu.memory_space<vmem>> -> memref<1x16x128xf32, #tpu.memory_space<vmem>>
        %dma_start3A_1280 = tpu.memref_squeeze %dma_start3A_1279 : memref<1x16x128xf32, #tpu.memory_space<vmem>> -> memref<16x128xf32, #tpu.memory_space<vmem>>
        %dma_start3A_1281 = arith.constant 0 : i32
        %dma_start3A_1282 = tpu.memref_slice %arg8[%add3A_1276, %dma_start3A_1281] : memref<10000x128xf32, #tpu.memory_space<vmem_shared>> -> memref<16x128xf32, #tpu.memory_space<vmem_shared>>
        %dma_start3A_1283 = arith.constant 0 : i32
        %dma_start3A_1284 = tpu.memref_slice %arg8[%add3A_1276, %dma_start3A_1283] : memref<10000x128xf32, #tpu.memory_space<vmem_shared>> -> memref<16x128xf32, #tpu.memory_space<vmem_shared>>
        %dma_start3A_1285 = arith.constant 0 : i32
        %dma_start3A_1286 = arith.constant 0 : i32
        %dma_start3A_1287 = tpu.memref_slice %arg7[%cond3A, %dma_start3A_1285, %dma_start3A_1286] : memref<3x80x128xf32, #tpu.memory_space<vmem>> -> memref<1x16x128xf32, #tpu.memory_space<vmem>>
        %dma_start3A_1288 = tpu.memref_squeeze %dma_start3A_1287 : memref<1x16x128xf32, #tpu.memory_space<vmem>> -> memref<16x128xf32, #tpu.memory_space<vmem>>
        tpu.enqueue_dma source(%dma_start3A_1288 : memref<16x128xf32, #tpu.memory_space<vmem>>) target(%dma_start3A_1284 : memref<16x128xf32, #tpu.memory_space<vmem_shared>>) target_semaphore(%arg9 : memref<!tpu.dma_semaphore, #tpu.memory_space<semaphore_mem>>)
        %add3A_1289 = arith.constant 64 : i32
        %add3A_1290 = arith.addi %mul3A_3, %add3A_1289 : i32
        %dma_start3A_1291 = arith.constant 0 : i32
        %dma_start3A_1292 = arith.constant 0 : i32
        %dma_start3A_1293 = tpu.memref_slice %arg7[%cond3A, %dma_start3A_1291, %dma_start3A_1292] : memref<3x80x128xf32, #tpu.memory_space<vmem>> -> memref<1x16x128xf32, #tpu.memory_space<vmem>>
        %dma_start3A_1294 = tpu.memref_squeeze %dma_start3A_1293 : memref<1x16x128xf32, #tpu.memory_space<vmem>> -> memref<16x128xf32, #tpu.memory_space<vmem>>
        %dma_start3A_1295 = arith.constant 0 : i32
        %dma_start3A_1296 = tpu.memref_slice %arg8[%add3A_1290, %dma_start3A_1295] : memref<10000x128xf32, #tpu.memory_space<vmem_shared>> -> memref<16x128xf32, #tpu.memory_space<vmem_shared>>
        %dma_start3A_1297 = arith.constant 0 : i32
        %dma_start3A_1298 = tpu.memref_slice %arg8[%add3A_1290, %dma_start3A_1297] : memref<10000x128xf32, #tpu.memory_space<vmem_shared>> -> memref<16x128xf32, #tpu.memory_space<vmem_shared>>
        %dma_start3A_1299 = arith.constant 0 : i32
        %dma_start3A_1300 = arith.constant 0 : i32
        %dma_start3A_1301 = tpu.memref_slice %arg7[%cond3A, %dma_start3A_1299, %dma_start3A_1300] : memref<3x80x128xf32, #tpu.memory_space<vmem>> -> memref<1x16x128xf32, #tpu.memory_space<vmem>>
        %dma_start3A_1302 = tpu.memref_squeeze %dma_start3A_1301 : memref<1x16x128xf32, #tpu.memory_space<vmem>> -> memref<16x128xf32, #tpu.memory_space<vmem>>
        tpu.enqueue_dma source(%dma_start3A_1302 : memref<16x128xf32, #tpu.memory_space<vmem>>) target(%dma_start3A_1298 : memref<16x128xf32, #tpu.memory_space<vmem_shared>>) target_semaphore(%arg9 : memref<!tpu.dma_semaphore, #tpu.memory_space<semaphore_mem>>)
        %add3A_1303 = arith.constant 80 : i32
        %add3A_1304 = arith.addi %mul3A_3, %add3A_1303 : i32
        %dma_start3A_1305 = arith.constant 0 : i32
        %dma_start3A_1306 = arith.constant 0 : i32
        %dma_start3A_1307 = tpu.memref_slice %arg7[%cond3A, %dma_start3A_1305, %dma_start3A_1306] : memref<3x80x128xf32, #tpu.memory_space<vmem>> -> memref<1x16x128xf32, #tpu.memory_space<vmem>>
        %dma_start3A_1308 = tpu.memref_squeeze %dma_start3A_1307 : memref<1x16x128xf32, #tpu.memory_space<vmem>> -> memref<16x128xf32, #tpu.memory_space<vmem>>
        %dma_start3A_1309 = arith.constant 0 : i32
        %dma_start3A_1310 = tpu.memref_slice %arg8[%add3A_1304, %dma_start3A_1309] : memref<10000x128xf32, #tpu.memory_space<vmem_shared>> -> memref<16x128xf32, #tpu.memory_space<vmem_shared>>
        %dma_start3A_1311 = arith.constant 0 : i32
        %dma_start3A_1312 = tpu.memref_slice %arg8[%add3A_1304, %dma_start3A_1311] : memref<10000x128xf32, #tpu.memory_space<vmem_shared>> -> memref<16x128xf32, #tpu.memory_space<vmem_shared>>
        %dma_start3A_1313 = arith.constant 0 : i32
        %dma_start3A_1314 = arith.constant 0 : i32
        %dma_start3A_1315 = tpu.memref_slice %arg7[%cond3A, %dma_start3A_1313, %dma_start3A_1314] : memref<3x80x128xf32, #tpu.memory_space<vmem>> -> memref<1x16x128xf32, #tpu.memory_space<vmem>>
        %dma_start3A_1316 = tpu.memref_squeeze %dma_start3A_1315 : memref<1x16x128xf32, #tpu.memory_space<vmem>> -> memref<16x128xf32, #tpu.memory_space<vmem>>
        tpu.enqueue_dma source(%dma_start3A_1316 : memref<16x128xf32, #tpu.memory_space<vmem>>) target(%dma_start3A_1312 : memref<16x128xf32, #tpu.memory_space<vmem_shared>>) target_semaphore(%arg9 : memref<!tpu.dma_semaphore, #tpu.memory_space<semaphore_mem>>)
        %add3A_1317 = arith.constant 96 : i32
        %add3A_1318 = arith.addi %mul3A_3, %add3A_1317 : i32
        %dma_start3A_1319 = arith.constant 0 : i32
        %dma_start3A_1320 = arith.constant 0 : i32
        %dma_start3A_1321 = tpu.memref_slice %arg7[%cond3A, %dma_start3A_1319, %dma_start3A_1320] : memref<3x80x128xf32, #tpu.memory_space<vmem>> -> memref<1x16x128xf32, #tpu.memory_space<vmem>>
        %dma_start3A_1322 = tpu.memref_squeeze %dma_start3A_1321 : memref<1x16x128xf32, #tpu.memory_space<vmem>> -> memref<16x128xf32, #tpu.memory_space<vmem>>
        %dma_start3A_1323 = arith.constant 0 : i32
        %dma_start3A_1324 = tpu.memref_slice %arg8[%add3A_1318, %dma_start3A_1323] : memref<10000x128xf32, #tpu.memory_space<vmem_shared>> -> memref<16x128xf32, #tpu.memory_space<vmem_shared>>
        %dma_start3A_1325 = arith.constant 0 : i32
        %dma_start3A_1326 = tpu.memref_slice %arg8[%add3A_1318, %dma_start3A_1325] : memref<10000x128xf32, #tpu.memory_space<vmem_shared>> -> memref<16x128xf32, #tpu.memory_space<vmem_shared>>
        %dma_start3A_1327 = arith.constant 0 : i32
        %dma_start3A_1328 = arith.constant 0 : i32
        %dma_start3A_1329 = tpu.memref_slice %arg7[%cond3A, %dma_start3A_1327, %dma_start3A_1328] : memref<3x80x128xf32, #tpu.memory_space<vmem>> -> memref<1x16x128xf32, #tpu.memory_space<vmem>>
        %dma_start3A_1330 = tpu.memref_squeeze %dma_start3A_1329 : memref<1x16x128xf32, #tpu.memory_space<vmem>> -> memref<16x128xf32, #tpu.memory_space<vmem>>
        tpu.enqueue_dma source(%dma_start3A_1330 : memref<16x128xf32, #tpu.memory_space<vmem>>) target(%dma_start3A_1326 : memref<16x128xf32, #tpu.memory_space<vmem_shared>>) target_semaphore(%arg9 : memref<!tpu.dma_semaphore, #tpu.memory_space<semaphore_mem>>)
        %add3A_1331 = arith.constant 112 : i32
        %add3A_1332 = arith.addi %mul3A_3, %add3A_1331 : i32
        %dma_start3A_1333 = arith.constant 0 : i32
        %dma_start3A_1334 = arith.constant 0 : i32
        %dma_start3A_1335 = tpu.memref_slice %arg7[%cond3A, %dma_start3A_1333, %dma_start3A_1334] : memref<3x80x128xf32, #tpu.memory_space<vmem>> -> memref<1x16x128xf32, #tpu.memory_space<vmem>>
        %dma_start3A_1336 = tpu.memref_squeeze %dma_start3A_1335 : memref<1x16x128xf32, #tpu.memory_space<vmem>> -> memref<16x128xf32, #tpu.memory_space<vmem>>
        %dma_start3A_1337 = arith.constant 0 : i32
        %dma_start3A_1338 = tpu.memref_slice %arg8[%add3A_1332, %dma_start3A_1337] : memref<10000x128xf32, #tpu.memory_space<vmem_shared>> -> memref<16x128xf32, #tpu.memory_space<vmem_shared>>
        %dma_start3A_1339 = arith.constant 0 : i32
        %dma_start3A_1340 = tpu.memref_slice %arg8[%add3A_1332, %dma_start3A_1339] : memref<10000x128xf32, #tpu.memory_space<vmem_shared>> -> memref<16x128xf32, #tpu.memory_space<vmem_shared>>
        %dma_start3A_1341 = arith.constant 0 : i32
        %dma_start3A_1342 = arith.constant 0 : i32
        %dma_start3A_1343 = tpu.memref_slice %arg7[%cond3A, %dma_start3A_1341, %dma_start3A_1342] : memref<3x80x128xf32, #tpu.memory_space<vmem>> -> memref<1x16x128xf32, #tpu.memory_space<vmem>>
        %dma_start3A_1344 = tpu.memref_squeeze %dma_start3A_1343 : memref<1x16x128xf32, #tpu.memory_space<vmem>> -> memref<16x128xf32, #tpu.memory_space<vmem>>
        tpu.enqueue_dma source(%dma_start3A_1344 : memref<16x128xf32, #tpu.memory_space<vmem>>) target(%dma_start3A_1340 : memref<16x128xf32, #tpu.memory_space<vmem_shared>>) target_semaphore(%arg9 : memref<!tpu.dma_semaphore, #tpu.memory_space<semaphore_mem>>)
        %add3A_1345 = arith.constant 128 : i32
        %add3A_1346 = arith.addi %mul3A_3, %add3A_1345 : i32
        %dma_start3A_1347 = arith.constant 0 : i32
        %dma_start3A_1348 = arith.constant 0 : i32
        %dma_start3A_1349 = tpu.memref_slice %arg7[%cond3A, %dma_start3A_1347, %dma_start3A_1348] : memref<3x80x128xf32, #tpu.memory_space<vmem>> -> memref<1x16x128xf32, #tpu.memory_space<vmem>>
        %dma_start3A_1350 = tpu.memref_squeeze %dma_start3A_1349 : memref<1x16x128xf32, #tpu.memory_space<vmem>> -> memref<16x128xf32, #tpu.memory_space<vmem>>
        %dma_start3A_1351 = arith.constant 0 : i32
        %dma_start3A_1352 = tpu.memref_slice %arg8[%add3A_1346, %dma_start3A_1351] : memref<10000x128xf32, #tpu.memory_space<vmem_shared>> -> memref<16x128xf32, #tpu.memory_space<vmem_shared>>
        %dma_start3A_1353 = arith.constant 0 : i32
        %dma_start3A_1354 = tpu.memref_slice %arg8[%add3A_1346, %dma_start3A_1353] : memref<10000x128xf32, #tpu.memory_space<vmem_shared>> -> memref<16x128xf32, #tpu.memory_space<vmem_shared>>
        %dma_start3A_1355 = arith.constant 0 : i32
        %dma_start3A_1356 = arith.constant 0 : i32
        %dma_start3A_1357 = tpu.memref_slice %arg7[%cond3A, %dma_start3A_1355, %dma_start3A_1356] : memref<3x80x128xf32, #tpu.memory_space<vmem>> -> memref<1x16x128xf32, #tpu.memory_space<vmem>>
        %dma_start3A_1358 = tpu.memref_squeeze %dma_start3A_1357 : memref<1x16x128xf32, #tpu.memory_space<vmem>> -> memref<16x128xf32, #tpu.memory_space<vmem>>
        tpu.enqueue_dma source(%dma_start3A_1358 : memref<16x128xf32, #tpu.memory_space<vmem>>) target(%dma_start3A_1354 : memref<16x128xf32, #tpu.memory_space<vmem_shared>>) target_semaphore(%arg9 : memref<!tpu.dma_semaphore, #tpu.memory_space<semaphore_mem>>)
        %add3A_1359 = arith.constant 144 : i32
        %add3A_1360 = arith.addi %mul3A_3, %add3A_1359 : i32
        %dma_start3A_1361 = arith.constant 0 : i32
        %dma_start3A_1362 = arith.constant 0 : i32
        %dma_start3A_1363 = tpu.memref_slice %arg7[%cond3A, %dma_start3A_1361, %dma_start3A_1362] : memref<3x80x128xf32, #tpu.memory_space<vmem>> -> memref<1x16x128xf32, #tpu.memory_space<vmem>>
        %dma_start3A_1364 = tpu.memref_squeeze %dma_start3A_1363 : memref<1x16x128xf32, #tpu.memory_space<vmem>> -> memref<16x128xf32, #tpu.memory_space<vmem>>
        %dma_start3A_1365 = arith.constant 0 : i32
        %dma_start3A_1366 = tpu.memref_slice %arg8[%add3A_1360, %dma_start3A_1365] : memref<10000x128xf32, #tpu.memory_space<vmem_shared>> -> memref<16x128xf32, #tpu.memory_space<vmem_shared>>
        %dma_start3A_1367 = arith.constant 0 : i32
        %dma_start3A_1368 = tpu.memref_slice %arg8[%add3A_1360, %dma_start3A_1367] : memref<10000x128xf32, #tpu.memory_space<vmem_shared>> -> memref<16x128xf32, #tpu.memory_space<vmem_shared>>
        %dma_start3A_1369 = arith.constant 0 : i32
        %dma_start3A_1370 = arith.constant 0 : i32
        %dma_start3A_1371 = tpu.memref_slice %arg7[%cond3A, %dma_start3A_1369, %dma_start3A_1370] : memref<3x80x128xf32, #tpu.memory_space<vmem>> -> memref<1x16x128xf32, #tpu.memory_space<vmem>>
        %dma_start3A_1372 = tpu.memref_squeeze %dma_start3A_1371 : memref<1x16x128xf32, #tpu.memory_space<vmem>> -> memref<16x128xf32, #tpu.memory_space<vmem>>
        tpu.enqueue_dma source(%dma_start3A_1372 : memref<16x128xf32, #tpu.memory_space<vmem>>) target(%dma_start3A_1368 : memref<16x128xf32, #tpu.memory_space<vmem_shared>>) target_semaphore(%arg9 : memref<!tpu.dma_semaphore, #tpu.memory_space<semaphore_mem>>)
        %add3A_1373 = arith.constant 160 : i32
        %add3A_1374 = arith.addi %mul3A_3, %add3A_1373 : i32
        %dma_start3A_1375 = arith.constant 0 : i32
        %dma_start3A_1376 = arith.constant 0 : i32
        %dma_start3A_1377 = tpu.memref_slice %arg7[%cond3A, %dma_start3A_1375, %dma_start3A_1376] : memref<3x80x128xf32, #tpu.memory_space<vmem>> -> memref<1x16x128xf32, #tpu.memory_space<vmem>>
        %dma_start3A_1378 = tpu.memref_squeeze %dma_start3A_1377 : memref<1x16x128xf32, #tpu.memory_space<vmem>> -> memref<16x128xf32, #tpu.memory_space<vmem>>
        %dma_start3A_1379 = arith.constant 0 : i32
        %dma_start3A_1380 = tpu.memref_slice %arg8[%add3A_1374, %dma_start3A_1379] : memref<10000x128xf32, #tpu.memory_space<vmem_shared>> -> memref<16x128xf32, #tpu.memory_space<vmem_shared>>
        %dma_start3A_1381 = arith.constant 0 : i32
        %dma_start3A_1382 = tpu.memref_slice %arg8[%add3A_1374, %dma_start3A_1381] : memref<10000x128xf32, #tpu.memory_space<vmem_shared>> -> memref<16x128xf32, #tpu.memory_space<vmem_shared>>
        %dma_start3A_1383 = arith.constant 0 : i32
        %dma_start3A_1384 = arith.constant 0 : i32
        %dma_start3A_1385 = tpu.memref_slice %arg7[%cond3A, %dma_start3A_1383, %dma_start3A_1384] : memref<3x80x128xf32, #tpu.memory_space<vmem>> -> memref<1x16x128xf32, #tpu.memory_space<vmem>>
        %dma_start3A_1386 = tpu.memref_squeeze %dma_start3A_1385 : memref<1x16x128xf32, #tpu.memory_space<vmem>> -> memref<16x128xf32, #tpu.memory_space<vmem>>
        tpu.enqueue_dma source(%dma_start3A_1386 : memref<16x128xf32, #tpu.memory_space<vmem>>) target(%dma_start3A_1382 : memref<16x128xf32, #tpu.memory_space<vmem_shared>>) target_semaphore(%arg9 : memref<!tpu.dma_semaphore, #tpu.memory_space<semaphore_mem>>)
        %add3A_1387 = arith.constant 176 : i32
        %add3A_1388 = arith.addi %mul3A_3, %add3A_1387 : i32
        %dma_start3A_1389 = arith.constant 0 : i32
        %dma_start3A_1390 = arith.constant 0 : i32
        %dma_start3A_1391 = tpu.memref_slice %arg7[%cond3A, %dma_start3A_1389, %dma_start3A_1390] : memref<3x80x128xf32, #tpu.memory_space<vmem>> -> memref<1x16x128xf32, #tpu.memory_space<vmem>>
        %dma_start3A_1392 = tpu.memref_squeeze %dma_start3A_1391 : memref<1x16x128xf32, #tpu.memory_space<vmem>> -> memref<16x128xf32, #tpu.memory_space<vmem>>
        %dma_start3A_1393 = arith.constant 0 : i32
        %dma_start3A_1394 = tpu.memref_slice %arg8[%add3A_1388, %dma_start3A_1393] : memref<10000x128xf32, #tpu.memory_space<vmem_shared>> -> memref<16x128xf32, #tpu.memory_space<vmem_shared>>
        %dma_start3A_1395 = arith.constant 0 : i32
        %dma_start3A_1396 = tpu.memref_slice %arg8[%add3A_1388, %dma_start3A_1395] : memref<10000x128xf32, #tpu.memory_space<vmem_shared>> -> memref<16x128xf32, #tpu.memory_space<vmem_shared>>
        %dma_start3A_1397 = arith.constant 0 : i32
        %dma_start3A_1398 = arith.constant 0 : i32
        %dma_start3A_1399 = tpu.memref_slice %arg7[%cond3A, %dma_start3A_1397, %dma_start3A_1398] : memref<3x80x128xf32, #tpu.memory_space<vmem>> -> memref<1x16x128xf32, #tpu.memory_space<vmem>>
        %dma_start3A_1400 = tpu.memref_squeeze %dma_start3A_1399 : memref<1x16x128xf32, #tpu.memory_space<vmem>> -> memref<16x128xf32, #tpu.memory_space<vmem>>
        tpu.enqueue_dma source(%dma_start3A_1400 : memref<16x128xf32, #tpu.memory_space<vmem>>) target(%dma_start3A_1396 : memref<16x128xf32, #tpu.memory_space<vmem_shared>>) target_semaphore(%arg9 : memref<!tpu.dma_semaphore, #tpu.memory_space<semaphore_mem>>)
        %add3A_1401 = arith.constant 192 : i32
        %add3A_1402 = arith.addi %mul3A_3, %add3A_1401 : i32
        %dma_start3A_1403 = arith.constant 0 : i32
        %dma_start3A_1404 = arith.constant 0 : i32
        %dma_start3A_1405 = tpu.memref_slice %arg7[%cond3A, %dma_start3A_1403, %dma_start3A_1404] : memref<3x80x128xf32, #tpu.memory_space<vmem>> -> memref<1x16x128xf32, #tpu.memory_space<vmem>>
        %dma_start3A_1406 = tpu.memref_squeeze %dma_start3A_1405 : memref<1x16x128xf32, #tpu.memory_space<vmem>> -> memref<16x128xf32, #tpu.memory_space<vmem>>
        %dma_start3A_1407 = arith.constant 0 : i32
        %dma_start3A_1408 = tpu.memref_slice %arg8[%add3A_1402, %dma_start3A_1407] : memref<10000x128xf32, #tpu.memory_space<vmem_shared>> -> memref<16x128xf32, #tpu.memory_space<vmem_shared>>
        %dma_start3A_1409 = arith.constant 0 : i32
        %dma_start3A_1410 = tpu.memref_slice %arg8[%add3A_1402, %dma_start3A_1409] : memref<10000x128xf32, #tpu.memory_space<vmem_shared>> -> memref<16x128xf32, #tpu.memory_space<vmem_shared>>
        %dma_start3A_1411 = arith.constant 0 : i32
        %dma_start3A_1412 = arith.constant 0 : i32
        %dma_start3A_1413 = tpu.memref_slice %arg7[%cond3A, %dma_start3A_1411, %dma_start3A_1412] : memref<3x80x128xf32, #tpu.memory_space<vmem>> -> memref<1x16x128xf32, #tpu.memory_space<vmem>>
        %dma_start3A_1414 = tpu.memref_squeeze %dma_start3A_1413 : memref<1x16x128xf32, #tpu.memory_space<vmem>> -> memref<16x128xf32, #tpu.memory_space<vmem>>
        tpu.enqueue_dma source(%dma_start3A_1414 : memref<16x128xf32, #tpu.memory_space<vmem>>) target(%dma_start3A_1410 : memref<16x128xf32, #tpu.memory_space<vmem_shared>>) target_semaphore(%arg9 : memref<!tpu.dma_semaphore, #tpu.memory_space<semaphore_mem>>)
        %add3A_1415 = arith.constant 208 : i32
        %add3A_1416 = arith.addi %mul3A_3, %add3A_1415 : i32
        %dma_start3A_1417 = arith.constant 0 : i32
        %dma_start3A_1418 = arith.constant 0 : i32
        %dma_start3A_1419 = tpu.memref_slice %arg7[%cond3A, %dma_start3A_1417, %dma_start3A_1418] : memref<3x80x128xf32, #tpu.memory_space<vmem>> -> memref<1x16x128xf32, #tpu.memory_space<vmem>>
        %dma_start3A_1420 = tpu.memref_squeeze %dma_start3A_1419 : memref<1x16x128xf32, #tpu.memory_space<vmem>> -> memref<16x128xf32, #tpu.memory_space<vmem>>
        %dma_start3A_1421 = arith.constant 0 : i32
        %dma_start3A_1422 = tpu.memref_slice %arg8[%add3A_1416, %dma_start3A_1421] : memref<10000x128xf32, #tpu.memory_space<vmem_shared>> -> memref<16x128xf32, #tpu.memory_space<vmem_shared>>
        %dma_start3A_1423 = arith.constant 0 : i32
        %dma_start3A_1424 = tpu.memref_slice %arg8[%add3A_1416, %dma_start3A_1423] : memref<10000x128xf32, #tpu.memory_space<vmem_shared>> -> memref<16x128xf32, #tpu.memory_space<vmem_shared>>
        %dma_start3A_1425 = arith.constant 0 : i32
        %dma_start3A_1426 = arith.constant 0 : i32
        %dma_start3A_1427 = tpu.memref_slice %arg7[%cond3A, %dma_start3A_1425, %dma_start3A_1426] : memref<3x80x128xf32, #tpu.memory_space<vmem>> -> memref<1x16x128xf32, #tpu.memory_space<vmem>>
        %dma_start3A_1428 = tpu.memref_squeeze %dma_start3A_1427 : memref<1x16x128xf32, #tpu.memory_space<vmem>> -> memref<16x128xf32, #tpu.memory_space<vmem>>
        tpu.enqueue_dma source(%dma_start3A_1428 : memref<16x128xf32, #tpu.memory_space<vmem>>) target(%dma_start3A_1424 : memref<16x128xf32, #tpu.memory_space<vmem_shared>>) target_semaphore(%arg9 : memref<!tpu.dma_semaphore, #tpu.memory_space<semaphore_mem>>)
        %add3A_1429 = arith.constant 224 : i32
        %add3A_1430 = arith.addi %mul3A_3, %add3A_1429 : i32
        %dma_start3A_1431 = arith.constant 0 : i32
        %dma_start3A_1432 = arith.constant 0 : i32
        %dma_start3A_1433 = tpu.memref_slice %arg7[%cond3A, %dma_start3A_1431, %dma_start3A_1432] : memref<3x80x128xf32, #tpu.memory_space<vmem>> -> memref<1x16x128xf32, #tpu.memory_space<vmem>>
        %dma_start3A_1434 = tpu.memref_squeeze %dma_start3A_1433 : memref<1x16x128xf32, #tpu.memory_space<vmem>> -> memref<16x128xf32, #tpu.memory_space<vmem>>
        %dma_start3A_1435 = arith.constant 0 : i32
        %dma_start3A_1436 = tpu.memref_slice %arg8[%add3A_1430, %dma_start3A_1435] : memref<10000x128xf32, #tpu.memory_space<vmem_shared>> -> memref<16x128xf32, #tpu.memory_space<vmem_shared>>
        %dma_start3A_1437 = arith.constant 0 : i32
        %dma_start3A_1438 = tpu.memref_slice %arg8[%add3A_1430, %dma_start3A_1437] : memref<10000x128xf32, #tpu.memory_space<vmem_shared>> -> memref<16x128xf32, #tpu.memory_space<vmem_shared>>
        %dma_start3A_1439 = arith.constant 0 : i32
        %dma_start3A_1440 = arith.constant 0 : i32
        %dma_start3A_1441 = tpu.memref_slice %arg7[%cond3A, %dma_start3A_1439, %dma_start3A_1440] : memref<3x80x128xf32, #tpu.memory_space<vmem>> -> memref<1x16x128xf32, #tpu.memory_space<vmem>>
        %dma_start3A_1442 = tpu.memref_squeeze %dma_start3A_1441 : memref<1x16x128xf32, #tpu.memory_space<vmem>> -> memref<16x128xf32, #tpu.memory_space<vmem>>
        tpu.enqueue_dma source(%dma_start3A_1442 : memref<16x128xf32, #tpu.memory_space<vmem>>) target(%dma_start3A_1438 : memref<16x128xf32, #tpu.memory_space<vmem_shared>>) target_semaphore(%arg9 : memref<!tpu.dma_semaphore, #tpu.memory_space<semaphore_mem>>)
        %add3A_1443 = arith.constant 240 : i32
        %add3A_1444 = arith.addi %mul3A_3, %add3A_1443 : i32
        %dma_start3A_1445 = arith.constant 0 : i32
        %dma_start3A_1446 = arith.constant 0 : i32
        %dma_start3A_1447 = tpu.memref_slice %arg7[%cond3A, %dma_start3A_1445, %dma_start3A_1446] : memref<3x80x128xf32, #tpu.memory_space<vmem>> -> memref<1x16x128xf32, #tpu.memory_space<vmem>>
        %dma_start3A_1448 = tpu.memref_squeeze %dma_start3A_1447 : memref<1x16x128xf32, #tpu.memory_space<vmem>> -> memref<16x128xf32, #tpu.memory_space<vmem>>
        %dma_start3A_1449 = arith.constant 0 : i32
        %dma_start3A_1450 = tpu.memref_slice %arg8[%add3A_1444, %dma_start3A_1449] : memref<10000x128xf32, #tpu.memory_space<vmem_shared>> -> memref<16x128xf32, #tpu.memory_space<vmem_shared>>
        %dma_start3A_1451 = arith.constant 0 : i32
        %dma_start3A_1452 = tpu.memref_slice %arg8[%add3A_1444, %dma_start3A_1451] : memref<10000x128xf32, #tpu.memory_space<vmem_shared>> -> memref<16x128xf32, #tpu.memory_space<vmem_shared>>
        %dma_start3A_1453 = arith.constant 0 : i32
        %dma_start3A_1454 = arith.constant 0 : i32
        %dma_start3A_1455 = tpu.memref_slice %arg7[%cond3A, %dma_start3A_1453, %dma_start3A_1454] : memref<3x80x128xf32, #tpu.memory_space<vmem>> -> memref<1x16x128xf32, #tpu.memory_space<vmem>>
        %dma_start3A_1456 = tpu.memref_squeeze %dma_start3A_1455 : memref<1x16x128xf32, #tpu.memory_space<vmem>> -> memref<16x128xf32, #tpu.memory_space<vmem>>
        tpu.enqueue_dma source(%dma_start3A_1456 : memref<16x128xf32, #tpu.memory_space<vmem>>) target(%dma_start3A_1452 : memref<16x128xf32, #tpu.memory_space<vmem_shared>>) target_semaphore(%arg9 : memref<!tpu.dma_semaphore, #tpu.memory_space<semaphore_mem>>)
        %add3A_1457 = arith.constant 256 : i32
        %add3A_1458 = arith.addi %mul3A_3, %add3A_1457 : i32
        %dma_start3A_1459 = arith.constant 0 : i32
        %dma_start3A_1460 = arith.constant 0 : i32
        %dma_start3A_1461 = tpu.memref_slice %arg7[%cond3A, %dma_start3A_1459, %dma_start3A_1460] : memref<3x80x128xf32, #tpu.memory_space<vmem>> -> memref<1x16x128xf32, #tpu.memory_space<vmem>>
        %dma_start3A_1462 = tpu.memref_squeeze %dma_start3A_1461 : memref<1x16x128xf32, #tpu.memory_space<vmem>> -> memref<16x128xf32, #tpu.memory_space<vmem>>
        %dma_start3A_1463 = arith.constant 0 : i32
        %dma_start3A_1464 = tpu.memref_slice %arg8[%add3A_1458, %dma_start3A_1463] : memref<10000x128xf32, #tpu.memory_space<vmem_shared>> -> memref<16x128xf32, #tpu.memory_space<vmem_shared>>
        %dma_start3A_1465 = arith.constant 0 : i32
        %dma_start3A_1466 = tpu.memref_slice %arg8[%add3A_1458, %dma_start3A_1465] : memref<10000x128xf32, #tpu.memory_space<vmem_shared>> -> memref<16x128xf32, #tpu.memory_space<vmem_shared>>
        %dma_start3A_1467 = arith.constant 0 : i32
        %dma_start3A_1468 = arith.constant 0 : i32
        %dma_start3A_1469 = tpu.memref_slice %arg7[%cond3A, %dma_start3A_1467, %dma_start3A_1468] : memref<3x80x128xf32, #tpu.memory_space<vmem>> -> memref<1x16x128xf32, #tpu.memory_space<vmem>>
        %dma_start3A_1470 = tpu.memref_squeeze %dma_start3A_1469 : memref<1x16x128xf32, #tpu.memory_space<vmem>> -> memref<16x128xf32, #tpu.memory_space<vmem>>
        tpu.enqueue_dma source(%dma_start3A_1470 : memref<16x128xf32, #tpu.memory_space<vmem>>) target(%dma_start3A_1466 : memref<16x128xf32, #tpu.memory_space<vmem_shared>>) target_semaphore(%arg9 : memref<!tpu.dma_semaphore, #tpu.memory_space<semaphore_mem>>)
        %add3A_1471 = arith.constant 272 : i32
        %add3A_1472 = arith.addi %mul3A_3, %add3A_1471 : i32
        %dma_start3A_1473 = arith.constant 0 : i32
        %dma_start3A_1474 = arith.constant 0 : i32
        %dma_start3A_1475 = tpu.memref_slice %arg7[%cond3A, %dma_start3A_1473, %dma_start3A_1474] : memref<3x80x128xf32, #tpu.memory_space<vmem>> -> memref<1x16x128xf32, #tpu.memory_space<vmem>>
        %dma_start3A_1476 = tpu.memref_squeeze %dma_start3A_1475 : memref<1x16x128xf32, #tpu.memory_space<vmem>> -> memref<16x128xf32, #tpu.memory_space<vmem>>
        %dma_start3A_1477 = arith.constant 0 : i32
        %dma_start3A_1478 = tpu.memref_slice %arg8[%add3A_1472, %dma_start3A_1477] : memref<10000x128xf32, #tpu.memory_space<vmem_shared>> -> memref<16x128xf32, #tpu.memory_space<vmem_shared>>
        %dma_start3A_1479 = arith.constant 0 : i32
        %dma_start3A_1480 = tpu.memref_slice %arg8[%add3A_1472, %dma_start3A_1479] : memref<10000x128xf32, #tpu.memory_space<vmem_shared>> -> memref<16x128xf32, #tpu.memory_space<vmem_shared>>
        %dma_start3A_1481 = arith.constant 0 : i32
        %dma_start3A_1482 = arith.constant 0 : i32
        %dma_start3A_1483 = tpu.memref_slice %arg7[%cond3A, %dma_start3A_1481, %dma_start3A_1482] : memref<3x80x128xf32, #tpu.memory_space<vmem>> -> memref<1x16x128xf32, #tpu.memory_space<vmem>>
        %dma_start3A_1484 = tpu.memref_squeeze %dma_start3A_1483 : memref<1x16x128xf32, #tpu.memory_space<vmem>> -> memref<16x128xf32, #tpu.memory_space<vmem>>
        tpu.enqueue_dma source(%dma_start3A_1484 : memref<16x128xf32, #tpu.memory_space<vmem>>) target(%dma_start3A_1480 : memref<16x128xf32, #tpu.memory_space<vmem_shared>>) target_semaphore(%arg9 : memref<!tpu.dma_semaphore, #tpu.memory_space<semaphore_mem>>)
        %add3A_1485 = arith.constant 288 : i32
        %add3A_1486 = arith.addi %mul3A_3, %add3A_1485 : i32
        %dma_start3A_1487 = arith.constant 0 : i32
        %dma_start3A_1488 = arith.constant 0 : i32
        %dma_start3A_1489 = tpu.memref_slice %arg7[%cond3A, %dma_start3A_1487, %dma_start3A_1488] : memref<3x80x128xf32, #tpu.memory_space<vmem>> -> memref<1x16x128xf32, #tpu.memory_space<vmem>>
        %dma_start3A_1490 = tpu.memref_squeeze %dma_start3A_1489 : memref<1x16x128xf32, #tpu.memory_space<vmem>> -> memref<16x128xf32, #tpu.memory_space<vmem>>
        %dma_start3A_1491 = arith.constant 0 : i32
        %dma_start3A_1492 = tpu.memref_slice %arg8[%add3A_1486, %dma_start3A_1491] : memref<10000x128xf32, #tpu.memory_space<vmem_shared>> -> memref<16x128xf32, #tpu.memory_space<vmem_shared>>
        %dma_start3A_1493 = arith.constant 0 : i32
        %dma_start3A_1494 = tpu.memref_slice %arg8[%add3A_1486, %dma_start3A_1493] : memref<10000x128xf32, #tpu.memory_space<vmem_shared>> -> memref<16x128xf32, #tpu.memory_space<vmem_shared>>
        %dma_start3A_1495 = arith.constant 0 : i32
        %dma_start3A_1496 = arith.constant 0 : i32
        %dma_start3A_1497 = tpu.memref_slice %arg7[%cond3A, %dma_start3A_1495, %dma_start3A_1496] : memref<3x80x128xf32, #tpu.memory_space<vmem>> -> memref<1x16x128xf32, #tpu.memory_space<vmem>>
        %dma_start3A_1498 = tpu.memref_squeeze %dma_start3A_1497 : memref<1x16x128xf32, #tpu.memory_space<vmem>> -> memref<16x128xf32, #tpu.memory_space<vmem>>
        tpu.enqueue_dma source(%dma_start3A_1498 : memref<16x128xf32, #tpu.memory_space<vmem>>) target(%dma_start3A_1494 : memref<16x128xf32, #tpu.memory_space<vmem_shared>>) target_semaphore(%arg9 : memref<!tpu.dma_semaphore, #tpu.memory_space<semaphore_mem>>)
        %add3A_1499 = arith.constant 304 : i32
        %add3A_1500 = arith.addi %mul3A_3, %add3A_1499 : i32
        %dma_start3A_1501 = arith.constant 0 : i32
        %dma_start3A_1502 = arith.constant 0 : i32
        %dma_start3A_1503 = tpu.memref_slice %arg7[%cond3A, %dma_start3A_1501, %dma_start3A_1502] : memref<3x80x128xf32, #tpu.memory_space<vmem>> -> memref<1x16x128xf32, #tpu.memory_space<vmem>>
        %dma_start3A_1504 = tpu.memref_squeeze %dma_start3A_1503 : memref<1x16x128xf32, #tpu.memory_space<vmem>> -> memref<16x128xf32, #tpu.memory_space<vmem>>
        %dma_start3A_1505 = arith.constant 0 : i32
        %dma_start3A_1506 = tpu.memref_slice %arg8[%add3A_1500, %dma_start3A_1505] : memref<10000x128xf32, #tpu.memory_space<vmem_shared>> -> memref<16x128xf32, #tpu.memory_space<vmem_shared>>
        %dma_start3A_1507 = arith.constant 0 : i32
        %dma_start3A_1508 = tpu.memref_slice %arg8[%add3A_1500, %dma_start3A_1507] : memref<10000x128xf32, #tpu.memory_space<vmem_shared>> -> memref<16x128xf32, #tpu.memory_space<vmem_shared>>
        %dma_start3A_1509 = arith.constant 0 : i32
        %dma_start3A_1510 = arith.constant 0 : i32
        %dma_start3A_1511 = tpu.memref_slice %arg7[%cond3A, %dma_start3A_1509, %dma_start3A_1510] : memref<3x80x128xf32, #tpu.memory_space<vmem>> -> memref<1x16x128xf32, #tpu.memory_space<vmem>>
        %dma_start3A_1512 = tpu.memref_squeeze %dma_start3A_1511 : memref<1x16x128xf32, #tpu.memory_space<vmem>> -> memref<16x128xf32, #tpu.memory_space<vmem>>
        tpu.enqueue_dma source(%dma_start3A_1512 : memref<16x128xf32, #tpu.memory_space<vmem>>) target(%dma_start3A_1508 : memref<16x128xf32, #tpu.memory_space<vmem_shared>>) target_semaphore(%arg9 : memref<!tpu.dma_semaphore, #tpu.memory_space<semaphore_mem>>)
        %add3A_1513 = arith.constant 320 : i32
        %add3A_1514 = arith.addi %mul3A_3, %add3A_1513 : i32
        %dma_start3A_1515 = arith.constant 0 : i32
        %dma_start3A_1516 = arith.constant 0 : i32
        %dma_start3A_1517 = tpu.memref_slice %arg7[%cond3A, %dma_start3A_1515, %dma_start3A_1516] : memref<3x80x128xf32, #tpu.memory_space<vmem>> -> memref<1x16x128xf32, #tpu.memory_space<vmem>>
        %dma_start3A_1518 = tpu.memref_squeeze %dma_start3A_1517 : memref<1x16x128xf32, #tpu.memory_space<vmem>> -> memref<16x128xf32, #tpu.memory_space<vmem>>
        %dma_start3A_1519 = arith.constant 0 : i32
        %dma_start3A_1520 = tpu.memref_slice %arg8[%add3A_1514, %dma_start3A_1519] : memref<10000x128xf32, #tpu.memory_space<vmem_shared>> -> memref<16x128xf32, #tpu.memory_space<vmem_shared>>
        %dma_start3A_1521 = arith.constant 0 : i32
        %dma_start3A_1522 = tpu.memref_slice %arg8[%add3A_1514, %dma_start3A_1521] : memref<10000x128xf32, #tpu.memory_space<vmem_shared>> -> memref<16x128xf32, #tpu.memory_space<vmem_shared>>
        %dma_start3A_1523 = arith.constant 0 : i32
        %dma_start3A_1524 = arith.constant 0 : i32
        %dma_start3A_1525 = tpu.memref_slice %arg7[%cond3A, %dma_start3A_1523, %dma_start3A_1524] : memref<3x80x128xf32, #tpu.memory_space<vmem>> -> memref<1x16x128xf32, #tpu.memory_space<vmem>>
        %dma_start3A_1526 = tpu.memref_squeeze %dma_start3A_1525 : memref<1x16x128xf32, #tpu.memory_space<vmem>> -> memref<16x128xf32, #tpu.memory_space<vmem>>
        tpu.enqueue_dma source(%dma_start3A_1526 : memref<16x128xf32, #tpu.memory_space<vmem>>) target(%dma_start3A_1522 : memref<16x128xf32, #tpu.memory_space<vmem_shared>>) target_semaphore(%arg9 : memref<!tpu.dma_semaphore, #tpu.memory_space<semaphore_mem>>)
        %add3A_1527 = arith.constant 336 : i32
        %add3A_1528 = arith.addi %mul3A_3, %add3A_1527 : i32
        %dma_start3A_1529 = arith.constant 0 : i32
        %dma_start3A_1530 = arith.constant 0 : i32
        %dma_start3A_1531 = tpu.memref_slice %arg7[%cond3A, %dma_start3A_1529, %dma_start3A_1530] : memref<3x80x128xf32, #tpu.memory_space<vmem>> -> memref<1x16x128xf32, #tpu.memory_space<vmem>>
        %dma_start3A_1532 = tpu.memref_squeeze %dma_start3A_1531 : memref<1x16x128xf32, #tpu.memory_space<vmem>> -> memref<16x128xf32, #tpu.memory_space<vmem>>
        %dma_start3A_1533 = arith.constant 0 : i32
        %dma_start3A_1534 = tpu.memref_slice %arg8[%add3A_1528, %dma_start3A_1533] : memref<10000x128xf32, #tpu.memory_space<vmem_shared>> -> memref<16x128xf32, #tpu.memory_space<vmem_shared>>
        %dma_start3A_1535 = arith.constant 0 : i32
        %dma_start3A_1536 = tpu.memref_slice %arg8[%add3A_1528, %dma_start3A_1535] : memref<10000x128xf32, #tpu.memory_space<vmem_shared>> -> memref<16x128xf32, #tpu.memory_space<vmem_shared>>
        %dma_start3A_1537 = arith.constant 0 : i32
        %dma_start3A_1538 = arith.constant 0 : i32
        %dma_start3A_1539 = tpu.memref_slice %arg7[%cond3A, %dma_start3A_1537, %dma_start3A_1538] : memref<3x80x128xf32, #tpu.memory_space<vmem>> -> memref<1x16x128xf32, #tpu.memory_space<vmem>>
        %dma_start3A_1540 = tpu.memref_squeeze %dma_start3A_1539 : memref<1x16x128xf32, #tpu.memory_space<vmem>> -> memref<16x128xf32, #tpu.memory_space<vmem>>
        tpu.enqueue_dma source(%dma_start3A_1540 : memref<16x128xf32, #tpu.memory_space<vmem>>) target(%dma_start3A_1536 : memref<16x128xf32, #tpu.memory_space<vmem_shared>>) target_semaphore(%arg9 : memref<!tpu.dma_semaphore, #tpu.memory_space<semaphore_mem>>)
        %add3A_1541 = arith.constant 352 : i32
        %add3A_1542 = arith.addi %mul3A_3, %add3A_1541 : i32
        %dma_start3A_1543 = arith.constant 0 : i32
        %dma_start3A_1544 = arith.constant 0 : i32
        %dma_start3A_1545 = tpu.memref_slice %arg7[%cond3A, %dma_start3A_1543, %dma_start3A_1544] : memref<3x80x128xf32, #tpu.memory_space<vmem>> -> memref<1x16x128xf32, #tpu.memory_space<vmem>>
        %dma_start3A_1546 = tpu.memref_squeeze %dma_start3A_1545 : memref<1x16x128xf32, #tpu.memory_space<vmem>> -> memref<16x128xf32, #tpu.memory_space<vmem>>
        %dma_start3A_1547 = arith.constant 0 : i32
        %dma_start3A_1548 = tpu.memref_slice %arg8[%add3A_1542, %dma_start3A_1547] : memref<10000x128xf32, #tpu.memory_space<vmem_shared>> -> memref<16x128xf32, #tpu.memory_space<vmem_shared>>
        %dma_start3A_1549 = arith.constant 0 : i32
        %dma_start3A_1550 = tpu.memref_slice %arg8[%add3A_1542, %dma_start3A_1549] : memref<10000x128xf32, #tpu.memory_space<vmem_shared>> -> memref<16x128xf32, #tpu.memory_space<vmem_shared>>
        %dma_start3A_1551 = arith.constant 0 : i32
        %dma_start3A_1552 = arith.constant 0 : i32
        %dma_start3A_1553 = tpu.memref_slice %arg7[%cond3A, %dma_start3A_1551, %dma_start3A_1552] : memref<3x80x128xf32, #tpu.memory_space<vmem>> -> memref<1x16x128xf32, #tpu.memory_space<vmem>>
        %dma_start3A_1554 = tpu.memref_squeeze %dma_start3A_1553 : memref<1x16x128xf32, #tpu.memory_space<vmem>> -> memref<16x128xf32, #tpu.memory_space<vmem>>
        tpu.enqueue_dma source(%dma_start3A_1554 : memref<16x128xf32, #tpu.memory_space<vmem>>) target(%dma_start3A_1550 : memref<16x128xf32, #tpu.memory_space<vmem_shared>>) target_semaphore(%arg9 : memref<!tpu.dma_semaphore, #tpu.memory_space<semaphore_mem>>)
        %add3A_1555 = arith.constant 368 : i32
        %add3A_1556 = arith.addi %mul3A_3, %add3A_1555 : i32
        %dma_start3A_1557 = arith.constant 0 : i32
        %dma_start3A_1558 = arith.constant 0 : i32
        %dma_start3A_1559 = tpu.memref_slice %arg7[%cond3A, %dma_start3A_1557, %dma_start3A_1558] : memref<3x80x128xf32, #tpu.memory_space<vmem>> -> memref<1x16x128xf32, #tpu.memory_space<vmem>>
        %dma_start3A_1560 = tpu.memref_squeeze %dma_start3A_1559 : memref<1x16x128xf32, #tpu.memory_space<vmem>> -> memref<16x128xf32, #tpu.memory_space<vmem>>
        %dma_start3A_1561 = arith.constant 0 : i32
        %dma_start3A_1562 = tpu.memref_slice %arg8[%add3A_1556, %dma_start3A_1561] : memref<10000x128xf32, #tpu.memory_space<vmem_shared>> -> memref<16x128xf32, #tpu.memory_space<vmem_shared>>
        %dma_start3A_1563 = arith.constant 0 : i32
        %dma_start3A_1564 = tpu.memref_slice %arg8[%add3A_1556, %dma_start3A_1563] : memref<10000x128xf32, #tpu.memory_space<vmem_shared>> -> memref<16x128xf32, #tpu.memory_space<vmem_shared>>
        %dma_start3A_1565 = arith.constant 0 : i32
        %dma_start3A_1566 = arith.constant 0 : i32
        %dma_start3A_1567 = tpu.memref_slice %arg7[%cond3A, %dma_start3A_1565, %dma_start3A_1566] : memref<3x80x128xf32, #tpu.memory_space<vmem>> -> memref<1x16x128xf32, #tpu.memory_space<vmem>>
        %dma_start3A_1568 = tpu.memref_squeeze %dma_start3A_1567 : memref<1x16x128xf32, #tpu.memory_space<vmem>> -> memref<16x128xf32, #tpu.memory_space<vmem>>
        tpu.enqueue_dma source(%dma_start3A_1568 : memref<16x128xf32, #tpu.memory_space<vmem>>) target(%dma_start3A_1564 : memref<16x128xf32, #tpu.memory_space<vmem_shared>>) target_semaphore(%arg9 : memref<!tpu.dma_semaphore, #tpu.memory_space<semaphore_mem>>)
        %add3A_1569 = arith.constant 384 : i32
        %add3A_1570 = arith.addi %mul3A_3, %add3A_1569 : i32
        %dma_start3A_1571 = arith.constant 0 : i32
        %dma_start3A_1572 = arith.constant 0 : i32
        %dma_start3A_1573 = tpu.memref_slice %arg7[%cond3A, %dma_start3A_1571, %dma_start3A_1572] : memref<3x80x128xf32, #tpu.memory_space<vmem>> -> memref<1x16x128xf32, #tpu.memory_space<vmem>>
        %dma_start3A_1574 = tpu.memref_squeeze %dma_start3A_1573 : memref<1x16x128xf32, #tpu.memory_space<vmem>> -> memref<16x128xf32, #tpu.memory_space<vmem>>
        %dma_start3A_1575 = arith.constant 0 : i32
        %dma_start3A_1576 = tpu.memref_slice %arg8[%add3A_1570, %dma_start3A_1575] : memref<10000x128xf32, #tpu.memory_space<vmem_shared>> -> memref<16x128xf32, #tpu.memory_space<vmem_shared>>
        %dma_start3A_1577 = arith.constant 0 : i32
        %dma_start3A_1578 = tpu.memref_slice %arg8[%add3A_1570, %dma_start3A_1577] : memref<10000x128xf32, #tpu.memory_space<vmem_shared>> -> memref<16x128xf32, #tpu.memory_space<vmem_shared>>
        %dma_start3A_1579 = arith.constant 0 : i32
        %dma_start3A_1580 = arith.constant 0 : i32
        %dma_start3A_1581 = tpu.memref_slice %arg7[%cond3A, %dma_start3A_1579, %dma_start3A_1580] : memref<3x80x128xf32, #tpu.memory_space<vmem>> -> memref<1x16x128xf32, #tpu.memory_space<vmem>>
        %dma_start3A_1582 = tpu.memref_squeeze %dma_start3A_1581 : memref<1x16x128xf32, #tpu.memory_space<vmem>> -> memref<16x128xf32, #tpu.memory_space<vmem>>
        tpu.enqueue_dma source(%dma_start3A_1582 : memref<16x128xf32, #tpu.memory_space<vmem>>) target(%dma_start3A_1578 : memref<16x128xf32, #tpu.memory_space<vmem_shared>>) target_semaphore(%arg9 : memref<!tpu.dma_semaphore, #tpu.memory_space<semaphore_mem>>)
        %add3A_1583 = arith.constant 400 : i32
        %add3A_1584 = arith.addi %mul3A_3, %add3A_1583 : i32
        %dma_start3A_1585 = arith.constant 0 : i32
        %dma_start3A_1586 = arith.constant 0 : i32
        %dma_start3A_1587 = tpu.memref_slice %arg7[%cond3A, %dma_start3A_1585, %dma_start3A_1586] : memref<3x80x128xf32, #tpu.memory_space<vmem>> -> memref<1x16x128xf32, #tpu.memory_space<vmem>>
        %dma_start3A_1588 = tpu.memref_squeeze %dma_start3A_1587 : memref<1x16x128xf32, #tpu.memory_space<vmem>> -> memref<16x128xf32, #tpu.memory_space<vmem>>
        %dma_start3A_1589 = arith.constant 0 : i32
        %dma_start3A_1590 = tpu.memref_slice %arg8[%add3A_1584, %dma_start3A_1589] : memref<10000x128xf32, #tpu.memory_space<vmem_shared>> -> memref<16x128xf32, #tpu.memory_space<vmem_shared>>
        %dma_start3A_1591 = arith.constant 0 : i32
        %dma_start3A_1592 = tpu.memref_slice %arg8[%add3A_1584, %dma_start3A_1591] : memref<10000x128xf32, #tpu.memory_space<vmem_shared>> -> memref<16x128xf32, #tpu.memory_space<vmem_shared>>
        %dma_start3A_1593 = arith.constant 0 : i32
        %dma_start3A_1594 = arith.constant 0 : i32
        %dma_start3A_1595 = tpu.memref_slice %arg7[%cond3A, %dma_start3A_1593, %dma_start3A_1594] : memref<3x80x128xf32, #tpu.memory_space<vmem>> -> memref<1x16x128xf32, #tpu.memory_space<vmem>>
        %dma_start3A_1596 = tpu.memref_squeeze %dma_start3A_1595 : memref<1x16x128xf32, #tpu.memory_space<vmem>> -> memref<16x128xf32, #tpu.memory_space<vmem>>
        tpu.enqueue_dma source(%dma_start3A_1596 : memref<16x128xf32, #tpu.memory_space<vmem>>) target(%dma_start3A_1592 : memref<16x128xf32, #tpu.memory_space<vmem_shared>>) target_semaphore(%arg9 : memref<!tpu.dma_semaphore, #tpu.memory_space<semaphore_mem>>)
        %add3A_1597 = arith.constant 416 : i32
        %add3A_1598 = arith.addi %mul3A_3, %add3A_1597 : i32
        %dma_start3A_1599 = arith.constant 0 : i32
        %dma_start3A_1600 = arith.constant 0 : i32
        %dma_start3A_1601 = tpu.memref_slice %arg7[%cond3A, %dma_start3A_1599, %dma_start3A_1600] : memref<3x80x128xf32, #tpu.memory_space<vmem>> -> memref<1x16x128xf32, #tpu.memory_space<vmem>>
        %dma_start3A_1602 = tpu.memref_squeeze %dma_start3A_1601 : memref<1x16x128xf32, #tpu.memory_space<vmem>> -> memref<16x128xf32, #tpu.memory_space<vmem>>
        %dma_start3A_1603 = arith.constant 0 : i32
        %dma_start3A_1604 = tpu.memref_slice %arg8[%add3A_1598, %dma_start3A_1603] : memref<10000x128xf32, #tpu.memory_space<vmem_shared>> -> memref<16x128xf32, #tpu.memory_space<vmem_shared>>
        %dma_start3A_1605 = arith.constant 0 : i32
        %dma_start3A_1606 = tpu.memref_slice %arg8[%add3A_1598, %dma_start3A_1605] : memref<10000x128xf32, #tpu.memory_space<vmem_shared>> -> memref<16x128xf32, #tpu.memory_space<vmem_shared>>
        %dma_start3A_1607 = arith.constant 0 : i32
        %dma_start3A_1608 = arith.constant 0 : i32
        %dma_start3A_1609 = tpu.memref_slice %arg7[%cond3A, %dma_start3A_1607, %dma_start3A_1608] : memref<3x80x128xf32, #tpu.memory_space<vmem>> -> memref<1x16x128xf32, #tpu.memory_space<vmem>>
        %dma_start3A_1610 = tpu.memref_squeeze %dma_start3A_1609 : memref<1x16x128xf32, #tpu.memory_space<vmem>> -> memref<16x128xf32, #tpu.memory_space<vmem>>
        tpu.enqueue_dma source(%dma_start3A_1610 : memref<16x128xf32, #tpu.memory_space<vmem>>) target(%dma_start3A_1606 : memref<16x128xf32, #tpu.memory_space<vmem_shared>>) target_semaphore(%arg9 : memref<!tpu.dma_semaphore, #tpu.memory_space<semaphore_mem>>)
        %add3A_1611 = arith.constant 432 : i32
        %add3A_1612 = arith.addi %mul3A_3, %add3A_1611 : i32
        %dma_start3A_1613 = arith.constant 0 : i32
        %dma_start3A_1614 = arith.constant 0 : i32
        %dma_start3A_1615 = tpu.memref_slice %arg7[%cond3A, %dma_start3A_1613, %dma_start3A_1614] : memref<3x80x128xf32, #tpu.memory_space<vmem>> -> memref<1x16x128xf32, #tpu.memory_space<vmem>>
        %dma_start3A_1616 = tpu.memref_squeeze %dma_start3A_1615 : memref<1x16x128xf32, #tpu.memory_space<vmem>> -> memref<16x128xf32, #tpu.memory_space<vmem>>
        %dma_start3A_1617 = arith.constant 0 : i32
        %dma_start3A_1618 = tpu.memref_slice %arg8[%add3A_1612, %dma_start3A_1617] : memref<10000x128xf32, #tpu.memory_space<vmem_shared>> -> memref<16x128xf32, #tpu.memory_space<vmem_shared>>
        %dma_start3A_1619 = arith.constant 0 : i32
        %dma_start3A_1620 = tpu.memref_slice %arg8[%add3A_1612, %dma_start3A_1619] : memref<10000x128xf32, #tpu.memory_space<vmem_shared>> -> memref<16x128xf32, #tpu.memory_space<vmem_shared>>
        %dma_start3A_1621 = arith.constant 0 : i32
        %dma_start3A_1622 = arith.constant 0 : i32
        %dma_start3A_1623 = tpu.memref_slice %arg7[%cond3A, %dma_start3A_1621, %dma_start3A_1622] : memref<3x80x128xf32, #tpu.memory_space<vmem>> -> memref<1x16x128xf32, #tpu.memory_space<vmem>>
        %dma_start3A_1624 = tpu.memref_squeeze %dma_start3A_1623 : memref<1x16x128xf32, #tpu.memory_space<vmem>> -> memref<16x128xf32, #tpu.memory_space<vmem>>
        tpu.enqueue_dma source(%dma_start3A_1624 : memref<16x128xf32, #tpu.memory_space<vmem>>) target(%dma_start3A_1620 : memref<16x128xf32, #tpu.memory_space<vmem_shared>>) target_semaphore(%arg9 : memref<!tpu.dma_semaphore, #tpu.memory_space<semaphore_mem>>)
        %add3A_1625 = arith.constant 448 : i32
        %add3A_1626 = arith.addi %mul3A_3, %add3A_1625 : i32
        %dma_start3A_1627 = arith.constant 0 : i32
        %dma_start3A_1628 = arith.constant 0 : i32
        %dma_start3A_1629 = tpu.memref_slice %arg7[%cond3A, %dma_start3A_1627, %dma_start3A_1628] : memref<3x80x128xf32, #tpu.memory_space<vmem>> -> memref<1x16x128xf32, #tpu.memory_space<vmem>>
        %dma_start3A_1630 = tpu.memref_squeeze %dma_start3A_1629 : memref<1x16x128xf32, #tpu.memory_space<vmem>> -> memref<16x128xf32, #tpu.memory_space<vmem>>
        %dma_start3A_1631 = arith.constant 0 : i32
        %dma_start3A_1632 = tpu.memref_slice %arg8[%add3A_1626, %dma_start3A_1631] : memref<10000x128xf32, #tpu.memory_space<vmem_shared>> -> memref<16x128xf32, #tpu.memory_space<vmem_shared>>
        %dma_start3A_1633 = arith.constant 0 : i32
        %dma_start3A_1634 = tpu.memref_slice %arg8[%add3A_1626, %dma_start3A_1633] : memref<10000x128xf32, #tpu.memory_space<vmem_shared>> -> memref<16x128xf32, #tpu.memory_space<vmem_shared>>
        %dma_start3A_1635 = arith.constant 0 : i32
        %dma_start3A_1636 = arith.constant 0 : i32
        %dma_start3A_1637 = tpu.memref_slice %arg7[%cond3A, %dma_start3A_1635, %dma_start3A_1636] : memref<3x80x128xf32, #tpu.memory_space<vmem>> -> memref<1x16x128xf32, #tpu.memory_space<vmem>>
        %dma_start3A_1638 = tpu.memref_squeeze %dma_start3A_1637 : memref<1x16x128xf32, #tpu.memory_space<vmem>> -> memref<16x128xf32, #tpu.memory_space<vmem>>
        tpu.enqueue_dma source(%dma_start3A_1638 : memref<16x128xf32, #tpu.memory_space<vmem>>) target(%dma_start3A_1634 : memref<16x128xf32, #tpu.memory_space<vmem_shared>>) target_semaphore(%arg9 : memref<!tpu.dma_semaphore, #tpu.memory_space<semaphore_mem>>)
        %add3A_1639 = arith.constant 464 : i32
        %add3A_1640 = arith.addi %mul3A_3, %add3A_1639 : i32
        %dma_start3A_1641 = arith.constant 0 : i32
        %dma_start3A_1642 = arith.constant 0 : i32
        %dma_start3A_1643 = tpu.memref_slice %arg7[%cond3A, %dma_start3A_1641, %dma_start3A_1642] : memref<3x80x128xf32, #tpu.memory_space<vmem>> -> memref<1x16x128xf32, #tpu.memory_space<vmem>>
        %dma_start3A_1644 = tpu.memref_squeeze %dma_start3A_1643 : memref<1x16x128xf32, #tpu.memory_space<vmem>> -> memref<16x128xf32, #tpu.memory_space<vmem>>
        %dma_start3A_1645 = arith.constant 0 : i32
        %dma_start3A_1646 = tpu.memref_slice %arg8[%add3A_1640, %dma_start3A_1645] : memref<10000x128xf32, #tpu.memory_space<vmem_shared>> -> memref<16x128xf32, #tpu.memory_space<vmem_shared>>
        %dma_start3A_1647 = arith.constant 0 : i32
        %dma_start3A_1648 = tpu.memref_slice %arg8[%add3A_1640, %dma_start3A_1647] : memref<10000x128xf32, #tpu.memory_space<vmem_shared>> -> memref<16x128xf32, #tpu.memory_space<vmem_shared>>
        %dma_start3A_1649 = arith.constant 0 : i32
        %dma_start3A_1650 = arith.constant 0 : i32
        %dma_start3A_1651 = tpu.memref_slice %arg7[%cond3A, %dma_start3A_1649, %dma_start3A_1650] : memref<3x80x128xf32, #tpu.memory_space<vmem>> -> memref<1x16x128xf32, #tpu.memory_space<vmem>>
        %dma_start3A_1652 = tpu.memref_squeeze %dma_start3A_1651 : memref<1x16x128xf32, #tpu.memory_space<vmem>> -> memref<16x128xf32, #tpu.memory_space<vmem>>
        tpu.enqueue_dma source(%dma_start3A_1652 : memref<16x128xf32, #tpu.memory_space<vmem>>) target(%dma_start3A_1648 : memref<16x128xf32, #tpu.memory_space<vmem_shared>>) target_semaphore(%arg9 : memref<!tpu.dma_semaphore, #tpu.memory_space<semaphore_mem>>)
        %add3A_1653 = arith.constant 480 : i32
        %add3A_1654 = arith.addi %mul3A_3, %add3A_1653 : i32
        %dma_start3A_1655 = arith.constant 0 : i32
        %dma_start3A_1656 = arith.constant 0 : i32
        %dma_start3A_1657 = tpu.memref_slice %arg7[%cond3A, %dma_start3A_1655, %dma_start3A_1656] : memref<3x80x128xf32, #tpu.memory_space<vmem>> -> memref<1x16x128xf32, #tpu.memory_space<vmem>>
        %dma_start3A_1658 = tpu.memref_squeeze %dma_start3A_1657 : memref<1x16x128xf32, #tpu.memory_space<vmem>> -> memref<16x128xf32, #tpu.memory_space<vmem>>
        %dma_start3A_1659 = arith.constant 0 : i32
        %dma_start3A_1660 = tpu.memref_slice %arg8[%add3A_1654, %dma_start3A_1659] : memref<10000x128xf32, #tpu.memory_space<vmem_shared>> -> memref<16x128xf32, #tpu.memory_space<vmem_shared>>
        %dma_start3A_1661 = arith.constant 0 : i32
        %dma_start3A_1662 = tpu.memref_slice %arg8[%add3A_1654, %dma_start3A_1661] : memref<10000x128xf32, #tpu.memory_space<vmem_shared>> -> memref<16x128xf32, #tpu.memory_space<vmem_shared>>
        %dma_start3A_1663 = arith.constant 0 : i32
        %dma_start3A_1664 = arith.constant 0 : i32
        %dma_start3A_1665 = tpu.memref_slice %arg7[%cond3A, %dma_start3A_1663, %dma_start3A_1664] : memref<3x80x128xf32, #tpu.memory_space<vmem>> -> memref<1x16x128xf32, #tpu.memory_space<vmem>>
        %dma_start3A_1666 = tpu.memref_squeeze %dma_start3A_1665 : memref<1x16x128xf32, #tpu.memory_space<vmem>> -> memref<16x128xf32, #tpu.memory_space<vmem>>
        tpu.enqueue_dma source(%dma_start3A_1666 : memref<16x128xf32, #tpu.memory_space<vmem>>) target(%dma_start3A_1662 : memref<16x128xf32, #tpu.memory_space<vmem_shared>>) target_semaphore(%arg9 : memref<!tpu.dma_semaphore, #tpu.memory_space<semaphore_mem>>)
        %add3A_1667 = arith.constant 496 : i32
        %add3A_1668 = arith.addi %mul3A_3, %add3A_1667 : i32
        %dma_start3A_1669 = arith.constant 0 : i32
        %dma_start3A_1670 = arith.constant 0 : i32
        %dma_start3A_1671 = tpu.memref_slice %arg7[%cond3A, %dma_start3A_1669, %dma_start3A_1670] : memref<3x80x128xf32, #tpu.memory_space<vmem>> -> memref<1x16x128xf32, #tpu.memory_space<vmem>>
        %dma_start3A_1672 = tpu.memref_squeeze %dma_start3A_1671 : memref<1x16x128xf32, #tpu.memory_space<vmem>> -> memref<16x128xf32, #tpu.memory_space<vmem>>
        %dma_start3A_1673 = arith.constant 0 : i32
        %dma_start3A_1674 = tpu.memref_slice %arg8[%add3A_1668, %dma_start3A_1673] : memref<10000x128xf32, #tpu.memory_space<vmem_shared>> -> memref<16x128xf32, #tpu.memory_space<vmem_shared>>
        %dma_start3A_1675 = arith.constant 0 : i32
        %dma_start3A_1676 = tpu.memref_slice %arg8[%add3A_1668, %dma_start3A_1675] : memref<10000x128xf32, #tpu.memory_space<vmem_shared>> -> memref<16x128xf32, #tpu.memory_space<vmem_shared>>
        %dma_start3A_1677 = arith.constant 0 : i32
        %dma_start3A_1678 = arith.constant 0 : i32
        %dma_start3A_1679 = tpu.memref_slice %arg7[%cond3A, %dma_start3A_1677, %dma_start3A_1678] : memref<3x80x128xf32, #tpu.memory_space<vmem>> -> memref<1x16x128xf32, #tpu.memory_space<vmem>>
        %dma_start3A_1680 = tpu.memref_squeeze %dma_start3A_1679 : memref<1x16x128xf32, #tpu.memory_space<vmem>> -> memref<16x128xf32, #tpu.memory_space<vmem>>
        tpu.enqueue_dma source(%dma_start3A_1680 : memref<16x128xf32, #tpu.memory_space<vmem>>) target(%dma_start3A_1676 : memref<16x128xf32, #tpu.memory_space<vmem_shared>>) target_semaphore(%arg9 : memref<!tpu.dma_semaphore, #tpu.memory_space<semaphore_mem>>)
        %add3A_1681 = arith.constant 512 : i32
        %add3A_1682 = arith.addi %mul3A_3, %add3A_1681 : i32
        %dma_start3A_1683 = arith.constant 0 : i32
        %dma_start3A_1684 = arith.constant 0 : i32
        %dma_start3A_1685 = tpu.memref_slice %arg7[%cond3A, %dma_start3A_1683, %dma_start3A_1684] : memref<3x80x128xf32, #tpu.memory_space<vmem>> -> memref<1x16x128xf32, #tpu.memory_space<vmem>>
        %dma_start3A_1686 = tpu.memref_squeeze %dma_start3A_1685 : memref<1x16x128xf32, #tpu.memory_space<vmem>> -> memref<16x128xf32, #tpu.memory_space<vmem>>
        %dma_start3A_1687 = arith.constant 0 : i32
        %dma_start3A_1688 = tpu.memref_slice %arg8[%add3A_1682, %dma_start3A_1687] : memref<10000x128xf32, #tpu.memory_space<vmem_shared>> -> memref<16x128xf32, #tpu.memory_space<vmem_shared>>
        %dma_start3A_1689 = arith.constant 0 : i32
        %dma_start3A_1690 = tpu.memref_slice %arg8[%add3A_1682, %dma_start3A_1689] : memref<10000x128xf32, #tpu.memory_space<vmem_shared>> -> memref<16x128xf32, #tpu.memory_space<vmem_shared>>
        %dma_start3A_1691 = arith.constant 0 : i32
        %dma_start3A_1692 = arith.constant 0 : i32
        %dma_start3A_1693 = tpu.memref_slice %arg7[%cond3A, %dma_start3A_1691, %dma_start3A_1692] : memref<3x80x128xf32, #tpu.memory_space<vmem>> -> memref<1x16x128xf32, #tpu.memory_space<vmem>>
        %dma_start3A_1694 = tpu.memref_squeeze %dma_start3A_1693 : memref<1x16x128xf32, #tpu.memory_space<vmem>> -> memref<16x128xf32, #tpu.memory_space<vmem>>
        tpu.enqueue_dma source(%dma_start3A_1694 : memref<16x128xf32, #tpu.memory_space<vmem>>) target(%dma_start3A_1690 : memref<16x128xf32, #tpu.memory_space<vmem_shared>>) target_semaphore(%arg9 : memref<!tpu.dma_semaphore, #tpu.memory_space<semaphore_mem>>)
        %add3A_1695 = arith.constant 528 : i32
        %add3A_1696 = arith.addi %mul3A_3, %add3A_1695 : i32
        %dma_start3A_1697 = arith.constant 0 : i32
        %dma_start3A_1698 = arith.constant 0 : i32
        %dma_start3A_1699 = tpu.memref_slice %arg7[%cond3A, %dma_start3A_1697, %dma_start3A_1698] : memref<3x80x128xf32, #tpu.memory_space<vmem>> -> memref<1x16x128xf32, #tpu.memory_space<vmem>>
        %dma_start3A_1700 = tpu.memref_squeeze %dma_start3A_1699 : memref<1x16x128xf32, #tpu.memory_space<vmem>> -> memref<16x128xf32, #tpu.memory_space<vmem>>
        %dma_start3A_1701 = arith.constant 0 : i32
        %dma_start3A_1702 = tpu.memref_slice %arg8[%add3A_1696, %dma_start3A_1701] : memref<10000x128xf32, #tpu.memory_space<vmem_shared>> -> memref<16x128xf32, #tpu.memory_space<vmem_shared>>
        %dma_start3A_1703 = arith.constant 0 : i32
        %dma_start3A_1704 = tpu.memref_slice %arg8[%add3A_1696, %dma_start3A_1703] : memref<10000x128xf32, #tpu.memory_space<vmem_shared>> -> memref<16x128xf32, #tpu.memory_space<vmem_shared>>
        %dma_start3A_1705 = arith.constant 0 : i32
        %dma_start3A_1706 = arith.constant 0 : i32
        %dma_start3A_1707 = tpu.memref_slice %arg7[%cond3A, %dma_start3A_1705, %dma_start3A_1706] : memref<3x80x128xf32, #tpu.memory_space<vmem>> -> memref<1x16x128xf32, #tpu.memory_space<vmem>>
        %dma_start3A_1708 = tpu.memref_squeeze %dma_start3A_1707 : memref<1x16x128xf32, #tpu.memory_space<vmem>> -> memref<16x128xf32, #tpu.memory_space<vmem>>
        tpu.enqueue_dma source(%dma_start3A_1708 : memref<16x128xf32, #tpu.memory_space<vmem>>) target(%dma_start3A_1704 : memref<16x128xf32, #tpu.memory_space<vmem_shared>>) target_semaphore(%arg9 : memref<!tpu.dma_semaphore, #tpu.memory_space<semaphore_mem>>)
        %add3A_1709 = arith.constant 544 : i32
        %add3A_1710 = arith.addi %mul3A_3, %add3A_1709 : i32
        %dma_start3A_1711 = arith.constant 0 : i32
        %dma_start3A_1712 = arith.constant 0 : i32
        %dma_start3A_1713 = tpu.memref_slice %arg7[%cond3A, %dma_start3A_1711, %dma_start3A_1712] : memref<3x80x128xf32, #tpu.memory_space<vmem>> -> memref<1x16x128xf32, #tpu.memory_space<vmem>>
        %dma_start3A_1714 = tpu.memref_squeeze %dma_start3A_1713 : memref<1x16x128xf32, #tpu.memory_space<vmem>> -> memref<16x128xf32, #tpu.memory_space<vmem>>
        %dma_start3A_1715 = arith.constant 0 : i32
        %dma_start3A_1716 = tpu.memref_slice %arg8[%add3A_1710, %dma_start3A_1715] : memref<10000x128xf32, #tpu.memory_space<vmem_shared>> -> memref<16x128xf32, #tpu.memory_space<vmem_shared>>
        %dma_start3A_1717 = arith.constant 0 : i32
        %dma_start3A_1718 = tpu.memref_slice %arg8[%add3A_1710, %dma_start3A_1717] : memref<10000x128xf32, #tpu.memory_space<vmem_shared>> -> memref<16x128xf32, #tpu.memory_space<vmem_shared>>
        %dma_start3A_1719 = arith.constant 0 : i32
        %dma_start3A_1720 = arith.constant 0 : i32
        %dma_start3A_1721 = tpu.memref_slice %arg7[%cond3A, %dma_start3A_1719, %dma_start3A_1720] : memref<3x80x128xf32, #tpu.memory_space<vmem>> -> memref<1x16x128xf32, #tpu.memory_space<vmem>>
        %dma_start3A_1722 = tpu.memref_squeeze %dma_start3A_1721 : memref<1x16x128xf32, #tpu.memory_space<vmem>> -> memref<16x128xf32, #tpu.memory_space<vmem>>
        tpu.enqueue_dma source(%dma_start3A_1722 : memref<16x128xf32, #tpu.memory_space<vmem>>) target(%dma_start3A_1718 : memref<16x128xf32, #tpu.memory_space<vmem_shared>>) target_semaphore(%arg9 : memref<!tpu.dma_semaphore, #tpu.memory_space<semaphore_mem>>)
        %add3A_1723 = arith.constant 560 : i32
        %add3A_1724 = arith.addi %mul3A_3, %add3A_1723 : i32
        %dma_start3A_1725 = arith.constant 0 : i32
        %dma_start3A_1726 = arith.constant 0 : i32
        %dma_start3A_1727 = tpu.memref_slice %arg7[%cond3A, %dma_start3A_1725, %dma_start3A_1726] : memref<3x80x128xf32, #tpu.memory_space<vmem>> -> memref<1x16x128xf32, #tpu.memory_space<vmem>>
        %dma_start3A_1728 = tpu.memref_squeeze %dma_start3A_1727 : memref<1x16x128xf32, #tpu.memory_space<vmem>> -> memref<16x128xf32, #tpu.memory_space<vmem>>
        %dma_start3A_1729 = arith.constant 0 : i32
        %dma_start3A_1730 = tpu.memref_slice %arg8[%add3A_1724, %dma_start3A_1729] : memref<10000x128xf32, #tpu.memory_space<vmem_shared>> -> memref<16x128xf32, #tpu.memory_space<vmem_shared>>
        %dma_start3A_1731 = arith.constant 0 : i32
        %dma_start3A_1732 = tpu.memref_slice %arg8[%add3A_1724, %dma_start3A_1731] : memref<10000x128xf32, #tpu.memory_space<vmem_shared>> -> memref<16x128xf32, #tpu.memory_space<vmem_shared>>
        %dma_start3A_1733 = arith.constant 0 : i32
        %dma_start3A_1734 = arith.constant 0 : i32
        %dma_start3A_1735 = tpu.memref_slice %arg7[%cond3A, %dma_start3A_1733, %dma_start3A_1734] : memref<3x80x128xf32, #tpu.memory_space<vmem>> -> memref<1x16x128xf32, #tpu.memory_space<vmem>>
        %dma_start3A_1736 = tpu.memref_squeeze %dma_start3A_1735 : memref<1x16x128xf32, #tpu.memory_space<vmem>> -> memref<16x128xf32, #tpu.memory_space<vmem>>
        tpu.enqueue_dma source(%dma_start3A_1736 : memref<16x128xf32, #tpu.memory_space<vmem>>) target(%dma_start3A_1732 : memref<16x128xf32, #tpu.memory_space<vmem_shared>>) target_semaphore(%arg9 : memref<!tpu.dma_semaphore, #tpu.memory_space<semaphore_mem>>)
        %add3A_1737 = arith.constant 576 : i32
        %add3A_1738 = arith.addi %mul3A_3, %add3A_1737 : i32
        %dma_start3A_1739 = arith.constant 0 : i32
        %dma_start3A_1740 = arith.constant 0 : i32
        %dma_start3A_1741 = tpu.memref_slice %arg7[%cond3A, %dma_start3A_1739, %dma_start3A_1740] : memref<3x80x128xf32, #tpu.memory_space<vmem>> -> memref<1x16x128xf32, #tpu.memory_space<vmem>>
        %dma_start3A_1742 = tpu.memref_squeeze %dma_start3A_1741 : memref<1x16x128xf32, #tpu.memory_space<vmem>> -> memref<16x128xf32, #tpu.memory_space<vmem>>
        %dma_start3A_1743 = arith.constant 0 : i32
        %dma_start3A_1744 = tpu.memref_slice %arg8[%add3A_1738, %dma_start3A_1743] : memref<10000x128xf32, #tpu.memory_space<vmem_shared>> -> memref<16x128xf32, #tpu.memory_space<vmem_shared>>
        %dma_start3A_1745 = arith.constant 0 : i32
        %dma_start3A_1746 = tpu.memref_slice %arg8[%add3A_1738, %dma_start3A_1745] : memref<10000x128xf32, #tpu.memory_space<vmem_shared>> -> memref<16x128xf32, #tpu.memory_space<vmem_shared>>
        %dma_start3A_1747 = arith.constant 0 : i32
        %dma_start3A_1748 = arith.constant 0 : i32
        %dma_start3A_1749 = tpu.memref_slice %arg7[%cond3A, %dma_start3A_1747, %dma_start3A_1748] : memref<3x80x128xf32, #tpu.memory_space<vmem>> -> memref<1x16x128xf32, #tpu.memory_space<vmem>>
        %dma_start3A_1750 = tpu.memref_squeeze %dma_start3A_1749 : memref<1x16x128xf32, #tpu.memory_space<vmem>> -> memref<16x128xf32, #tpu.memory_space<vmem>>
        tpu.enqueue_dma source(%dma_start3A_1750 : memref<16x128xf32, #tpu.memory_space<vmem>>) target(%dma_start3A_1746 : memref<16x128xf32, #tpu.memory_space<vmem_shared>>) target_semaphore(%arg9 : memref<!tpu.dma_semaphore, #tpu.memory_space<semaphore_mem>>)
        %add3A_1751 = arith.constant 592 : i32
        %add3A_1752 = arith.addi %mul3A_3, %add3A_1751 : i32
        %dma_start3A_1753 = arith.constant 0 : i32
        %dma_start3A_1754 = arith.constant 0 : i32
        %dma_start3A_1755 = tpu.memref_slice %arg7[%cond3A, %dma_start3A_1753, %dma_start3A_1754] : memref<3x80x128xf32, #tpu.memory_space<vmem>> -> memref<1x16x128xf32, #tpu.memory_space<vmem>>
        %dma_start3A_1756 = tpu.memref_squeeze %dma_start3A_1755 : memref<1x16x128xf32, #tpu.memory_space<vmem>> -> memref<16x128xf32, #tpu.memory_space<vmem>>
        %dma_start3A_1757 = arith.constant 0 : i32
        %dma_start3A_1758 = tpu.memref_slice %arg8[%add3A_1752, %dma_start3A_1757] : memref<10000x128xf32, #tpu.memory_space<vmem_shared>> -> memref<16x128xf32, #tpu.memory_space<vmem_shared>>
        %dma_start3A_1759 = arith.constant 0 : i32
        %dma_start3A_1760 = tpu.memref_slice %arg8[%add3A_1752, %dma_start3A_1759] : memref<10000x128xf32, #tpu.memory_space<vmem_shared>> -> memref<16x128xf32, #tpu.memory_space<vmem_shared>>
        %dma_start3A_1761 = arith.constant 0 : i32
        %dma_start3A_1762 = arith.constant 0 : i32
        %dma_start3A_1763 = tpu.memref_slice %arg7[%cond3A, %dma_start3A_1761, %dma_start3A_1762] : memref<3x80x128xf32, #tpu.memory_space<vmem>> -> memref<1x16x128xf32, #tpu.memory_space<vmem>>
        %dma_start3A_1764 = tpu.memref_squeeze %dma_start3A_1763 : memref<1x16x128xf32, #tpu.memory_space<vmem>> -> memref<16x128xf32, #tpu.memory_space<vmem>>
        tpu.enqueue_dma source(%dma_start3A_1764 : memref<16x128xf32, #tpu.memory_space<vmem>>) target(%dma_start3A_1760 : memref<16x128xf32, #tpu.memory_space<vmem_shared>>) target_semaphore(%arg9 : memref<!tpu.dma_semaphore, #tpu.memory_space<semaphore_mem>>)
        %add3A_1765 = arith.constant 608 : i32
        %add3A_1766 = arith.addi %mul3A_3, %add3A_1765 : i32
        %dma_start3A_1767 = arith.constant 0 : i32
        %dma_start3A_1768 = arith.constant 0 : i32
        %dma_start3A_1769 = tpu.memref_slice %arg7[%cond3A, %dma_start3A_1767, %dma_start3A_1768] : memref<3x80x128xf32, #tpu.memory_space<vmem>> -> memref<1x16x128xf32, #tpu.memory_space<vmem>>
        %dma_start3A_1770 = tpu.memref_squeeze %dma_start3A_1769 : memref<1x16x128xf32, #tpu.memory_space<vmem>> -> memref<16x128xf32, #tpu.memory_space<vmem>>
        %dma_start3A_1771 = arith.constant 0 : i32
        %dma_start3A_1772 = tpu.memref_slice %arg8[%add3A_1766, %dma_start3A_1771] : memref<10000x128xf32, #tpu.memory_space<vmem_shared>> -> memref<16x128xf32, #tpu.memory_space<vmem_shared>>
        %dma_start3A_1773 = arith.constant 0 : i32
        %dma_start3A_1774 = tpu.memref_slice %arg8[%add3A_1766, %dma_start3A_1773] : memref<10000x128xf32, #tpu.memory_space<vmem_shared>> -> memref<16x128xf32, #tpu.memory_space<vmem_shared>>
        %dma_start3A_1775 = arith.constant 0 : i32
        %dma_start3A_1776 = arith.constant 0 : i32
        %dma_start3A_1777 = tpu.memref_slice %arg7[%cond3A, %dma_start3A_1775, %dma_start3A_1776] : memref<3x80x128xf32, #tpu.memory_space<vmem>> -> memref<1x16x128xf32, #tpu.memory_space<vmem>>
        %dma_start3A_1778 = tpu.memref_squeeze %dma_start3A_1777 : memref<1x16x128xf32, #tpu.memory_space<vmem>> -> memref<16x128xf32, #tpu.memory_space<vmem>>
        tpu.enqueue_dma source(%dma_start3A_1778 : memref<16x128xf32, #tpu.memory_space<vmem>>) target(%dma_start3A_1774 : memref<16x128xf32, #tpu.memory_space<vmem_shared>>) target_semaphore(%arg9 : memref<!tpu.dma_semaphore, #tpu.memory_space<semaphore_mem>>)
        %dma_wait3A_1779 = arith.constant 0 : i32
        %dma_wait3A_1780 = arith.constant 0 : i32
        %dma_wait3A_1781 = tpu.memref_slice %arg7[%cond3A, %dma_wait3A_1779, %dma_wait3A_1780] : memref<3x80x128xf32, #tpu.memory_space<vmem>> -> memref<1x16x128xf32, #tpu.memory_space<vmem>>
        %dma_wait3A_1782 = tpu.memref_squeeze %dma_wait3A_1781 : memref<1x16x128xf32, #tpu.memory_space<vmem>> -> memref<16x128xf32, #tpu.memory_space<vmem>>
        %dma_wait3A_1783 = arith.constant 0 : i32
        %dma_wait3A_1784 = arith.constant 0 : i32
        %dma_wait3A_1785 = tpu.memref_slice %arg8[%dma_wait3A_1783, %dma_wait3A_1784] : memref<10000x128xf32, #tpu.memory_space<vmem_shared>> -> memref<16x128xf32, #tpu.memory_space<vmem_shared>>
        %dma_wait3A_1786 = arith.constant 0 : i32
        %dma_wait3A_1787 = arith.constant 0 : i32
        %dma_wait3A_1788 = tpu.memref_slice %arg8[%dma_wait3A_1786, %dma_wait3A_1787] : memref<10000x128xf32, #tpu.memory_space<vmem_shared>> -> memref<16x128xf32, #tpu.memory_space<vmem_shared>>
        %dma_wait3A_1789 = arith.constant 0 : i32
        %dma_wait3A_1790 = arith.constant 0 : i32
        %dma_wait3A_1791 = tpu.memref_slice %arg7[%cond3A, %dma_wait3A_1789, %dma_wait3A_1790] : memref<3x80x128xf32, #tpu.memory_space<vmem>> -> memref<1x16x128xf32, #tpu.memory_space<vmem>>
        %dma_wait3A_1792 = tpu.memref_squeeze %dma_wait3A_1791 : memref<1x16x128xf32, #tpu.memory_space<vmem>> -> memref<16x128xf32, #tpu.memory_space<vmem>>
        tpu.wait_dma2 semaphore(%arg9 : memref<!tpu.dma_semaphore, #tpu.memory_space<semaphore_mem>>) src(%dma_wait3A_1792 : memref<16x128xf32, #tpu.memory_space<vmem>>) dst(%dma_wait3A_1788 : memref<16x128xf32, #tpu.memory_space<vmem_shared>>)
        %dma_wait3A_1793 = arith.constant 0 : i32
        %dma_wait3A_1794 = arith.constant 0 : i32
        %dma_wait3A_1795 = tpu.memref_slice %arg7[%cond3A, %dma_wait3A_1793, %dma_wait3A_1794] : memref<3x80x128xf32, #tpu.memory_space<vmem>> -> memref<1x16x128xf32, #tpu.memory_space<vmem>>
        %dma_wait3A_1796 = tpu.memref_squeeze %dma_wait3A_1795 : memref<1x16x128xf32, #tpu.memory_space<vmem>> -> memref<16x128xf32, #tpu.memory_space<vmem>>
        %dma_wait3A_1797 = arith.constant 0 : i32
        %dma_wait3A_1798 = arith.constant 0 : i32
        %dma_wait3A_1799 = tpu.memref_slice %arg8[%dma_wait3A_1797, %dma_wait3A_1798] : memref<10000x128xf32, #tpu.memory_space<vmem_shared>> -> memref<16x128xf32, #tpu.memory_space<vmem_shared>>
        %dma_wait3A_1800 = arith.constant 0 : i32
        %dma_wait3A_1801 = arith.constant 0 : i32
        %dma_wait3A_1802 = tpu.memref_slice %arg8[%dma_wait3A_1800, %dma_wait3A_1801] : memref<10000x128xf32, #tpu.memory_space<vmem_shared>> -> memref<16x128xf32, #tpu.memory_space<vmem_shared>>
        %dma_wait3A_1803 = arith.constant 0 : i32
        %dma_wait3A_1804 = arith.constant 0 : i32
        %dma_wait3A_1805 = tpu.memref_slice %arg7[%cond3A, %dma_wait3A_1803, %dma_wait3A_1804] : memref<3x80x128xf32, #tpu.memory_space<vmem>> -> memref<1x16x128xf32, #tpu.memory_space<vmem>>
        %dma_wait3A_1806 = tpu.memref_squeeze %dma_wait3A_1805 : memref<1x16x128xf32, #tpu.memory_space<vmem>> -> memref<16x128xf32, #tpu.memory_space<vmem>>
        tpu.wait_dma2 semaphore(%arg9 : memref<!tpu.dma_semaphore, #tpu.memory_space<semaphore_mem>>) src(%dma_wait3A_1806 : memref<16x128xf32, #tpu.memory_space<vmem>>) dst(%dma_wait3A_1802 : memref<16x128xf32, #tpu.memory_space<vmem_shared>>)
        %dma_wait3A_1807 = arith.constant 0 : i32
        %dma_wait3A_1808 = arith.constant 0 : i32
        %dma_wait3A_1809 = tpu.memref_slice %arg7[%cond3A, %dma_wait3A_1807, %dma_wait3A_1808] : memref<3x80x128xf32, #tpu.memory_space<vmem>> -> memref<1x16x128xf32, #tpu.memory_space<vmem>>
        %dma_wait3A_1810 = tpu.memref_squeeze %dma_wait3A_1809 : memref<1x16x128xf32, #tpu.memory_space<vmem>> -> memref<16x128xf32, #tpu.memory_space<vmem>>
        %dma_wait3A_1811 = arith.constant 0 : i32
        %dma_wait3A_1812 = arith.constant 0 : i32
        %dma_wait3A_1813 = tpu.memref_slice %arg8[%dma_wait3A_1811, %dma_wait3A_1812] : memref<10000x128xf32, #tpu.memory_space<vmem_shared>> -> memref<16x128xf32, #tpu.memory_space<vmem_shared>>
        %dma_wait3A_1814 = arith.constant 0 : i32
        %dma_wait3A_1815 = arith.constant 0 : i32
        %dma_wait3A_1816 = tpu.memref_slice %arg8[%dma_wait3A_1814, %dma_wait3A_1815] : memref<10000x128xf32, #tpu.memory_space<vmem_shared>> -> memref<16x128xf32, #tpu.memory_space<vmem_shared>>
        %dma_wait3A_1817 = arith.constant 0 : i32
        %dma_wait3A_1818 = arith.constant 0 : i32
        %dma_wait3A_1819 = tpu.memref_slice %arg7[%cond3A, %dma_wait3A_1817, %dma_wait3A_1818] : memref<3x80x128xf32, #tpu.memory_space<vmem>> -> memref<1x16x128xf32, #tpu.memory_space<vmem>>
        %dma_wait3A_1820 = tpu.memref_squeeze %dma_wait3A_1819 : memref<1x16x128xf32, #tpu.memory_space<vmem>> -> memref<16x128xf32, #tpu.memory_space<vmem>>
        tpu.wait_dma2 semaphore(%arg9 : memref<!tpu.dma_semaphore, #tpu.memory_space<semaphore_mem>>) src(%dma_wait3A_1820 : memref<16x128xf32, #tpu.memory_space<vmem>>) dst(%dma_wait3A_1816 : memref<16x128xf32, #tpu.memory_space<vmem_shared>>)
        %dma_wait3A_1821 = arith.constant 0 : i32
        %dma_wait3A_1822 = arith.constant 0 : i32
        %dma_wait3A_1823 = tpu.memref_slice %arg7[%cond3A, %dma_wait3A_1821, %dma_wait3A_1822] : memref<3x80x128xf32, #tpu.memory_space<vmem>> -> memref<1x16x128xf32, #tpu.memory_space<vmem>>
        %dma_wait3A_1824 = tpu.memref_squeeze %dma_wait3A_1823 : memref<1x16x128xf32, #tpu.memory_space<vmem>> -> memref<16x128xf32, #tpu.memory_space<vmem>>
        %dma_wait3A_1825 = arith.constant 0 : i32
        %dma_wait3A_1826 = arith.constant 0 : i32
        %dma_wait3A_1827 = tpu.memref_slice %arg8[%dma_wait3A_1825, %dma_wait3A_1826] : memref<10000x128xf32, #tpu.memory_space<vmem_shared>> -> memref<16x128xf32, #tpu.memory_space<vmem_shared>>
        %dma_wait3A_1828 = arith.constant 0 : i32
        %dma_wait3A_1829 = arith.constant 0 : i32
        %dma_wait3A_1830 = tpu.memref_slice %arg8[%dma_wait3A_1828, %dma_wait3A_1829] : memref<10000x128xf32, #tpu.memory_space<vmem_shared>> -> memref<16x128xf32, #tpu.memory_space<vmem_shared>>
        %dma_wait3A_1831 = arith.constant 0 : i32
        %dma_wait3A_1832 = arith.constant 0 : i32
        %dma_wait3A_1833 = tpu.memref_slice %arg7[%cond3A, %dma_wait3A_1831, %dma_wait3A_1832] : memref<3x80x128xf32, #tpu.memory_space<vmem>> -> memref<1x16x128xf32, #tpu.memory_space<vmem>>
        %dma_wait3A_1834 = tpu.memref_squeeze %dma_wait3A_1833 : memref<1x16x128xf32, #tpu.memory_space<vmem>> -> memref<16x128xf32, #tpu.memory_space<vmem>>
        tpu.wait_dma2 semaphore(%arg9 : memref<!tpu.dma_semaphore, #tpu.memory_space<semaphore_mem>>) src(%dma_wait3A_1834 : memref<16x128xf32, #tpu.memory_space<vmem>>) dst(%dma_wait3A_1830 : memref<16x128xf32, #tpu.memory_space<vmem_shared>>)
        %dma_wait3A_1835 = arith.constant 0 : i32
        %dma_wait3A_1836 = arith.constant 0 : i32
        %dma_wait3A_1837 = tpu.memref_slice %arg7[%cond3A, %dma_wait3A_1835, %dma_wait3A_1836] : memref<3x80x128xf32, #tpu.memory_space<vmem>> -> memref<1x16x128xf32, #tpu.memory_space<vmem>>
        %dma_wait3A_1838 = tpu.memref_squeeze %dma_wait3A_1837 : memref<1x16x128xf32, #tpu.memory_space<vmem>> -> memref<16x128xf32, #tpu.memory_space<vmem>>
        %dma_wait3A_1839 = arith.constant 0 : i32
        %dma_wait3A_1840 = arith.constant 0 : i32
        %dma_wait3A_1841 = tpu.memref_slice %arg8[%dma_wait3A_1839, %dma_wait3A_1840] : memref<10000x128xf32, #tpu.memory_space<vmem_shared>> -> memref<16x128xf32, #tpu.memory_space<vmem_shared>>
        %dma_wait3A_1842 = arith.constant 0 : i32
        %dma_wait3A_1843 = arith.constant 0 : i32
        %dma_wait3A_1844 = tpu.memref_slice %arg8[%dma_wait3A_1842, %dma_wait3A_1843] : memref<10000x128xf32, #tpu.memory_space<vmem_shared>> -> memref<16x128xf32, #tpu.memory_space<vmem_shared>>
        %dma_wait3A_1845 = arith.constant 0 : i32
        %dma_wait3A_1846 = arith.constant 0 : i32
        %dma_wait3A_1847 = tpu.memref_slice %arg7[%cond3A, %dma_wait3A_1845, %dma_wait3A_1846] : memref<3x80x128xf32, #tpu.memory_space<vmem>> -> memref<1x16x128xf32, #tpu.memory_space<vmem>>
        %dma_wait3A_1848 = tpu.memref_squeeze %dma_wait3A_1847 : memref<1x16x128xf32, #tpu.memory_space<vmem>> -> memref<16x128xf32, #tpu.memory_space<vmem>>
        tpu.wait_dma2 semaphore(%arg9 : memref<!tpu.dma_semaphore, #tpu.memory_space<semaphore_mem>>) src(%dma_wait3A_1848 : memref<16x128xf32, #tpu.memory_space<vmem>>) dst(%dma_wait3A_1844 : memref<16x128xf32, #tpu.memory_space<vmem_shared>>)
        %dma_wait3A_1849 = arith.constant 0 : i32
        %dma_wait3A_1850 = arith.constant 0 : i32
        %dma_wait3A_1851 = tpu.memref_slice %arg7[%cond3A, %dma_wait3A_1849, %dma_wait3A_1850] : memref<3x80x128xf32, #tpu.memory_space<vmem>> -> memref<1x16x128xf32, #tpu.memory_space<vmem>>
        %dma_wait3A_1852 = tpu.memref_squeeze %dma_wait3A_1851 : memref<1x16x128xf32, #tpu.memory_space<vmem>> -> memref<16x128xf32, #tpu.memory_space<vmem>>
        %dma_wait3A_1853 = arith.constant 0 : i32
        %dma_wait3A_1854 = arith.constant 0 : i32
        %dma_wait3A_1855 = tpu.memref_slice %arg8[%dma_wait3A_1853, %dma_wait3A_1854] : memref<10000x128xf32, #tpu.memory_space<vmem_shared>> -> memref<16x128xf32, #tpu.memory_space<vmem_shared>>
        %dma_wait3A_1856 = arith.constant 0 : i32
        %dma_wait3A_1857 = arith.constant 0 : i32
        %dma_wait3A_1858 = tpu.memref_slice %arg8[%dma_wait3A_1856, %dma_wait3A_1857] : memref<10000x128xf32, #tpu.memory_space<vmem_shared>> -> memref<16x128xf32, #tpu.memory_space<vmem_shared>>
        %dma_wait3A_1859 = arith.constant 0 : i32
        %dma_wait3A_1860 = arith.constant 0 : i32
        %dma_wait3A_1861 = tpu.memref_slice %arg7[%cond3A, %dma_wait3A_1859, %dma_wait3A_1860] : memref<3x80x128xf32, #tpu.memory_space<vmem>> -> memref<1x16x128xf32, #tpu.memory_space<vmem>>
        %dma_wait3A_1862 = tpu.memref_squeeze %dma_wait3A_1861 : memref<1x16x128xf32, #tpu.memory_space<vmem>> -> memref<16x128xf32, #tpu.memory_space<vmem>>
        tpu.wait_dma2 semaphore(%arg9 : memref<!tpu.dma_semaphore, #tpu.memory_space<semaphore_mem>>) src(%dma_wait3A_1862 : memref<16x128xf32, #tpu.memory_space<vmem>>) dst(%dma_wait3A_1858 : memref<16x128xf32, #tpu.memory_space<vmem_shared>>)
        %dma_wait3A_1863 = arith.constant 0 : i32
        %dma_wait3A_1864 = arith.constant 0 : i32
        %dma_wait3A_1865 = tpu.memref_slice %arg7[%cond3A, %dma_wait3A_1863, %dma_wait3A_1864] : memref<3x80x128xf32, #tpu.memory_space<vmem>> -> memref<1x16x128xf32, #tpu.memory_space<vmem>>
        %dma_wait3A_1866 = tpu.memref_squeeze %dma_wait3A_1865 : memref<1x16x128xf32, #tpu.memory_space<vmem>> -> memref<16x128xf32, #tpu.memory_space<vmem>>
        %dma_wait3A_1867 = arith.constant 0 : i32
        %dma_wait3A_1868 = arith.constant 0 : i32
        %dma_wait3A_1869 = tpu.memref_slice %arg8[%dma_wait3A_1867, %dma_wait3A_1868] : memref<10000x128xf32, #tpu.memory_space<vmem_shared>> -> memref<16x128xf32, #tpu.memory_space<vmem_shared>>
        %dma_wait3A_1870 = arith.constant 0 : i32
        %dma_wait3A_1871 = arith.constant 0 : i32
        %dma_wait3A_1872 = tpu.memref_slice %arg8[%dma_wait3A_1870, %dma_wait3A_1871] : memref<10000x128xf32, #tpu.memory_space<vmem_shared>> -> memref<16x128xf32, #tpu.memory_space<vmem_shared>>
        %dma_wait3A_1873 = arith.constant 0 : i32
        %dma_wait3A_1874 = arith.constant 0 : i32
        %dma_wait3A_1875 = tpu.memref_slice %arg7[%cond3A, %dma_wait3A_1873, %dma_wait3A_1874] : memref<3x80x128xf32, #tpu.memory_space<vmem>> -> memref<1x16x128xf32, #tpu.memory_space<vmem>>
        %dma_wait3A_1876 = tpu.memref_squeeze %dma_wait3A_1875 : memref<1x16x128xf32, #tpu.memory_space<vmem>> -> memref<16x128xf32, #tpu.memory_space<vmem>>
        tpu.wait_dma2 semaphore(%arg9 : memref<!tpu.dma_semaphore, #tpu.memory_space<semaphore_mem>>) src(%dma_wait3A_1876 : memref<16x128xf32, #tpu.memory_space<vmem>>) dst(%dma_wait3A_1872 : memref<16x128xf32, #tpu.memory_space<vmem_shared>>)
        %dma_wait3A_1877 = arith.constant 0 : i32
        %dma_wait3A_1878 = arith.constant 0 : i32
        %dma_wait3A_1879 = tpu.memref_slice %arg7[%cond3A, %dma_wait3A_1877, %dma_wait3A_1878] : memref<3x80x128xf32, #tpu.memory_space<vmem>> -> memref<1x16x128xf32, #tpu.memory_space<vmem>>
        %dma_wait3A_1880 = tpu.memref_squeeze %dma_wait3A_1879 : memref<1x16x128xf32, #tpu.memory_space<vmem>> -> memref<16x128xf32, #tpu.memory_space<vmem>>
        %dma_wait3A_1881 = arith.constant 0 : i32
        %dma_wait3A_1882 = arith.constant 0 : i32
        %dma_wait3A_1883 = tpu.memref_slice %arg8[%dma_wait3A_1881, %dma_wait3A_1882] : memref<10000x128xf32, #tpu.memory_space<vmem_shared>> -> memref<16x128xf32, #tpu.memory_space<vmem_shared>>
        %dma_wait3A_1884 = arith.constant 0 : i32
        %dma_wait3A_1885 = arith.constant 0 : i32
        %dma_wait3A_1886 = tpu.memref_slice %arg8[%dma_wait3A_1884, %dma_wait3A_1885] : memref<10000x128xf32, #tpu.memory_space<vmem_shared>> -> memref<16x128xf32, #tpu.memory_space<vmem_shared>>
        %dma_wait3A_1887 = arith.constant 0 : i32
        %dma_wait3A_1888 = arith.constant 0 : i32
        %dma_wait3A_1889 = tpu.memref_slice %arg7[%cond3A, %dma_wait3A_1887, %dma_wait3A_1888] : memref<3x80x128xf32, #tpu.memory_space<vmem>> -> memref<1x16x128xf32, #tpu.memory_space<vmem>>
        %dma_wait3A_1890 = tpu.memref_squeeze %dma_wait3A_1889 : memref<1x16x128xf32, #tpu.memory_space<vmem>> -> memref<16x128xf32, #tpu.memory_space<vmem>>
        tpu.wait_dma2 semaphore(%arg9 : memref<!tpu.dma_semaphore, #tpu.memory_space<semaphore_mem>>) src(%dma_wait3A_1890 : memref<16x128xf32, #tpu.memory_space<vmem>>) dst(%dma_wait3A_1886 : memref<16x128xf32, #tpu.memory_space<vmem_shared>>)
        %dma_wait3A_1891 = arith.constant 0 : i32
        %dma_wait3A_1892 = arith.constant 0 : i32
        %dma_wait3A_1893 = tpu.memref_slice %arg7[%cond3A, %dma_wait3A_1891, %dma_wait3A_1892] : memref<3x80x128xf32, #tpu.memory_space<vmem>> -> memref<1x16x128xf32, #tpu.memory_space<vmem>>
        %dma_wait3A_1894 = tpu.memref_squeeze %dma_wait3A_1893 : memref<1x16x128xf32, #tpu.memory_space<vmem>> -> memref<16x128xf32, #tpu.memory_space<vmem>>
        %dma_wait3A_1895 = arith.constant 0 : i32
        %dma_wait3A_1896 = arith.constant 0 : i32
        %dma_wait3A_1897 = tpu.memref_slice %arg8[%dma_wait3A_1895, %dma_wait3A_1896] : memref<10000x128xf32, #tpu.memory_space<vmem_shared>> -> memref<16x128xf32, #tpu.memory_space<vmem_shared>>
        %dma_wait3A_1898 = arith.constant 0 : i32
        %dma_wait3A_1899 = arith.constant 0 : i32
        %dma_wait3A_1900 = tpu.memref_slice %arg8[%dma_wait3A_1898, %dma_wait3A_1899] : memref<10000x128xf32, #tpu.memory_space<vmem_shared>> -> memref<16x128xf32, #tpu.memory_space<vmem_shared>>
        %dma_wait3A_1901 = arith.constant 0 : i32
        %dma_wait3A_1902 = arith.constant 0 : i32
        %dma_wait3A_1903 = tpu.memref_slice %arg7[%cond3A, %dma_wait3A_1901, %dma_wait3A_1902] : memref<3x80x128xf32, #tpu.memory_space<vmem>> -> memref<1x16x128xf32, #tpu.memory_space<vmem>>
        %dma_wait3A_1904 = tpu.memref_squeeze %dma_wait3A_1903 : memref<1x16x128xf32, #tpu.memory_space<vmem>> -> memref<16x128xf32, #tpu.memory_space<vmem>>
        tpu.wait_dma2 semaphore(%arg9 : memref<!tpu.dma_semaphore, #tpu.memory_space<semaphore_mem>>) src(%dma_wait3A_1904 : memref<16x128xf32, #tpu.memory_space<vmem>>) dst(%dma_wait3A_1900 : memref<16x128xf32, #tpu.memory_space<vmem_shared>>)
        %dma_wait3A_1905 = arith.constant 0 : i32
        %dma_wait3A_1906 = arith.constant 0 : i32
        %dma_wait3A_1907 = tpu.memref_slice %arg7[%cond3A, %dma_wait3A_1905, %dma_wait3A_1906] : memref<3x80x128xf32, #tpu.memory_space<vmem>> -> memref<1x16x128xf32, #tpu.memory_space<vmem>>
        %dma_wait3A_1908 = tpu.memref_squeeze %dma_wait3A_1907 : memref<1x16x128xf32, #tpu.memory_space<vmem>> -> memref<16x128xf32, #tpu.memory_space<vmem>>
        %dma_wait3A_1909 = arith.constant 0 : i32
        %dma_wait3A_1910 = arith.constant 0 : i32
        %dma_wait3A_1911 = tpu.memref_slice %arg8[%dma_wait3A_1909, %dma_wait3A_1910] : memref<10000x128xf32, #tpu.memory_space<vmem_shared>> -> memref<16x128xf32, #tpu.memory_space<vmem_shared>>
        %dma_wait3A_1912 = arith.constant 0 : i32
        %dma_wait3A_1913 = arith.constant 0 : i32
        %dma_wait3A_1914 = tpu.memref_slice %arg8[%dma_wait3A_1912, %dma_wait3A_1913] : memref<10000x128xf32, #tpu.memory_space<vmem_shared>> -> memref<16x128xf32, #tpu.memory_space<vmem_shared>>
        %dma_wait3A_1915 = arith.constant 0 : i32
        %dma_wait3A_1916 = arith.constant 0 : i32
        %dma_wait3A_1917 = tpu.memref_slice %arg7[%cond3A, %dma_wait3A_1915, %dma_wait3A_1916] : memref<3x80x128xf32, #tpu.memory_space<vmem>> -> memref<1x16x128xf32, #tpu.memory_space<vmem>>
        %dma_wait3A_1918 = tpu.memref_squeeze %dma_wait3A_1917 : memref<1x16x128xf32, #tpu.memory_space<vmem>> -> memref<16x128xf32, #tpu.memory_space<vmem>>
        tpu.wait_dma2 semaphore(%arg9 : memref<!tpu.dma_semaphore, #tpu.memory_space<semaphore_mem>>) src(%dma_wait3A_1918 : memref<16x128xf32, #tpu.memory_space<vmem>>) dst(%dma_wait3A_1914 : memref<16x128xf32, #tpu.memory_space<vmem_shared>>)
        %dma_wait3A_1919 = arith.constant 0 : i32
        %dma_wait3A_1920 = arith.constant 0 : i32
        %dma_wait3A_1921 = tpu.memref_slice %arg7[%cond3A, %dma_wait3A_1919, %dma_wait3A_1920] : memref<3x80x128xf32, #tpu.memory_space<vmem>> -> memref<1x16x128xf32, #tpu.memory_space<vmem>>
        %dma_wait3A_1922 = tpu.memref_squeeze %dma_wait3A_1921 : memref<1x16x128xf32, #tpu.memory_space<vmem>> -> memref<16x128xf32, #tpu.memory_space<vmem>>
        %dma_wait3A_1923 = arith.constant 0 : i32
        %dma_wait3A_1924 = arith.constant 0 : i32
        %dma_wait3A_1925 = tpu.memref_slice %arg8[%dma_wait3A_1923, %dma_wait3A_1924] : memref<10000x128xf32, #tpu.memory_space<vmem_shared>> -> memref<16x128xf32, #tpu.memory_space<vmem_shared>>
        %dma_wait3A_1926 = arith.constant 0 : i32
        %dma_wait3A_1927 = arith.constant 0 : i32
        %dma_wait3A_1928 = tpu.memref_slice %arg8[%dma_wait3A_1926, %dma_wait3A_1927] : memref<10000x128xf32, #tpu.memory_space<vmem_shared>> -> memref<16x128xf32, #tpu.memory_space<vmem_shared>>
        %dma_wait3A_1929 = arith.constant 0 : i32
        %dma_wait3A_1930 = arith.constant 0 : i32
        %dma_wait3A_1931 = tpu.memref_slice %arg7[%cond3A, %dma_wait3A_1929, %dma_wait3A_1930] : memref<3x80x128xf32, #tpu.memory_space<vmem>> -> memref<1x16x128xf32, #tpu.memory_space<vmem>>
        %dma_wait3A_1932 = tpu.memref_squeeze %dma_wait3A_1931 : memref<1x16x128xf32, #tpu.memory_space<vmem>> -> memref<16x128xf32, #tpu.memory_space<vmem>>
        tpu.wait_dma2 semaphore(%arg9 : memref<!tpu.dma_semaphore, #tpu.memory_space<semaphore_mem>>) src(%dma_wait3A_1932 : memref<16x128xf32, #tpu.memory_space<vmem>>) dst(%dma_wait3A_1928 : memref<16x128xf32, #tpu.memory_space<vmem_shared>>)
        %dma_wait3A_1933 = arith.constant 0 : i32
        %dma_wait3A_1934 = arith.constant 0 : i32
        %dma_wait3A_1935 = tpu.memref_slice %arg7[%cond3A, %dma_wait3A_1933, %dma_wait3A_1934] : memref<3x80x128xf32, #tpu.memory_space<vmem>> -> memref<1x16x128xf32, #tpu.memory_space<vmem>>
        %dma_wait3A_1936 = tpu.memref_squeeze %dma_wait3A_1935 : memref<1x16x128xf32, #tpu.memory_space<vmem>> -> memref<16x128xf32, #tpu.memory_space<vmem>>
        %dma_wait3A_1937 = arith.constant 0 : i32
        %dma_wait3A_1938 = arith.constant 0 : i32
        %dma_wait3A_1939 = tpu.memref_slice %arg8[%dma_wait3A_1937, %dma_wait3A_1938] : memref<10000x128xf32, #tpu.memory_space<vmem_shared>> -> memref<16x128xf32, #tpu.memory_space<vmem_shared>>
        %dma_wait3A_1940 = arith.constant 0 : i32
        %dma_wait3A_1941 = arith.constant 0 : i32
        %dma_wait3A_1942 = tpu.memref_slice %arg8[%dma_wait3A_1940, %dma_wait3A_1941] : memref<10000x128xf32, #tpu.memory_space<vmem_shared>> -> memref<16x128xf32, #tpu.memory_space<vmem_shared>>
        %dma_wait3A_1943 = arith.constant 0 : i32
        %dma_wait3A_1944 = arith.constant 0 : i32
        %dma_wait3A_1945 = tpu.memref_slice %arg7[%cond3A, %dma_wait3A_1943, %dma_wait3A_1944] : memref<3x80x128xf32, #tpu.memory_space<vmem>> -> memref<1x16x128xf32, #tpu.memory_space<vmem>>
        %dma_wait3A_1946 = tpu.memref_squeeze %dma_wait3A_1945 : memref<1x16x128xf32, #tpu.memory_space<vmem>> -> memref<16x128xf32, #tpu.memory_space<vmem>>
        tpu.wait_dma2 semaphore(%arg9 : memref<!tpu.dma_semaphore, #tpu.memory_space<semaphore_mem>>) src(%dma_wait3A_1946 : memref<16x128xf32, #tpu.memory_space<vmem>>) dst(%dma_wait3A_1942 : memref<16x128xf32, #tpu.memory_space<vmem_shared>>)
        %dma_wait3A_1947 = arith.constant 0 : i32
        %dma_wait3A_1948 = arith.constant 0 : i32
        %dma_wait3A_1949 = tpu.memref_slice %arg7[%cond3A, %dma_wait3A_1947, %dma_wait3A_1948] : memref<3x80x128xf32, #tpu.memory_space<vmem>> -> memref<1x16x128xf32, #tpu.memory_space<vmem>>
        %dma_wait3A_1950 = tpu.memref_squeeze %dma_wait3A_1949 : memref<1x16x128xf32, #tpu.memory_space<vmem>> -> memref<16x128xf32, #tpu.memory_space<vmem>>
        %dma_wait3A_1951 = arith.constant 0 : i32
        %dma_wait3A_1952 = arith.constant 0 : i32
        %dma_wait3A_1953 = tpu.memref_slice %arg8[%dma_wait3A_1951, %dma_wait3A_1952] : memref<10000x128xf32, #tpu.memory_space<vmem_shared>> -> memref<16x128xf32, #tpu.memory_space<vmem_shared>>
        %dma_wait3A_1954 = arith.constant 0 : i32
        %dma_wait3A_1955 = arith.constant 0 : i32
        %dma_wait3A_1956 = tpu.memref_slice %arg8[%dma_wait3A_1954, %dma_wait3A_1955] : memref<10000x128xf32, #tpu.memory_space<vmem_shared>> -> memref<16x128xf32, #tpu.memory_space<vmem_shared>>
        %dma_wait3A_1957 = arith.constant 0 : i32
        %dma_wait3A_1958 = arith.constant 0 : i32
        %dma_wait3A_1959 = tpu.memref_slice %arg7[%cond3A, %dma_wait3A_1957, %dma_wait3A_1958] : memref<3x80x128xf32, #tpu.memory_space<vmem>> -> memref<1x16x128xf32, #tpu.memory_space<vmem>>
        %dma_wait3A_1960 = tpu.memref_squeeze %dma_wait3A_1959 : memref<1x16x128xf32, #tpu.memory_space<vmem>> -> memref<16x128xf32, #tpu.memory_space<vmem>>
        tpu.wait_dma2 semaphore(%arg9 : memref<!tpu.dma_semaphore, #tpu.memory_space<semaphore_mem>>) src(%dma_wait3A_1960 : memref<16x128xf32, #tpu.memory_space<vmem>>) dst(%dma_wait3A_1956 : memref<16x128xf32, #tpu.memory_space<vmem_shared>>)
        %dma_wait3A_1961 = arith.constant 0 : i32
        %dma_wait3A_1962 = arith.constant 0 : i32
        %dma_wait3A_1963 = tpu.memref_slice %arg7[%cond3A, %dma_wait3A_1961, %dma_wait3A_1962] : memref<3x80x128xf32, #tpu.memory_space<vmem>> -> memref<1x16x128xf32, #tpu.memory_space<vmem>>
        %dma_wait3A_1964 = tpu.memref_squeeze %dma_wait3A_1963 : memref<1x16x128xf32, #tpu.memory_space<vmem>> -> memref<16x128xf32, #tpu.memory_space<vmem>>
        %dma_wait3A_1965 = arith.constant 0 : i32
        %dma_wait3A_1966 = arith.constant 0 : i32
        %dma_wait3A_1967 = tpu.memref_slice %arg8[%dma_wait3A_1965, %dma_wait3A_1966] : memref<10000x128xf32, #tpu.memory_space<vmem_shared>> -> memref<16x128xf32, #tpu.memory_space<vmem_shared>>
        %dma_wait3A_1968 = arith.constant 0 : i32
        %dma_wait3A_1969 = arith.constant 0 : i32
        %dma_wait3A_1970 = tpu.memref_slice %arg8[%dma_wait3A_1968, %dma_wait3A_1969] : memref<10000x128xf32, #tpu.memory_space<vmem_shared>> -> memref<16x128xf32, #tpu.memory_space<vmem_shared>>
        %dma_wait3A_1971 = arith.constant 0 : i32
        %dma_wait3A_1972 = arith.constant 0 : i32
        %dma_wait3A_1973 = tpu.memref_slice %arg7[%cond3A, %dma_wait3A_1971, %dma_wait3A_1972] : memref<3x80x128xf32, #tpu.memory_space<vmem>> -> memref<1x16x128xf32, #tpu.memory_space<vmem>>
        %dma_wait3A_1974 = tpu.memref_squeeze %dma_wait3A_1973 : memref<1x16x128xf32, #tpu.memory_space<vmem>> -> memref<16x128xf32, #tpu.memory_space<vmem>>
        tpu.wait_dma2 semaphore(%arg9 : memref<!tpu.dma_semaphore, #tpu.memory_space<semaphore_mem>>) src(%dma_wait3A_1974 : memref<16x128xf32, #tpu.memory_space<vmem>>) dst(%dma_wait3A_1970 : memref<16x128xf32, #tpu.memory_space<vmem_shared>>)
        %dma_wait3A_1975 = arith.constant 0 : i32
        %dma_wait3A_1976 = arith.constant 0 : i32
        %dma_wait3A_1977 = tpu.memref_slice %arg7[%cond3A, %dma_wait3A_1975, %dma_wait3A_1976] : memref<3x80x128xf32, #tpu.memory_space<vmem>> -> memref<1x16x128xf32, #tpu.memory_space<vmem>>
        %dma_wait3A_1978 = tpu.memref_squeeze %dma_wait3A_1977 : memref<1x16x128xf32, #tpu.memory_space<vmem>> -> memref<16x128xf32, #tpu.memory_space<vmem>>
        %dma_wait3A_1979 = arith.constant 0 : i32
        %dma_wait3A_1980 = arith.constant 0 : i32
        %dma_wait3A_1981 = tpu.memref_slice %arg8[%dma_wait3A_1979, %dma_wait3A_1980] : memref<10000x128xf32, #tpu.memory_space<vmem_shared>> -> memref<16x128xf32, #tpu.memory_space<vmem_shared>>
        %dma_wait3A_1982 = arith.constant 0 : i32
        %dma_wait3A_1983 = arith.constant 0 : i32
        %dma_wait3A_1984 = tpu.memref_slice %arg8[%dma_wait3A_1982, %dma_wait3A_1983] : memref<10000x128xf32, #tpu.memory_space<vmem_shared>> -> memref<16x128xf32, #tpu.memory_space<vmem_shared>>
        %dma_wait3A_1985 = arith.constant 0 : i32
        %dma_wait3A_1986 = arith.constant 0 : i32
        %dma_wait3A_1987 = tpu.memref_slice %arg7[%cond3A, %dma_wait3A_1985, %dma_wait3A_1986] : memref<3x80x128xf32, #tpu.memory_space<vmem>> -> memref<1x16x128xf32, #tpu.memory_space<vmem>>
        %dma_wait3A_1988 = tpu.memref_squeeze %dma_wait3A_1987 : memref<1x16x128xf32, #tpu.memory_space<vmem>> -> memref<16x128xf32, #tpu.memory_space<vmem>>
        tpu.wait_dma2 semaphore(%arg9 : memref<!tpu.dma_semaphore, #tpu.memory_space<semaphore_mem>>) src(%dma_wait3A_1988 : memref<16x128xf32, #tpu.memory_space<vmem>>) dst(%dma_wait3A_1984 : memref<16x128xf32, #tpu.memory_space<vmem_shared>>)
        %dma_wait3A_1989 = arith.constant 0 : i32
        %dma_wait3A_1990 = arith.constant 0 : i32
        %dma_wait3A_1991 = tpu.memref_slice %arg7[%cond3A, %dma_wait3A_1989, %dma_wait3A_1990] : memref<3x80x128xf32, #tpu.memory_space<vmem>> -> memref<1x16x128xf32, #tpu.memory_space<vmem>>
        %dma_wait3A_1992 = tpu.memref_squeeze %dma_wait3A_1991 : memref<1x16x128xf32, #tpu.memory_space<vmem>> -> memref<16x128xf32, #tpu.memory_space<vmem>>
        %dma_wait3A_1993 = arith.constant 0 : i32
        %dma_wait3A_1994 = arith.constant 0 : i32
        %dma_wait3A_1995 = tpu.memref_slice %arg8[%dma_wait3A_1993, %dma_wait3A_1994] : memref<10000x128xf32, #tpu.memory_space<vmem_shared>> -> memref<16x128xf32, #tpu.memory_space<vmem_shared>>
        %dma_wait3A_1996 = arith.constant 0 : i32
        %dma_wait3A_1997 = arith.constant 0 : i32
        %dma_wait3A_1998 = tpu.memref_slice %arg8[%dma_wait3A_1996, %dma_wait3A_1997] : memref<10000x128xf32, #tpu.memory_space<vmem_shared>> -> memref<16x128xf32, #tpu.memory_space<vmem_shared>>
        %dma_wait3A_1999 = arith.constant 0 : i32
        %dma_wait3A_2000 = arith.constant 0 : i32
        %dma_wait3A_2001 = tpu.memref_slice %arg7[%cond3A, %dma_wait3A_1999, %dma_wait3A_2000] : memref<3x80x128xf32, #tpu.memory_space<vmem>> -> memref<1x16x128xf32, #tpu.memory_space<vmem>>
        %dma_wait3A_2002 = tpu.memref_squeeze %dma_wait3A_2001 : memref<1x16x128xf32, #tpu.memory_space<vmem>> -> memref<16x128xf32, #tpu.memory_space<vmem>>
        tpu.wait_dma2 semaphore(%arg9 : memref<!tpu.dma_semaphore, #tpu.memory_space<semaphore_mem>>) src(%dma_wait3A_2002 : memref<16x128xf32, #tpu.memory_space<vmem>>) dst(%dma_wait3A_1998 : memref<16x128xf32, #tpu.memory_space<vmem_shared>>)
        %dma_wait3A_2003 = arith.constant 0 : i32
        %dma_wait3A_2004 = arith.constant 0 : i32
        %dma_wait3A_2005 = tpu.memref_slice %arg7[%cond3A, %dma_wait3A_2003, %dma_wait3A_2004] : memref<3x80x128xf32, #tpu.memory_space<vmem>> -> memref<1x16x128xf32, #tpu.memory_space<vmem>>
        %dma_wait3A_2006 = tpu.memref_squeeze %dma_wait3A_2005 : memref<1x16x128xf32, #tpu.memory_space<vmem>> -> memref<16x128xf32, #tpu.memory_space<vmem>>
        %dma_wait3A_2007 = arith.constant 0 : i32
        %dma_wait3A_2008 = arith.constant 0 : i32
        %dma_wait3A_2009 = tpu.memref_slice %arg8[%dma_wait3A_2007, %dma_wait3A_2008] : memref<10000x128xf32, #tpu.memory_space<vmem_shared>> -> memref<16x128xf32, #tpu.memory_space<vmem_shared>>
        %dma_wait3A_2010 = arith.constant 0 : i32
        %dma_wait3A_2011 = arith.constant 0 : i32
        %dma_wait3A_2012 = tpu.memref_slice %arg8[%dma_wait3A_2010, %dma_wait3A_2011] : memref<10000x128xf32, #tpu.memory_space<vmem_shared>> -> memref<16x128xf32, #tpu.memory_space<vmem_shared>>
        %dma_wait3A_2013 = arith.constant 0 : i32
        %dma_wait3A_2014 = arith.constant 0 : i32
        %dma_wait3A_2015 = tpu.memref_slice %arg7[%cond3A, %dma_wait3A_2013, %dma_wait3A_2014] : memref<3x80x128xf32, #tpu.memory_space<vmem>> -> memref<1x16x128xf32, #tpu.memory_space<vmem>>
        %dma_wait3A_2016 = tpu.memref_squeeze %dma_wait3A_2015 : memref<1x16x128xf32, #tpu.memory_space<vmem>> -> memref<16x128xf32, #tpu.memory_space<vmem>>
        tpu.wait_dma2 semaphore(%arg9 : memref<!tpu.dma_semaphore, #tpu.memory_space<semaphore_mem>>) src(%dma_wait3A_2016 : memref<16x128xf32, #tpu.memory_space<vmem>>) dst(%dma_wait3A_2012 : memref<16x128xf32, #tpu.memory_space<vmem_shared>>)
        %dma_wait3A_2017 = arith.constant 0 : i32
        %dma_wait3A_2018 = arith.constant 0 : i32
        %dma_wait3A_2019 = tpu.memref_slice %arg7[%cond3A, %dma_wait3A_2017, %dma_wait3A_2018] : memref<3x80x128xf32, #tpu.memory_space<vmem>> -> memref<1x16x128xf32, #tpu.memory_space<vmem>>
        %dma_wait3A_2020 = tpu.memref_squeeze %dma_wait3A_2019 : memref<1x16x128xf32, #tpu.memory_space<vmem>> -> memref<16x128xf32, #tpu.memory_space<vmem>>
        %dma_wait3A_2021 = arith.constant 0 : i32
        %dma_wait3A_2022 = arith.constant 0 : i32
        %dma_wait3A_2023 = tpu.memref_slice %arg8[%dma_wait3A_2021, %dma_wait3A_2022] : memref<10000x128xf32, #tpu.memory_space<vmem_shared>> -> memref<16x128xf32, #tpu.memory_space<vmem_shared>>
        %dma_wait3A_2024 = arith.constant 0 : i32
        %dma_wait3A_2025 = arith.constant 0 : i32
        %dma_wait3A_2026 = tpu.memref_slice %arg8[%dma_wait3A_2024, %dma_wait3A_2025] : memref<10000x128xf32, #tpu.memory_space<vmem_shared>> -> memref<16x128xf32, #tpu.memory_space<vmem_shared>>
        %dma_wait3A_2027 = arith.constant 0 : i32
        %dma_wait3A_2028 = arith.constant 0 : i32
        %dma_wait3A_2029 = tpu.memref_slice %arg7[%cond3A, %dma_wait3A_2027, %dma_wait3A_2028] : memref<3x80x128xf32, #tpu.memory_space<vmem>> -> memref<1x16x128xf32, #tpu.memory_space<vmem>>
        %dma_wait3A_2030 = tpu.memref_squeeze %dma_wait3A_2029 : memref<1x16x128xf32, #tpu.memory_space<vmem>> -> memref<16x128xf32, #tpu.memory_space<vmem>>
        tpu.wait_dma2 semaphore(%arg9 : memref<!tpu.dma_semaphore, #tpu.memory_space<semaphore_mem>>) src(%dma_wait3A_2030 : memref<16x128xf32, #tpu.memory_space<vmem>>) dst(%dma_wait3A_2026 : memref<16x128xf32, #tpu.memory_space<vmem_shared>>)
        %dma_wait3A_2031 = arith.constant 0 : i32
        %dma_wait3A_2032 = arith.constant 0 : i32
        %dma_wait3A_2033 = tpu.memref_slice %arg7[%cond3A, %dma_wait3A_2031, %dma_wait3A_2032] : memref<3x80x128xf32, #tpu.memory_space<vmem>> -> memref<1x16x128xf32, #tpu.memory_space<vmem>>
        %dma_wait3A_2034 = tpu.memref_squeeze %dma_wait3A_2033 : memref<1x16x128xf32, #tpu.memory_space<vmem>> -> memref<16x128xf32, #tpu.memory_space<vmem>>
        %dma_wait3A_2035 = arith.constant 0 : i32
        %dma_wait3A_2036 = arith.constant 0 : i32
        %dma_wait3A_2037 = tpu.memref_slice %arg8[%dma_wait3A_2035, %dma_wait3A_2036] : memref<10000x128xf32, #tpu.memory_space<vmem_shared>> -> memref<16x128xf32, #tpu.memory_space<vmem_shared>>
        %dma_wait3A_2038 = arith.constant 0 : i32
        %dma_wait3A_2039 = arith.constant 0 : i32
        %dma_wait3A_2040 = tpu.memref_slice %arg8[%dma_wait3A_2038, %dma_wait3A_2039] : memref<10000x128xf32, #tpu.memory_space<vmem_shared>> -> memref<16x128xf32, #tpu.memory_space<vmem_shared>>
        %dma_wait3A_2041 = arith.constant 0 : i32
        %dma_wait3A_2042 = arith.constant 0 : i32
        %dma_wait3A_2043 = tpu.memref_slice %arg7[%cond3A, %dma_wait3A_2041, %dma_wait3A_2042] : memref<3x80x128xf32, #tpu.memory_space<vmem>> -> memref<1x16x128xf32, #tpu.memory_space<vmem>>
        %dma_wait3A_2044 = tpu.memref_squeeze %dma_wait3A_2043 : memref<1x16x128xf32, #tpu.memory_space<vmem>> -> memref<16x128xf32, #tpu.memory_space<vmem>>
        tpu.wait_dma2 semaphore(%arg9 : memref<!tpu.dma_semaphore, #tpu.memory_space<semaphore_mem>>) src(%dma_wait3A_2044 : memref<16x128xf32, #tpu.memory_space<vmem>>) dst(%dma_wait3A_2040 : memref<16x128xf32, #tpu.memory_space<vmem_shared>>)
        %dma_wait3A_2045 = arith.constant 0 : i32
        %dma_wait3A_2046 = arith.constant 0 : i32
        %dma_wait3A_2047 = tpu.memref_slice %arg7[%cond3A, %dma_wait3A_2045, %dma_wait3A_2046] : memref<3x80x128xf32, #tpu.memory_space<vmem>> -> memref<1x16x128xf32, #tpu.memory_space<vmem>>
        %dma_wait3A_2048 = tpu.memref_squeeze %dma_wait3A_2047 : memref<1x16x128xf32, #tpu.memory_space<vmem>> -> memref<16x128xf32, #tpu.memory_space<vmem>>
        %dma_wait3A_2049 = arith.constant 0 : i32
        %dma_wait3A_2050 = arith.constant 0 : i32
        %dma_wait3A_2051 = tpu.memref_slice %arg8[%dma_wait3A_2049, %dma_wait3A_2050] : memref<10000x128xf32, #tpu.memory_space<vmem_shared>> -> memref<16x128xf32, #tpu.memory_space<vmem_shared>>
        %dma_wait3A_2052 = arith.constant 0 : i32
        %dma_wait3A_2053 = arith.constant 0 : i32
        %dma_wait3A_2054 = tpu.memref_slice %arg8[%dma_wait3A_2052, %dma_wait3A_2053] : memref<10000x128xf32, #tpu.memory_space<vmem_shared>> -> memref<16x128xf32, #tpu.memory_space<vmem_shared>>
        %dma_wait3A_2055 = arith.constant 0 : i32
        %dma_wait3A_2056 = arith.constant 0 : i32
        %dma_wait3A_2057 = tpu.memref_slice %arg7[%cond3A, %dma_wait3A_2055, %dma_wait3A_2056] : memref<3x80x128xf32, #tpu.memory_space<vmem>> -> memref<1x16x128xf32, #tpu.memory_space<vmem>>
        %dma_wait3A_2058 = tpu.memref_squeeze %dma_wait3A_2057 : memref<1x16x128xf32, #tpu.memory_space<vmem>> -> memref<16x128xf32, #tpu.memory_space<vmem>>
        tpu.wait_dma2 semaphore(%arg9 : memref<!tpu.dma_semaphore, #tpu.memory_space<semaphore_mem>>) src(%dma_wait3A_2058 : memref<16x128xf32, #tpu.memory_space<vmem>>) dst(%dma_wait3A_2054 : memref<16x128xf32, #tpu.memory_space<vmem_shared>>)
        %dma_wait3A_2059 = arith.constant 0 : i32
        %dma_wait3A_2060 = arith.constant 0 : i32
        %dma_wait3A_2061 = tpu.memref_slice %arg7[%cond3A, %dma_wait3A_2059, %dma_wait3A_2060] : memref<3x80x128xf32, #tpu.memory_space<vmem>> -> memref<1x16x128xf32, #tpu.memory_space<vmem>>
        %dma_wait3A_2062 = tpu.memref_squeeze %dma_wait3A_2061 : memref<1x16x128xf32, #tpu.memory_space<vmem>> -> memref<16x128xf32, #tpu.memory_space<vmem>>
        %dma_wait3A_2063 = arith.constant 0 : i32
        %dma_wait3A_2064 = arith.constant 0 : i32
        %dma_wait3A_2065 = tpu.memref_slice %arg8[%dma_wait3A_2063, %dma_wait3A_2064] : memref<10000x128xf32, #tpu.memory_space<vmem_shared>> -> memref<16x128xf32, #tpu.memory_space<vmem_shared>>
        %dma_wait3A_2066 = arith.constant 0 : i32
        %dma_wait3A_2067 = arith.constant 0 : i32
        %dma_wait3A_2068 = tpu.memref_slice %arg8[%dma_wait3A_2066, %dma_wait3A_2067] : memref<10000x128xf32, #tpu.memory_space<vmem_shared>> -> memref<16x128xf32, #tpu.memory_space<vmem_shared>>
        %dma_wait3A_2069 = arith.constant 0 : i32
        %dma_wait3A_2070 = arith.constant 0 : i32
        %dma_wait3A_2071 = tpu.memref_slice %arg7[%cond3A, %dma_wait3A_2069, %dma_wait3A_2070] : memref<3x80x128xf32, #tpu.memory_space<vmem>> -> memref<1x16x128xf32, #tpu.memory_space<vmem>>
        %dma_wait3A_2072 = tpu.memref_squeeze %dma_wait3A_2071 : memref<1x16x128xf32, #tpu.memory_space<vmem>> -> memref<16x128xf32, #tpu.memory_space<vmem>>
        tpu.wait_dma2 semaphore(%arg9 : memref<!tpu.dma_semaphore, #tpu.memory_space<semaphore_mem>>) src(%dma_wait3A_2072 : memref<16x128xf32, #tpu.memory_space<vmem>>) dst(%dma_wait3A_2068 : memref<16x128xf32, #tpu.memory_space<vmem_shared>>)
        %dma_wait3A_2073 = arith.constant 0 : i32
        %dma_wait3A_2074 = arith.constant 0 : i32
        %dma_wait3A_2075 = tpu.memref_slice %arg7[%cond3A, %dma_wait3A_2073, %dma_wait3A_2074] : memref<3x80x128xf32, #tpu.memory_space<vmem>> -> memref<1x16x128xf32, #tpu.memory_space<vmem>>
        %dma_wait3A_2076 = tpu.memref_squeeze %dma_wait3A_2075 : memref<1x16x128xf32, #tpu.memory_space<vmem>> -> memref<16x128xf32, #tpu.memory_space<vmem>>
        %dma_wait3A_2077 = arith.constant 0 : i32
        %dma_wait3A_2078 = arith.constant 0 : i32
        %dma_wait3A_2079 = tpu.memref_slice %arg8[%dma_wait3A_2077, %dma_wait3A_2078] : memref<10000x128xf32, #tpu.memory_space<vmem_shared>> -> memref<16x128xf32, #tpu.memory_space<vmem_shared>>
        %dma_wait3A_2080 = arith.constant 0 : i32
        %dma_wait3A_2081 = arith.constant 0 : i32
        %dma_wait3A_2082 = tpu.memref_slice %arg8[%dma_wait3A_2080, %dma_wait3A_2081] : memref<10000x128xf32, #tpu.memory_space<vmem_shared>> -> memref<16x128xf32, #tpu.memory_space<vmem_shared>>
        %dma_wait3A_2083 = arith.constant 0 : i32
        %dma_wait3A_2084 = arith.constant 0 : i32
        %dma_wait3A_2085 = tpu.memref_slice %arg7[%cond3A, %dma_wait3A_2083, %dma_wait3A_2084] : memref<3x80x128xf32, #tpu.memory_space<vmem>> -> memref<1x16x128xf32, #tpu.memory_space<vmem>>
        %dma_wait3A_2086 = tpu.memref_squeeze %dma_wait3A_2085 : memref<1x16x128xf32, #tpu.memory_space<vmem>> -> memref<16x128xf32, #tpu.memory_space<vmem>>
        tpu.wait_dma2 semaphore(%arg9 : memref<!tpu.dma_semaphore, #tpu.memory_space<semaphore_mem>>) src(%dma_wait3A_2086 : memref<16x128xf32, #tpu.memory_space<vmem>>) dst(%dma_wait3A_2082 : memref<16x128xf32, #tpu.memory_space<vmem_shared>>)
        %dma_wait3A_2087 = arith.constant 0 : i32
        %dma_wait3A_2088 = arith.constant 0 : i32
        %dma_wait3A_2089 = tpu.memref_slice %arg7[%cond3A, %dma_wait3A_2087, %dma_wait3A_2088] : memref<3x80x128xf32, #tpu.memory_space<vmem>> -> memref<1x16x128xf32, #tpu.memory_space<vmem>>
        %dma_wait3A_2090 = tpu.memref_squeeze %dma_wait3A_2089 : memref<1x16x128xf32, #tpu.memory_space<vmem>> -> memref<16x128xf32, #tpu.memory_space<vmem>>
        %dma_wait3A_2091 = arith.constant 0 : i32
        %dma_wait3A_2092 = arith.constant 0 : i32
        %dma_wait3A_2093 = tpu.memref_slice %arg8[%dma_wait3A_2091, %dma_wait3A_2092] : memref<10000x128xf32, #tpu.memory_space<vmem_shared>> -> memref<16x128xf32, #tpu.memory_space<vmem_shared>>
        %dma_wait3A_2094 = arith.constant 0 : i32
        %dma_wait3A_2095 = arith.constant 0 : i32
        %dma_wait3A_2096 = tpu.memref_slice %arg8[%dma_wait3A_2094, %dma_wait3A_2095] : memref<10000x128xf32, #tpu.memory_space<vmem_shared>> -> memref<16x128xf32, #tpu.memory_space<vmem_shared>>
        %dma_wait3A_2097 = arith.constant 0 : i32
        %dma_wait3A_2098 = arith.constant 0 : i32
        %dma_wait3A_2099 = tpu.memref_slice %arg7[%cond3A, %dma_wait3A_2097, %dma_wait3A_2098] : memref<3x80x128xf32, #tpu.memory_space<vmem>> -> memref<1x16x128xf32, #tpu.memory_space<vmem>>
        %dma_wait3A_2100 = tpu.memref_squeeze %dma_wait3A_2099 : memref<1x16x128xf32, #tpu.memory_space<vmem>> -> memref<16x128xf32, #tpu.memory_space<vmem>>
        tpu.wait_dma2 semaphore(%arg9 : memref<!tpu.dma_semaphore, #tpu.memory_space<semaphore_mem>>) src(%dma_wait3A_2100 : memref<16x128xf32, #tpu.memory_space<vmem>>) dst(%dma_wait3A_2096 : memref<16x128xf32, #tpu.memory_space<vmem_shared>>)
        %dma_wait3A_2101 = arith.constant 0 : i32
        %dma_wait3A_2102 = arith.constant 0 : i32
        %dma_wait3A_2103 = tpu.memref_slice %arg7[%cond3A, %dma_wait3A_2101, %dma_wait3A_2102] : memref<3x80x128xf32, #tpu.memory_space<vmem>> -> memref<1x16x128xf32, #tpu.memory_space<vmem>>
        %dma_wait3A_2104 = tpu.memref_squeeze %dma_wait3A_2103 : memref<1x16x128xf32, #tpu.memory_space<vmem>> -> memref<16x128xf32, #tpu.memory_space<vmem>>
        %dma_wait3A_2105 = arith.constant 0 : i32
        %dma_wait3A_2106 = arith.constant 0 : i32
        %dma_wait3A_2107 = tpu.memref_slice %arg8[%dma_wait3A_2105, %dma_wait3A_2106] : memref<10000x128xf32, #tpu.memory_space<vmem_shared>> -> memref<16x128xf32, #tpu.memory_space<vmem_shared>>
        %dma_wait3A_2108 = arith.constant 0 : i32
        %dma_wait3A_2109 = arith.constant 0 : i32
        %dma_wait3A_2110 = tpu.memref_slice %arg8[%dma_wait3A_2108, %dma_wait3A_2109] : memref<10000x128xf32, #tpu.memory_space<vmem_shared>> -> memref<16x128xf32, #tpu.memory_space<vmem_shared>>
        %dma_wait3A_2111 = arith.constant 0 : i32
        %dma_wait3A_2112 = arith.constant 0 : i32
        %dma_wait3A_2113 = tpu.memref_slice %arg7[%cond3A, %dma_wait3A_2111, %dma_wait3A_2112] : memref<3x80x128xf32, #tpu.memory_space<vmem>> -> memref<1x16x128xf32, #tpu.memory_space<vmem>>
        %dma_wait3A_2114 = tpu.memref_squeeze %dma_wait3A_2113 : memref<1x16x128xf32, #tpu.memory_space<vmem>> -> memref<16x128xf32, #tpu.memory_space<vmem>>
        tpu.wait_dma2 semaphore(%arg9 : memref<!tpu.dma_semaphore, #tpu.memory_space<semaphore_mem>>) src(%dma_wait3A_2114 : memref<16x128xf32, #tpu.memory_space<vmem>>) dst(%dma_wait3A_2110 : memref<16x128xf32, #tpu.memory_space<vmem_shared>>)
        %dma_wait3A_2115 = arith.constant 0 : i32
        %dma_wait3A_2116 = arith.constant 0 : i32
        %dma_wait3A_2117 = tpu.memref_slice %arg7[%cond3A, %dma_wait3A_2115, %dma_wait3A_2116] : memref<3x80x128xf32, #tpu.memory_space<vmem>> -> memref<1x16x128xf32, #tpu.memory_space<vmem>>
        %dma_wait3A_2118 = tpu.memref_squeeze %dma_wait3A_2117 : memref<1x16x128xf32, #tpu.memory_space<vmem>> -> memref<16x128xf32, #tpu.memory_space<vmem>>
        %dma_wait3A_2119 = arith.constant 0 : i32
        %dma_wait3A_2120 = arith.constant 0 : i32
        %dma_wait3A_2121 = tpu.memref_slice %arg8[%dma_wait3A_2119, %dma_wait3A_2120] : memref<10000x128xf32, #tpu.memory_space<vmem_shared>> -> memref<16x128xf32, #tpu.memory_space<vmem_shared>>
        %dma_wait3A_2122 = arith.constant 0 : i32
        %dma_wait3A_2123 = arith.constant 0 : i32
        %dma_wait3A_2124 = tpu.memref_slice %arg8[%dma_wait3A_2122, %dma_wait3A_2123] : memref<10000x128xf32, #tpu.memory_space<vmem_shared>> -> memref<16x128xf32, #tpu.memory_space<vmem_shared>>
        %dma_wait3A_2125 = arith.constant 0 : i32
        %dma_wait3A_2126 = arith.constant 0 : i32
        %dma_wait3A_2127 = tpu.memref_slice %arg7[%cond3A, %dma_wait3A_2125, %dma_wait3A_2126] : memref<3x80x128xf32, #tpu.memory_space<vmem>> -> memref<1x16x128xf32, #tpu.memory_space<vmem>>
        %dma_wait3A_2128 = tpu.memref_squeeze %dma_wait3A_2127 : memref<1x16x128xf32, #tpu.memory_space<vmem>> -> memref<16x128xf32, #tpu.memory_space<vmem>>
        tpu.wait_dma2 semaphore(%arg9 : memref<!tpu.dma_semaphore, #tpu.memory_space<semaphore_mem>>) src(%dma_wait3A_2128 : memref<16x128xf32, #tpu.memory_space<vmem>>) dst(%dma_wait3A_2124 : memref<16x128xf32, #tpu.memory_space<vmem_shared>>)
        %dma_wait3A_2129 = arith.constant 0 : i32
        %dma_wait3A_2130 = arith.constant 0 : i32
        %dma_wait3A_2131 = tpu.memref_slice %arg7[%cond3A, %dma_wait3A_2129, %dma_wait3A_2130] : memref<3x80x128xf32, #tpu.memory_space<vmem>> -> memref<1x16x128xf32, #tpu.memory_space<vmem>>
        %dma_wait3A_2132 = tpu.memref_squeeze %dma_wait3A_2131 : memref<1x16x128xf32, #tpu.memory_space<vmem>> -> memref<16x128xf32, #tpu.memory_space<vmem>>
        %dma_wait3A_2133 = arith.constant 0 : i32
        %dma_wait3A_2134 = arith.constant 0 : i32
        %dma_wait3A_2135 = tpu.memref_slice %arg8[%dma_wait3A_2133, %dma_wait3A_2134] : memref<10000x128xf32, #tpu.memory_space<vmem_shared>> -> memref<16x128xf32, #tpu.memory_space<vmem_shared>>
        %dma_wait3A_2136 = arith.constant 0 : i32
        %dma_wait3A_2137 = arith.constant 0 : i32
        %dma_wait3A_2138 = tpu.memref_slice %arg8[%dma_wait3A_2136, %dma_wait3A_2137] : memref<10000x128xf32, #tpu.memory_space<vmem_shared>> -> memref<16x128xf32, #tpu.memory_space<vmem_shared>>
        %dma_wait3A_2139 = arith.constant 0 : i32
        %dma_wait3A_2140 = arith.constant 0 : i32
        %dma_wait3A_2141 = tpu.memref_slice %arg7[%cond3A, %dma_wait3A_2139, %dma_wait3A_2140] : memref<3x80x128xf32, #tpu.memory_space<vmem>> -> memref<1x16x128xf32, #tpu.memory_space<vmem>>
        %dma_wait3A_2142 = tpu.memref_squeeze %dma_wait3A_2141 : memref<1x16x128xf32, #tpu.memory_space<vmem>> -> memref<16x128xf32, #tpu.memory_space<vmem>>
        tpu.wait_dma2 semaphore(%arg9 : memref<!tpu.dma_semaphore, #tpu.memory_space<semaphore_mem>>) src(%dma_wait3A_2142 : memref<16x128xf32, #tpu.memory_space<vmem>>) dst(%dma_wait3A_2138 : memref<16x128xf32, #tpu.memory_space<vmem_shared>>)
        %dma_wait3A_2143 = arith.constant 0 : i32
        %dma_wait3A_2144 = arith.constant 0 : i32
        %dma_wait3A_2145 = tpu.memref_slice %arg7[%cond3A, %dma_wait3A_2143, %dma_wait3A_2144] : memref<3x80x128xf32, #tpu.memory_space<vmem>> -> memref<1x16x128xf32, #tpu.memory_space<vmem>>
        %dma_wait3A_2146 = tpu.memref_squeeze %dma_wait3A_2145 : memref<1x16x128xf32, #tpu.memory_space<vmem>> -> memref<16x128xf32, #tpu.memory_space<vmem>>
        %dma_wait3A_2147 = arith.constant 0 : i32
        %dma_wait3A_2148 = arith.constant 0 : i32
        %dma_wait3A_2149 = tpu.memref_slice %arg8[%dma_wait3A_2147, %dma_wait3A_2148] : memref<10000x128xf32, #tpu.memory_space<vmem_shared>> -> memref<16x128xf32, #tpu.memory_space<vmem_shared>>
        %dma_wait3A_2150 = arith.constant 0 : i32
        %dma_wait3A_2151 = arith.constant 0 : i32
        %dma_wait3A_2152 = tpu.memref_slice %arg8[%dma_wait3A_2150, %dma_wait3A_2151] : memref<10000x128xf32, #tpu.memory_space<vmem_shared>> -> memref<16x128xf32, #tpu.memory_space<vmem_shared>>
        %dma_wait3A_2153 = arith.constant 0 : i32
        %dma_wait3A_2154 = arith.constant 0 : i32
        %dma_wait3A_2155 = tpu.memref_slice %arg7[%cond3A, %dma_wait3A_2153, %dma_wait3A_2154] : memref<3x80x128xf32, #tpu.memory_space<vmem>> -> memref<1x16x128xf32, #tpu.memory_space<vmem>>
        %dma_wait3A_2156 = tpu.memref_squeeze %dma_wait3A_2155 : memref<1x16x128xf32, #tpu.memory_space<vmem>> -> memref<16x128xf32, #tpu.memory_space<vmem>>
        tpu.wait_dma2 semaphore(%arg9 : memref<!tpu.dma_semaphore, #tpu.memory_space<semaphore_mem>>) src(%dma_wait3A_2156 : memref<16x128xf32, #tpu.memory_space<vmem>>) dst(%dma_wait3A_2152 : memref<16x128xf32, #tpu.memory_space<vmem_shared>>)
        %dma_wait3A_2157 = arith.constant 0 : i32
        %dma_wait3A_2158 = arith.constant 0 : i32
        %dma_wait3A_2159 = tpu.memref_slice %arg7[%cond3A, %dma_wait3A_2157, %dma_wait3A_2158] : memref<3x80x128xf32, #tpu.memory_space<vmem>> -> memref<1x16x128xf32, #tpu.memory_space<vmem>>
        %dma_wait3A_2160 = tpu.memref_squeeze %dma_wait3A_2159 : memref<1x16x128xf32, #tpu.memory_space<vmem>> -> memref<16x128xf32, #tpu.memory_space<vmem>>
        %dma_wait3A_2161 = arith.constant 0 : i32
        %dma_wait3A_2162 = arith.constant 0 : i32
        %dma_wait3A_2163 = tpu.memref_slice %arg8[%dma_wait3A_2161, %dma_wait3A_2162] : memref<10000x128xf32, #tpu.memory_space<vmem_shared>> -> memref<16x128xf32, #tpu.memory_space<vmem_shared>>
        %dma_wait3A_2164 = arith.constant 0 : i32
        %dma_wait3A_2165 = arith.constant 0 : i32
        %dma_wait3A_2166 = tpu.memref_slice %arg8[%dma_wait3A_2164, %dma_wait3A_2165] : memref<10000x128xf32, #tpu.memory_space<vmem_shared>> -> memref<16x128xf32, #tpu.memory_space<vmem_shared>>
        %dma_wait3A_2167 = arith.constant 0 : i32
        %dma_wait3A_2168 = arith.constant 0 : i32
        %dma_wait3A_2169 = tpu.memref_slice %arg7[%cond3A, %dma_wait3A_2167, %dma_wait3A_2168] : memref<3x80x128xf32, #tpu.memory_space<vmem>> -> memref<1x16x128xf32, #tpu.memory_space<vmem>>
        %dma_wait3A_2170 = tpu.memref_squeeze %dma_wait3A_2169 : memref<1x16x128xf32, #tpu.memory_space<vmem>> -> memref<16x128xf32, #tpu.memory_space<vmem>>
        tpu.wait_dma2 semaphore(%arg9 : memref<!tpu.dma_semaphore, #tpu.memory_space<semaphore_mem>>) src(%dma_wait3A_2170 : memref<16x128xf32, #tpu.memory_space<vmem>>) dst(%dma_wait3A_2166 : memref<16x128xf32, #tpu.memory_space<vmem_shared>>)
        %dma_wait3A_2171 = arith.constant 0 : i32
        %dma_wait3A_2172 = arith.constant 0 : i32
        %dma_wait3A_2173 = tpu.memref_slice %arg7[%cond3A, %dma_wait3A_2171, %dma_wait3A_2172] : memref<3x80x128xf32, #tpu.memory_space<vmem>> -> memref<1x16x128xf32, #tpu.memory_space<vmem>>
        %dma_wait3A_2174 = tpu.memref_squeeze %dma_wait3A_2173 : memref<1x16x128xf32, #tpu.memory_space<vmem>> -> memref<16x128xf32, #tpu.memory_space<vmem>>
        %dma_wait3A_2175 = arith.constant 0 : i32
        %dma_wait3A_2176 = arith.constant 0 : i32
        %dma_wait3A_2177 = tpu.memref_slice %arg8[%dma_wait3A_2175, %dma_wait3A_2176] : memref<10000x128xf32, #tpu.memory_space<vmem_shared>> -> memref<16x128xf32, #tpu.memory_space<vmem_shared>>
        %dma_wait3A_2178 = arith.constant 0 : i32
        %dma_wait3A_2179 = arith.constant 0 : i32
        %dma_wait3A_2180 = tpu.memref_slice %arg8[%dma_wait3A_2178, %dma_wait3A_2179] : memref<10000x128xf32, #tpu.memory_space<vmem_shared>> -> memref<16x128xf32, #tpu.memory_space<vmem_shared>>
        %dma_wait3A_2181 = arith.constant 0 : i32
        %dma_wait3A_2182 = arith.constant 0 : i32
        %dma_wait3A_2183 = tpu.memref_slice %arg7[%cond3A, %dma_wait3A_2181, %dma_wait3A_2182] : memref<3x80x128xf32, #tpu.memory_space<vmem>> -> memref<1x16x128xf32, #tpu.memory_space<vmem>>
        %dma_wait3A_2184 = tpu.memref_squeeze %dma_wait3A_2183 : memref<1x16x128xf32, #tpu.memory_space<vmem>> -> memref<16x128xf32, #tpu.memory_space<vmem>>
        tpu.wait_dma2 semaphore(%arg9 : memref<!tpu.dma_semaphore, #tpu.memory_space<semaphore_mem>>) src(%dma_wait3A_2184 : memref<16x128xf32, #tpu.memory_space<vmem>>) dst(%dma_wait3A_2180 : memref<16x128xf32, #tpu.memory_space<vmem_shared>>)
        %dma_wait3A_2185 = arith.constant 0 : i32
        %dma_wait3A_2186 = arith.constant 0 : i32
        %dma_wait3A_2187 = tpu.memref_slice %arg7[%cond3A, %dma_wait3A_2185, %dma_wait3A_2186] : memref<3x80x128xf32, #tpu.memory_space<vmem>> -> memref<1x16x128xf32, #tpu.memory_space<vmem>>
        %dma_wait3A_2188 = tpu.memref_squeeze %dma_wait3A_2187 : memref<1x16x128xf32, #tpu.memory_space<vmem>> -> memref<16x128xf32, #tpu.memory_space<vmem>>
        %dma_wait3A_2189 = arith.constant 0 : i32
        %dma_wait3A_2190 = arith.constant 0 : i32
        %dma_wait3A_2191 = tpu.memref_slice %arg8[%dma_wait3A_2189, %dma_wait3A_2190] : memref<10000x128xf32, #tpu.memory_space<vmem_shared>> -> memref<16x128xf32, #tpu.memory_space<vmem_shared>>
        %dma_wait3A_2192 = arith.constant 0 : i32
        %dma_wait3A_2193 = arith.constant 0 : i32
        %dma_wait3A_2194 = tpu.memref_slice %arg8[%dma_wait3A_2192, %dma_wait3A_2193] : memref<10000x128xf32, #tpu.memory_space<vmem_shared>> -> memref<16x128xf32, #tpu.memory_space<vmem_shared>>
        %dma_wait3A_2195 = arith.constant 0 : i32
        %dma_wait3A_2196 = arith.constant 0 : i32
        %dma_wait3A_2197 = tpu.memref_slice %arg7[%cond3A, %dma_wait3A_2195, %dma_wait3A_2196] : memref<3x80x128xf32, #tpu.memory_space<vmem>> -> memref<1x16x128xf32, #tpu.memory_space<vmem>>
        %dma_wait3A_2198 = tpu.memref_squeeze %dma_wait3A_2197 : memref<1x16x128xf32, #tpu.memory_space<vmem>> -> memref<16x128xf32, #tpu.memory_space<vmem>>
        tpu.wait_dma2 semaphore(%arg9 : memref<!tpu.dma_semaphore, #tpu.memory_space<semaphore_mem>>) src(%dma_wait3A_2198 : memref<16x128xf32, #tpu.memory_space<vmem>>) dst(%dma_wait3A_2194 : memref<16x128xf32, #tpu.memory_space<vmem_shared>>)
        %dma_wait3A_2199 = arith.constant 0 : i32
        %dma_wait3A_2200 = arith.constant 0 : i32
        %dma_wait3A_2201 = tpu.memref_slice %arg7[%cond3A, %dma_wait3A_2199, %dma_wait3A_2200] : memref<3x80x128xf32, #tpu.memory_space<vmem>> -> memref<1x16x128xf32, #tpu.memory_space<vmem>>
        %dma_wait3A_2202 = tpu.memref_squeeze %dma_wait3A_2201 : memref<1x16x128xf32, #tpu.memory_space<vmem>> -> memref<16x128xf32, #tpu.memory_space<vmem>>
        %dma_wait3A_2203 = arith.constant 0 : i32
        %dma_wait3A_2204 = arith.constant 0 : i32
        %dma_wait3A_2205 = tpu.memref_slice %arg8[%dma_wait3A_2203, %dma_wait3A_2204] : memref<10000x128xf32, #tpu.memory_space<vmem_shared>> -> memref<16x128xf32, #tpu.memory_space<vmem_shared>>
        %dma_wait3A_2206 = arith.constant 0 : i32
        %dma_wait3A_2207 = arith.constant 0 : i32
        %dma_wait3A_2208 = tpu.memref_slice %arg8[%dma_wait3A_2206, %dma_wait3A_2207] : memref<10000x128xf32, #tpu.memory_space<vmem_shared>> -> memref<16x128xf32, #tpu.memory_space<vmem_shared>>
        %dma_wait3A_2209 = arith.constant 0 : i32
        %dma_wait3A_2210 = arith.constant 0 : i32
        %dma_wait3A_2211 = tpu.memref_slice %arg7[%cond3A, %dma_wait3A_2209, %dma_wait3A_2210] : memref<3x80x128xf32, #tpu.memory_space<vmem>> -> memref<1x16x128xf32, #tpu.memory_space<vmem>>
        %dma_wait3A_2212 = tpu.memref_squeeze %dma_wait3A_2211 : memref<1x16x128xf32, #tpu.memory_space<vmem>> -> memref<16x128xf32, #tpu.memory_space<vmem>>
        tpu.wait_dma2 semaphore(%arg9 : memref<!tpu.dma_semaphore, #tpu.memory_space<semaphore_mem>>) src(%dma_wait3A_2212 : memref<16x128xf32, #tpu.memory_space<vmem>>) dst(%dma_wait3A_2208 : memref<16x128xf32, #tpu.memory_space<vmem_shared>>)
        %dma_wait3A_2213 = arith.constant 0 : i32
        %dma_wait3A_2214 = arith.constant 0 : i32
        %dma_wait3A_2215 = tpu.memref_slice %arg7[%cond3A, %dma_wait3A_2213, %dma_wait3A_2214] : memref<3x80x128xf32, #tpu.memory_space<vmem>> -> memref<1x16x128xf32, #tpu.memory_space<vmem>>
        %dma_wait3A_2216 = tpu.memref_squeeze %dma_wait3A_2215 : memref<1x16x128xf32, #tpu.memory_space<vmem>> -> memref<16x128xf32, #tpu.memory_space<vmem>>
        %dma_wait3A_2217 = arith.constant 0 : i32
        %dma_wait3A_2218 = arith.constant 0 : i32
        %dma_wait3A_2219 = tpu.memref_slice %arg8[%dma_wait3A_2217, %dma_wait3A_2218] : memref<10000x128xf32, #tpu.memory_space<vmem_shared>> -> memref<16x128xf32, #tpu.memory_space<vmem_shared>>
        %dma_wait3A_2220 = arith.constant 0 : i32
        %dma_wait3A_2221 = arith.constant 0 : i32
        %dma_wait3A_2222 = tpu.memref_slice %arg8[%dma_wait3A_2220, %dma_wait3A_2221] : memref<10000x128xf32, #tpu.memory_space<vmem_shared>> -> memref<16x128xf32, #tpu.memory_space<vmem_shared>>
        %dma_wait3A_2223 = arith.constant 0 : i32
        %dma_wait3A_2224 = arith.constant 0 : i32
        %dma_wait3A_2225 = tpu.memref_slice %arg7[%cond3A, %dma_wait3A_2223, %dma_wait3A_2224] : memref<3x80x128xf32, #tpu.memory_space<vmem>> -> memref<1x16x128xf32, #tpu.memory_space<vmem>>
        %dma_wait3A_2226 = tpu.memref_squeeze %dma_wait3A_2225 : memref<1x16x128xf32, #tpu.memory_space<vmem>> -> memref<16x128xf32, #tpu.memory_space<vmem>>
        tpu.wait_dma2 semaphore(%arg9 : memref<!tpu.dma_semaphore, #tpu.memory_space<semaphore_mem>>) src(%dma_wait3A_2226 : memref<16x128xf32, #tpu.memory_space<vmem>>) dst(%dma_wait3A_2222 : memref<16x128xf32, #tpu.memory_space<vmem_shared>>)
        %dma_wait3A_2227 = arith.constant 0 : i32
        %dma_wait3A_2228 = arith.constant 0 : i32
        %dma_wait3A_2229 = tpu.memref_slice %arg7[%cond3A, %dma_wait3A_2227, %dma_wait3A_2228] : memref<3x80x128xf32, #tpu.memory_space<vmem>> -> memref<1x16x128xf32, #tpu.memory_space<vmem>>
        %dma_wait3A_2230 = tpu.memref_squeeze %dma_wait3A_2229 : memref<1x16x128xf32, #tpu.memory_space<vmem>> -> memref<16x128xf32, #tpu.memory_space<vmem>>
        %dma_wait3A_2231 = arith.constant 0 : i32
        %dma_wait3A_2232 = arith.constant 0 : i32
        %dma_wait3A_2233 = tpu.memref_slice %arg8[%dma_wait3A_2231, %dma_wait3A_2232] : memref<10000x128xf32, #tpu.memory_space<vmem_shared>> -> memref<16x128xf32, #tpu.memory_space<vmem_shared>>
        %dma_wait3A_2234 = arith.constant 0 : i32
        %dma_wait3A_2235 = arith.constant 0 : i32
        %dma_wait3A_2236 = tpu.memref_slice %arg8[%dma_wait3A_2234, %dma_wait3A_2235] : memref<10000x128xf32, #tpu.memory_space<vmem_shared>> -> memref<16x128xf32, #tpu.memory_space<vmem_shared>>
        %dma_wait3A_2237 = arith.constant 0 : i32
        %dma_wait3A_2238 = arith.constant 0 : i32
        %dma_wait3A_2239 = tpu.memref_slice %arg7[%cond3A, %dma_wait3A_2237, %dma_wait3A_2238] : memref<3x80x128xf32, #tpu.memory_space<vmem>> -> memref<1x16x128xf32, #tpu.memory_space<vmem>>
        %dma_wait3A_2240 = tpu.memref_squeeze %dma_wait3A_2239 : memref<1x16x128xf32, #tpu.memory_space<vmem>> -> memref<16x128xf32, #tpu.memory_space<vmem>>
        tpu.wait_dma2 semaphore(%arg9 : memref<!tpu.dma_semaphore, #tpu.memory_space<semaphore_mem>>) src(%dma_wait3A_2240 : memref<16x128xf32, #tpu.memory_space<vmem>>) dst(%dma_wait3A_2236 : memref<16x128xf32, #tpu.memory_space<vmem_shared>>)
        %dma_wait3A_2241 = arith.constant 0 : i32
        %dma_wait3A_2242 = arith.constant 0 : i32
        %dma_wait3A_2243 = tpu.memref_slice %arg7[%cond3A, %dma_wait3A_2241, %dma_wait3A_2242] : memref<3x80x128xf32, #tpu.memory_space<vmem>> -> memref<1x16x128xf32, #tpu.memory_space<vmem>>
        %dma_wait3A_2244 = tpu.memref_squeeze %dma_wait3A_2243 : memref<1x16x128xf32, #tpu.memory_space<vmem>> -> memref<16x128xf32, #tpu.memory_space<vmem>>
        %dma_wait3A_2245 = arith.constant 0 : i32
        %dma_wait3A_2246 = arith.constant 0 : i32
        %dma_wait3A_2247 = tpu.memref_slice %arg8[%dma_wait3A_2245, %dma_wait3A_2246] : memref<10000x128xf32, #tpu.memory_space<vmem_shared>> -> memref<16x128xf32, #tpu.memory_space<vmem_shared>>
        %dma_wait3A_2248 = arith.constant 0 : i32
        %dma_wait3A_2249 = arith.constant 0 : i32
        %dma_wait3A_2250 = tpu.memref_slice %arg8[%dma_wait3A_2248, %dma_wait3A_2249] : memref<10000x128xf32, #tpu.memory_space<vmem_shared>> -> memref<16x128xf32, #tpu.memory_space<vmem_shared>>
        %dma_wait3A_2251 = arith.constant 0 : i32
        %dma_wait3A_2252 = arith.constant 0 : i32
        %dma_wait3A_2253 = tpu.memref_slice %arg7[%cond3A, %dma_wait3A_2251, %dma_wait3A_2252] : memref<3x80x128xf32, #tpu.memory_space<vmem>> -> memref<1x16x128xf32, #tpu.memory_space<vmem>>
        %dma_wait3A_2254 = tpu.memref_squeeze %dma_wait3A_2253 : memref<1x16x128xf32, #tpu.memory_space<vmem>> -> memref<16x128xf32, #tpu.memory_space<vmem>>
        tpu.wait_dma2 semaphore(%arg9 : memref<!tpu.dma_semaphore, #tpu.memory_space<semaphore_mem>>) src(%dma_wait3A_2254 : memref<16x128xf32, #tpu.memory_space<vmem>>) dst(%dma_wait3A_2250 : memref<16x128xf32, #tpu.memory_space<vmem_shared>>)
        %dma_wait3A_2255 = arith.constant 0 : i32
        %dma_wait3A_2256 = arith.constant 0 : i32
        %dma_wait3A_2257 = tpu.memref_slice %arg7[%cond3A, %dma_wait3A_2255, %dma_wait3A_2256] : memref<3x80x128xf32, #tpu.memory_space<vmem>> -> memref<1x16x128xf32, #tpu.memory_space<vmem>>
        %dma_wait3A_2258 = tpu.memref_squeeze %dma_wait3A_2257 : memref<1x16x128xf32, #tpu.memory_space<vmem>> -> memref<16x128xf32, #tpu.memory_space<vmem>>
        %dma_wait3A_2259 = arith.constant 0 : i32
        %dma_wait3A_2260 = arith.constant 0 : i32
        %dma_wait3A_2261 = tpu.memref_slice %arg8[%dma_wait3A_2259, %dma_wait3A_2260] : memref<10000x128xf32, #tpu.memory_space<vmem_shared>> -> memref<16x128xf32, #tpu.memory_space<vmem_shared>>
        %dma_wait3A_2262 = arith.constant 0 : i32
        %dma_wait3A_2263 = arith.constant 0 : i32
        %dma_wait3A_2264 = tpu.memref_slice %arg8[%dma_wait3A_2262, %dma_wait3A_2263] : memref<10000x128xf32, #tpu.memory_space<vmem_shared>> -> memref<16x128xf32, #tpu.memory_space<vmem_shared>>
        %dma_wait3A_2265 = arith.constant 0 : i32
        %dma_wait3A_2266 = arith.constant 0 : i32
        %dma_wait3A_2267 = tpu.memref_slice %arg7[%cond3A, %dma_wait3A_2265, %dma_wait3A_2266] : memref<3x80x128xf32, #tpu.memory_space<vmem>> -> memref<1x16x128xf32, #tpu.memory_space<vmem>>
        %dma_wait3A_2268 = tpu.memref_squeeze %dma_wait3A_2267 : memref<1x16x128xf32, #tpu.memory_space<vmem>> -> memref<16x128xf32, #tpu.memory_space<vmem>>
        tpu.wait_dma2 semaphore(%arg9 : memref<!tpu.dma_semaphore, #tpu.memory_space<semaphore_mem>>) src(%dma_wait3A_2268 : memref<16x128xf32, #tpu.memory_space<vmem>>) dst(%dma_wait3A_2264 : memref<16x128xf32, #tpu.memory_space<vmem_shared>>)
        %dma_wait3A_2269 = arith.constant 0 : i32
        %dma_wait3A_2270 = arith.constant 0 : i32
        %dma_wait3A_2271 = tpu.memref_slice %arg7[%cond3A, %dma_wait3A_2269, %dma_wait3A_2270] : memref<3x80x128xf32, #tpu.memory_space<vmem>> -> memref<1x16x128xf32, #tpu.memory_space<vmem>>
        %dma_wait3A_2272 = tpu.memref_squeeze %dma_wait3A_2271 : memref<1x16x128xf32, #tpu.memory_space<vmem>> -> memref<16x128xf32, #tpu.memory_space<vmem>>
        %dma_wait3A_2273 = arith.constant 0 : i32
        %dma_wait3A_2274 = arith.constant 0 : i32
        %dma_wait3A_2275 = tpu.memref_slice %arg8[%dma_wait3A_2273, %dma_wait3A_2274] : memref<10000x128xf32, #tpu.memory_space<vmem_shared>> -> memref<16x128xf32, #tpu.memory_space<vmem_shared>>
        %dma_wait3A_2276 = arith.constant 0 : i32
        %dma_wait3A_2277 = arith.constant 0 : i32
        %dma_wait3A_2278 = tpu.memref_slice %arg8[%dma_wait3A_2276, %dma_wait3A_2277] : memref<10000x128xf32, #tpu.memory_space<vmem_shared>> -> memref<16x128xf32, #tpu.memory_space<vmem_shared>>
        %dma_wait3A_2279 = arith.constant 0 : i32
        %dma_wait3A_2280 = arith.constant 0 : i32
        %dma_wait3A_2281 = tpu.memref_slice %arg7[%cond3A, %dma_wait3A_2279, %dma_wait3A_2280] : memref<3x80x128xf32, #tpu.memory_space<vmem>> -> memref<1x16x128xf32, #tpu.memory_space<vmem>>
        %dma_wait3A_2282 = tpu.memref_squeeze %dma_wait3A_2281 : memref<1x16x128xf32, #tpu.memory_space<vmem>> -> memref<16x128xf32, #tpu.memory_space<vmem>>
        tpu.wait_dma2 semaphore(%arg9 : memref<!tpu.dma_semaphore, #tpu.memory_space<semaphore_mem>>) src(%dma_wait3A_2282 : memref<16x128xf32, #tpu.memory_space<vmem>>) dst(%dma_wait3A_2278 : memref<16x128xf32, #tpu.memory_space<vmem_shared>>)
        %dma_wait3A_2283 = arith.constant 0 : i32
        %dma_wait3A_2284 = arith.constant 0 : i32
        %dma_wait3A_2285 = tpu.memref_slice %arg7[%cond3A, %dma_wait3A_2283, %dma_wait3A_2284] : memref<3x80x128xf32, #tpu.memory_space<vmem>> -> memref<1x16x128xf32, #tpu.memory_space<vmem>>
        %dma_wait3A_2286 = tpu.memref_squeeze %dma_wait3A_2285 : memref<1x16x128xf32, #tpu.memory_space<vmem>> -> memref<16x128xf32, #tpu.memory_space<vmem>>
        %dma_wait3A_2287 = arith.constant 0 : i32
        %dma_wait3A_2288 = arith.constant 0 : i32
        %dma_wait3A_2289 = tpu.memref_slice %arg8[%dma_wait3A_2287, %dma_wait3A_2288] : memref<10000x128xf32, #tpu.memory_space<vmem_shared>> -> memref<16x128xf32, #tpu.memory_space<vmem_shared>>
        %dma_wait3A_2290 = arith.constant 0 : i32
        %dma_wait3A_2291 = arith.constant 0 : i32
        %dma_wait3A_2292 = tpu.memref_slice %arg8[%dma_wait3A_2290, %dma_wait3A_2291] : memref<10000x128xf32, #tpu.memory_space<vmem_shared>> -> memref<16x128xf32, #tpu.memory_space<vmem_shared>>
        %dma_wait3A_2293 = arith.constant 0 : i32
        %dma_wait3A_2294 = arith.constant 0 : i32
        %dma_wait3A_2295 = tpu.memref_slice %arg7[%cond3A, %dma_wait3A_2293, %dma_wait3A_2294] : memref<3x80x128xf32, #tpu.memory_space<vmem>> -> memref<1x16x128xf32, #tpu.memory_space<vmem>>
        %dma_wait3A_2296 = tpu.memref_squeeze %dma_wait3A_2295 : memref<1x16x128xf32, #tpu.memory_space<vmem>> -> memref<16x128xf32, #tpu.memory_space<vmem>>
        tpu.wait_dma2 semaphore(%arg9 : memref<!tpu.dma_semaphore, #tpu.memory_space<semaphore_mem>>) src(%dma_wait3A_2296 : memref<16x128xf32, #tpu.memory_space<vmem>>) dst(%dma_wait3A_2292 : memref<16x128xf32, #tpu.memory_space<vmem_shared>>)
        %dma_wait3A_2297 = arith.constant 0 : i32
        %dma_wait3A_2298 = arith.constant 0 : i32
        %dma_wait3A_2299 = tpu.memref_slice %arg7[%cond3A, %dma_wait3A_2297, %dma_wait3A_2298] : memref<3x80x128xf32, #tpu.memory_space<vmem>> -> memref<1x16x128xf32, #tpu.memory_space<vmem>>
        %dma_wait3A_2300 = tpu.memref_squeeze %dma_wait3A_2299 : memref<1x16x128xf32, #tpu.memory_space<vmem>> -> memref<16x128xf32, #tpu.memory_space<vmem>>
        %dma_wait3A_2301 = arith.constant 0 : i32
        %dma_wait3A_2302 = arith.constant 0 : i32
        %dma_wait3A_2303 = tpu.memref_slice %arg8[%dma_wait3A_2301, %dma_wait3A_2302] : memref<10000x128xf32, #tpu.memory_space<vmem_shared>> -> memref<16x128xf32, #tpu.memory_space<vmem_shared>>
        %dma_wait3A_2304 = arith.constant 0 : i32
        %dma_wait3A_2305 = arith.constant 0 : i32
        %dma_wait3A_2306 = tpu.memref_slice %arg8[%dma_wait3A_2304, %dma_wait3A_2305] : memref<10000x128xf32, #tpu.memory_space<vmem_shared>> -> memref<16x128xf32, #tpu.memory_space<vmem_shared>>
        %dma_wait3A_2307 = arith.constant 0 : i32
        %dma_wait3A_2308 = arith.constant 0 : i32
        %dma_wait3A_2309 = tpu.memref_slice %arg7[%cond3A, %dma_wait3A_2307, %dma_wait3A_2308] : memref<3x80x128xf32, #tpu.memory_space<vmem>> -> memref<1x16x128xf32, #tpu.memory_space<vmem>>
        %dma_wait3A_2310 = tpu.memref_squeeze %dma_wait3A_2309 : memref<1x16x128xf32, #tpu.memory_space<vmem>> -> memref<16x128xf32, #tpu.memory_space<vmem>>
        tpu.wait_dma2 semaphore(%arg9 : memref<!tpu.dma_semaphore, #tpu.memory_space<semaphore_mem>>) src(%dma_wait3A_2310 : memref<16x128xf32, #tpu.memory_space<vmem>>) dst(%dma_wait3A_2306 : memref<16x128xf32, #tpu.memory_space<vmem_shared>>)
        %dma_wait3A_2311 = arith.constant 0 : i32
        %dma_wait3A_2312 = arith.constant 0 : i32
        %dma_wait3A_2313 = tpu.memref_slice %arg7[%cond3A, %dma_wait3A_2311, %dma_wait3A_2312] : memref<3x80x128xf32, #tpu.memory_space<vmem>> -> memref<1x16x128xf32, #tpu.memory_space<vmem>>
        %dma_wait3A_2314 = tpu.memref_squeeze %dma_wait3A_2313 : memref<1x16x128xf32, #tpu.memory_space<vmem>> -> memref<16x128xf32, #tpu.memory_space<vmem>>
        %dma_wait3A_2315 = arith.constant 0 : i32
        %dma_wait3A_2316 = arith.constant 0 : i32
        %dma_wait3A_2317 = tpu.memref_slice %arg8[%dma_wait3A_2315, %dma_wait3A_2316] : memref<10000x128xf32, #tpu.memory_space<vmem_shared>> -> memref<16x128xf32, #tpu.memory_space<vmem_shared>>
        %dma_wait3A_2318 = arith.constant 0 : i32
        %dma_wait3A_2319 = arith.constant 0 : i32
        %dma_wait3A_2320 = tpu.memref_slice %arg8[%dma_wait3A_2318, %dma_wait3A_2319] : memref<10000x128xf32, #tpu.memory_space<vmem_shared>> -> memref<16x128xf32, #tpu.memory_space<vmem_shared>>
        %dma_wait3A_2321 = arith.constant 0 : i32
        %dma_wait3A_2322 = arith.constant 0 : i32
        %dma_wait3A_2323 = tpu.memref_slice %arg7[%cond3A, %dma_wait3A_2321, %dma_wait3A_2322] : memref<3x80x128xf32, #tpu.memory_space<vmem>> -> memref<1x16x128xf32, #tpu.memory_space<vmem>>
        %dma_wait3A_2324 = tpu.memref_squeeze %dma_wait3A_2323 : memref<1x16x128xf32, #tpu.memory_space<vmem>> -> memref<16x128xf32, #tpu.memory_space<vmem>>
        tpu.wait_dma2 semaphore(%arg9 : memref<!tpu.dma_semaphore, #tpu.memory_space<semaphore_mem>>) src(%dma_wait3A_2324 : memref<16x128xf32, #tpu.memory_space<vmem>>) dst(%dma_wait3A_2320 : memref<16x128xf32, #tpu.memory_space<vmem_shared>>)
      } else {
      }
    } else {
    }
    %convert_element_type3A_1046 = arith.extui %eq3A_1 : i1 to i32
    %cond3A_1047 = arith.constant 0 : i32
    %cond3A_1048 = arith.constant 0 : i32
    %cond3A_1049 = arith.cmpi ne, %convert_element_type3A_1046, %cond3A_1048 : i32
    scf.if %cond3A_1049 {
      %eq3A_1223 = arith.constant 0 : i32
      %eq3A_1224 = arith.cmpi eq, %arg0, %eq3A_1223 : i32
      %convert_element_type3A_1225 = arith.extui %eq3A_1224 : i1 to i32
      %cond3A_1226 = arith.constant 0 : i32
      %cond3A_1227 = arith.cmpi ne, %convert_element_type3A_1225, %cond3A_1226 : i32
      scf.if %cond3A_1227 {
        %dma_start3A_1233 = arith.constant 9360 : i32
        %dma_start3A_1234 = arith.constant 0 : i32
        %dma_start3A_1235 = tpu.memref_slice %arg8[%dma_start3A_1233, %dma_start3A_1234] : memref<10000x128xf32, #tpu.memory_space<vmem_shared>> -> memref<640x128xf32, #tpu.memory_space<vmem_shared>>
        %dma_start3A_1236 = arith.constant 9360 : i32
        %dma_start3A_1237 = arith.constant 0 : i32
        %dma_start3A_1238 = tpu.memref_slice %arg2[%dma_start3A_1236, %dma_start3A_1237] : memref<10000x128xf32, #tpu.memory_space<hbm>> -> memref<640x128xf32, #tpu.memory_space<hbm>>
        tpu.enqueue_dma source(%dma_start3A_1238 : memref<640x128xf32, #tpu.memory_space<hbm>>) target(%dma_start3A_1235 : memref<640x128xf32, #tpu.memory_space<vmem_shared>>) target_semaphore(%arg9 : memref<!tpu.dma_semaphore, #tpu.memory_space<semaphore_mem>>)
        %dma_wait3A_1239 = arith.constant 9360 : i32
        %dma_wait3A_1240 = arith.constant 0 : i32
        %dma_wait3A_1241 = tpu.memref_slice %arg8[%dma_wait3A_1239, %dma_wait3A_1240] : memref<10000x128xf32, #tpu.memory_space<vmem_shared>> -> memref<640x128xf32, #tpu.memory_space<vmem_shared>>
        %dma_wait3A_1242 = arith.constant 9360 : i32
        %dma_wait3A_1243 = arith.constant 0 : i32
        %dma_wait3A_1244 = tpu.memref_slice %arg2[%dma_wait3A_1242, %dma_wait3A_1243] : memref<10000x128xf32, #tpu.memory_space<hbm>> -> memref<640x128xf32, #tpu.memory_space<hbm>>
        tpu.wait_dma2 semaphore(%arg9 : memref<!tpu.dma_semaphore, #tpu.memory_space<semaphore_mem>>) src(%dma_wait3A_1244 : memref<640x128xf32, #tpu.memory_space<hbm>>) dst(%dma_wait3A_1241 : memref<640x128xf32, #tpu.memory_space<vmem_shared>>)
      } else {
      }
      %eq3A_1228 = arith.constant 1 : i32
      %eq3A_1229 = arith.cmpi eq, %arg0, %eq3A_1228 : i32
      %convert_element_type3A_1230 = arith.extui %eq3A_1229 : i1 to i32
      %cond3A_1231 = arith.constant 0 : i32
      %cond3A_1232 = arith.cmpi ne, %convert_element_type3A_1230, %cond3A_1231 : i32
      scf.if %cond3A_1232 {
        %dma_start3A_1233 = arith.constant 0 : i32
        %dma_start3A_1234 = arith.constant 0 : i32
        %dma_start3A_1235 = tpu.memref_slice %arg7[%cond3A_1047, %dma_start3A_1233, %dma_start3A_1234] : memref<3x80x128xf32, #tpu.memory_space<vmem>> -> memref<1x16x128xf32, #tpu.memory_space<vmem>>
        %dma_start3A_1236 = tpu.memref_squeeze %dma_start3A_1235 : memref<1x16x128xf32, #tpu.memory_space<vmem>> -> memref<16x128xf32, #tpu.memory_space<vmem>>
        %dma_start3A_1237 = arith.constant 9360 : i32
        %dma_start3A_1238 = arith.constant 0 : i32
        %dma_start3A_1239 = tpu.memref_slice %arg8[%dma_start3A_1237, %dma_start3A_1238] : memref<10000x128xf32, #tpu.memory_space<vmem_shared>> -> memref<16x128xf32, #tpu.memory_space<vmem_shared>>
        %dma_start3A_1240 = arith.constant 9360 : i32
        %dma_start3A_1241 = arith.constant 0 : i32
        %dma_start3A_1242 = tpu.memref_slice %arg8[%dma_start3A_1240, %dma_start3A_1241] : memref<10000x128xf32, #tpu.memory_space<vmem_shared>> -> memref<16x128xf32, #tpu.memory_space<vmem_shared>>
        %dma_start3A_1243 = arith.constant 0 : i32
        %dma_start3A_1244 = arith.constant 0 : i32
        %dma_start3A_1245 = tpu.memref_slice %arg7[%cond3A_1047, %dma_start3A_1243, %dma_start3A_1244] : memref<3x80x128xf32, #tpu.memory_space<vmem>> -> memref<1x16x128xf32, #tpu.memory_space<vmem>>
        %dma_start3A_1246 = tpu.memref_squeeze %dma_start3A_1245 : memref<1x16x128xf32, #tpu.memory_space<vmem>> -> memref<16x128xf32, #tpu.memory_space<vmem>>
        tpu.enqueue_dma source(%dma_start3A_1246 : memref<16x128xf32, #tpu.memory_space<vmem>>) target(%dma_start3A_1242 : memref<16x128xf32, #tpu.memory_space<vmem_shared>>) target_semaphore(%arg9 : memref<!tpu.dma_semaphore, #tpu.memory_space<semaphore_mem>>)
        %dma_start3A_1247 = arith.constant 0 : i32
        %dma_start3A_1248 = arith.constant 0 : i32
        %dma_start3A_1249 = tpu.memref_slice %arg7[%cond3A_1047, %dma_start3A_1247, %dma_start3A_1248] : memref<3x80x128xf32, #tpu.memory_space<vmem>> -> memref<1x16x128xf32, #tpu.memory_space<vmem>>
        %dma_start3A_1250 = tpu.memref_squeeze %dma_start3A_1249 : memref<1x16x128xf32, #tpu.memory_space<vmem>> -> memref<16x128xf32, #tpu.memory_space<vmem>>
        %dma_start3A_1251 = arith.constant 9376 : i32
        %dma_start3A_1252 = arith.constant 0 : i32
        %dma_start3A_1253 = tpu.memref_slice %arg8[%dma_start3A_1251, %dma_start3A_1252] : memref<10000x128xf32, #tpu.memory_space<vmem_shared>> -> memref<16x128xf32, #tpu.memory_space<vmem_shared>>
        %dma_start3A_1254 = arith.constant 9376 : i32
        %dma_start3A_1255 = arith.constant 0 : i32
        %dma_start3A_1256 = tpu.memref_slice %arg8[%dma_start3A_1254, %dma_start3A_1255] : memref<10000x128xf32, #tpu.memory_space<vmem_shared>> -> memref<16x128xf32, #tpu.memory_space<vmem_shared>>
        %dma_start3A_1257 = arith.constant 0 : i32
        %dma_start3A_1258 = arith.constant 0 : i32
        %dma_start3A_1259 = tpu.memref_slice %arg7[%cond3A_1047, %dma_start3A_1257, %dma_start3A_1258] : memref<3x80x128xf32, #tpu.memory_space<vmem>> -> memref<1x16x128xf32, #tpu.memory_space<vmem>>
        %dma_start3A_1260 = tpu.memref_squeeze %dma_start3A_1259 : memref<1x16x128xf32, #tpu.memory_space<vmem>> -> memref<16x128xf32, #tpu.memory_space<vmem>>
        tpu.enqueue_dma source(%dma_start3A_1260 : memref<16x128xf32, #tpu.memory_space<vmem>>) target(%dma_start3A_1256 : memref<16x128xf32, #tpu.memory_space<vmem_shared>>) target_semaphore(%arg9 : memref<!tpu.dma_semaphore, #tpu.memory_space<semaphore_mem>>)
        %dma_start3A_1261 = arith.constant 0 : i32
        %dma_start3A_1262 = arith.constant 0 : i32
        %dma_start3A_1263 = tpu.memref_slice %arg7[%cond3A_1047, %dma_start3A_1261, %dma_start3A_1262] : memref<3x80x128xf32, #tpu.memory_space<vmem>> -> memref<1x16x128xf32, #tpu.memory_space<vmem>>
        %dma_start3A_1264 = tpu.memref_squeeze %dma_start3A_1263 : memref<1x16x128xf32, #tpu.memory_space<vmem>> -> memref<16x128xf32, #tpu.memory_space<vmem>>
        %dma_start3A_1265 = arith.constant 9392 : i32
        %dma_start3A_1266 = arith.constant 0 : i32
        %dma_start3A_1267 = tpu.memref_slice %arg8[%dma_start3A_1265, %dma_start3A_1266] : memref<10000x128xf32, #tpu.memory_space<vmem_shared>> -> memref<16x128xf32, #tpu.memory_space<vmem_shared>>
        %dma_start3A_1268 = arith.constant 9392 : i32
        %dma_start3A_1269 = arith.constant 0 : i32
        %dma_start3A_1270 = tpu.memref_slice %arg8[%dma_start3A_1268, %dma_start3A_1269] : memref<10000x128xf32, #tpu.memory_space<vmem_shared>> -> memref<16x128xf32, #tpu.memory_space<vmem_shared>>
        %dma_start3A_1271 = arith.constant 0 : i32
        %dma_start3A_1272 = arith.constant 0 : i32
        %dma_start3A_1273 = tpu.memref_slice %arg7[%cond3A_1047, %dma_start3A_1271, %dma_start3A_1272] : memref<3x80x128xf32, #tpu.memory_space<vmem>> -> memref<1x16x128xf32, #tpu.memory_space<vmem>>
        %dma_start3A_1274 = tpu.memref_squeeze %dma_start3A_1273 : memref<1x16x128xf32, #tpu.memory_space<vmem>> -> memref<16x128xf32, #tpu.memory_space<vmem>>
        tpu.enqueue_dma source(%dma_start3A_1274 : memref<16x128xf32, #tpu.memory_space<vmem>>) target(%dma_start3A_1270 : memref<16x128xf32, #tpu.memory_space<vmem_shared>>) target_semaphore(%arg9 : memref<!tpu.dma_semaphore, #tpu.memory_space<semaphore_mem>>)
        %dma_start3A_1275 = arith.constant 0 : i32
        %dma_start3A_1276 = arith.constant 0 : i32
        %dma_start3A_1277 = tpu.memref_slice %arg7[%cond3A_1047, %dma_start3A_1275, %dma_start3A_1276] : memref<3x80x128xf32, #tpu.memory_space<vmem>> -> memref<1x16x128xf32, #tpu.memory_space<vmem>>
        %dma_start3A_1278 = tpu.memref_squeeze %dma_start3A_1277 : memref<1x16x128xf32, #tpu.memory_space<vmem>> -> memref<16x128xf32, #tpu.memory_space<vmem>>
        %dma_start3A_1279 = arith.constant 9408 : i32
        %dma_start3A_1280 = arith.constant 0 : i32
        %dma_start3A_1281 = tpu.memref_slice %arg8[%dma_start3A_1279, %dma_start3A_1280] : memref<10000x128xf32, #tpu.memory_space<vmem_shared>> -> memref<16x128xf32, #tpu.memory_space<vmem_shared>>
        %dma_start3A_1282 = arith.constant 9408 : i32
        %dma_start3A_1283 = arith.constant 0 : i32
        %dma_start3A_1284 = tpu.memref_slice %arg8[%dma_start3A_1282, %dma_start3A_1283] : memref<10000x128xf32, #tpu.memory_space<vmem_shared>> -> memref<16x128xf32, #tpu.memory_space<vmem_shared>>
        %dma_start3A_1285 = arith.constant 0 : i32
        %dma_start3A_1286 = arith.constant 0 : i32
        %dma_start3A_1287 = tpu.memref_slice %arg7[%cond3A_1047, %dma_start3A_1285, %dma_start3A_1286] : memref<3x80x128xf32, #tpu.memory_space<vmem>> -> memref<1x16x128xf32, #tpu.memory_space<vmem>>
        %dma_start3A_1288 = tpu.memref_squeeze %dma_start3A_1287 : memref<1x16x128xf32, #tpu.memory_space<vmem>> -> memref<16x128xf32, #tpu.memory_space<vmem>>
        tpu.enqueue_dma source(%dma_start3A_1288 : memref<16x128xf32, #tpu.memory_space<vmem>>) target(%dma_start3A_1284 : memref<16x128xf32, #tpu.memory_space<vmem_shared>>) target_semaphore(%arg9 : memref<!tpu.dma_semaphore, #tpu.memory_space<semaphore_mem>>)
        %dma_start3A_1289 = arith.constant 0 : i32
        %dma_start3A_1290 = arith.constant 0 : i32
        %dma_start3A_1291 = tpu.memref_slice %arg7[%cond3A_1047, %dma_start3A_1289, %dma_start3A_1290] : memref<3x80x128xf32, #tpu.memory_space<vmem>> -> memref<1x16x128xf32, #tpu.memory_space<vmem>>
        %dma_start3A_1292 = tpu.memref_squeeze %dma_start3A_1291 : memref<1x16x128xf32, #tpu.memory_space<vmem>> -> memref<16x128xf32, #tpu.memory_space<vmem>>
        %dma_start3A_1293 = arith.constant 9424 : i32
        %dma_start3A_1294 = arith.constant 0 : i32
        %dma_start3A_1295 = tpu.memref_slice %arg8[%dma_start3A_1293, %dma_start3A_1294] : memref<10000x128xf32, #tpu.memory_space<vmem_shared>> -> memref<16x128xf32, #tpu.memory_space<vmem_shared>>
        %dma_start3A_1296 = arith.constant 9424 : i32
        %dma_start3A_1297 = arith.constant 0 : i32
        %dma_start3A_1298 = tpu.memref_slice %arg8[%dma_start3A_1296, %dma_start3A_1297] : memref<10000x128xf32, #tpu.memory_space<vmem_shared>> -> memref<16x128xf32, #tpu.memory_space<vmem_shared>>
        %dma_start3A_1299 = arith.constant 0 : i32
        %dma_start3A_1300 = arith.constant 0 : i32
        %dma_start3A_1301 = tpu.memref_slice %arg7[%cond3A_1047, %dma_start3A_1299, %dma_start3A_1300] : memref<3x80x128xf32, #tpu.memory_space<vmem>> -> memref<1x16x128xf32, #tpu.memory_space<vmem>>
        %dma_start3A_1302 = tpu.memref_squeeze %dma_start3A_1301 : memref<1x16x128xf32, #tpu.memory_space<vmem>> -> memref<16x128xf32, #tpu.memory_space<vmem>>
        tpu.enqueue_dma source(%dma_start3A_1302 : memref<16x128xf32, #tpu.memory_space<vmem>>) target(%dma_start3A_1298 : memref<16x128xf32, #tpu.memory_space<vmem_shared>>) target_semaphore(%arg9 : memref<!tpu.dma_semaphore, #tpu.memory_space<semaphore_mem>>)
        %dma_start3A_1303 = arith.constant 0 : i32
        %dma_start3A_1304 = arith.constant 0 : i32
        %dma_start3A_1305 = tpu.memref_slice %arg7[%cond3A_1047, %dma_start3A_1303, %dma_start3A_1304] : memref<3x80x128xf32, #tpu.memory_space<vmem>> -> memref<1x16x128xf32, #tpu.memory_space<vmem>>
        %dma_start3A_1306 = tpu.memref_squeeze %dma_start3A_1305 : memref<1x16x128xf32, #tpu.memory_space<vmem>> -> memref<16x128xf32, #tpu.memory_space<vmem>>
        %dma_start3A_1307 = arith.constant 9440 : i32
        %dma_start3A_1308 = arith.constant 0 : i32
        %dma_start3A_1309 = tpu.memref_slice %arg8[%dma_start3A_1307, %dma_start3A_1308] : memref<10000x128xf32, #tpu.memory_space<vmem_shared>> -> memref<16x128xf32, #tpu.memory_space<vmem_shared>>
        %dma_start3A_1310 = arith.constant 9440 : i32
        %dma_start3A_1311 = arith.constant 0 : i32
        %dma_start3A_1312 = tpu.memref_slice %arg8[%dma_start3A_1310, %dma_start3A_1311] : memref<10000x128xf32, #tpu.memory_space<vmem_shared>> -> memref<16x128xf32, #tpu.memory_space<vmem_shared>>
        %dma_start3A_1313 = arith.constant 0 : i32
        %dma_start3A_1314 = arith.constant 0 : i32
        %dma_start3A_1315 = tpu.memref_slice %arg7[%cond3A_1047, %dma_start3A_1313, %dma_start3A_1314] : memref<3x80x128xf32, #tpu.memory_space<vmem>> -> memref<1x16x128xf32, #tpu.memory_space<vmem>>
        %dma_start3A_1316 = tpu.memref_squeeze %dma_start3A_1315 : memref<1x16x128xf32, #tpu.memory_space<vmem>> -> memref<16x128xf32, #tpu.memory_space<vmem>>
        tpu.enqueue_dma source(%dma_start3A_1316 : memref<16x128xf32, #tpu.memory_space<vmem>>) target(%dma_start3A_1312 : memref<16x128xf32, #tpu.memory_space<vmem_shared>>) target_semaphore(%arg9 : memref<!tpu.dma_semaphore, #tpu.memory_space<semaphore_mem>>)
        %dma_start3A_1317 = arith.constant 0 : i32
        %dma_start3A_1318 = arith.constant 0 : i32
        %dma_start3A_1319 = tpu.memref_slice %arg7[%cond3A_1047, %dma_start3A_1317, %dma_start3A_1318] : memref<3x80x128xf32, #tpu.memory_space<vmem>> -> memref<1x16x128xf32, #tpu.memory_space<vmem>>
        %dma_start3A_1320 = tpu.memref_squeeze %dma_start3A_1319 : memref<1x16x128xf32, #tpu.memory_space<vmem>> -> memref<16x128xf32, #tpu.memory_space<vmem>>
        %dma_start3A_1321 = arith.constant 9456 : i32
        %dma_start3A_1322 = arith.constant 0 : i32
        %dma_start3A_1323 = tpu.memref_slice %arg8[%dma_start3A_1321, %dma_start3A_1322] : memref<10000x128xf32, #tpu.memory_space<vmem_shared>> -> memref<16x128xf32, #tpu.memory_space<vmem_shared>>
        %dma_start3A_1324 = arith.constant 9456 : i32
        %dma_start3A_1325 = arith.constant 0 : i32
        %dma_start3A_1326 = tpu.memref_slice %arg8[%dma_start3A_1324, %dma_start3A_1325] : memref<10000x128xf32, #tpu.memory_space<vmem_shared>> -> memref<16x128xf32, #tpu.memory_space<vmem_shared>>
        %dma_start3A_1327 = arith.constant 0 : i32
        %dma_start3A_1328 = arith.constant 0 : i32
        %dma_start3A_1329 = tpu.memref_slice %arg7[%cond3A_1047, %dma_start3A_1327, %dma_start3A_1328] : memref<3x80x128xf32, #tpu.memory_space<vmem>> -> memref<1x16x128xf32, #tpu.memory_space<vmem>>
        %dma_start3A_1330 = tpu.memref_squeeze %dma_start3A_1329 : memref<1x16x128xf32, #tpu.memory_space<vmem>> -> memref<16x128xf32, #tpu.memory_space<vmem>>
        tpu.enqueue_dma source(%dma_start3A_1330 : memref<16x128xf32, #tpu.memory_space<vmem>>) target(%dma_start3A_1326 : memref<16x128xf32, #tpu.memory_space<vmem_shared>>) target_semaphore(%arg9 : memref<!tpu.dma_semaphore, #tpu.memory_space<semaphore_mem>>)
        %dma_start3A_1331 = arith.constant 0 : i32
        %dma_start3A_1332 = arith.constant 0 : i32
        %dma_start3A_1333 = tpu.memref_slice %arg7[%cond3A_1047, %dma_start3A_1331, %dma_start3A_1332] : memref<3x80x128xf32, #tpu.memory_space<vmem>> -> memref<1x16x128xf32, #tpu.memory_space<vmem>>
        %dma_start3A_1334 = tpu.memref_squeeze %dma_start3A_1333 : memref<1x16x128xf32, #tpu.memory_space<vmem>> -> memref<16x128xf32, #tpu.memory_space<vmem>>
        %dma_start3A_1335 = arith.constant 9472 : i32
        %dma_start3A_1336 = arith.constant 0 : i32
        %dma_start3A_1337 = tpu.memref_slice %arg8[%dma_start3A_1335, %dma_start3A_1336] : memref<10000x128xf32, #tpu.memory_space<vmem_shared>> -> memref<16x128xf32, #tpu.memory_space<vmem_shared>>
        %dma_start3A_1338 = arith.constant 9472 : i32
        %dma_start3A_1339 = arith.constant 0 : i32
        %dma_start3A_1340 = tpu.memref_slice %arg8[%dma_start3A_1338, %dma_start3A_1339] : memref<10000x128xf32, #tpu.memory_space<vmem_shared>> -> memref<16x128xf32, #tpu.memory_space<vmem_shared>>
        %dma_start3A_1341 = arith.constant 0 : i32
        %dma_start3A_1342 = arith.constant 0 : i32
        %dma_start3A_1343 = tpu.memref_slice %arg7[%cond3A_1047, %dma_start3A_1341, %dma_start3A_1342] : memref<3x80x128xf32, #tpu.memory_space<vmem>> -> memref<1x16x128xf32, #tpu.memory_space<vmem>>
        %dma_start3A_1344 = tpu.memref_squeeze %dma_start3A_1343 : memref<1x16x128xf32, #tpu.memory_space<vmem>> -> memref<16x128xf32, #tpu.memory_space<vmem>>
        tpu.enqueue_dma source(%dma_start3A_1344 : memref<16x128xf32, #tpu.memory_space<vmem>>) target(%dma_start3A_1340 : memref<16x128xf32, #tpu.memory_space<vmem_shared>>) target_semaphore(%arg9 : memref<!tpu.dma_semaphore, #tpu.memory_space<semaphore_mem>>)
        %dma_start3A_1345 = arith.constant 0 : i32
        %dma_start3A_1346 = arith.constant 0 : i32
        %dma_start3A_1347 = tpu.memref_slice %arg7[%cond3A_1047, %dma_start3A_1345, %dma_start3A_1346] : memref<3x80x128xf32, #tpu.memory_space<vmem>> -> memref<1x16x128xf32, #tpu.memory_space<vmem>>
        %dma_start3A_1348 = tpu.memref_squeeze %dma_start3A_1347 : memref<1x16x128xf32, #tpu.memory_space<vmem>> -> memref<16x128xf32, #tpu.memory_space<vmem>>
        %dma_start3A_1349 = arith.constant 9488 : i32
        %dma_start3A_1350 = arith.constant 0 : i32
        %dma_start3A_1351 = tpu.memref_slice %arg8[%dma_start3A_1349, %dma_start3A_1350] : memref<10000x128xf32, #tpu.memory_space<vmem_shared>> -> memref<16x128xf32, #tpu.memory_space<vmem_shared>>
        %dma_start3A_1352 = arith.constant 9488 : i32
        %dma_start3A_1353 = arith.constant 0 : i32
        %dma_start3A_1354 = tpu.memref_slice %arg8[%dma_start3A_1352, %dma_start3A_1353] : memref<10000x128xf32, #tpu.memory_space<vmem_shared>> -> memref<16x128xf32, #tpu.memory_space<vmem_shared>>
        %dma_start3A_1355 = arith.constant 0 : i32
        %dma_start3A_1356 = arith.constant 0 : i32
        %dma_start3A_1357 = tpu.memref_slice %arg7[%cond3A_1047, %dma_start3A_1355, %dma_start3A_1356] : memref<3x80x128xf32, #tpu.memory_space<vmem>> -> memref<1x16x128xf32, #tpu.memory_space<vmem>>
        %dma_start3A_1358 = tpu.memref_squeeze %dma_start3A_1357 : memref<1x16x128xf32, #tpu.memory_space<vmem>> -> memref<16x128xf32, #tpu.memory_space<vmem>>
        tpu.enqueue_dma source(%dma_start3A_1358 : memref<16x128xf32, #tpu.memory_space<vmem>>) target(%dma_start3A_1354 : memref<16x128xf32, #tpu.memory_space<vmem_shared>>) target_semaphore(%arg9 : memref<!tpu.dma_semaphore, #tpu.memory_space<semaphore_mem>>)
        %dma_start3A_1359 = arith.constant 0 : i32
        %dma_start3A_1360 = arith.constant 0 : i32
        %dma_start3A_1361 = tpu.memref_slice %arg7[%cond3A_1047, %dma_start3A_1359, %dma_start3A_1360] : memref<3x80x128xf32, #tpu.memory_space<vmem>> -> memref<1x16x128xf32, #tpu.memory_space<vmem>>
        %dma_start3A_1362 = tpu.memref_squeeze %dma_start3A_1361 : memref<1x16x128xf32, #tpu.memory_space<vmem>> -> memref<16x128xf32, #tpu.memory_space<vmem>>
        %dma_start3A_1363 = arith.constant 9504 : i32
        %dma_start3A_1364 = arith.constant 0 : i32
        %dma_start3A_1365 = tpu.memref_slice %arg8[%dma_start3A_1363, %dma_start3A_1364] : memref<10000x128xf32, #tpu.memory_space<vmem_shared>> -> memref<16x128xf32, #tpu.memory_space<vmem_shared>>
        %dma_start3A_1366 = arith.constant 9504 : i32
        %dma_start3A_1367 = arith.constant 0 : i32
        %dma_start3A_1368 = tpu.memref_slice %arg8[%dma_start3A_1366, %dma_start3A_1367] : memref<10000x128xf32, #tpu.memory_space<vmem_shared>> -> memref<16x128xf32, #tpu.memory_space<vmem_shared>>
        %dma_start3A_1369 = arith.constant 0 : i32
        %dma_start3A_1370 = arith.constant 0 : i32
        %dma_start3A_1371 = tpu.memref_slice %arg7[%cond3A_1047, %dma_start3A_1369, %dma_start3A_1370] : memref<3x80x128xf32, #tpu.memory_space<vmem>> -> memref<1x16x128xf32, #tpu.memory_space<vmem>>
        %dma_start3A_1372 = tpu.memref_squeeze %dma_start3A_1371 : memref<1x16x128xf32, #tpu.memory_space<vmem>> -> memref<16x128xf32, #tpu.memory_space<vmem>>
        tpu.enqueue_dma source(%dma_start3A_1372 : memref<16x128xf32, #tpu.memory_space<vmem>>) target(%dma_start3A_1368 : memref<16x128xf32, #tpu.memory_space<vmem_shared>>) target_semaphore(%arg9 : memref<!tpu.dma_semaphore, #tpu.memory_space<semaphore_mem>>)
        %dma_start3A_1373 = arith.constant 0 : i32
        %dma_start3A_1374 = arith.constant 0 : i32
        %dma_start3A_1375 = tpu.memref_slice %arg7[%cond3A_1047, %dma_start3A_1373, %dma_start3A_1374] : memref<3x80x128xf32, #tpu.memory_space<vmem>> -> memref<1x16x128xf32, #tpu.memory_space<vmem>>
        %dma_start3A_1376 = tpu.memref_squeeze %dma_start3A_1375 : memref<1x16x128xf32, #tpu.memory_space<vmem>> -> memref<16x128xf32, #tpu.memory_space<vmem>>
        %dma_start3A_1377 = arith.constant 9520 : i32
        %dma_start3A_1378 = arith.constant 0 : i32
        %dma_start3A_1379 = tpu.memref_slice %arg8[%dma_start3A_1377, %dma_start3A_1378] : memref<10000x128xf32, #tpu.memory_space<vmem_shared>> -> memref<16x128xf32, #tpu.memory_space<vmem_shared>>
        %dma_start3A_1380 = arith.constant 9520 : i32
        %dma_start3A_1381 = arith.constant 0 : i32
        %dma_start3A_1382 = tpu.memref_slice %arg8[%dma_start3A_1380, %dma_start3A_1381] : memref<10000x128xf32, #tpu.memory_space<vmem_shared>> -> memref<16x128xf32, #tpu.memory_space<vmem_shared>>
        %dma_start3A_1383 = arith.constant 0 : i32
        %dma_start3A_1384 = arith.constant 0 : i32
        %dma_start3A_1385 = tpu.memref_slice %arg7[%cond3A_1047, %dma_start3A_1383, %dma_start3A_1384] : memref<3x80x128xf32, #tpu.memory_space<vmem>> -> memref<1x16x128xf32, #tpu.memory_space<vmem>>
        %dma_start3A_1386 = tpu.memref_squeeze %dma_start3A_1385 : memref<1x16x128xf32, #tpu.memory_space<vmem>> -> memref<16x128xf32, #tpu.memory_space<vmem>>
        tpu.enqueue_dma source(%dma_start3A_1386 : memref<16x128xf32, #tpu.memory_space<vmem>>) target(%dma_start3A_1382 : memref<16x128xf32, #tpu.memory_space<vmem_shared>>) target_semaphore(%arg9 : memref<!tpu.dma_semaphore, #tpu.memory_space<semaphore_mem>>)
        %dma_start3A_1387 = arith.constant 0 : i32
        %dma_start3A_1388 = arith.constant 0 : i32
        %dma_start3A_1389 = tpu.memref_slice %arg7[%cond3A_1047, %dma_start3A_1387, %dma_start3A_1388] : memref<3x80x128xf32, #tpu.memory_space<vmem>> -> memref<1x16x128xf32, #tpu.memory_space<vmem>>
        %dma_start3A_1390 = tpu.memref_squeeze %dma_start3A_1389 : memref<1x16x128xf32, #tpu.memory_space<vmem>> -> memref<16x128xf32, #tpu.memory_space<vmem>>
        %dma_start3A_1391 = arith.constant 9536 : i32
        %dma_start3A_1392 = arith.constant 0 : i32
        %dma_start3A_1393 = tpu.memref_slice %arg8[%dma_start3A_1391, %dma_start3A_1392] : memref<10000x128xf32, #tpu.memory_space<vmem_shared>> -> memref<16x128xf32, #tpu.memory_space<vmem_shared>>
        %dma_start3A_1394 = arith.constant 9536 : i32
        %dma_start3A_1395 = arith.constant 0 : i32
        %dma_start3A_1396 = tpu.memref_slice %arg8[%dma_start3A_1394, %dma_start3A_1395] : memref<10000x128xf32, #tpu.memory_space<vmem_shared>> -> memref<16x128xf32, #tpu.memory_space<vmem_shared>>
        %dma_start3A_1397 = arith.constant 0 : i32
        %dma_start3A_1398 = arith.constant 0 : i32
        %dma_start3A_1399 = tpu.memref_slice %arg7[%cond3A_1047, %dma_start3A_1397, %dma_start3A_1398] : memref<3x80x128xf32, #tpu.memory_space<vmem>> -> memref<1x16x128xf32, #tpu.memory_space<vmem>>
        %dma_start3A_1400 = tpu.memref_squeeze %dma_start3A_1399 : memref<1x16x128xf32, #tpu.memory_space<vmem>> -> memref<16x128xf32, #tpu.memory_space<vmem>>
        tpu.enqueue_dma source(%dma_start3A_1400 : memref<16x128xf32, #tpu.memory_space<vmem>>) target(%dma_start3A_1396 : memref<16x128xf32, #tpu.memory_space<vmem_shared>>) target_semaphore(%arg9 : memref<!tpu.dma_semaphore, #tpu.memory_space<semaphore_mem>>)
        %dma_start3A_1401 = arith.constant 0 : i32
        %dma_start3A_1402 = arith.constant 0 : i32
        %dma_start3A_1403 = tpu.memref_slice %arg7[%cond3A_1047, %dma_start3A_1401, %dma_start3A_1402] : memref<3x80x128xf32, #tpu.memory_space<vmem>> -> memref<1x16x128xf32, #tpu.memory_space<vmem>>
        %dma_start3A_1404 = tpu.memref_squeeze %dma_start3A_1403 : memref<1x16x128xf32, #tpu.memory_space<vmem>> -> memref<16x128xf32, #tpu.memory_space<vmem>>
        %dma_start3A_1405 = arith.constant 9552 : i32
        %dma_start3A_1406 = arith.constant 0 : i32
        %dma_start3A_1407 = tpu.memref_slice %arg8[%dma_start3A_1405, %dma_start3A_1406] : memref<10000x128xf32, #tpu.memory_space<vmem_shared>> -> memref<16x128xf32, #tpu.memory_space<vmem_shared>>
        %dma_start3A_1408 = arith.constant 9552 : i32
        %dma_start3A_1409 = arith.constant 0 : i32
        %dma_start3A_1410 = tpu.memref_slice %arg8[%dma_start3A_1408, %dma_start3A_1409] : memref<10000x128xf32, #tpu.memory_space<vmem_shared>> -> memref<16x128xf32, #tpu.memory_space<vmem_shared>>
        %dma_start3A_1411 = arith.constant 0 : i32
        %dma_start3A_1412 = arith.constant 0 : i32
        %dma_start3A_1413 = tpu.memref_slice %arg7[%cond3A_1047, %dma_start3A_1411, %dma_start3A_1412] : memref<3x80x128xf32, #tpu.memory_space<vmem>> -> memref<1x16x128xf32, #tpu.memory_space<vmem>>
        %dma_start3A_1414 = tpu.memref_squeeze %dma_start3A_1413 : memref<1x16x128xf32, #tpu.memory_space<vmem>> -> memref<16x128xf32, #tpu.memory_space<vmem>>
        tpu.enqueue_dma source(%dma_start3A_1414 : memref<16x128xf32, #tpu.memory_space<vmem>>) target(%dma_start3A_1410 : memref<16x128xf32, #tpu.memory_space<vmem_shared>>) target_semaphore(%arg9 : memref<!tpu.dma_semaphore, #tpu.memory_space<semaphore_mem>>)
        %dma_start3A_1415 = arith.constant 0 : i32
        %dma_start3A_1416 = arith.constant 0 : i32
        %dma_start3A_1417 = tpu.memref_slice %arg7[%cond3A_1047, %dma_start3A_1415, %dma_start3A_1416] : memref<3x80x128xf32, #tpu.memory_space<vmem>> -> memref<1x16x128xf32, #tpu.memory_space<vmem>>
        %dma_start3A_1418 = tpu.memref_squeeze %dma_start3A_1417 : memref<1x16x128xf32, #tpu.memory_space<vmem>> -> memref<16x128xf32, #tpu.memory_space<vmem>>
        %dma_start3A_1419 = arith.constant 9568 : i32
        %dma_start3A_1420 = arith.constant 0 : i32
        %dma_start3A_1421 = tpu.memref_slice %arg8[%dma_start3A_1419, %dma_start3A_1420] : memref<10000x128xf32, #tpu.memory_space<vmem_shared>> -> memref<16x128xf32, #tpu.memory_space<vmem_shared>>
        %dma_start3A_1422 = arith.constant 9568 : i32
        %dma_start3A_1423 = arith.constant 0 : i32
        %dma_start3A_1424 = tpu.memref_slice %arg8[%dma_start3A_1422, %dma_start3A_1423] : memref<10000x128xf32, #tpu.memory_space<vmem_shared>> -> memref<16x128xf32, #tpu.memory_space<vmem_shared>>
        %dma_start3A_1425 = arith.constant 0 : i32
        %dma_start3A_1426 = arith.constant 0 : i32
        %dma_start3A_1427 = tpu.memref_slice %arg7[%cond3A_1047, %dma_start3A_1425, %dma_start3A_1426] : memref<3x80x128xf32, #tpu.memory_space<vmem>> -> memref<1x16x128xf32, #tpu.memory_space<vmem>>
        %dma_start3A_1428 = tpu.memref_squeeze %dma_start3A_1427 : memref<1x16x128xf32, #tpu.memory_space<vmem>> -> memref<16x128xf32, #tpu.memory_space<vmem>>
        tpu.enqueue_dma source(%dma_start3A_1428 : memref<16x128xf32, #tpu.memory_space<vmem>>) target(%dma_start3A_1424 : memref<16x128xf32, #tpu.memory_space<vmem_shared>>) target_semaphore(%arg9 : memref<!tpu.dma_semaphore, #tpu.memory_space<semaphore_mem>>)
        %dma_start3A_1429 = arith.constant 0 : i32
        %dma_start3A_1430 = arith.constant 0 : i32
        %dma_start3A_1431 = tpu.memref_slice %arg7[%cond3A_1047, %dma_start3A_1429, %dma_start3A_1430] : memref<3x80x128xf32, #tpu.memory_space<vmem>> -> memref<1x16x128xf32, #tpu.memory_space<vmem>>
        %dma_start3A_1432 = tpu.memref_squeeze %dma_start3A_1431 : memref<1x16x128xf32, #tpu.memory_space<vmem>> -> memref<16x128xf32, #tpu.memory_space<vmem>>
        %dma_start3A_1433 = arith.constant 9584 : i32
        %dma_start3A_1434 = arith.constant 0 : i32
        %dma_start3A_1435 = tpu.memref_slice %arg8[%dma_start3A_1433, %dma_start3A_1434] : memref<10000x128xf32, #tpu.memory_space<vmem_shared>> -> memref<16x128xf32, #tpu.memory_space<vmem_shared>>
        %dma_start3A_1436 = arith.constant 9584 : i32
        %dma_start3A_1437 = arith.constant 0 : i32
        %dma_start3A_1438 = tpu.memref_slice %arg8[%dma_start3A_1436, %dma_start3A_1437] : memref<10000x128xf32, #tpu.memory_space<vmem_shared>> -> memref<16x128xf32, #tpu.memory_space<vmem_shared>>
        %dma_start3A_1439 = arith.constant 0 : i32
        %dma_start3A_1440 = arith.constant 0 : i32
        %dma_start3A_1441 = tpu.memref_slice %arg7[%cond3A_1047, %dma_start3A_1439, %dma_start3A_1440] : memref<3x80x128xf32, #tpu.memory_space<vmem>> -> memref<1x16x128xf32, #tpu.memory_space<vmem>>
        %dma_start3A_1442 = tpu.memref_squeeze %dma_start3A_1441 : memref<1x16x128xf32, #tpu.memory_space<vmem>> -> memref<16x128xf32, #tpu.memory_space<vmem>>
        tpu.enqueue_dma source(%dma_start3A_1442 : memref<16x128xf32, #tpu.memory_space<vmem>>) target(%dma_start3A_1438 : memref<16x128xf32, #tpu.memory_space<vmem_shared>>) target_semaphore(%arg9 : memref<!tpu.dma_semaphore, #tpu.memory_space<semaphore_mem>>)
        %dma_start3A_1443 = arith.constant 0 : i32
        %dma_start3A_1444 = arith.constant 0 : i32
        %dma_start3A_1445 = tpu.memref_slice %arg7[%cond3A_1047, %dma_start3A_1443, %dma_start3A_1444] : memref<3x80x128xf32, #tpu.memory_space<vmem>> -> memref<1x16x128xf32, #tpu.memory_space<vmem>>
        %dma_start3A_1446 = tpu.memref_squeeze %dma_start3A_1445 : memref<1x16x128xf32, #tpu.memory_space<vmem>> -> memref<16x128xf32, #tpu.memory_space<vmem>>
        %dma_start3A_1447 = arith.constant 9600 : i32
        %dma_start3A_1448 = arith.constant 0 : i32
        %dma_start3A_1449 = tpu.memref_slice %arg8[%dma_start3A_1447, %dma_start3A_1448] : memref<10000x128xf32, #tpu.memory_space<vmem_shared>> -> memref<16x128xf32, #tpu.memory_space<vmem_shared>>
        %dma_start3A_1450 = arith.constant 9600 : i32
        %dma_start3A_1451 = arith.constant 0 : i32
        %dma_start3A_1452 = tpu.memref_slice %arg8[%dma_start3A_1450, %dma_start3A_1451] : memref<10000x128xf32, #tpu.memory_space<vmem_shared>> -> memref<16x128xf32, #tpu.memory_space<vmem_shared>>
        %dma_start3A_1453 = arith.constant 0 : i32
        %dma_start3A_1454 = arith.constant 0 : i32
        %dma_start3A_1455 = tpu.memref_slice %arg7[%cond3A_1047, %dma_start3A_1453, %dma_start3A_1454] : memref<3x80x128xf32, #tpu.memory_space<vmem>> -> memref<1x16x128xf32, #tpu.memory_space<vmem>>
        %dma_start3A_1456 = tpu.memref_squeeze %dma_start3A_1455 : memref<1x16x128xf32, #tpu.memory_space<vmem>> -> memref<16x128xf32, #tpu.memory_space<vmem>>
        tpu.enqueue_dma source(%dma_start3A_1456 : memref<16x128xf32, #tpu.memory_space<vmem>>) target(%dma_start3A_1452 : memref<16x128xf32, #tpu.memory_space<vmem_shared>>) target_semaphore(%arg9 : memref<!tpu.dma_semaphore, #tpu.memory_space<semaphore_mem>>)
        %dma_start3A_1457 = arith.constant 0 : i32
        %dma_start3A_1458 = arith.constant 0 : i32
        %dma_start3A_1459 = tpu.memref_slice %arg7[%cond3A_1047, %dma_start3A_1457, %dma_start3A_1458] : memref<3x80x128xf32, #tpu.memory_space<vmem>> -> memref<1x16x128xf32, #tpu.memory_space<vmem>>
        %dma_start3A_1460 = tpu.memref_squeeze %dma_start3A_1459 : memref<1x16x128xf32, #tpu.memory_space<vmem>> -> memref<16x128xf32, #tpu.memory_space<vmem>>
        %dma_start3A_1461 = arith.constant 9616 : i32
        %dma_start3A_1462 = arith.constant 0 : i32
        %dma_start3A_1463 = tpu.memref_slice %arg8[%dma_start3A_1461, %dma_start3A_1462] : memref<10000x128xf32, #tpu.memory_space<vmem_shared>> -> memref<16x128xf32, #tpu.memory_space<vmem_shared>>
        %dma_start3A_1464 = arith.constant 9616 : i32
        %dma_start3A_1465 = arith.constant 0 : i32
        %dma_start3A_1466 = tpu.memref_slice %arg8[%dma_start3A_1464, %dma_start3A_1465] : memref<10000x128xf32, #tpu.memory_space<vmem_shared>> -> memref<16x128xf32, #tpu.memory_space<vmem_shared>>
        %dma_start3A_1467 = arith.constant 0 : i32
        %dma_start3A_1468 = arith.constant 0 : i32
        %dma_start3A_1469 = tpu.memref_slice %arg7[%cond3A_1047, %dma_start3A_1467, %dma_start3A_1468] : memref<3x80x128xf32, #tpu.memory_space<vmem>> -> memref<1x16x128xf32, #tpu.memory_space<vmem>>
        %dma_start3A_1470 = tpu.memref_squeeze %dma_start3A_1469 : memref<1x16x128xf32, #tpu.memory_space<vmem>> -> memref<16x128xf32, #tpu.memory_space<vmem>>
        tpu.enqueue_dma source(%dma_start3A_1470 : memref<16x128xf32, #tpu.memory_space<vmem>>) target(%dma_start3A_1466 : memref<16x128xf32, #tpu.memory_space<vmem_shared>>) target_semaphore(%arg9 : memref<!tpu.dma_semaphore, #tpu.memory_space<semaphore_mem>>)
        %dma_start3A_1471 = arith.constant 0 : i32
        %dma_start3A_1472 = arith.constant 0 : i32
        %dma_start3A_1473 = tpu.memref_slice %arg7[%cond3A_1047, %dma_start3A_1471, %dma_start3A_1472] : memref<3x80x128xf32, #tpu.memory_space<vmem>> -> memref<1x16x128xf32, #tpu.memory_space<vmem>>
        %dma_start3A_1474 = tpu.memref_squeeze %dma_start3A_1473 : memref<1x16x128xf32, #tpu.memory_space<vmem>> -> memref<16x128xf32, #tpu.memory_space<vmem>>
        %dma_start3A_1475 = arith.constant 9632 : i32
        %dma_start3A_1476 = arith.constant 0 : i32
        %dma_start3A_1477 = tpu.memref_slice %arg8[%dma_start3A_1475, %dma_start3A_1476] : memref<10000x128xf32, #tpu.memory_space<vmem_shared>> -> memref<16x128xf32, #tpu.memory_space<vmem_shared>>
        %dma_start3A_1478 = arith.constant 9632 : i32
        %dma_start3A_1479 = arith.constant 0 : i32
        %dma_start3A_1480 = tpu.memref_slice %arg8[%dma_start3A_1478, %dma_start3A_1479] : memref<10000x128xf32, #tpu.memory_space<vmem_shared>> -> memref<16x128xf32, #tpu.memory_space<vmem_shared>>
        %dma_start3A_1481 = arith.constant 0 : i32
        %dma_start3A_1482 = arith.constant 0 : i32
        %dma_start3A_1483 = tpu.memref_slice %arg7[%cond3A_1047, %dma_start3A_1481, %dma_start3A_1482] : memref<3x80x128xf32, #tpu.memory_space<vmem>> -> memref<1x16x128xf32, #tpu.memory_space<vmem>>
        %dma_start3A_1484 = tpu.memref_squeeze %dma_start3A_1483 : memref<1x16x128xf32, #tpu.memory_space<vmem>> -> memref<16x128xf32, #tpu.memory_space<vmem>>
        tpu.enqueue_dma source(%dma_start3A_1484 : memref<16x128xf32, #tpu.memory_space<vmem>>) target(%dma_start3A_1480 : memref<16x128xf32, #tpu.memory_space<vmem_shared>>) target_semaphore(%arg9 : memref<!tpu.dma_semaphore, #tpu.memory_space<semaphore_mem>>)
        %dma_start3A_1485 = arith.constant 0 : i32
        %dma_start3A_1486 = arith.constant 0 : i32
        %dma_start3A_1487 = tpu.memref_slice %arg7[%cond3A_1047, %dma_start3A_1485, %dma_start3A_1486] : memref<3x80x128xf32, #tpu.memory_space<vmem>> -> memref<1x16x128xf32, #tpu.memory_space<vmem>>
        %dma_start3A_1488 = tpu.memref_squeeze %dma_start3A_1487 : memref<1x16x128xf32, #tpu.memory_space<vmem>> -> memref<16x128xf32, #tpu.memory_space<vmem>>
        %dma_start3A_1489 = arith.constant 9648 : i32
        %dma_start3A_1490 = arith.constant 0 : i32
        %dma_start3A_1491 = tpu.memref_slice %arg8[%dma_start3A_1489, %dma_start3A_1490] : memref<10000x128xf32, #tpu.memory_space<vmem_shared>> -> memref<16x128xf32, #tpu.memory_space<vmem_shared>>
        %dma_start3A_1492 = arith.constant 9648 : i32
        %dma_start3A_1493 = arith.constant 0 : i32
        %dma_start3A_1494 = tpu.memref_slice %arg8[%dma_start3A_1492, %dma_start3A_1493] : memref<10000x128xf32, #tpu.memory_space<vmem_shared>> -> memref<16x128xf32, #tpu.memory_space<vmem_shared>>
        %dma_start3A_1495 = arith.constant 0 : i32
        %dma_start3A_1496 = arith.constant 0 : i32
        %dma_start3A_1497 = tpu.memref_slice %arg7[%cond3A_1047, %dma_start3A_1495, %dma_start3A_1496] : memref<3x80x128xf32, #tpu.memory_space<vmem>> -> memref<1x16x128xf32, #tpu.memory_space<vmem>>
        %dma_start3A_1498 = tpu.memref_squeeze %dma_start3A_1497 : memref<1x16x128xf32, #tpu.memory_space<vmem>> -> memref<16x128xf32, #tpu.memory_space<vmem>>
        tpu.enqueue_dma source(%dma_start3A_1498 : memref<16x128xf32, #tpu.memory_space<vmem>>) target(%dma_start3A_1494 : memref<16x128xf32, #tpu.memory_space<vmem_shared>>) target_semaphore(%arg9 : memref<!tpu.dma_semaphore, #tpu.memory_space<semaphore_mem>>)
        %dma_start3A_1499 = arith.constant 0 : i32
        %dma_start3A_1500 = arith.constant 0 : i32
        %dma_start3A_1501 = tpu.memref_slice %arg7[%cond3A_1047, %dma_start3A_1499, %dma_start3A_1500] : memref<3x80x128xf32, #tpu.memory_space<vmem>> -> memref<1x16x128xf32, #tpu.memory_space<vmem>>
        %dma_start3A_1502 = tpu.memref_squeeze %dma_start3A_1501 : memref<1x16x128xf32, #tpu.memory_space<vmem>> -> memref<16x128xf32, #tpu.memory_space<vmem>>
        %dma_start3A_1503 = arith.constant 9664 : i32
        %dma_start3A_1504 = arith.constant 0 : i32
        %dma_start3A_1505 = tpu.memref_slice %arg8[%dma_start3A_1503, %dma_start3A_1504] : memref<10000x128xf32, #tpu.memory_space<vmem_shared>> -> memref<16x128xf32, #tpu.memory_space<vmem_shared>>
        %dma_start3A_1506 = arith.constant 9664 : i32
        %dma_start3A_1507 = arith.constant 0 : i32
        %dma_start3A_1508 = tpu.memref_slice %arg8[%dma_start3A_1506, %dma_start3A_1507] : memref<10000x128xf32, #tpu.memory_space<vmem_shared>> -> memref<16x128xf32, #tpu.memory_space<vmem_shared>>
        %dma_start3A_1509 = arith.constant 0 : i32
        %dma_start3A_1510 = arith.constant 0 : i32
        %dma_start3A_1511 = tpu.memref_slice %arg7[%cond3A_1047, %dma_start3A_1509, %dma_start3A_1510] : memref<3x80x128xf32, #tpu.memory_space<vmem>> -> memref<1x16x128xf32, #tpu.memory_space<vmem>>
        %dma_start3A_1512 = tpu.memref_squeeze %dma_start3A_1511 : memref<1x16x128xf32, #tpu.memory_space<vmem>> -> memref<16x128xf32, #tpu.memory_space<vmem>>
        tpu.enqueue_dma source(%dma_start3A_1512 : memref<16x128xf32, #tpu.memory_space<vmem>>) target(%dma_start3A_1508 : memref<16x128xf32, #tpu.memory_space<vmem_shared>>) target_semaphore(%arg9 : memref<!tpu.dma_semaphore, #tpu.memory_space<semaphore_mem>>)
        %dma_start3A_1513 = arith.constant 0 : i32
        %dma_start3A_1514 = arith.constant 0 : i32
        %dma_start3A_1515 = tpu.memref_slice %arg7[%cond3A_1047, %dma_start3A_1513, %dma_start3A_1514] : memref<3x80x128xf32, #tpu.memory_space<vmem>> -> memref<1x16x128xf32, #tpu.memory_space<vmem>>
        %dma_start3A_1516 = tpu.memref_squeeze %dma_start3A_1515 : memref<1x16x128xf32, #tpu.memory_space<vmem>> -> memref<16x128xf32, #tpu.memory_space<vmem>>
        %dma_start3A_1517 = arith.constant 9680 : i32
        %dma_start3A_1518 = arith.constant 0 : i32
        %dma_start3A_1519 = tpu.memref_slice %arg8[%dma_start3A_1517, %dma_start3A_1518] : memref<10000x128xf32, #tpu.memory_space<vmem_shared>> -> memref<16x128xf32, #tpu.memory_space<vmem_shared>>
        %dma_start3A_1520 = arith.constant 9680 : i32
        %dma_start3A_1521 = arith.constant 0 : i32
        %dma_start3A_1522 = tpu.memref_slice %arg8[%dma_start3A_1520, %dma_start3A_1521] : memref<10000x128xf32, #tpu.memory_space<vmem_shared>> -> memref<16x128xf32, #tpu.memory_space<vmem_shared>>
        %dma_start3A_1523 = arith.constant 0 : i32
        %dma_start3A_1524 = arith.constant 0 : i32
        %dma_start3A_1525 = tpu.memref_slice %arg7[%cond3A_1047, %dma_start3A_1523, %dma_start3A_1524] : memref<3x80x128xf32, #tpu.memory_space<vmem>> -> memref<1x16x128xf32, #tpu.memory_space<vmem>>
        %dma_start3A_1526 = tpu.memref_squeeze %dma_start3A_1525 : memref<1x16x128xf32, #tpu.memory_space<vmem>> -> memref<16x128xf32, #tpu.memory_space<vmem>>
        tpu.enqueue_dma source(%dma_start3A_1526 : memref<16x128xf32, #tpu.memory_space<vmem>>) target(%dma_start3A_1522 : memref<16x128xf32, #tpu.memory_space<vmem_shared>>) target_semaphore(%arg9 : memref<!tpu.dma_semaphore, #tpu.memory_space<semaphore_mem>>)
        %dma_start3A_1527 = arith.constant 0 : i32
        %dma_start3A_1528 = arith.constant 0 : i32
        %dma_start3A_1529 = tpu.memref_slice %arg7[%cond3A_1047, %dma_start3A_1527, %dma_start3A_1528] : memref<3x80x128xf32, #tpu.memory_space<vmem>> -> memref<1x16x128xf32, #tpu.memory_space<vmem>>
        %dma_start3A_1530 = tpu.memref_squeeze %dma_start3A_1529 : memref<1x16x128xf32, #tpu.memory_space<vmem>> -> memref<16x128xf32, #tpu.memory_space<vmem>>
        %dma_start3A_1531 = arith.constant 9696 : i32
        %dma_start3A_1532 = arith.constant 0 : i32
        %dma_start3A_1533 = tpu.memref_slice %arg8[%dma_start3A_1531, %dma_start3A_1532] : memref<10000x128xf32, #tpu.memory_space<vmem_shared>> -> memref<16x128xf32, #tpu.memory_space<vmem_shared>>
        %dma_start3A_1534 = arith.constant 9696 : i32
        %dma_start3A_1535 = arith.constant 0 : i32
        %dma_start3A_1536 = tpu.memref_slice %arg8[%dma_start3A_1534, %dma_start3A_1535] : memref<10000x128xf32, #tpu.memory_space<vmem_shared>> -> memref<16x128xf32, #tpu.memory_space<vmem_shared>>
        %dma_start3A_1537 = arith.constant 0 : i32
        %dma_start3A_1538 = arith.constant 0 : i32
        %dma_start3A_1539 = tpu.memref_slice %arg7[%cond3A_1047, %dma_start3A_1537, %dma_start3A_1538] : memref<3x80x128xf32, #tpu.memory_space<vmem>> -> memref<1x16x128xf32, #tpu.memory_space<vmem>>
        %dma_start3A_1540 = tpu.memref_squeeze %dma_start3A_1539 : memref<1x16x128xf32, #tpu.memory_space<vmem>> -> memref<16x128xf32, #tpu.memory_space<vmem>>
        tpu.enqueue_dma source(%dma_start3A_1540 : memref<16x128xf32, #tpu.memory_space<vmem>>) target(%dma_start3A_1536 : memref<16x128xf32, #tpu.memory_space<vmem_shared>>) target_semaphore(%arg9 : memref<!tpu.dma_semaphore, #tpu.memory_space<semaphore_mem>>)
        %dma_start3A_1541 = arith.constant 0 : i32
        %dma_start3A_1542 = arith.constant 0 : i32
        %dma_start3A_1543 = tpu.memref_slice %arg7[%cond3A_1047, %dma_start3A_1541, %dma_start3A_1542] : memref<3x80x128xf32, #tpu.memory_space<vmem>> -> memref<1x16x128xf32, #tpu.memory_space<vmem>>
        %dma_start3A_1544 = tpu.memref_squeeze %dma_start3A_1543 : memref<1x16x128xf32, #tpu.memory_space<vmem>> -> memref<16x128xf32, #tpu.memory_space<vmem>>
        %dma_start3A_1545 = arith.constant 9712 : i32
        %dma_start3A_1546 = arith.constant 0 : i32
        %dma_start3A_1547 = tpu.memref_slice %arg8[%dma_start3A_1545, %dma_start3A_1546] : memref<10000x128xf32, #tpu.memory_space<vmem_shared>> -> memref<16x128xf32, #tpu.memory_space<vmem_shared>>
        %dma_start3A_1548 = arith.constant 9712 : i32
        %dma_start3A_1549 = arith.constant 0 : i32
        %dma_start3A_1550 = tpu.memref_slice %arg8[%dma_start3A_1548, %dma_start3A_1549] : memref<10000x128xf32, #tpu.memory_space<vmem_shared>> -> memref<16x128xf32, #tpu.memory_space<vmem_shared>>
        %dma_start3A_1551 = arith.constant 0 : i32
        %dma_start3A_1552 = arith.constant 0 : i32
        %dma_start3A_1553 = tpu.memref_slice %arg7[%cond3A_1047, %dma_start3A_1551, %dma_start3A_1552] : memref<3x80x128xf32, #tpu.memory_space<vmem>> -> memref<1x16x128xf32, #tpu.memory_space<vmem>>
        %dma_start3A_1554 = tpu.memref_squeeze %dma_start3A_1553 : memref<1x16x128xf32, #tpu.memory_space<vmem>> -> memref<16x128xf32, #tpu.memory_space<vmem>>
        tpu.enqueue_dma source(%dma_start3A_1554 : memref<16x128xf32, #tpu.memory_space<vmem>>) target(%dma_start3A_1550 : memref<16x128xf32, #tpu.memory_space<vmem_shared>>) target_semaphore(%arg9 : memref<!tpu.dma_semaphore, #tpu.memory_space<semaphore_mem>>)
        %dma_start3A_1555 = arith.constant 0 : i32
        %dma_start3A_1556 = arith.constant 0 : i32
        %dma_start3A_1557 = tpu.memref_slice %arg7[%cond3A_1047, %dma_start3A_1555, %dma_start3A_1556] : memref<3x80x128xf32, #tpu.memory_space<vmem>> -> memref<1x16x128xf32, #tpu.memory_space<vmem>>
        %dma_start3A_1558 = tpu.memref_squeeze %dma_start3A_1557 : memref<1x16x128xf32, #tpu.memory_space<vmem>> -> memref<16x128xf32, #tpu.memory_space<vmem>>
        %dma_start3A_1559 = arith.constant 9728 : i32
        %dma_start3A_1560 = arith.constant 0 : i32
        %dma_start3A_1561 = tpu.memref_slice %arg8[%dma_start3A_1559, %dma_start3A_1560] : memref<10000x128xf32, #tpu.memory_space<vmem_shared>> -> memref<16x128xf32, #tpu.memory_space<vmem_shared>>
        %dma_start3A_1562 = arith.constant 9728 : i32
        %dma_start3A_1563 = arith.constant 0 : i32
        %dma_start3A_1564 = tpu.memref_slice %arg8[%dma_start3A_1562, %dma_start3A_1563] : memref<10000x128xf32, #tpu.memory_space<vmem_shared>> -> memref<16x128xf32, #tpu.memory_space<vmem_shared>>
        %dma_start3A_1565 = arith.constant 0 : i32
        %dma_start3A_1566 = arith.constant 0 : i32
        %dma_start3A_1567 = tpu.memref_slice %arg7[%cond3A_1047, %dma_start3A_1565, %dma_start3A_1566] : memref<3x80x128xf32, #tpu.memory_space<vmem>> -> memref<1x16x128xf32, #tpu.memory_space<vmem>>
        %dma_start3A_1568 = tpu.memref_squeeze %dma_start3A_1567 : memref<1x16x128xf32, #tpu.memory_space<vmem>> -> memref<16x128xf32, #tpu.memory_space<vmem>>
        tpu.enqueue_dma source(%dma_start3A_1568 : memref<16x128xf32, #tpu.memory_space<vmem>>) target(%dma_start3A_1564 : memref<16x128xf32, #tpu.memory_space<vmem_shared>>) target_semaphore(%arg9 : memref<!tpu.dma_semaphore, #tpu.memory_space<semaphore_mem>>)
        %dma_start3A_1569 = arith.constant 0 : i32
        %dma_start3A_1570 = arith.constant 0 : i32
        %dma_start3A_1571 = tpu.memref_slice %arg7[%cond3A_1047, %dma_start3A_1569, %dma_start3A_1570] : memref<3x80x128xf32, #tpu.memory_space<vmem>> -> memref<1x16x128xf32, #tpu.memory_space<vmem>>
        %dma_start3A_1572 = tpu.memref_squeeze %dma_start3A_1571 : memref<1x16x128xf32, #tpu.memory_space<vmem>> -> memref<16x128xf32, #tpu.memory_space<vmem>>
        %dma_start3A_1573 = arith.constant 9744 : i32
        %dma_start3A_1574 = arith.constant 0 : i32
        %dma_start3A_1575 = tpu.memref_slice %arg8[%dma_start3A_1573, %dma_start3A_1574] : memref<10000x128xf32, #tpu.memory_space<vmem_shared>> -> memref<16x128xf32, #tpu.memory_space<vmem_shared>>
        %dma_start3A_1576 = arith.constant 9744 : i32
        %dma_start3A_1577 = arith.constant 0 : i32
        %dma_start3A_1578 = tpu.memref_slice %arg8[%dma_start3A_1576, %dma_start3A_1577] : memref<10000x128xf32, #tpu.memory_space<vmem_shared>> -> memref<16x128xf32, #tpu.memory_space<vmem_shared>>
        %dma_start3A_1579 = arith.constant 0 : i32
        %dma_start3A_1580 = arith.constant 0 : i32
        %dma_start3A_1581 = tpu.memref_slice %arg7[%cond3A_1047, %dma_start3A_1579, %dma_start3A_1580] : memref<3x80x128xf32, #tpu.memory_space<vmem>> -> memref<1x16x128xf32, #tpu.memory_space<vmem>>
        %dma_start3A_1582 = tpu.memref_squeeze %dma_start3A_1581 : memref<1x16x128xf32, #tpu.memory_space<vmem>> -> memref<16x128xf32, #tpu.memory_space<vmem>>
        tpu.enqueue_dma source(%dma_start3A_1582 : memref<16x128xf32, #tpu.memory_space<vmem>>) target(%dma_start3A_1578 : memref<16x128xf32, #tpu.memory_space<vmem_shared>>) target_semaphore(%arg9 : memref<!tpu.dma_semaphore, #tpu.memory_space<semaphore_mem>>)
        %dma_start3A_1583 = arith.constant 0 : i32
        %dma_start3A_1584 = arith.constant 0 : i32
        %dma_start3A_1585 = tpu.memref_slice %arg7[%cond3A_1047, %dma_start3A_1583, %dma_start3A_1584] : memref<3x80x128xf32, #tpu.memory_space<vmem>> -> memref<1x16x128xf32, #tpu.memory_space<vmem>>
        %dma_start3A_1586 = tpu.memref_squeeze %dma_start3A_1585 : memref<1x16x128xf32, #tpu.memory_space<vmem>> -> memref<16x128xf32, #tpu.memory_space<vmem>>
        %dma_start3A_1587 = arith.constant 9760 : i32
        %dma_start3A_1588 = arith.constant 0 : i32
        %dma_start3A_1589 = tpu.memref_slice %arg8[%dma_start3A_1587, %dma_start3A_1588] : memref<10000x128xf32, #tpu.memory_space<vmem_shared>> -> memref<16x128xf32, #tpu.memory_space<vmem_shared>>
        %dma_start3A_1590 = arith.constant 9760 : i32
        %dma_start3A_1591 = arith.constant 0 : i32
        %dma_start3A_1592 = tpu.memref_slice %arg8[%dma_start3A_1590, %dma_start3A_1591] : memref<10000x128xf32, #tpu.memory_space<vmem_shared>> -> memref<16x128xf32, #tpu.memory_space<vmem_shared>>
        %dma_start3A_1593 = arith.constant 0 : i32
        %dma_start3A_1594 = arith.constant 0 : i32
        %dma_start3A_1595 = tpu.memref_slice %arg7[%cond3A_1047, %dma_start3A_1593, %dma_start3A_1594] : memref<3x80x128xf32, #tpu.memory_space<vmem>> -> memref<1x16x128xf32, #tpu.memory_space<vmem>>
        %dma_start3A_1596 = tpu.memref_squeeze %dma_start3A_1595 : memref<1x16x128xf32, #tpu.memory_space<vmem>> -> memref<16x128xf32, #tpu.memory_space<vmem>>
        tpu.enqueue_dma source(%dma_start3A_1596 : memref<16x128xf32, #tpu.memory_space<vmem>>) target(%dma_start3A_1592 : memref<16x128xf32, #tpu.memory_space<vmem_shared>>) target_semaphore(%arg9 : memref<!tpu.dma_semaphore, #tpu.memory_space<semaphore_mem>>)
        %dma_start3A_1597 = arith.constant 0 : i32
        %dma_start3A_1598 = arith.constant 0 : i32
        %dma_start3A_1599 = tpu.memref_slice %arg7[%cond3A_1047, %dma_start3A_1597, %dma_start3A_1598] : memref<3x80x128xf32, #tpu.memory_space<vmem>> -> memref<1x16x128xf32, #tpu.memory_space<vmem>>
        %dma_start3A_1600 = tpu.memref_squeeze %dma_start3A_1599 : memref<1x16x128xf32, #tpu.memory_space<vmem>> -> memref<16x128xf32, #tpu.memory_space<vmem>>
        %dma_start3A_1601 = arith.constant 9776 : i32
        %dma_start3A_1602 = arith.constant 0 : i32
        %dma_start3A_1603 = tpu.memref_slice %arg8[%dma_start3A_1601, %dma_start3A_1602] : memref<10000x128xf32, #tpu.memory_space<vmem_shared>> -> memref<16x128xf32, #tpu.memory_space<vmem_shared>>
        %dma_start3A_1604 = arith.constant 9776 : i32
        %dma_start3A_1605 = arith.constant 0 : i32
        %dma_start3A_1606 = tpu.memref_slice %arg8[%dma_start3A_1604, %dma_start3A_1605] : memref<10000x128xf32, #tpu.memory_space<vmem_shared>> -> memref<16x128xf32, #tpu.memory_space<vmem_shared>>
        %dma_start3A_1607 = arith.constant 0 : i32
        %dma_start3A_1608 = arith.constant 0 : i32
        %dma_start3A_1609 = tpu.memref_slice %arg7[%cond3A_1047, %dma_start3A_1607, %dma_start3A_1608] : memref<3x80x128xf32, #tpu.memory_space<vmem>> -> memref<1x16x128xf32, #tpu.memory_space<vmem>>
        %dma_start3A_1610 = tpu.memref_squeeze %dma_start3A_1609 : memref<1x16x128xf32, #tpu.memory_space<vmem>> -> memref<16x128xf32, #tpu.memory_space<vmem>>
        tpu.enqueue_dma source(%dma_start3A_1610 : memref<16x128xf32, #tpu.memory_space<vmem>>) target(%dma_start3A_1606 : memref<16x128xf32, #tpu.memory_space<vmem_shared>>) target_semaphore(%arg9 : memref<!tpu.dma_semaphore, #tpu.memory_space<semaphore_mem>>)
        %dma_start3A_1611 = arith.constant 0 : i32
        %dma_start3A_1612 = arith.constant 0 : i32
        %dma_start3A_1613 = tpu.memref_slice %arg7[%cond3A_1047, %dma_start3A_1611, %dma_start3A_1612] : memref<3x80x128xf32, #tpu.memory_space<vmem>> -> memref<1x16x128xf32, #tpu.memory_space<vmem>>
        %dma_start3A_1614 = tpu.memref_squeeze %dma_start3A_1613 : memref<1x16x128xf32, #tpu.memory_space<vmem>> -> memref<16x128xf32, #tpu.memory_space<vmem>>
        %dma_start3A_1615 = arith.constant 9792 : i32
        %dma_start3A_1616 = arith.constant 0 : i32
        %dma_start3A_1617 = tpu.memref_slice %arg8[%dma_start3A_1615, %dma_start3A_1616] : memref<10000x128xf32, #tpu.memory_space<vmem_shared>> -> memref<16x128xf32, #tpu.memory_space<vmem_shared>>
        %dma_start3A_1618 = arith.constant 9792 : i32
        %dma_start3A_1619 = arith.constant 0 : i32
        %dma_start3A_1620 = tpu.memref_slice %arg8[%dma_start3A_1618, %dma_start3A_1619] : memref<10000x128xf32, #tpu.memory_space<vmem_shared>> -> memref<16x128xf32, #tpu.memory_space<vmem_shared>>
        %dma_start3A_1621 = arith.constant 0 : i32
        %dma_start3A_1622 = arith.constant 0 : i32
        %dma_start3A_1623 = tpu.memref_slice %arg7[%cond3A_1047, %dma_start3A_1621, %dma_start3A_1622] : memref<3x80x128xf32, #tpu.memory_space<vmem>> -> memref<1x16x128xf32, #tpu.memory_space<vmem>>
        %dma_start3A_1624 = tpu.memref_squeeze %dma_start3A_1623 : memref<1x16x128xf32, #tpu.memory_space<vmem>> -> memref<16x128xf32, #tpu.memory_space<vmem>>
        tpu.enqueue_dma source(%dma_start3A_1624 : memref<16x128xf32, #tpu.memory_space<vmem>>) target(%dma_start3A_1620 : memref<16x128xf32, #tpu.memory_space<vmem_shared>>) target_semaphore(%arg9 : memref<!tpu.dma_semaphore, #tpu.memory_space<semaphore_mem>>)
        %dma_start3A_1625 = arith.constant 0 : i32
        %dma_start3A_1626 = arith.constant 0 : i32
        %dma_start3A_1627 = tpu.memref_slice %arg7[%cond3A_1047, %dma_start3A_1625, %dma_start3A_1626] : memref<3x80x128xf32, #tpu.memory_space<vmem>> -> memref<1x16x128xf32, #tpu.memory_space<vmem>>
        %dma_start3A_1628 = tpu.memref_squeeze %dma_start3A_1627 : memref<1x16x128xf32, #tpu.memory_space<vmem>> -> memref<16x128xf32, #tpu.memory_space<vmem>>
        %dma_start3A_1629 = arith.constant 9808 : i32
        %dma_start3A_1630 = arith.constant 0 : i32
        %dma_start3A_1631 = tpu.memref_slice %arg8[%dma_start3A_1629, %dma_start3A_1630] : memref<10000x128xf32, #tpu.memory_space<vmem_shared>> -> memref<16x128xf32, #tpu.memory_space<vmem_shared>>
        %dma_start3A_1632 = arith.constant 9808 : i32
        %dma_start3A_1633 = arith.constant 0 : i32
        %dma_start3A_1634 = tpu.memref_slice %arg8[%dma_start3A_1632, %dma_start3A_1633] : memref<10000x128xf32, #tpu.memory_space<vmem_shared>> -> memref<16x128xf32, #tpu.memory_space<vmem_shared>>
        %dma_start3A_1635 = arith.constant 0 : i32
        %dma_start3A_1636 = arith.constant 0 : i32
        %dma_start3A_1637 = tpu.memref_slice %arg7[%cond3A_1047, %dma_start3A_1635, %dma_start3A_1636] : memref<3x80x128xf32, #tpu.memory_space<vmem>> -> memref<1x16x128xf32, #tpu.memory_space<vmem>>
        %dma_start3A_1638 = tpu.memref_squeeze %dma_start3A_1637 : memref<1x16x128xf32, #tpu.memory_space<vmem>> -> memref<16x128xf32, #tpu.memory_space<vmem>>
        tpu.enqueue_dma source(%dma_start3A_1638 : memref<16x128xf32, #tpu.memory_space<vmem>>) target(%dma_start3A_1634 : memref<16x128xf32, #tpu.memory_space<vmem_shared>>) target_semaphore(%arg9 : memref<!tpu.dma_semaphore, #tpu.memory_space<semaphore_mem>>)
        %dma_start3A_1639 = arith.constant 0 : i32
        %dma_start3A_1640 = arith.constant 0 : i32
        %dma_start3A_1641 = tpu.memref_slice %arg7[%cond3A_1047, %dma_start3A_1639, %dma_start3A_1640] : memref<3x80x128xf32, #tpu.memory_space<vmem>> -> memref<1x16x128xf32, #tpu.memory_space<vmem>>
        %dma_start3A_1642 = tpu.memref_squeeze %dma_start3A_1641 : memref<1x16x128xf32, #tpu.memory_space<vmem>> -> memref<16x128xf32, #tpu.memory_space<vmem>>
        %dma_start3A_1643 = arith.constant 9824 : i32
        %dma_start3A_1644 = arith.constant 0 : i32
        %dma_start3A_1645 = tpu.memref_slice %arg8[%dma_start3A_1643, %dma_start3A_1644] : memref<10000x128xf32, #tpu.memory_space<vmem_shared>> -> memref<16x128xf32, #tpu.memory_space<vmem_shared>>
        %dma_start3A_1646 = arith.constant 9824 : i32
        %dma_start3A_1647 = arith.constant 0 : i32
        %dma_start3A_1648 = tpu.memref_slice %arg8[%dma_start3A_1646, %dma_start3A_1647] : memref<10000x128xf32, #tpu.memory_space<vmem_shared>> -> memref<16x128xf32, #tpu.memory_space<vmem_shared>>
        %dma_start3A_1649 = arith.constant 0 : i32
        %dma_start3A_1650 = arith.constant 0 : i32
        %dma_start3A_1651 = tpu.memref_slice %arg7[%cond3A_1047, %dma_start3A_1649, %dma_start3A_1650] : memref<3x80x128xf32, #tpu.memory_space<vmem>> -> memref<1x16x128xf32, #tpu.memory_space<vmem>>
        %dma_start3A_1652 = tpu.memref_squeeze %dma_start3A_1651 : memref<1x16x128xf32, #tpu.memory_space<vmem>> -> memref<16x128xf32, #tpu.memory_space<vmem>>
        tpu.enqueue_dma source(%dma_start3A_1652 : memref<16x128xf32, #tpu.memory_space<vmem>>) target(%dma_start3A_1648 : memref<16x128xf32, #tpu.memory_space<vmem_shared>>) target_semaphore(%arg9 : memref<!tpu.dma_semaphore, #tpu.memory_space<semaphore_mem>>)
        %dma_start3A_1653 = arith.constant 0 : i32
        %dma_start3A_1654 = arith.constant 0 : i32
        %dma_start3A_1655 = tpu.memref_slice %arg7[%cond3A_1047, %dma_start3A_1653, %dma_start3A_1654] : memref<3x80x128xf32, #tpu.memory_space<vmem>> -> memref<1x16x128xf32, #tpu.memory_space<vmem>>
        %dma_start3A_1656 = tpu.memref_squeeze %dma_start3A_1655 : memref<1x16x128xf32, #tpu.memory_space<vmem>> -> memref<16x128xf32, #tpu.memory_space<vmem>>
        %dma_start3A_1657 = arith.constant 9840 : i32
        %dma_start3A_1658 = arith.constant 0 : i32
        %dma_start3A_1659 = tpu.memref_slice %arg8[%dma_start3A_1657, %dma_start3A_1658] : memref<10000x128xf32, #tpu.memory_space<vmem_shared>> -> memref<16x128xf32, #tpu.memory_space<vmem_shared>>
        %dma_start3A_1660 = arith.constant 9840 : i32
        %dma_start3A_1661 = arith.constant 0 : i32
        %dma_start3A_1662 = tpu.memref_slice %arg8[%dma_start3A_1660, %dma_start3A_1661] : memref<10000x128xf32, #tpu.memory_space<vmem_shared>> -> memref<16x128xf32, #tpu.memory_space<vmem_shared>>
        %dma_start3A_1663 = arith.constant 0 : i32
        %dma_start3A_1664 = arith.constant 0 : i32
        %dma_start3A_1665 = tpu.memref_slice %arg7[%cond3A_1047, %dma_start3A_1663, %dma_start3A_1664] : memref<3x80x128xf32, #tpu.memory_space<vmem>> -> memref<1x16x128xf32, #tpu.memory_space<vmem>>
        %dma_start3A_1666 = tpu.memref_squeeze %dma_start3A_1665 : memref<1x16x128xf32, #tpu.memory_space<vmem>> -> memref<16x128xf32, #tpu.memory_space<vmem>>
        tpu.enqueue_dma source(%dma_start3A_1666 : memref<16x128xf32, #tpu.memory_space<vmem>>) target(%dma_start3A_1662 : memref<16x128xf32, #tpu.memory_space<vmem_shared>>) target_semaphore(%arg9 : memref<!tpu.dma_semaphore, #tpu.memory_space<semaphore_mem>>)
        %dma_start3A_1667 = arith.constant 0 : i32
        %dma_start3A_1668 = arith.constant 0 : i32
        %dma_start3A_1669 = tpu.memref_slice %arg7[%cond3A_1047, %dma_start3A_1667, %dma_start3A_1668] : memref<3x80x128xf32, #tpu.memory_space<vmem>> -> memref<1x16x128xf32, #tpu.memory_space<vmem>>
        %dma_start3A_1670 = tpu.memref_squeeze %dma_start3A_1669 : memref<1x16x128xf32, #tpu.memory_space<vmem>> -> memref<16x128xf32, #tpu.memory_space<vmem>>
        %dma_start3A_1671 = arith.constant 9856 : i32
        %dma_start3A_1672 = arith.constant 0 : i32
        %dma_start3A_1673 = tpu.memref_slice %arg8[%dma_start3A_1671, %dma_start3A_1672] : memref<10000x128xf32, #tpu.memory_space<vmem_shared>> -> memref<16x128xf32, #tpu.memory_space<vmem_shared>>
        %dma_start3A_1674 = arith.constant 9856 : i32
        %dma_start3A_1675 = arith.constant 0 : i32
        %dma_start3A_1676 = tpu.memref_slice %arg8[%dma_start3A_1674, %dma_start3A_1675] : memref<10000x128xf32, #tpu.memory_space<vmem_shared>> -> memref<16x128xf32, #tpu.memory_space<vmem_shared>>
        %dma_start3A_1677 = arith.constant 0 : i32
        %dma_start3A_1678 = arith.constant 0 : i32
        %dma_start3A_1679 = tpu.memref_slice %arg7[%cond3A_1047, %dma_start3A_1677, %dma_start3A_1678] : memref<3x80x128xf32, #tpu.memory_space<vmem>> -> memref<1x16x128xf32, #tpu.memory_space<vmem>>
        %dma_start3A_1680 = tpu.memref_squeeze %dma_start3A_1679 : memref<1x16x128xf32, #tpu.memory_space<vmem>> -> memref<16x128xf32, #tpu.memory_space<vmem>>
        tpu.enqueue_dma source(%dma_start3A_1680 : memref<16x128xf32, #tpu.memory_space<vmem>>) target(%dma_start3A_1676 : memref<16x128xf32, #tpu.memory_space<vmem_shared>>) target_semaphore(%arg9 : memref<!tpu.dma_semaphore, #tpu.memory_space<semaphore_mem>>)
        %dma_start3A_1681 = arith.constant 0 : i32
        %dma_start3A_1682 = arith.constant 0 : i32
        %dma_start3A_1683 = tpu.memref_slice %arg7[%cond3A_1047, %dma_start3A_1681, %dma_start3A_1682] : memref<3x80x128xf32, #tpu.memory_space<vmem>> -> memref<1x16x128xf32, #tpu.memory_space<vmem>>
        %dma_start3A_1684 = tpu.memref_squeeze %dma_start3A_1683 : memref<1x16x128xf32, #tpu.memory_space<vmem>> -> memref<16x128xf32, #tpu.memory_space<vmem>>
        %dma_start3A_1685 = arith.constant 9872 : i32
        %dma_start3A_1686 = arith.constant 0 : i32
        %dma_start3A_1687 = tpu.memref_slice %arg8[%dma_start3A_1685, %dma_start3A_1686] : memref<10000x128xf32, #tpu.memory_space<vmem_shared>> -> memref<16x128xf32, #tpu.memory_space<vmem_shared>>
        %dma_start3A_1688 = arith.constant 9872 : i32
        %dma_start3A_1689 = arith.constant 0 : i32
        %dma_start3A_1690 = tpu.memref_slice %arg8[%dma_start3A_1688, %dma_start3A_1689] : memref<10000x128xf32, #tpu.memory_space<vmem_shared>> -> memref<16x128xf32, #tpu.memory_space<vmem_shared>>
        %dma_start3A_1691 = arith.constant 0 : i32
        %dma_start3A_1692 = arith.constant 0 : i32
        %dma_start3A_1693 = tpu.memref_slice %arg7[%cond3A_1047, %dma_start3A_1691, %dma_start3A_1692] : memref<3x80x128xf32, #tpu.memory_space<vmem>> -> memref<1x16x128xf32, #tpu.memory_space<vmem>>
        %dma_start3A_1694 = tpu.memref_squeeze %dma_start3A_1693 : memref<1x16x128xf32, #tpu.memory_space<vmem>> -> memref<16x128xf32, #tpu.memory_space<vmem>>
        tpu.enqueue_dma source(%dma_start3A_1694 : memref<16x128xf32, #tpu.memory_space<vmem>>) target(%dma_start3A_1690 : memref<16x128xf32, #tpu.memory_space<vmem_shared>>) target_semaphore(%arg9 : memref<!tpu.dma_semaphore, #tpu.memory_space<semaphore_mem>>)
        %dma_start3A_1695 = arith.constant 0 : i32
        %dma_start3A_1696 = arith.constant 0 : i32
        %dma_start3A_1697 = tpu.memref_slice %arg7[%cond3A_1047, %dma_start3A_1695, %dma_start3A_1696] : memref<3x80x128xf32, #tpu.memory_space<vmem>> -> memref<1x16x128xf32, #tpu.memory_space<vmem>>
        %dma_start3A_1698 = tpu.memref_squeeze %dma_start3A_1697 : memref<1x16x128xf32, #tpu.memory_space<vmem>> -> memref<16x128xf32, #tpu.memory_space<vmem>>
        %dma_start3A_1699 = arith.constant 9888 : i32
        %dma_start3A_1700 = arith.constant 0 : i32
        %dma_start3A_1701 = tpu.memref_slice %arg8[%dma_start3A_1699, %dma_start3A_1700] : memref<10000x128xf32, #tpu.memory_space<vmem_shared>> -> memref<16x128xf32, #tpu.memory_space<vmem_shared>>
        %dma_start3A_1702 = arith.constant 9888 : i32
        %dma_start3A_1703 = arith.constant 0 : i32
        %dma_start3A_1704 = tpu.memref_slice %arg8[%dma_start3A_1702, %dma_start3A_1703] : memref<10000x128xf32, #tpu.memory_space<vmem_shared>> -> memref<16x128xf32, #tpu.memory_space<vmem_shared>>
        %dma_start3A_1705 = arith.constant 0 : i32
        %dma_start3A_1706 = arith.constant 0 : i32
        %dma_start3A_1707 = tpu.memref_slice %arg7[%cond3A_1047, %dma_start3A_1705, %dma_start3A_1706] : memref<3x80x128xf32, #tpu.memory_space<vmem>> -> memref<1x16x128xf32, #tpu.memory_space<vmem>>
        %dma_start3A_1708 = tpu.memref_squeeze %dma_start3A_1707 : memref<1x16x128xf32, #tpu.memory_space<vmem>> -> memref<16x128xf32, #tpu.memory_space<vmem>>
        tpu.enqueue_dma source(%dma_start3A_1708 : memref<16x128xf32, #tpu.memory_space<vmem>>) target(%dma_start3A_1704 : memref<16x128xf32, #tpu.memory_space<vmem_shared>>) target_semaphore(%arg9 : memref<!tpu.dma_semaphore, #tpu.memory_space<semaphore_mem>>)
        %dma_start3A_1709 = arith.constant 0 : i32
        %dma_start3A_1710 = arith.constant 0 : i32
        %dma_start3A_1711 = tpu.memref_slice %arg7[%cond3A_1047, %dma_start3A_1709, %dma_start3A_1710] : memref<3x80x128xf32, #tpu.memory_space<vmem>> -> memref<1x16x128xf32, #tpu.memory_space<vmem>>
        %dma_start3A_1712 = tpu.memref_squeeze %dma_start3A_1711 : memref<1x16x128xf32, #tpu.memory_space<vmem>> -> memref<16x128xf32, #tpu.memory_space<vmem>>
        %dma_start3A_1713 = arith.constant 9904 : i32
        %dma_start3A_1714 = arith.constant 0 : i32
        %dma_start3A_1715 = tpu.memref_slice %arg8[%dma_start3A_1713, %dma_start3A_1714] : memref<10000x128xf32, #tpu.memory_space<vmem_shared>> -> memref<16x128xf32, #tpu.memory_space<vmem_shared>>
        %dma_start3A_1716 = arith.constant 9904 : i32
        %dma_start3A_1717 = arith.constant 0 : i32
        %dma_start3A_1718 = tpu.memref_slice %arg8[%dma_start3A_1716, %dma_start3A_1717] : memref<10000x128xf32, #tpu.memory_space<vmem_shared>> -> memref<16x128xf32, #tpu.memory_space<vmem_shared>>
        %dma_start3A_1719 = arith.constant 0 : i32
        %dma_start3A_1720 = arith.constant 0 : i32
        %dma_start3A_1721 = tpu.memref_slice %arg7[%cond3A_1047, %dma_start3A_1719, %dma_start3A_1720] : memref<3x80x128xf32, #tpu.memory_space<vmem>> -> memref<1x16x128xf32, #tpu.memory_space<vmem>>
        %dma_start3A_1722 = tpu.memref_squeeze %dma_start3A_1721 : memref<1x16x128xf32, #tpu.memory_space<vmem>> -> memref<16x128xf32, #tpu.memory_space<vmem>>
        tpu.enqueue_dma source(%dma_start3A_1722 : memref<16x128xf32, #tpu.memory_space<vmem>>) target(%dma_start3A_1718 : memref<16x128xf32, #tpu.memory_space<vmem_shared>>) target_semaphore(%arg9 : memref<!tpu.dma_semaphore, #tpu.memory_space<semaphore_mem>>)
        %dma_start3A_1723 = arith.constant 0 : i32
        %dma_start3A_1724 = arith.constant 0 : i32
        %dma_start3A_1725 = tpu.memref_slice %arg7[%cond3A_1047, %dma_start3A_1723, %dma_start3A_1724] : memref<3x80x128xf32, #tpu.memory_space<vmem>> -> memref<1x16x128xf32, #tpu.memory_space<vmem>>
        %dma_start3A_1726 = tpu.memref_squeeze %dma_start3A_1725 : memref<1x16x128xf32, #tpu.memory_space<vmem>> -> memref<16x128xf32, #tpu.memory_space<vmem>>
        %dma_start3A_1727 = arith.constant 9920 : i32
        %dma_start3A_1728 = arith.constant 0 : i32
        %dma_start3A_1729 = tpu.memref_slice %arg8[%dma_start3A_1727, %dma_start3A_1728] : memref<10000x128xf32, #tpu.memory_space<vmem_shared>> -> memref<16x128xf32, #tpu.memory_space<vmem_shared>>
        %dma_start3A_1730 = arith.constant 9920 : i32
        %dma_start3A_1731 = arith.constant 0 : i32
        %dma_start3A_1732 = tpu.memref_slice %arg8[%dma_start3A_1730, %dma_start3A_1731] : memref<10000x128xf32, #tpu.memory_space<vmem_shared>> -> memref<16x128xf32, #tpu.memory_space<vmem_shared>>
        %dma_start3A_1733 = arith.constant 0 : i32
        %dma_start3A_1734 = arith.constant 0 : i32
        %dma_start3A_1735 = tpu.memref_slice %arg7[%cond3A_1047, %dma_start3A_1733, %dma_start3A_1734] : memref<3x80x128xf32, #tpu.memory_space<vmem>> -> memref<1x16x128xf32, #tpu.memory_space<vmem>>
        %dma_start3A_1736 = tpu.memref_squeeze %dma_start3A_1735 : memref<1x16x128xf32, #tpu.memory_space<vmem>> -> memref<16x128xf32, #tpu.memory_space<vmem>>
        tpu.enqueue_dma source(%dma_start3A_1736 : memref<16x128xf32, #tpu.memory_space<vmem>>) target(%dma_start3A_1732 : memref<16x128xf32, #tpu.memory_space<vmem_shared>>) target_semaphore(%arg9 : memref<!tpu.dma_semaphore, #tpu.memory_space<semaphore_mem>>)
        %dma_start3A_1737 = arith.constant 0 : i32
        %dma_start3A_1738 = arith.constant 0 : i32
        %dma_start3A_1739 = tpu.memref_slice %arg7[%cond3A_1047, %dma_start3A_1737, %dma_start3A_1738] : memref<3x80x128xf32, #tpu.memory_space<vmem>> -> memref<1x16x128xf32, #tpu.memory_space<vmem>>
        %dma_start3A_1740 = tpu.memref_squeeze %dma_start3A_1739 : memref<1x16x128xf32, #tpu.memory_space<vmem>> -> memref<16x128xf32, #tpu.memory_space<vmem>>
        %dma_start3A_1741 = arith.constant 9936 : i32
        %dma_start3A_1742 = arith.constant 0 : i32
        %dma_start3A_1743 = tpu.memref_slice %arg8[%dma_start3A_1741, %dma_start3A_1742] : memref<10000x128xf32, #tpu.memory_space<vmem_shared>> -> memref<16x128xf32, #tpu.memory_space<vmem_shared>>
        %dma_start3A_1744 = arith.constant 9936 : i32
        %dma_start3A_1745 = arith.constant 0 : i32
        %dma_start3A_1746 = tpu.memref_slice %arg8[%dma_start3A_1744, %dma_start3A_1745] : memref<10000x128xf32, #tpu.memory_space<vmem_shared>> -> memref<16x128xf32, #tpu.memory_space<vmem_shared>>
        %dma_start3A_1747 = arith.constant 0 : i32
        %dma_start3A_1748 = arith.constant 0 : i32
        %dma_start3A_1749 = tpu.memref_slice %arg7[%cond3A_1047, %dma_start3A_1747, %dma_start3A_1748] : memref<3x80x128xf32, #tpu.memory_space<vmem>> -> memref<1x16x128xf32, #tpu.memory_space<vmem>>
        %dma_start3A_1750 = tpu.memref_squeeze %dma_start3A_1749 : memref<1x16x128xf32, #tpu.memory_space<vmem>> -> memref<16x128xf32, #tpu.memory_space<vmem>>
        tpu.enqueue_dma source(%dma_start3A_1750 : memref<16x128xf32, #tpu.memory_space<vmem>>) target(%dma_start3A_1746 : memref<16x128xf32, #tpu.memory_space<vmem_shared>>) target_semaphore(%arg9 : memref<!tpu.dma_semaphore, #tpu.memory_space<semaphore_mem>>)
        %dma_start3A_1751 = arith.constant 0 : i32
        %dma_start3A_1752 = arith.constant 0 : i32
        %dma_start3A_1753 = tpu.memref_slice %arg7[%cond3A_1047, %dma_start3A_1751, %dma_start3A_1752] : memref<3x80x128xf32, #tpu.memory_space<vmem>> -> memref<1x16x128xf32, #tpu.memory_space<vmem>>
        %dma_start3A_1754 = tpu.memref_squeeze %dma_start3A_1753 : memref<1x16x128xf32, #tpu.memory_space<vmem>> -> memref<16x128xf32, #tpu.memory_space<vmem>>
        %dma_start3A_1755 = arith.constant 9952 : i32
        %dma_start3A_1756 = arith.constant 0 : i32
        %dma_start3A_1757 = tpu.memref_slice %arg8[%dma_start3A_1755, %dma_start3A_1756] : memref<10000x128xf32, #tpu.memory_space<vmem_shared>> -> memref<16x128xf32, #tpu.memory_space<vmem_shared>>
        %dma_start3A_1758 = arith.constant 9952 : i32
        %dma_start3A_1759 = arith.constant 0 : i32
        %dma_start3A_1760 = tpu.memref_slice %arg8[%dma_start3A_1758, %dma_start3A_1759] : memref<10000x128xf32, #tpu.memory_space<vmem_shared>> -> memref<16x128xf32, #tpu.memory_space<vmem_shared>>
        %dma_start3A_1761 = arith.constant 0 : i32
        %dma_start3A_1762 = arith.constant 0 : i32
        %dma_start3A_1763 = tpu.memref_slice %arg7[%cond3A_1047, %dma_start3A_1761, %dma_start3A_1762] : memref<3x80x128xf32, #tpu.memory_space<vmem>> -> memref<1x16x128xf32, #tpu.memory_space<vmem>>
        %dma_start3A_1764 = tpu.memref_squeeze %dma_start3A_1763 : memref<1x16x128xf32, #tpu.memory_space<vmem>> -> memref<16x128xf32, #tpu.memory_space<vmem>>
        tpu.enqueue_dma source(%dma_start3A_1764 : memref<16x128xf32, #tpu.memory_space<vmem>>) target(%dma_start3A_1760 : memref<16x128xf32, #tpu.memory_space<vmem_shared>>) target_semaphore(%arg9 : memref<!tpu.dma_semaphore, #tpu.memory_space<semaphore_mem>>)
        %dma_start3A_1765 = arith.constant 0 : i32
        %dma_start3A_1766 = arith.constant 0 : i32
        %dma_start3A_1767 = tpu.memref_slice %arg7[%cond3A_1047, %dma_start3A_1765, %dma_start3A_1766] : memref<3x80x128xf32, #tpu.memory_space<vmem>> -> memref<1x16x128xf32, #tpu.memory_space<vmem>>
        %dma_start3A_1768 = tpu.memref_squeeze %dma_start3A_1767 : memref<1x16x128xf32, #tpu.memory_space<vmem>> -> memref<16x128xf32, #tpu.memory_space<vmem>>
        %dma_start3A_1769 = arith.constant 9968 : i32
        %dma_start3A_1770 = arith.constant 0 : i32
        %dma_start3A_1771 = tpu.memref_slice %arg8[%dma_start3A_1769, %dma_start3A_1770] : memref<10000x128xf32, #tpu.memory_space<vmem_shared>> -> memref<16x128xf32, #tpu.memory_space<vmem_shared>>
        %dma_start3A_1772 = arith.constant 9968 : i32
        %dma_start3A_1773 = arith.constant 0 : i32
        %dma_start3A_1774 = tpu.memref_slice %arg8[%dma_start3A_1772, %dma_start3A_1773] : memref<10000x128xf32, #tpu.memory_space<vmem_shared>> -> memref<16x128xf32, #tpu.memory_space<vmem_shared>>
        %dma_start3A_1775 = arith.constant 0 : i32
        %dma_start3A_1776 = arith.constant 0 : i32
        %dma_start3A_1777 = tpu.memref_slice %arg7[%cond3A_1047, %dma_start3A_1775, %dma_start3A_1776] : memref<3x80x128xf32, #tpu.memory_space<vmem>> -> memref<1x16x128xf32, #tpu.memory_space<vmem>>
        %dma_start3A_1778 = tpu.memref_squeeze %dma_start3A_1777 : memref<1x16x128xf32, #tpu.memory_space<vmem>> -> memref<16x128xf32, #tpu.memory_space<vmem>>
        tpu.enqueue_dma source(%dma_start3A_1778 : memref<16x128xf32, #tpu.memory_space<vmem>>) target(%dma_start3A_1774 : memref<16x128xf32, #tpu.memory_space<vmem_shared>>) target_semaphore(%arg9 : memref<!tpu.dma_semaphore, #tpu.memory_space<semaphore_mem>>)
        %dma_start3A_1779 = arith.constant 0 : i32
        %dma_start3A_1780 = arith.constant 0 : i32
        %dma_start3A_1781 = tpu.memref_slice %arg7[%cond3A_1047, %dma_start3A_1779, %dma_start3A_1780] : memref<3x80x128xf32, #tpu.memory_space<vmem>> -> memref<1x16x128xf32, #tpu.memory_space<vmem>>
        %dma_start3A_1782 = tpu.memref_squeeze %dma_start3A_1781 : memref<1x16x128xf32, #tpu.memory_space<vmem>> -> memref<16x128xf32, #tpu.memory_space<vmem>>
        %dma_start3A_1783 = arith.constant 9984 : i32
        %dma_start3A_1784 = arith.constant 0 : i32
        %dma_start3A_1785 = tpu.memref_slice %arg8[%dma_start3A_1783, %dma_start3A_1784] : memref<10000x128xf32, #tpu.memory_space<vmem_shared>> -> memref<16x128xf32, #tpu.memory_space<vmem_shared>>
        %dma_start3A_1786 = arith.constant 9984 : i32
        %dma_start3A_1787 = arith.constant 0 : i32
        %dma_start3A_1788 = tpu.memref_slice %arg8[%dma_start3A_1786, %dma_start3A_1787] : memref<10000x128xf32, #tpu.memory_space<vmem_shared>> -> memref<16x128xf32, #tpu.memory_space<vmem_shared>>
        %dma_start3A_1789 = arith.constant 0 : i32
        %dma_start3A_1790 = arith.constant 0 : i32
        %dma_start3A_1791 = tpu.memref_slice %arg7[%cond3A_1047, %dma_start3A_1789, %dma_start3A_1790] : memref<3x80x128xf32, #tpu.memory_space<vmem>> -> memref<1x16x128xf32, #tpu.memory_space<vmem>>
        %dma_start3A_1792 = tpu.memref_squeeze %dma_start3A_1791 : memref<1x16x128xf32, #tpu.memory_space<vmem>> -> memref<16x128xf32, #tpu.memory_space<vmem>>
        tpu.enqueue_dma source(%dma_start3A_1792 : memref<16x128xf32, #tpu.memory_space<vmem>>) target(%dma_start3A_1788 : memref<16x128xf32, #tpu.memory_space<vmem_shared>>) target_semaphore(%arg9 : memref<!tpu.dma_semaphore, #tpu.memory_space<semaphore_mem>>)
        %dma_wait3A_1793 = arith.constant 0 : i32
        %dma_wait3A_1794 = arith.constant 0 : i32
        %dma_wait3A_1795 = tpu.memref_slice %arg7[%cond3A_1047, %dma_wait3A_1793, %dma_wait3A_1794] : memref<3x80x128xf32, #tpu.memory_space<vmem>> -> memref<1x16x128xf32, #tpu.memory_space<vmem>>
        %dma_wait3A_1796 = tpu.memref_squeeze %dma_wait3A_1795 : memref<1x16x128xf32, #tpu.memory_space<vmem>> -> memref<16x128xf32, #tpu.memory_space<vmem>>
        %dma_wait3A_1797 = arith.constant 0 : i32
        %dma_wait3A_1798 = arith.constant 0 : i32
        %dma_wait3A_1799 = tpu.memref_slice %arg8[%dma_wait3A_1797, %dma_wait3A_1798] : memref<10000x128xf32, #tpu.memory_space<vmem_shared>> -> memref<16x128xf32, #tpu.memory_space<vmem_shared>>
        %dma_wait3A_1800 = arith.constant 0 : i32
        %dma_wait3A_1801 = arith.constant 0 : i32
        %dma_wait3A_1802 = tpu.memref_slice %arg8[%dma_wait3A_1800, %dma_wait3A_1801] : memref<10000x128xf32, #tpu.memory_space<vmem_shared>> -> memref<16x128xf32, #tpu.memory_space<vmem_shared>>
        %dma_wait3A_1803 = arith.constant 0 : i32
        %dma_wait3A_1804 = arith.constant 0 : i32
        %dma_wait3A_1805 = tpu.memref_slice %arg7[%cond3A_1047, %dma_wait3A_1803, %dma_wait3A_1804] : memref<3x80x128xf32, #tpu.memory_space<vmem>> -> memref<1x16x128xf32, #tpu.memory_space<vmem>>
        %dma_wait3A_1806 = tpu.memref_squeeze %dma_wait3A_1805 : memref<1x16x128xf32, #tpu.memory_space<vmem>> -> memref<16x128xf32, #tpu.memory_space<vmem>>
        tpu.wait_dma2 semaphore(%arg9 : memref<!tpu.dma_semaphore, #tpu.memory_space<semaphore_mem>>) src(%dma_wait3A_1806 : memref<16x128xf32, #tpu.memory_space<vmem>>) dst(%dma_wait3A_1802 : memref<16x128xf32, #tpu.memory_space<vmem_shared>>)
        %dma_wait3A_1807 = arith.constant 0 : i32
        %dma_wait3A_1808 = arith.constant 0 : i32
        %dma_wait3A_1809 = tpu.memref_slice %arg7[%cond3A_1047, %dma_wait3A_1807, %dma_wait3A_1808] : memref<3x80x128xf32, #tpu.memory_space<vmem>> -> memref<1x16x128xf32, #tpu.memory_space<vmem>>
        %dma_wait3A_1810 = tpu.memref_squeeze %dma_wait3A_1809 : memref<1x16x128xf32, #tpu.memory_space<vmem>> -> memref<16x128xf32, #tpu.memory_space<vmem>>
        %dma_wait3A_1811 = arith.constant 0 : i32
        %dma_wait3A_1812 = arith.constant 0 : i32
        %dma_wait3A_1813 = tpu.memref_slice %arg8[%dma_wait3A_1811, %dma_wait3A_1812] : memref<10000x128xf32, #tpu.memory_space<vmem_shared>> -> memref<16x128xf32, #tpu.memory_space<vmem_shared>>
        %dma_wait3A_1814 = arith.constant 0 : i32
        %dma_wait3A_1815 = arith.constant 0 : i32
        %dma_wait3A_1816 = tpu.memref_slice %arg8[%dma_wait3A_1814, %dma_wait3A_1815] : memref<10000x128xf32, #tpu.memory_space<vmem_shared>> -> memref<16x128xf32, #tpu.memory_space<vmem_shared>>
        %dma_wait3A_1817 = arith.constant 0 : i32
        %dma_wait3A_1818 = arith.constant 0 : i32
        %dma_wait3A_1819 = tpu.memref_slice %arg7[%cond3A_1047, %dma_wait3A_1817, %dma_wait3A_1818] : memref<3x80x128xf32, #tpu.memory_space<vmem>> -> memref<1x16x128xf32, #tpu.memory_space<vmem>>
        %dma_wait3A_1820 = tpu.memref_squeeze %dma_wait3A_1819 : memref<1x16x128xf32, #tpu.memory_space<vmem>> -> memref<16x128xf32, #tpu.memory_space<vmem>>
        tpu.wait_dma2 semaphore(%arg9 : memref<!tpu.dma_semaphore, #tpu.memory_space<semaphore_mem>>) src(%dma_wait3A_1820 : memref<16x128xf32, #tpu.memory_space<vmem>>) dst(%dma_wait3A_1816 : memref<16x128xf32, #tpu.memory_space<vmem_shared>>)
        %dma_wait3A_1821 = arith.constant 0 : i32
        %dma_wait3A_1822 = arith.constant 0 : i32
        %dma_wait3A_1823 = tpu.memref_slice %arg7[%cond3A_1047, %dma_wait3A_1821, %dma_wait3A_1822] : memref<3x80x128xf32, #tpu.memory_space<vmem>> -> memref<1x16x128xf32, #tpu.memory_space<vmem>>
        %dma_wait3A_1824 = tpu.memref_squeeze %dma_wait3A_1823 : memref<1x16x128xf32, #tpu.memory_space<vmem>> -> memref<16x128xf32, #tpu.memory_space<vmem>>
        %dma_wait3A_1825 = arith.constant 0 : i32
        %dma_wait3A_1826 = arith.constant 0 : i32
        %dma_wait3A_1827 = tpu.memref_slice %arg8[%dma_wait3A_1825, %dma_wait3A_1826] : memref<10000x128xf32, #tpu.memory_space<vmem_shared>> -> memref<16x128xf32, #tpu.memory_space<vmem_shared>>
        %dma_wait3A_1828 = arith.constant 0 : i32
        %dma_wait3A_1829 = arith.constant 0 : i32
        %dma_wait3A_1830 = tpu.memref_slice %arg8[%dma_wait3A_1828, %dma_wait3A_1829] : memref<10000x128xf32, #tpu.memory_space<vmem_shared>> -> memref<16x128xf32, #tpu.memory_space<vmem_shared>>
        %dma_wait3A_1831 = arith.constant 0 : i32
        %dma_wait3A_1832 = arith.constant 0 : i32
        %dma_wait3A_1833 = tpu.memref_slice %arg7[%cond3A_1047, %dma_wait3A_1831, %dma_wait3A_1832] : memref<3x80x128xf32, #tpu.memory_space<vmem>> -> memref<1x16x128xf32, #tpu.memory_space<vmem>>
        %dma_wait3A_1834 = tpu.memref_squeeze %dma_wait3A_1833 : memref<1x16x128xf32, #tpu.memory_space<vmem>> -> memref<16x128xf32, #tpu.memory_space<vmem>>
        tpu.wait_dma2 semaphore(%arg9 : memref<!tpu.dma_semaphore, #tpu.memory_space<semaphore_mem>>) src(%dma_wait3A_1834 : memref<16x128xf32, #tpu.memory_space<vmem>>) dst(%dma_wait3A_1830 : memref<16x128xf32, #tpu.memory_space<vmem_shared>>)
        %dma_wait3A_1835 = arith.constant 0 : i32
        %dma_wait3A_1836 = arith.constant 0 : i32
        %dma_wait3A_1837 = tpu.memref_slice %arg7[%cond3A_1047, %dma_wait3A_1835, %dma_wait3A_1836] : memref<3x80x128xf32, #tpu.memory_space<vmem>> -> memref<1x16x128xf32, #tpu.memory_space<vmem>>
        %dma_wait3A_1838 = tpu.memref_squeeze %dma_wait3A_1837 : memref<1x16x128xf32, #tpu.memory_space<vmem>> -> memref<16x128xf32, #tpu.memory_space<vmem>>
        %dma_wait3A_1839 = arith.constant 0 : i32
        %dma_wait3A_1840 = arith.constant 0 : i32
        %dma_wait3A_1841 = tpu.memref_slice %arg8[%dma_wait3A_1839, %dma_wait3A_1840] : memref<10000x128xf32, #tpu.memory_space<vmem_shared>> -> memref<16x128xf32, #tpu.memory_space<vmem_shared>>
        %dma_wait3A_1842 = arith.constant 0 : i32
        %dma_wait3A_1843 = arith.constant 0 : i32
        %dma_wait3A_1844 = tpu.memref_slice %arg8[%dma_wait3A_1842, %dma_wait3A_1843] : memref<10000x128xf32, #tpu.memory_space<vmem_shared>> -> memref<16x128xf32, #tpu.memory_space<vmem_shared>>
        %dma_wait3A_1845 = arith.constant 0 : i32
        %dma_wait3A_1846 = arith.constant 0 : i32
        %dma_wait3A_1847 = tpu.memref_slice %arg7[%cond3A_1047, %dma_wait3A_1845, %dma_wait3A_1846] : memref<3x80x128xf32, #tpu.memory_space<vmem>> -> memref<1x16x128xf32, #tpu.memory_space<vmem>>
        %dma_wait3A_1848 = tpu.memref_squeeze %dma_wait3A_1847 : memref<1x16x128xf32, #tpu.memory_space<vmem>> -> memref<16x128xf32, #tpu.memory_space<vmem>>
        tpu.wait_dma2 semaphore(%arg9 : memref<!tpu.dma_semaphore, #tpu.memory_space<semaphore_mem>>) src(%dma_wait3A_1848 : memref<16x128xf32, #tpu.memory_space<vmem>>) dst(%dma_wait3A_1844 : memref<16x128xf32, #tpu.memory_space<vmem_shared>>)
        %dma_wait3A_1849 = arith.constant 0 : i32
        %dma_wait3A_1850 = arith.constant 0 : i32
        %dma_wait3A_1851 = tpu.memref_slice %arg7[%cond3A_1047, %dma_wait3A_1849, %dma_wait3A_1850] : memref<3x80x128xf32, #tpu.memory_space<vmem>> -> memref<1x16x128xf32, #tpu.memory_space<vmem>>
        %dma_wait3A_1852 = tpu.memref_squeeze %dma_wait3A_1851 : memref<1x16x128xf32, #tpu.memory_space<vmem>> -> memref<16x128xf32, #tpu.memory_space<vmem>>
        %dma_wait3A_1853 = arith.constant 0 : i32
        %dma_wait3A_1854 = arith.constant 0 : i32
        %dma_wait3A_1855 = tpu.memref_slice %arg8[%dma_wait3A_1853, %dma_wait3A_1854] : memref<10000x128xf32, #tpu.memory_space<vmem_shared>> -> memref<16x128xf32, #tpu.memory_space<vmem_shared>>
        %dma_wait3A_1856 = arith.constant 0 : i32
        %dma_wait3A_1857 = arith.constant 0 : i32
        %dma_wait3A_1858 = tpu.memref_slice %arg8[%dma_wait3A_1856, %dma_wait3A_1857] : memref<10000x128xf32, #tpu.memory_space<vmem_shared>> -> memref<16x128xf32, #tpu.memory_space<vmem_shared>>
        %dma_wait3A_1859 = arith.constant 0 : i32
        %dma_wait3A_1860 = arith.constant 0 : i32
        %dma_wait3A_1861 = tpu.memref_slice %arg7[%cond3A_1047, %dma_wait3A_1859, %dma_wait3A_1860] : memref<3x80x128xf32, #tpu.memory_space<vmem>> -> memref<1x16x128xf32, #tpu.memory_space<vmem>>
        %dma_wait3A_1862 = tpu.memref_squeeze %dma_wait3A_1861 : memref<1x16x128xf32, #tpu.memory_space<vmem>> -> memref<16x128xf32, #tpu.memory_space<vmem>>
        tpu.wait_dma2 semaphore(%arg9 : memref<!tpu.dma_semaphore, #tpu.memory_space<semaphore_mem>>) src(%dma_wait3A_1862 : memref<16x128xf32, #tpu.memory_space<vmem>>) dst(%dma_wait3A_1858 : memref<16x128xf32, #tpu.memory_space<vmem_shared>>)
        %dma_wait3A_1863 = arith.constant 0 : i32
        %dma_wait3A_1864 = arith.constant 0 : i32
        %dma_wait3A_1865 = tpu.memref_slice %arg7[%cond3A_1047, %dma_wait3A_1863, %dma_wait3A_1864] : memref<3x80x128xf32, #tpu.memory_space<vmem>> -> memref<1x16x128xf32, #tpu.memory_space<vmem>>
        %dma_wait3A_1866 = tpu.memref_squeeze %dma_wait3A_1865 : memref<1x16x128xf32, #tpu.memory_space<vmem>> -> memref<16x128xf32, #tpu.memory_space<vmem>>
        %dma_wait3A_1867 = arith.constant 0 : i32
        %dma_wait3A_1868 = arith.constant 0 : i32
        %dma_wait3A_1869 = tpu.memref_slice %arg8[%dma_wait3A_1867, %dma_wait3A_1868] : memref<10000x128xf32, #tpu.memory_space<vmem_shared>> -> memref<16x128xf32, #tpu.memory_space<vmem_shared>>
        %dma_wait3A_1870 = arith.constant 0 : i32
        %dma_wait3A_1871 = arith.constant 0 : i32
        %dma_wait3A_1872 = tpu.memref_slice %arg8[%dma_wait3A_1870, %dma_wait3A_1871] : memref<10000x128xf32, #tpu.memory_space<vmem_shared>> -> memref<16x128xf32, #tpu.memory_space<vmem_shared>>
        %dma_wait3A_1873 = arith.constant 0 : i32
        %dma_wait3A_1874 = arith.constant 0 : i32
        %dma_wait3A_1875 = tpu.memref_slice %arg7[%cond3A_1047, %dma_wait3A_1873, %dma_wait3A_1874] : memref<3x80x128xf32, #tpu.memory_space<vmem>> -> memref<1x16x128xf32, #tpu.memory_space<vmem>>
        %dma_wait3A_1876 = tpu.memref_squeeze %dma_wait3A_1875 : memref<1x16x128xf32, #tpu.memory_space<vmem>> -> memref<16x128xf32, #tpu.memory_space<vmem>>
        tpu.wait_dma2 semaphore(%arg9 : memref<!tpu.dma_semaphore, #tpu.memory_space<semaphore_mem>>) src(%dma_wait3A_1876 : memref<16x128xf32, #tpu.memory_space<vmem>>) dst(%dma_wait3A_1872 : memref<16x128xf32, #tpu.memory_space<vmem_shared>>)
        %dma_wait3A_1877 = arith.constant 0 : i32
        %dma_wait3A_1878 = arith.constant 0 : i32
        %dma_wait3A_1879 = tpu.memref_slice %arg7[%cond3A_1047, %dma_wait3A_1877, %dma_wait3A_1878] : memref<3x80x128xf32, #tpu.memory_space<vmem>> -> memref<1x16x128xf32, #tpu.memory_space<vmem>>
        %dma_wait3A_1880 = tpu.memref_squeeze %dma_wait3A_1879 : memref<1x16x128xf32, #tpu.memory_space<vmem>> -> memref<16x128xf32, #tpu.memory_space<vmem>>
        %dma_wait3A_1881 = arith.constant 0 : i32
        %dma_wait3A_1882 = arith.constant 0 : i32
        %dma_wait3A_1883 = tpu.memref_slice %arg8[%dma_wait3A_1881, %dma_wait3A_1882] : memref<10000x128xf32, #tpu.memory_space<vmem_shared>> -> memref<16x128xf32, #tpu.memory_space<vmem_shared>>
        %dma_wait3A_1884 = arith.constant 0 : i32
        %dma_wait3A_1885 = arith.constant 0 : i32
        %dma_wait3A_1886 = tpu.memref_slice %arg8[%dma_wait3A_1884, %dma_wait3A_1885] : memref<10000x128xf32, #tpu.memory_space<vmem_shared>> -> memref<16x128xf32, #tpu.memory_space<vmem_shared>>
        %dma_wait3A_1887 = arith.constant 0 : i32
        %dma_wait3A_1888 = arith.constant 0 : i32
        %dma_wait3A_1889 = tpu.memref_slice %arg7[%cond3A_1047, %dma_wait3A_1887, %dma_wait3A_1888] : memref<3x80x128xf32, #tpu.memory_space<vmem>> -> memref<1x16x128xf32, #tpu.memory_space<vmem>>
        %dma_wait3A_1890 = tpu.memref_squeeze %dma_wait3A_1889 : memref<1x16x128xf32, #tpu.memory_space<vmem>> -> memref<16x128xf32, #tpu.memory_space<vmem>>
        tpu.wait_dma2 semaphore(%arg9 : memref<!tpu.dma_semaphore, #tpu.memory_space<semaphore_mem>>) src(%dma_wait3A_1890 : memref<16x128xf32, #tpu.memory_space<vmem>>) dst(%dma_wait3A_1886 : memref<16x128xf32, #tpu.memory_space<vmem_shared>>)
        %dma_wait3A_1891 = arith.constant 0 : i32
        %dma_wait3A_1892 = arith.constant 0 : i32
        %dma_wait3A_1893 = tpu.memref_slice %arg7[%cond3A_1047, %dma_wait3A_1891, %dma_wait3A_1892] : memref<3x80x128xf32, #tpu.memory_space<vmem>> -> memref<1x16x128xf32, #tpu.memory_space<vmem>>
        %dma_wait3A_1894 = tpu.memref_squeeze %dma_wait3A_1893 : memref<1x16x128xf32, #tpu.memory_space<vmem>> -> memref<16x128xf32, #tpu.memory_space<vmem>>
        %dma_wait3A_1895 = arith.constant 0 : i32
        %dma_wait3A_1896 = arith.constant 0 : i32
        %dma_wait3A_1897 = tpu.memref_slice %arg8[%dma_wait3A_1895, %dma_wait3A_1896] : memref<10000x128xf32, #tpu.memory_space<vmem_shared>> -> memref<16x128xf32, #tpu.memory_space<vmem_shared>>
        %dma_wait3A_1898 = arith.constant 0 : i32
        %dma_wait3A_1899 = arith.constant 0 : i32
        %dma_wait3A_1900 = tpu.memref_slice %arg8[%dma_wait3A_1898, %dma_wait3A_1899] : memref<10000x128xf32, #tpu.memory_space<vmem_shared>> -> memref<16x128xf32, #tpu.memory_space<vmem_shared>>
        %dma_wait3A_1901 = arith.constant 0 : i32
        %dma_wait3A_1902 = arith.constant 0 : i32
        %dma_wait3A_1903 = tpu.memref_slice %arg7[%cond3A_1047, %dma_wait3A_1901, %dma_wait3A_1902] : memref<3x80x128xf32, #tpu.memory_space<vmem>> -> memref<1x16x128xf32, #tpu.memory_space<vmem>>
        %dma_wait3A_1904 = tpu.memref_squeeze %dma_wait3A_1903 : memref<1x16x128xf32, #tpu.memory_space<vmem>> -> memref<16x128xf32, #tpu.memory_space<vmem>>
        tpu.wait_dma2 semaphore(%arg9 : memref<!tpu.dma_semaphore, #tpu.memory_space<semaphore_mem>>) src(%dma_wait3A_1904 : memref<16x128xf32, #tpu.memory_space<vmem>>) dst(%dma_wait3A_1900 : memref<16x128xf32, #tpu.memory_space<vmem_shared>>)
        %dma_wait3A_1905 = arith.constant 0 : i32
        %dma_wait3A_1906 = arith.constant 0 : i32
        %dma_wait3A_1907 = tpu.memref_slice %arg7[%cond3A_1047, %dma_wait3A_1905, %dma_wait3A_1906] : memref<3x80x128xf32, #tpu.memory_space<vmem>> -> memref<1x16x128xf32, #tpu.memory_space<vmem>>
        %dma_wait3A_1908 = tpu.memref_squeeze %dma_wait3A_1907 : memref<1x16x128xf32, #tpu.memory_space<vmem>> -> memref<16x128xf32, #tpu.memory_space<vmem>>
        %dma_wait3A_1909 = arith.constant 0 : i32
        %dma_wait3A_1910 = arith.constant 0 : i32
        %dma_wait3A_1911 = tpu.memref_slice %arg8[%dma_wait3A_1909, %dma_wait3A_1910] : memref<10000x128xf32, #tpu.memory_space<vmem_shared>> -> memref<16x128xf32, #tpu.memory_space<vmem_shared>>
        %dma_wait3A_1912 = arith.constant 0 : i32
        %dma_wait3A_1913 = arith.constant 0 : i32
        %dma_wait3A_1914 = tpu.memref_slice %arg8[%dma_wait3A_1912, %dma_wait3A_1913] : memref<10000x128xf32, #tpu.memory_space<vmem_shared>> -> memref<16x128xf32, #tpu.memory_space<vmem_shared>>
        %dma_wait3A_1915 = arith.constant 0 : i32
        %dma_wait3A_1916 = arith.constant 0 : i32
        %dma_wait3A_1917 = tpu.memref_slice %arg7[%cond3A_1047, %dma_wait3A_1915, %dma_wait3A_1916] : memref<3x80x128xf32, #tpu.memory_space<vmem>> -> memref<1x16x128xf32, #tpu.memory_space<vmem>>
        %dma_wait3A_1918 = tpu.memref_squeeze %dma_wait3A_1917 : memref<1x16x128xf32, #tpu.memory_space<vmem>> -> memref<16x128xf32, #tpu.memory_space<vmem>>
        tpu.wait_dma2 semaphore(%arg9 : memref<!tpu.dma_semaphore, #tpu.memory_space<semaphore_mem>>) src(%dma_wait3A_1918 : memref<16x128xf32, #tpu.memory_space<vmem>>) dst(%dma_wait3A_1914 : memref<16x128xf32, #tpu.memory_space<vmem_shared>>)
        %dma_wait3A_1919 = arith.constant 0 : i32
        %dma_wait3A_1920 = arith.constant 0 : i32
        %dma_wait3A_1921 = tpu.memref_slice %arg7[%cond3A_1047, %dma_wait3A_1919, %dma_wait3A_1920] : memref<3x80x128xf32, #tpu.memory_space<vmem>> -> memref<1x16x128xf32, #tpu.memory_space<vmem>>
        %dma_wait3A_1922 = tpu.memref_squeeze %dma_wait3A_1921 : memref<1x16x128xf32, #tpu.memory_space<vmem>> -> memref<16x128xf32, #tpu.memory_space<vmem>>
        %dma_wait3A_1923 = arith.constant 0 : i32
        %dma_wait3A_1924 = arith.constant 0 : i32
        %dma_wait3A_1925 = tpu.memref_slice %arg8[%dma_wait3A_1923, %dma_wait3A_1924] : memref<10000x128xf32, #tpu.memory_space<vmem_shared>> -> memref<16x128xf32, #tpu.memory_space<vmem_shared>>
        %dma_wait3A_1926 = arith.constant 0 : i32
        %dma_wait3A_1927 = arith.constant 0 : i32
        %dma_wait3A_1928 = tpu.memref_slice %arg8[%dma_wait3A_1926, %dma_wait3A_1927] : memref<10000x128xf32, #tpu.memory_space<vmem_shared>> -> memref<16x128xf32, #tpu.memory_space<vmem_shared>>
        %dma_wait3A_1929 = arith.constant 0 : i32
        %dma_wait3A_1930 = arith.constant 0 : i32
        %dma_wait3A_1931 = tpu.memref_slice %arg7[%cond3A_1047, %dma_wait3A_1929, %dma_wait3A_1930] : memref<3x80x128xf32, #tpu.memory_space<vmem>> -> memref<1x16x128xf32, #tpu.memory_space<vmem>>
        %dma_wait3A_1932 = tpu.memref_squeeze %dma_wait3A_1931 : memref<1x16x128xf32, #tpu.memory_space<vmem>> -> memref<16x128xf32, #tpu.memory_space<vmem>>
        tpu.wait_dma2 semaphore(%arg9 : memref<!tpu.dma_semaphore, #tpu.memory_space<semaphore_mem>>) src(%dma_wait3A_1932 : memref<16x128xf32, #tpu.memory_space<vmem>>) dst(%dma_wait3A_1928 : memref<16x128xf32, #tpu.memory_space<vmem_shared>>)
        %dma_wait3A_1933 = arith.constant 0 : i32
        %dma_wait3A_1934 = arith.constant 0 : i32
        %dma_wait3A_1935 = tpu.memref_slice %arg7[%cond3A_1047, %dma_wait3A_1933, %dma_wait3A_1934] : memref<3x80x128xf32, #tpu.memory_space<vmem>> -> memref<1x16x128xf32, #tpu.memory_space<vmem>>
        %dma_wait3A_1936 = tpu.memref_squeeze %dma_wait3A_1935 : memref<1x16x128xf32, #tpu.memory_space<vmem>> -> memref<16x128xf32, #tpu.memory_space<vmem>>
        %dma_wait3A_1937 = arith.constant 0 : i32
        %dma_wait3A_1938 = arith.constant 0 : i32
        %dma_wait3A_1939 = tpu.memref_slice %arg8[%dma_wait3A_1937, %dma_wait3A_1938] : memref<10000x128xf32, #tpu.memory_space<vmem_shared>> -> memref<16x128xf32, #tpu.memory_space<vmem_shared>>
        %dma_wait3A_1940 = arith.constant 0 : i32
        %dma_wait3A_1941 = arith.constant 0 : i32
        %dma_wait3A_1942 = tpu.memref_slice %arg8[%dma_wait3A_1940, %dma_wait3A_1941] : memref<10000x128xf32, #tpu.memory_space<vmem_shared>> -> memref<16x128xf32, #tpu.memory_space<vmem_shared>>
        %dma_wait3A_1943 = arith.constant 0 : i32
        %dma_wait3A_1944 = arith.constant 0 : i32
        %dma_wait3A_1945 = tpu.memref_slice %arg7[%cond3A_1047, %dma_wait3A_1943, %dma_wait3A_1944] : memref<3x80x128xf32, #tpu.memory_space<vmem>> -> memref<1x16x128xf32, #tpu.memory_space<vmem>>
        %dma_wait3A_1946 = tpu.memref_squeeze %dma_wait3A_1945 : memref<1x16x128xf32, #tpu.memory_space<vmem>> -> memref<16x128xf32, #tpu.memory_space<vmem>>
        tpu.wait_dma2 semaphore(%arg9 : memref<!tpu.dma_semaphore, #tpu.memory_space<semaphore_mem>>) src(%dma_wait3A_1946 : memref<16x128xf32, #tpu.memory_space<vmem>>) dst(%dma_wait3A_1942 : memref<16x128xf32, #tpu.memory_space<vmem_shared>>)
        %dma_wait3A_1947 = arith.constant 0 : i32
        %dma_wait3A_1948 = arith.constant 0 : i32
        %dma_wait3A_1949 = tpu.memref_slice %arg7[%cond3A_1047, %dma_wait3A_1947, %dma_wait3A_1948] : memref<3x80x128xf32, #tpu.memory_space<vmem>> -> memref<1x16x128xf32, #tpu.memory_space<vmem>>
        %dma_wait3A_1950 = tpu.memref_squeeze %dma_wait3A_1949 : memref<1x16x128xf32, #tpu.memory_space<vmem>> -> memref<16x128xf32, #tpu.memory_space<vmem>>
        %dma_wait3A_1951 = arith.constant 0 : i32
        %dma_wait3A_1952 = arith.constant 0 : i32
        %dma_wait3A_1953 = tpu.memref_slice %arg8[%dma_wait3A_1951, %dma_wait3A_1952] : memref<10000x128xf32, #tpu.memory_space<vmem_shared>> -> memref<16x128xf32, #tpu.memory_space<vmem_shared>>
        %dma_wait3A_1954 = arith.constant 0 : i32
        %dma_wait3A_1955 = arith.constant 0 : i32
        %dma_wait3A_1956 = tpu.memref_slice %arg8[%dma_wait3A_1954, %dma_wait3A_1955] : memref<10000x128xf32, #tpu.memory_space<vmem_shared>> -> memref<16x128xf32, #tpu.memory_space<vmem_shared>>
        %dma_wait3A_1957 = arith.constant 0 : i32
        %dma_wait3A_1958 = arith.constant 0 : i32
        %dma_wait3A_1959 = tpu.memref_slice %arg7[%cond3A_1047, %dma_wait3A_1957, %dma_wait3A_1958] : memref<3x80x128xf32, #tpu.memory_space<vmem>> -> memref<1x16x128xf32, #tpu.memory_space<vmem>>
        %dma_wait3A_1960 = tpu.memref_squeeze %dma_wait3A_1959 : memref<1x16x128xf32, #tpu.memory_space<vmem>> -> memref<16x128xf32, #tpu.memory_space<vmem>>
        tpu.wait_dma2 semaphore(%arg9 : memref<!tpu.dma_semaphore, #tpu.memory_space<semaphore_mem>>) src(%dma_wait3A_1960 : memref<16x128xf32, #tpu.memory_space<vmem>>) dst(%dma_wait3A_1956 : memref<16x128xf32, #tpu.memory_space<vmem_shared>>)
        %dma_wait3A_1961 = arith.constant 0 : i32
        %dma_wait3A_1962 = arith.constant 0 : i32
        %dma_wait3A_1963 = tpu.memref_slice %arg7[%cond3A_1047, %dma_wait3A_1961, %dma_wait3A_1962] : memref<3x80x128xf32, #tpu.memory_space<vmem>> -> memref<1x16x128xf32, #tpu.memory_space<vmem>>
        %dma_wait3A_1964 = tpu.memref_squeeze %dma_wait3A_1963 : memref<1x16x128xf32, #tpu.memory_space<vmem>> -> memref<16x128xf32, #tpu.memory_space<vmem>>
        %dma_wait3A_1965 = arith.constant 0 : i32
        %dma_wait3A_1966 = arith.constant 0 : i32
        %dma_wait3A_1967 = tpu.memref_slice %arg8[%dma_wait3A_1965, %dma_wait3A_1966] : memref<10000x128xf32, #tpu.memory_space<vmem_shared>> -> memref<16x128xf32, #tpu.memory_space<vmem_shared>>
        %dma_wait3A_1968 = arith.constant 0 : i32
        %dma_wait3A_1969 = arith.constant 0 : i32
        %dma_wait3A_1970 = tpu.memref_slice %arg8[%dma_wait3A_1968, %dma_wait3A_1969] : memref<10000x128xf32, #tpu.memory_space<vmem_shared>> -> memref<16x128xf32, #tpu.memory_space<vmem_shared>>
        %dma_wait3A_1971 = arith.constant 0 : i32
        %dma_wait3A_1972 = arith.constant 0 : i32
        %dma_wait3A_1973 = tpu.memref_slice %arg7[%cond3A_1047, %dma_wait3A_1971, %dma_wait3A_1972] : memref<3x80x128xf32, #tpu.memory_space<vmem>> -> memref<1x16x128xf32, #tpu.memory_space<vmem>>
        %dma_wait3A_1974 = tpu.memref_squeeze %dma_wait3A_1973 : memref<1x16x128xf32, #tpu.memory_space<vmem>> -> memref<16x128xf32, #tpu.memory_space<vmem>>
        tpu.wait_dma2 semaphore(%arg9 : memref<!tpu.dma_semaphore, #tpu.memory_space<semaphore_mem>>) src(%dma_wait3A_1974 : memref<16x128xf32, #tpu.memory_space<vmem>>) dst(%dma_wait3A_1970 : memref<16x128xf32, #tpu.memory_space<vmem_shared>>)
        %dma_wait3A_1975 = arith.constant 0 : i32
        %dma_wait3A_1976 = arith.constant 0 : i32
        %dma_wait3A_1977 = tpu.memref_slice %arg7[%cond3A_1047, %dma_wait3A_1975, %dma_wait3A_1976] : memref<3x80x128xf32, #tpu.memory_space<vmem>> -> memref<1x16x128xf32, #tpu.memory_space<vmem>>
        %dma_wait3A_1978 = tpu.memref_squeeze %dma_wait3A_1977 : memref<1x16x128xf32, #tpu.memory_space<vmem>> -> memref<16x128xf32, #tpu.memory_space<vmem>>
        %dma_wait3A_1979 = arith.constant 0 : i32
        %dma_wait3A_1980 = arith.constant 0 : i32
        %dma_wait3A_1981 = tpu.memref_slice %arg8[%dma_wait3A_1979, %dma_wait3A_1980] : memref<10000x128xf32, #tpu.memory_space<vmem_shared>> -> memref<16x128xf32, #tpu.memory_space<vmem_shared>>
        %dma_wait3A_1982 = arith.constant 0 : i32
        %dma_wait3A_1983 = arith.constant 0 : i32
        %dma_wait3A_1984 = tpu.memref_slice %arg8[%dma_wait3A_1982, %dma_wait3A_1983] : memref<10000x128xf32, #tpu.memory_space<vmem_shared>> -> memref<16x128xf32, #tpu.memory_space<vmem_shared>>
        %dma_wait3A_1985 = arith.constant 0 : i32
        %dma_wait3A_1986 = arith.constant 0 : i32
        %dma_wait3A_1987 = tpu.memref_slice %arg7[%cond3A_1047, %dma_wait3A_1985, %dma_wait3A_1986] : memref<3x80x128xf32, #tpu.memory_space<vmem>> -> memref<1x16x128xf32, #tpu.memory_space<vmem>>
        %dma_wait3A_1988 = tpu.memref_squeeze %dma_wait3A_1987 : memref<1x16x128xf32, #tpu.memory_space<vmem>> -> memref<16x128xf32, #tpu.memory_space<vmem>>
        tpu.wait_dma2 semaphore(%arg9 : memref<!tpu.dma_semaphore, #tpu.memory_space<semaphore_mem>>) src(%dma_wait3A_1988 : memref<16x128xf32, #tpu.memory_space<vmem>>) dst(%dma_wait3A_1984 : memref<16x128xf32, #tpu.memory_space<vmem_shared>>)
        %dma_wait3A_1989 = arith.constant 0 : i32
        %dma_wait3A_1990 = arith.constant 0 : i32
        %dma_wait3A_1991 = tpu.memref_slice %arg7[%cond3A_1047, %dma_wait3A_1989, %dma_wait3A_1990] : memref<3x80x128xf32, #tpu.memory_space<vmem>> -> memref<1x16x128xf32, #tpu.memory_space<vmem>>
        %dma_wait3A_1992 = tpu.memref_squeeze %dma_wait3A_1991 : memref<1x16x128xf32, #tpu.memory_space<vmem>> -> memref<16x128xf32, #tpu.memory_space<vmem>>
        %dma_wait3A_1993 = arith.constant 0 : i32
        %dma_wait3A_1994 = arith.constant 0 : i32
        %dma_wait3A_1995 = tpu.memref_slice %arg8[%dma_wait3A_1993, %dma_wait3A_1994] : memref<10000x128xf32, #tpu.memory_space<vmem_shared>> -> memref<16x128xf32, #tpu.memory_space<vmem_shared>>
        %dma_wait3A_1996 = arith.constant 0 : i32
        %dma_wait3A_1997 = arith.constant 0 : i32
        %dma_wait3A_1998 = tpu.memref_slice %arg8[%dma_wait3A_1996, %dma_wait3A_1997] : memref<10000x128xf32, #tpu.memory_space<vmem_shared>> -> memref<16x128xf32, #tpu.memory_space<vmem_shared>>
        %dma_wait3A_1999 = arith.constant 0 : i32
        %dma_wait3A_2000 = arith.constant 0 : i32
        %dma_wait3A_2001 = tpu.memref_slice %arg7[%cond3A_1047, %dma_wait3A_1999, %dma_wait3A_2000] : memref<3x80x128xf32, #tpu.memory_space<vmem>> -> memref<1x16x128xf32, #tpu.memory_space<vmem>>
        %dma_wait3A_2002 = tpu.memref_squeeze %dma_wait3A_2001 : memref<1x16x128xf32, #tpu.memory_space<vmem>> -> memref<16x128xf32, #tpu.memory_space<vmem>>
        tpu.wait_dma2 semaphore(%arg9 : memref<!tpu.dma_semaphore, #tpu.memory_space<semaphore_mem>>) src(%dma_wait3A_2002 : memref<16x128xf32, #tpu.memory_space<vmem>>) dst(%dma_wait3A_1998 : memref<16x128xf32, #tpu.memory_space<vmem_shared>>)
        %dma_wait3A_2003 = arith.constant 0 : i32
        %dma_wait3A_2004 = arith.constant 0 : i32
        %dma_wait3A_2005 = tpu.memref_slice %arg7[%cond3A_1047, %dma_wait3A_2003, %dma_wait3A_2004] : memref<3x80x128xf32, #tpu.memory_space<vmem>> -> memref<1x16x128xf32, #tpu.memory_space<vmem>>
        %dma_wait3A_2006 = tpu.memref_squeeze %dma_wait3A_2005 : memref<1x16x128xf32, #tpu.memory_space<vmem>> -> memref<16x128xf32, #tpu.memory_space<vmem>>
        %dma_wait3A_2007 = arith.constant 0 : i32
        %dma_wait3A_2008 = arith.constant 0 : i32
        %dma_wait3A_2009 = tpu.memref_slice %arg8[%dma_wait3A_2007, %dma_wait3A_2008] : memref<10000x128xf32, #tpu.memory_space<vmem_shared>> -> memref<16x128xf32, #tpu.memory_space<vmem_shared>>
        %dma_wait3A_2010 = arith.constant 0 : i32
        %dma_wait3A_2011 = arith.constant 0 : i32
        %dma_wait3A_2012 = tpu.memref_slice %arg8[%dma_wait3A_2010, %dma_wait3A_2011] : memref<10000x128xf32, #tpu.memory_space<vmem_shared>> -> memref<16x128xf32, #tpu.memory_space<vmem_shared>>
        %dma_wait3A_2013 = arith.constant 0 : i32
        %dma_wait3A_2014 = arith.constant 0 : i32
        %dma_wait3A_2015 = tpu.memref_slice %arg7[%cond3A_1047, %dma_wait3A_2013, %dma_wait3A_2014] : memref<3x80x128xf32, #tpu.memory_space<vmem>> -> memref<1x16x128xf32, #tpu.memory_space<vmem>>
        %dma_wait3A_2016 = tpu.memref_squeeze %dma_wait3A_2015 : memref<1x16x128xf32, #tpu.memory_space<vmem>> -> memref<16x128xf32, #tpu.memory_space<vmem>>
        tpu.wait_dma2 semaphore(%arg9 : memref<!tpu.dma_semaphore, #tpu.memory_space<semaphore_mem>>) src(%dma_wait3A_2016 : memref<16x128xf32, #tpu.memory_space<vmem>>) dst(%dma_wait3A_2012 : memref<16x128xf32, #tpu.memory_space<vmem_shared>>)
        %dma_wait3A_2017 = arith.constant 0 : i32
        %dma_wait3A_2018 = arith.constant 0 : i32
        %dma_wait3A_2019 = tpu.memref_slice %arg7[%cond3A_1047, %dma_wait3A_2017, %dma_wait3A_2018] : memref<3x80x128xf32, #tpu.memory_space<vmem>> -> memref<1x16x128xf32, #tpu.memory_space<vmem>>
        %dma_wait3A_2020 = tpu.memref_squeeze %dma_wait3A_2019 : memref<1x16x128xf32, #tpu.memory_space<vmem>> -> memref<16x128xf32, #tpu.memory_space<vmem>>
        %dma_wait3A_2021 = arith.constant 0 : i32
        %dma_wait3A_2022 = arith.constant 0 : i32
        %dma_wait3A_2023 = tpu.memref_slice %arg8[%dma_wait3A_2021, %dma_wait3A_2022] : memref<10000x128xf32, #tpu.memory_space<vmem_shared>> -> memref<16x128xf32, #tpu.memory_space<vmem_shared>>
        %dma_wait3A_2024 = arith.constant 0 : i32
        %dma_wait3A_2025 = arith.constant 0 : i32
        %dma_wait3A_2026 = tpu.memref_slice %arg8[%dma_wait3A_2024, %dma_wait3A_2025] : memref<10000x128xf32, #tpu.memory_space<vmem_shared>> -> memref<16x128xf32, #tpu.memory_space<vmem_shared>>
        %dma_wait3A_2027 = arith.constant 0 : i32
        %dma_wait3A_2028 = arith.constant 0 : i32
        %dma_wait3A_2029 = tpu.memref_slice %arg7[%cond3A_1047, %dma_wait3A_2027, %dma_wait3A_2028] : memref<3x80x128xf32, #tpu.memory_space<vmem>> -> memref<1x16x128xf32, #tpu.memory_space<vmem>>
        %dma_wait3A_2030 = tpu.memref_squeeze %dma_wait3A_2029 : memref<1x16x128xf32, #tpu.memory_space<vmem>> -> memref<16x128xf32, #tpu.memory_space<vmem>>
        tpu.wait_dma2 semaphore(%arg9 : memref<!tpu.dma_semaphore, #tpu.memory_space<semaphore_mem>>) src(%dma_wait3A_2030 : memref<16x128xf32, #tpu.memory_space<vmem>>) dst(%dma_wait3A_2026 : memref<16x128xf32, #tpu.memory_space<vmem_shared>>)
        %dma_wait3A_2031 = arith.constant 0 : i32
        %dma_wait3A_2032 = arith.constant 0 : i32
        %dma_wait3A_2033 = tpu.memref_slice %arg7[%cond3A_1047, %dma_wait3A_2031, %dma_wait3A_2032] : memref<3x80x128xf32, #tpu.memory_space<vmem>> -> memref<1x16x128xf32, #tpu.memory_space<vmem>>
        %dma_wait3A_2034 = tpu.memref_squeeze %dma_wait3A_2033 : memref<1x16x128xf32, #tpu.memory_space<vmem>> -> memref<16x128xf32, #tpu.memory_space<vmem>>
        %dma_wait3A_2035 = arith.constant 0 : i32
        %dma_wait3A_2036 = arith.constant 0 : i32
        %dma_wait3A_2037 = tpu.memref_slice %arg8[%dma_wait3A_2035, %dma_wait3A_2036] : memref<10000x128xf32, #tpu.memory_space<vmem_shared>> -> memref<16x128xf32, #tpu.memory_space<vmem_shared>>
        %dma_wait3A_2038 = arith.constant 0 : i32
        %dma_wait3A_2039 = arith.constant 0 : i32
        %dma_wait3A_2040 = tpu.memref_slice %arg8[%dma_wait3A_2038, %dma_wait3A_2039] : memref<10000x128xf32, #tpu.memory_space<vmem_shared>> -> memref<16x128xf32, #tpu.memory_space<vmem_shared>>
        %dma_wait3A_2041 = arith.constant 0 : i32
        %dma_wait3A_2042 = arith.constant 0 : i32
        %dma_wait3A_2043 = tpu.memref_slice %arg7[%cond3A_1047, %dma_wait3A_2041, %dma_wait3A_2042] : memref<3x80x128xf32, #tpu.memory_space<vmem>> -> memref<1x16x128xf32, #tpu.memory_space<vmem>>
        %dma_wait3A_2044 = tpu.memref_squeeze %dma_wait3A_2043 : memref<1x16x128xf32, #tpu.memory_space<vmem>> -> memref<16x128xf32, #tpu.memory_space<vmem>>
        tpu.wait_dma2 semaphore(%arg9 : memref<!tpu.dma_semaphore, #tpu.memory_space<semaphore_mem>>) src(%dma_wait3A_2044 : memref<16x128xf32, #tpu.memory_space<vmem>>) dst(%dma_wait3A_2040 : memref<16x128xf32, #tpu.memory_space<vmem_shared>>)
        %dma_wait3A_2045 = arith.constant 0 : i32
        %dma_wait3A_2046 = arith.constant 0 : i32
        %dma_wait3A_2047 = tpu.memref_slice %arg7[%cond3A_1047, %dma_wait3A_2045, %dma_wait3A_2046] : memref<3x80x128xf32, #tpu.memory_space<vmem>> -> memref<1x16x128xf32, #tpu.memory_space<vmem>>
        %dma_wait3A_2048 = tpu.memref_squeeze %dma_wait3A_2047 : memref<1x16x128xf32, #tpu.memory_space<vmem>> -> memref<16x128xf32, #tpu.memory_space<vmem>>
        %dma_wait3A_2049 = arith.constant 0 : i32
        %dma_wait3A_2050 = arith.constant 0 : i32
        %dma_wait3A_2051 = tpu.memref_slice %arg8[%dma_wait3A_2049, %dma_wait3A_2050] : memref<10000x128xf32, #tpu.memory_space<vmem_shared>> -> memref<16x128xf32, #tpu.memory_space<vmem_shared>>
        %dma_wait3A_2052 = arith.constant 0 : i32
        %dma_wait3A_2053 = arith.constant 0 : i32
        %dma_wait3A_2054 = tpu.memref_slice %arg8[%dma_wait3A_2052, %dma_wait3A_2053] : memref<10000x128xf32, #tpu.memory_space<vmem_shared>> -> memref<16x128xf32, #tpu.memory_space<vmem_shared>>
        %dma_wait3A_2055 = arith.constant 0 : i32
        %dma_wait3A_2056 = arith.constant 0 : i32
        %dma_wait3A_2057 = tpu.memref_slice %arg7[%cond3A_1047, %dma_wait3A_2055, %dma_wait3A_2056] : memref<3x80x128xf32, #tpu.memory_space<vmem>> -> memref<1x16x128xf32, #tpu.memory_space<vmem>>
        %dma_wait3A_2058 = tpu.memref_squeeze %dma_wait3A_2057 : memref<1x16x128xf32, #tpu.memory_space<vmem>> -> memref<16x128xf32, #tpu.memory_space<vmem>>
        tpu.wait_dma2 semaphore(%arg9 : memref<!tpu.dma_semaphore, #tpu.memory_space<semaphore_mem>>) src(%dma_wait3A_2058 : memref<16x128xf32, #tpu.memory_space<vmem>>) dst(%dma_wait3A_2054 : memref<16x128xf32, #tpu.memory_space<vmem_shared>>)
        %dma_wait3A_2059 = arith.constant 0 : i32
        %dma_wait3A_2060 = arith.constant 0 : i32
        %dma_wait3A_2061 = tpu.memref_slice %arg7[%cond3A_1047, %dma_wait3A_2059, %dma_wait3A_2060] : memref<3x80x128xf32, #tpu.memory_space<vmem>> -> memref<1x16x128xf32, #tpu.memory_space<vmem>>
        %dma_wait3A_2062 = tpu.memref_squeeze %dma_wait3A_2061 : memref<1x16x128xf32, #tpu.memory_space<vmem>> -> memref<16x128xf32, #tpu.memory_space<vmem>>
        %dma_wait3A_2063 = arith.constant 0 : i32
        %dma_wait3A_2064 = arith.constant 0 : i32
        %dma_wait3A_2065 = tpu.memref_slice %arg8[%dma_wait3A_2063, %dma_wait3A_2064] : memref<10000x128xf32, #tpu.memory_space<vmem_shared>> -> memref<16x128xf32, #tpu.memory_space<vmem_shared>>
        %dma_wait3A_2066 = arith.constant 0 : i32
        %dma_wait3A_2067 = arith.constant 0 : i32
        %dma_wait3A_2068 = tpu.memref_slice %arg8[%dma_wait3A_2066, %dma_wait3A_2067] : memref<10000x128xf32, #tpu.memory_space<vmem_shared>> -> memref<16x128xf32, #tpu.memory_space<vmem_shared>>
        %dma_wait3A_2069 = arith.constant 0 : i32
        %dma_wait3A_2070 = arith.constant 0 : i32
        %dma_wait3A_2071 = tpu.memref_slice %arg7[%cond3A_1047, %dma_wait3A_2069, %dma_wait3A_2070] : memref<3x80x128xf32, #tpu.memory_space<vmem>> -> memref<1x16x128xf32, #tpu.memory_space<vmem>>
        %dma_wait3A_2072 = tpu.memref_squeeze %dma_wait3A_2071 : memref<1x16x128xf32, #tpu.memory_space<vmem>> -> memref<16x128xf32, #tpu.memory_space<vmem>>
        tpu.wait_dma2 semaphore(%arg9 : memref<!tpu.dma_semaphore, #tpu.memory_space<semaphore_mem>>) src(%dma_wait3A_2072 : memref<16x128xf32, #tpu.memory_space<vmem>>) dst(%dma_wait3A_2068 : memref<16x128xf32, #tpu.memory_space<vmem_shared>>)
        %dma_wait3A_2073 = arith.constant 0 : i32
        %dma_wait3A_2074 = arith.constant 0 : i32
        %dma_wait3A_2075 = tpu.memref_slice %arg7[%cond3A_1047, %dma_wait3A_2073, %dma_wait3A_2074] : memref<3x80x128xf32, #tpu.memory_space<vmem>> -> memref<1x16x128xf32, #tpu.memory_space<vmem>>
        %dma_wait3A_2076 = tpu.memref_squeeze %dma_wait3A_2075 : memref<1x16x128xf32, #tpu.memory_space<vmem>> -> memref<16x128xf32, #tpu.memory_space<vmem>>
        %dma_wait3A_2077 = arith.constant 0 : i32
        %dma_wait3A_2078 = arith.constant 0 : i32
        %dma_wait3A_2079 = tpu.memref_slice %arg8[%dma_wait3A_2077, %dma_wait3A_2078] : memref<10000x128xf32, #tpu.memory_space<vmem_shared>> -> memref<16x128xf32, #tpu.memory_space<vmem_shared>>
        %dma_wait3A_2080 = arith.constant 0 : i32
        %dma_wait3A_2081 = arith.constant 0 : i32
        %dma_wait3A_2082 = tpu.memref_slice %arg8[%dma_wait3A_2080, %dma_wait3A_2081] : memref<10000x128xf32, #tpu.memory_space<vmem_shared>> -> memref<16x128xf32, #tpu.memory_space<vmem_shared>>
        %dma_wait3A_2083 = arith.constant 0 : i32
        %dma_wait3A_2084 = arith.constant 0 : i32
        %dma_wait3A_2085 = tpu.memref_slice %arg7[%cond3A_1047, %dma_wait3A_2083, %dma_wait3A_2084] : memref<3x80x128xf32, #tpu.memory_space<vmem>> -> memref<1x16x128xf32, #tpu.memory_space<vmem>>
        %dma_wait3A_2086 = tpu.memref_squeeze %dma_wait3A_2085 : memref<1x16x128xf32, #tpu.memory_space<vmem>> -> memref<16x128xf32, #tpu.memory_space<vmem>>
        tpu.wait_dma2 semaphore(%arg9 : memref<!tpu.dma_semaphore, #tpu.memory_space<semaphore_mem>>) src(%dma_wait3A_2086 : memref<16x128xf32, #tpu.memory_space<vmem>>) dst(%dma_wait3A_2082 : memref<16x128xf32, #tpu.memory_space<vmem_shared>>)
        %dma_wait3A_2087 = arith.constant 0 : i32
        %dma_wait3A_2088 = arith.constant 0 : i32
        %dma_wait3A_2089 = tpu.memref_slice %arg7[%cond3A_1047, %dma_wait3A_2087, %dma_wait3A_2088] : memref<3x80x128xf32, #tpu.memory_space<vmem>> -> memref<1x16x128xf32, #tpu.memory_space<vmem>>
        %dma_wait3A_2090 = tpu.memref_squeeze %dma_wait3A_2089 : memref<1x16x128xf32, #tpu.memory_space<vmem>> -> memref<16x128xf32, #tpu.memory_space<vmem>>
        %dma_wait3A_2091 = arith.constant 0 : i32
        %dma_wait3A_2092 = arith.constant 0 : i32
        %dma_wait3A_2093 = tpu.memref_slice %arg8[%dma_wait3A_2091, %dma_wait3A_2092] : memref<10000x128xf32, #tpu.memory_space<vmem_shared>> -> memref<16x128xf32, #tpu.memory_space<vmem_shared>>
        %dma_wait3A_2094 = arith.constant 0 : i32
        %dma_wait3A_2095 = arith.constant 0 : i32
        %dma_wait3A_2096 = tpu.memref_slice %arg8[%dma_wait3A_2094, %dma_wait3A_2095] : memref<10000x128xf32, #tpu.memory_space<vmem_shared>> -> memref<16x128xf32, #tpu.memory_space<vmem_shared>>
        %dma_wait3A_2097 = arith.constant 0 : i32
        %dma_wait3A_2098 = arith.constant 0 : i32
        %dma_wait3A_2099 = tpu.memref_slice %arg7[%cond3A_1047, %dma_wait3A_2097, %dma_wait3A_2098] : memref<3x80x128xf32, #tpu.memory_space<vmem>> -> memref<1x16x128xf32, #tpu.memory_space<vmem>>
        %dma_wait3A_2100 = tpu.memref_squeeze %dma_wait3A_2099 : memref<1x16x128xf32, #tpu.memory_space<vmem>> -> memref<16x128xf32, #tpu.memory_space<vmem>>
        tpu.wait_dma2 semaphore(%arg9 : memref<!tpu.dma_semaphore, #tpu.memory_space<semaphore_mem>>) src(%dma_wait3A_2100 : memref<16x128xf32, #tpu.memory_space<vmem>>) dst(%dma_wait3A_2096 : memref<16x128xf32, #tpu.memory_space<vmem_shared>>)
        %dma_wait3A_2101 = arith.constant 0 : i32
        %dma_wait3A_2102 = arith.constant 0 : i32
        %dma_wait3A_2103 = tpu.memref_slice %arg7[%cond3A_1047, %dma_wait3A_2101, %dma_wait3A_2102] : memref<3x80x128xf32, #tpu.memory_space<vmem>> -> memref<1x16x128xf32, #tpu.memory_space<vmem>>
        %dma_wait3A_2104 = tpu.memref_squeeze %dma_wait3A_2103 : memref<1x16x128xf32, #tpu.memory_space<vmem>> -> memref<16x128xf32, #tpu.memory_space<vmem>>
        %dma_wait3A_2105 = arith.constant 0 : i32
        %dma_wait3A_2106 = arith.constant 0 : i32
        %dma_wait3A_2107 = tpu.memref_slice %arg8[%dma_wait3A_2105, %dma_wait3A_2106] : memref<10000x128xf32, #tpu.memory_space<vmem_shared>> -> memref<16x128xf32, #tpu.memory_space<vmem_shared>>
        %dma_wait3A_2108 = arith.constant 0 : i32
        %dma_wait3A_2109 = arith.constant 0 : i32
        %dma_wait3A_2110 = tpu.memref_slice %arg8[%dma_wait3A_2108, %dma_wait3A_2109] : memref<10000x128xf32, #tpu.memory_space<vmem_shared>> -> memref<16x128xf32, #tpu.memory_space<vmem_shared>>
        %dma_wait3A_2111 = arith.constant 0 : i32
        %dma_wait3A_2112 = arith.constant 0 : i32
        %dma_wait3A_2113 = tpu.memref_slice %arg7[%cond3A_1047, %dma_wait3A_2111, %dma_wait3A_2112] : memref<3x80x128xf32, #tpu.memory_space<vmem>> -> memref<1x16x128xf32, #tpu.memory_space<vmem>>
        %dma_wait3A_2114 = tpu.memref_squeeze %dma_wait3A_2113 : memref<1x16x128xf32, #tpu.memory_space<vmem>> -> memref<16x128xf32, #tpu.memory_space<vmem>>
        tpu.wait_dma2 semaphore(%arg9 : memref<!tpu.dma_semaphore, #tpu.memory_space<semaphore_mem>>) src(%dma_wait3A_2114 : memref<16x128xf32, #tpu.memory_space<vmem>>) dst(%dma_wait3A_2110 : memref<16x128xf32, #tpu.memory_space<vmem_shared>>)
        %dma_wait3A_2115 = arith.constant 0 : i32
        %dma_wait3A_2116 = arith.constant 0 : i32
        %dma_wait3A_2117 = tpu.memref_slice %arg7[%cond3A_1047, %dma_wait3A_2115, %dma_wait3A_2116] : memref<3x80x128xf32, #tpu.memory_space<vmem>> -> memref<1x16x128xf32, #tpu.memory_space<vmem>>
        %dma_wait3A_2118 = tpu.memref_squeeze %dma_wait3A_2117 : memref<1x16x128xf32, #tpu.memory_space<vmem>> -> memref<16x128xf32, #tpu.memory_space<vmem>>
        %dma_wait3A_2119 = arith.constant 0 : i32
        %dma_wait3A_2120 = arith.constant 0 : i32
        %dma_wait3A_2121 = tpu.memref_slice %arg8[%dma_wait3A_2119, %dma_wait3A_2120] : memref<10000x128xf32, #tpu.memory_space<vmem_shared>> -> memref<16x128xf32, #tpu.memory_space<vmem_shared>>
        %dma_wait3A_2122 = arith.constant 0 : i32
        %dma_wait3A_2123 = arith.constant 0 : i32
        %dma_wait3A_2124 = tpu.memref_slice %arg8[%dma_wait3A_2122, %dma_wait3A_2123] : memref<10000x128xf32, #tpu.memory_space<vmem_shared>> -> memref<16x128xf32, #tpu.memory_space<vmem_shared>>
        %dma_wait3A_2125 = arith.constant 0 : i32
        %dma_wait3A_2126 = arith.constant 0 : i32
        %dma_wait3A_2127 = tpu.memref_slice %arg7[%cond3A_1047, %dma_wait3A_2125, %dma_wait3A_2126] : memref<3x80x128xf32, #tpu.memory_space<vmem>> -> memref<1x16x128xf32, #tpu.memory_space<vmem>>
        %dma_wait3A_2128 = tpu.memref_squeeze %dma_wait3A_2127 : memref<1x16x128xf32, #tpu.memory_space<vmem>> -> memref<16x128xf32, #tpu.memory_space<vmem>>
        tpu.wait_dma2 semaphore(%arg9 : memref<!tpu.dma_semaphore, #tpu.memory_space<semaphore_mem>>) src(%dma_wait3A_2128 : memref<16x128xf32, #tpu.memory_space<vmem>>) dst(%dma_wait3A_2124 : memref<16x128xf32, #tpu.memory_space<vmem_shared>>)
        %dma_wait3A_2129 = arith.constant 0 : i32
        %dma_wait3A_2130 = arith.constant 0 : i32
        %dma_wait3A_2131 = tpu.memref_slice %arg7[%cond3A_1047, %dma_wait3A_2129, %dma_wait3A_2130] : memref<3x80x128xf32, #tpu.memory_space<vmem>> -> memref<1x16x128xf32, #tpu.memory_space<vmem>>
        %dma_wait3A_2132 = tpu.memref_squeeze %dma_wait3A_2131 : memref<1x16x128xf32, #tpu.memory_space<vmem>> -> memref<16x128xf32, #tpu.memory_space<vmem>>
        %dma_wait3A_2133 = arith.constant 0 : i32
        %dma_wait3A_2134 = arith.constant 0 : i32
        %dma_wait3A_2135 = tpu.memref_slice %arg8[%dma_wait3A_2133, %dma_wait3A_2134] : memref<10000x128xf32, #tpu.memory_space<vmem_shared>> -> memref<16x128xf32, #tpu.memory_space<vmem_shared>>
        %dma_wait3A_2136 = arith.constant 0 : i32
        %dma_wait3A_2137 = arith.constant 0 : i32
        %dma_wait3A_2138 = tpu.memref_slice %arg8[%dma_wait3A_2136, %dma_wait3A_2137] : memref<10000x128xf32, #tpu.memory_space<vmem_shared>> -> memref<16x128xf32, #tpu.memory_space<vmem_shared>>
        %dma_wait3A_2139 = arith.constant 0 : i32
        %dma_wait3A_2140 = arith.constant 0 : i32
        %dma_wait3A_2141 = tpu.memref_slice %arg7[%cond3A_1047, %dma_wait3A_2139, %dma_wait3A_2140] : memref<3x80x128xf32, #tpu.memory_space<vmem>> -> memref<1x16x128xf32, #tpu.memory_space<vmem>>
        %dma_wait3A_2142 = tpu.memref_squeeze %dma_wait3A_2141 : memref<1x16x128xf32, #tpu.memory_space<vmem>> -> memref<16x128xf32, #tpu.memory_space<vmem>>
        tpu.wait_dma2 semaphore(%arg9 : memref<!tpu.dma_semaphore, #tpu.memory_space<semaphore_mem>>) src(%dma_wait3A_2142 : memref<16x128xf32, #tpu.memory_space<vmem>>) dst(%dma_wait3A_2138 : memref<16x128xf32, #tpu.memory_space<vmem_shared>>)
        %dma_wait3A_2143 = arith.constant 0 : i32
        %dma_wait3A_2144 = arith.constant 0 : i32
        %dma_wait3A_2145 = tpu.memref_slice %arg7[%cond3A_1047, %dma_wait3A_2143, %dma_wait3A_2144] : memref<3x80x128xf32, #tpu.memory_space<vmem>> -> memref<1x16x128xf32, #tpu.memory_space<vmem>>
        %dma_wait3A_2146 = tpu.memref_squeeze %dma_wait3A_2145 : memref<1x16x128xf32, #tpu.memory_space<vmem>> -> memref<16x128xf32, #tpu.memory_space<vmem>>
        %dma_wait3A_2147 = arith.constant 0 : i32
        %dma_wait3A_2148 = arith.constant 0 : i32
        %dma_wait3A_2149 = tpu.memref_slice %arg8[%dma_wait3A_2147, %dma_wait3A_2148] : memref<10000x128xf32, #tpu.memory_space<vmem_shared>> -> memref<16x128xf32, #tpu.memory_space<vmem_shared>>
        %dma_wait3A_2150 = arith.constant 0 : i32
        %dma_wait3A_2151 = arith.constant 0 : i32
        %dma_wait3A_2152 = tpu.memref_slice %arg8[%dma_wait3A_2150, %dma_wait3A_2151] : memref<10000x128xf32, #tpu.memory_space<vmem_shared>> -> memref<16x128xf32, #tpu.memory_space<vmem_shared>>
        %dma_wait3A_2153 = arith.constant 0 : i32
        %dma_wait3A_2154 = arith.constant 0 : i32
        %dma_wait3A_2155 = tpu.memref_slice %arg7[%cond3A_1047, %dma_wait3A_2153, %dma_wait3A_2154] : memref<3x80x128xf32, #tpu.memory_space<vmem>> -> memref<1x16x128xf32, #tpu.memory_space<vmem>>
        %dma_wait3A_2156 = tpu.memref_squeeze %dma_wait3A_2155 : memref<1x16x128xf32, #tpu.memory_space<vmem>> -> memref<16x128xf32, #tpu.memory_space<vmem>>
        tpu.wait_dma2 semaphore(%arg9 : memref<!tpu.dma_semaphore, #tpu.memory_space<semaphore_mem>>) src(%dma_wait3A_2156 : memref<16x128xf32, #tpu.memory_space<vmem>>) dst(%dma_wait3A_2152 : memref<16x128xf32, #tpu.memory_space<vmem_shared>>)
        %dma_wait3A_2157 = arith.constant 0 : i32
        %dma_wait3A_2158 = arith.constant 0 : i32
        %dma_wait3A_2159 = tpu.memref_slice %arg7[%cond3A_1047, %dma_wait3A_2157, %dma_wait3A_2158] : memref<3x80x128xf32, #tpu.memory_space<vmem>> -> memref<1x16x128xf32, #tpu.memory_space<vmem>>
        %dma_wait3A_2160 = tpu.memref_squeeze %dma_wait3A_2159 : memref<1x16x128xf32, #tpu.memory_space<vmem>> -> memref<16x128xf32, #tpu.memory_space<vmem>>
        %dma_wait3A_2161 = arith.constant 0 : i32
        %dma_wait3A_2162 = arith.constant 0 : i32
        %dma_wait3A_2163 = tpu.memref_slice %arg8[%dma_wait3A_2161, %dma_wait3A_2162] : memref<10000x128xf32, #tpu.memory_space<vmem_shared>> -> memref<16x128xf32, #tpu.memory_space<vmem_shared>>
        %dma_wait3A_2164 = arith.constant 0 : i32
        %dma_wait3A_2165 = arith.constant 0 : i32
        %dma_wait3A_2166 = tpu.memref_slice %arg8[%dma_wait3A_2164, %dma_wait3A_2165] : memref<10000x128xf32, #tpu.memory_space<vmem_shared>> -> memref<16x128xf32, #tpu.memory_space<vmem_shared>>
        %dma_wait3A_2167 = arith.constant 0 : i32
        %dma_wait3A_2168 = arith.constant 0 : i32
        %dma_wait3A_2169 = tpu.memref_slice %arg7[%cond3A_1047, %dma_wait3A_2167, %dma_wait3A_2168] : memref<3x80x128xf32, #tpu.memory_space<vmem>> -> memref<1x16x128xf32, #tpu.memory_space<vmem>>
        %dma_wait3A_2170 = tpu.memref_squeeze %dma_wait3A_2169 : memref<1x16x128xf32, #tpu.memory_space<vmem>> -> memref<16x128xf32, #tpu.memory_space<vmem>>
        tpu.wait_dma2 semaphore(%arg9 : memref<!tpu.dma_semaphore, #tpu.memory_space<semaphore_mem>>) src(%dma_wait3A_2170 : memref<16x128xf32, #tpu.memory_space<vmem>>) dst(%dma_wait3A_2166 : memref<16x128xf32, #tpu.memory_space<vmem_shared>>)
        %dma_wait3A_2171 = arith.constant 0 : i32
        %dma_wait3A_2172 = arith.constant 0 : i32
        %dma_wait3A_2173 = tpu.memref_slice %arg7[%cond3A_1047, %dma_wait3A_2171, %dma_wait3A_2172] : memref<3x80x128xf32, #tpu.memory_space<vmem>> -> memref<1x16x128xf32, #tpu.memory_space<vmem>>
        %dma_wait3A_2174 = tpu.memref_squeeze %dma_wait3A_2173 : memref<1x16x128xf32, #tpu.memory_space<vmem>> -> memref<16x128xf32, #tpu.memory_space<vmem>>
        %dma_wait3A_2175 = arith.constant 0 : i32
        %dma_wait3A_2176 = arith.constant 0 : i32
        %dma_wait3A_2177 = tpu.memref_slice %arg8[%dma_wait3A_2175, %dma_wait3A_2176] : memref<10000x128xf32, #tpu.memory_space<vmem_shared>> -> memref<16x128xf32, #tpu.memory_space<vmem_shared>>
        %dma_wait3A_2178 = arith.constant 0 : i32
        %dma_wait3A_2179 = arith.constant 0 : i32
        %dma_wait3A_2180 = tpu.memref_slice %arg8[%dma_wait3A_2178, %dma_wait3A_2179] : memref<10000x128xf32, #tpu.memory_space<vmem_shared>> -> memref<16x128xf32, #tpu.memory_space<vmem_shared>>
        %dma_wait3A_2181 = arith.constant 0 : i32
        %dma_wait3A_2182 = arith.constant 0 : i32
        %dma_wait3A_2183 = tpu.memref_slice %arg7[%cond3A_1047, %dma_wait3A_2181, %dma_wait3A_2182] : memref<3x80x128xf32, #tpu.memory_space<vmem>> -> memref<1x16x128xf32, #tpu.memory_space<vmem>>
        %dma_wait3A_2184 = tpu.memref_squeeze %dma_wait3A_2183 : memref<1x16x128xf32, #tpu.memory_space<vmem>> -> memref<16x128xf32, #tpu.memory_space<vmem>>
        tpu.wait_dma2 semaphore(%arg9 : memref<!tpu.dma_semaphore, #tpu.memory_space<semaphore_mem>>) src(%dma_wait3A_2184 : memref<16x128xf32, #tpu.memory_space<vmem>>) dst(%dma_wait3A_2180 : memref<16x128xf32, #tpu.memory_space<vmem_shared>>)
        %dma_wait3A_2185 = arith.constant 0 : i32
        %dma_wait3A_2186 = arith.constant 0 : i32
        %dma_wait3A_2187 = tpu.memref_slice %arg7[%cond3A_1047, %dma_wait3A_2185, %dma_wait3A_2186] : memref<3x80x128xf32, #tpu.memory_space<vmem>> -> memref<1x16x128xf32, #tpu.memory_space<vmem>>
        %dma_wait3A_2188 = tpu.memref_squeeze %dma_wait3A_2187 : memref<1x16x128xf32, #tpu.memory_space<vmem>> -> memref<16x128xf32, #tpu.memory_space<vmem>>
        %dma_wait3A_2189 = arith.constant 0 : i32
        %dma_wait3A_2190 = arith.constant 0 : i32
        %dma_wait3A_2191 = tpu.memref_slice %arg8[%dma_wait3A_2189, %dma_wait3A_2190] : memref<10000x128xf32, #tpu.memory_space<vmem_shared>> -> memref<16x128xf32, #tpu.memory_space<vmem_shared>>
        %dma_wait3A_2192 = arith.constant 0 : i32
        %dma_wait3A_2193 = arith.constant 0 : i32
        %dma_wait3A_2194 = tpu.memref_slice %arg8[%dma_wait3A_2192, %dma_wait3A_2193] : memref<10000x128xf32, #tpu.memory_space<vmem_shared>> -> memref<16x128xf32, #tpu.memory_space<vmem_shared>>
        %dma_wait3A_2195 = arith.constant 0 : i32
        %dma_wait3A_2196 = arith.constant 0 : i32
        %dma_wait3A_2197 = tpu.memref_slice %arg7[%cond3A_1047, %dma_wait3A_2195, %dma_wait3A_2196] : memref<3x80x128xf32, #tpu.memory_space<vmem>> -> memref<1x16x128xf32, #tpu.memory_space<vmem>>
        %dma_wait3A_2198 = tpu.memref_squeeze %dma_wait3A_2197 : memref<1x16x128xf32, #tpu.memory_space<vmem>> -> memref<16x128xf32, #tpu.memory_space<vmem>>
        tpu.wait_dma2 semaphore(%arg9 : memref<!tpu.dma_semaphore, #tpu.memory_space<semaphore_mem>>) src(%dma_wait3A_2198 : memref<16x128xf32, #tpu.memory_space<vmem>>) dst(%dma_wait3A_2194 : memref<16x128xf32, #tpu.memory_space<vmem_shared>>)
        %dma_wait3A_2199 = arith.constant 0 : i32
        %dma_wait3A_2200 = arith.constant 0 : i32
        %dma_wait3A_2201 = tpu.memref_slice %arg7[%cond3A_1047, %dma_wait3A_2199, %dma_wait3A_2200] : memref<3x80x128xf32, #tpu.memory_space<vmem>> -> memref<1x16x128xf32, #tpu.memory_space<vmem>>
        %dma_wait3A_2202 = tpu.memref_squeeze %dma_wait3A_2201 : memref<1x16x128xf32, #tpu.memory_space<vmem>> -> memref<16x128xf32, #tpu.memory_space<vmem>>
        %dma_wait3A_2203 = arith.constant 0 : i32
        %dma_wait3A_2204 = arith.constant 0 : i32
        %dma_wait3A_2205 = tpu.memref_slice %arg8[%dma_wait3A_2203, %dma_wait3A_2204] : memref<10000x128xf32, #tpu.memory_space<vmem_shared>> -> memref<16x128xf32, #tpu.memory_space<vmem_shared>>
        %dma_wait3A_2206 = arith.constant 0 : i32
        %dma_wait3A_2207 = arith.constant 0 : i32
        %dma_wait3A_2208 = tpu.memref_slice %arg8[%dma_wait3A_2206, %dma_wait3A_2207] : memref<10000x128xf32, #tpu.memory_space<vmem_shared>> -> memref<16x128xf32, #tpu.memory_space<vmem_shared>>
        %dma_wait3A_2209 = arith.constant 0 : i32
        %dma_wait3A_2210 = arith.constant 0 : i32
        %dma_wait3A_2211 = tpu.memref_slice %arg7[%cond3A_1047, %dma_wait3A_2209, %dma_wait3A_2210] : memref<3x80x128xf32, #tpu.memory_space<vmem>> -> memref<1x16x128xf32, #tpu.memory_space<vmem>>
        %dma_wait3A_2212 = tpu.memref_squeeze %dma_wait3A_2211 : memref<1x16x128xf32, #tpu.memory_space<vmem>> -> memref<16x128xf32, #tpu.memory_space<vmem>>
        tpu.wait_dma2 semaphore(%arg9 : memref<!tpu.dma_semaphore, #tpu.memory_space<semaphore_mem>>) src(%dma_wait3A_2212 : memref<16x128xf32, #tpu.memory_space<vmem>>) dst(%dma_wait3A_2208 : memref<16x128xf32, #tpu.memory_space<vmem_shared>>)
        %dma_wait3A_2213 = arith.constant 0 : i32
        %dma_wait3A_2214 = arith.constant 0 : i32
        %dma_wait3A_2215 = tpu.memref_slice %arg7[%cond3A_1047, %dma_wait3A_2213, %dma_wait3A_2214] : memref<3x80x128xf32, #tpu.memory_space<vmem>> -> memref<1x16x128xf32, #tpu.memory_space<vmem>>
        %dma_wait3A_2216 = tpu.memref_squeeze %dma_wait3A_2215 : memref<1x16x128xf32, #tpu.memory_space<vmem>> -> memref<16x128xf32, #tpu.memory_space<vmem>>
        %dma_wait3A_2217 = arith.constant 0 : i32
        %dma_wait3A_2218 = arith.constant 0 : i32
        %dma_wait3A_2219 = tpu.memref_slice %arg8[%dma_wait3A_2217, %dma_wait3A_2218] : memref<10000x128xf32, #tpu.memory_space<vmem_shared>> -> memref<16x128xf32, #tpu.memory_space<vmem_shared>>
        %dma_wait3A_2220 = arith.constant 0 : i32
        %dma_wait3A_2221 = arith.constant 0 : i32
        %dma_wait3A_2222 = tpu.memref_slice %arg8[%dma_wait3A_2220, %dma_wait3A_2221] : memref<10000x128xf32, #tpu.memory_space<vmem_shared>> -> memref<16x128xf32, #tpu.memory_space<vmem_shared>>
        %dma_wait3A_2223 = arith.constant 0 : i32
        %dma_wait3A_2224 = arith.constant 0 : i32
        %dma_wait3A_2225 = tpu.memref_slice %arg7[%cond3A_1047, %dma_wait3A_2223, %dma_wait3A_2224] : memref<3x80x128xf32, #tpu.memory_space<vmem>> -> memref<1x16x128xf32, #tpu.memory_space<vmem>>
        %dma_wait3A_2226 = tpu.memref_squeeze %dma_wait3A_2225 : memref<1x16x128xf32, #tpu.memory_space<vmem>> -> memref<16x128xf32, #tpu.memory_space<vmem>>
        tpu.wait_dma2 semaphore(%arg9 : memref<!tpu.dma_semaphore, #tpu.memory_space<semaphore_mem>>) src(%dma_wait3A_2226 : memref<16x128xf32, #tpu.memory_space<vmem>>) dst(%dma_wait3A_2222 : memref<16x128xf32, #tpu.memory_space<vmem_shared>>)
        %dma_wait3A_2227 = arith.constant 0 : i32
        %dma_wait3A_2228 = arith.constant 0 : i32
        %dma_wait3A_2229 = tpu.memref_slice %arg7[%cond3A_1047, %dma_wait3A_2227, %dma_wait3A_2228] : memref<3x80x128xf32, #tpu.memory_space<vmem>> -> memref<1x16x128xf32, #tpu.memory_space<vmem>>
        %dma_wait3A_2230 = tpu.memref_squeeze %dma_wait3A_2229 : memref<1x16x128xf32, #tpu.memory_space<vmem>> -> memref<16x128xf32, #tpu.memory_space<vmem>>
        %dma_wait3A_2231 = arith.constant 0 : i32
        %dma_wait3A_2232 = arith.constant 0 : i32
        %dma_wait3A_2233 = tpu.memref_slice %arg8[%dma_wait3A_2231, %dma_wait3A_2232] : memref<10000x128xf32, #tpu.memory_space<vmem_shared>> -> memref<16x128xf32, #tpu.memory_space<vmem_shared>>
        %dma_wait3A_2234 = arith.constant 0 : i32
        %dma_wait3A_2235 = arith.constant 0 : i32
        %dma_wait3A_2236 = tpu.memref_slice %arg8[%dma_wait3A_2234, %dma_wait3A_2235] : memref<10000x128xf32, #tpu.memory_space<vmem_shared>> -> memref<16x128xf32, #tpu.memory_space<vmem_shared>>
        %dma_wait3A_2237 = arith.constant 0 : i32
        %dma_wait3A_2238 = arith.constant 0 : i32
        %dma_wait3A_2239 = tpu.memref_slice %arg7[%cond3A_1047, %dma_wait3A_2237, %dma_wait3A_2238] : memref<3x80x128xf32, #tpu.memory_space<vmem>> -> memref<1x16x128xf32, #tpu.memory_space<vmem>>
        %dma_wait3A_2240 = tpu.memref_squeeze %dma_wait3A_2239 : memref<1x16x128xf32, #tpu.memory_space<vmem>> -> memref<16x128xf32, #tpu.memory_space<vmem>>
        tpu.wait_dma2 semaphore(%arg9 : memref<!tpu.dma_semaphore, #tpu.memory_space<semaphore_mem>>) src(%dma_wait3A_2240 : memref<16x128xf32, #tpu.memory_space<vmem>>) dst(%dma_wait3A_2236 : memref<16x128xf32, #tpu.memory_space<vmem_shared>>)
        %dma_wait3A_2241 = arith.constant 0 : i32
        %dma_wait3A_2242 = arith.constant 0 : i32
        %dma_wait3A_2243 = tpu.memref_slice %arg7[%cond3A_1047, %dma_wait3A_2241, %dma_wait3A_2242] : memref<3x80x128xf32, #tpu.memory_space<vmem>> -> memref<1x16x128xf32, #tpu.memory_space<vmem>>
        %dma_wait3A_2244 = tpu.memref_squeeze %dma_wait3A_2243 : memref<1x16x128xf32, #tpu.memory_space<vmem>> -> memref<16x128xf32, #tpu.memory_space<vmem>>
        %dma_wait3A_2245 = arith.constant 0 : i32
        %dma_wait3A_2246 = arith.constant 0 : i32
        %dma_wait3A_2247 = tpu.memref_slice %arg8[%dma_wait3A_2245, %dma_wait3A_2246] : memref<10000x128xf32, #tpu.memory_space<vmem_shared>> -> memref<16x128xf32, #tpu.memory_space<vmem_shared>>
        %dma_wait3A_2248 = arith.constant 0 : i32
        %dma_wait3A_2249 = arith.constant 0 : i32
        %dma_wait3A_2250 = tpu.memref_slice %arg8[%dma_wait3A_2248, %dma_wait3A_2249] : memref<10000x128xf32, #tpu.memory_space<vmem_shared>> -> memref<16x128xf32, #tpu.memory_space<vmem_shared>>
        %dma_wait3A_2251 = arith.constant 0 : i32
        %dma_wait3A_2252 = arith.constant 0 : i32
        %dma_wait3A_2253 = tpu.memref_slice %arg7[%cond3A_1047, %dma_wait3A_2251, %dma_wait3A_2252] : memref<3x80x128xf32, #tpu.memory_space<vmem>> -> memref<1x16x128xf32, #tpu.memory_space<vmem>>
        %dma_wait3A_2254 = tpu.memref_squeeze %dma_wait3A_2253 : memref<1x16x128xf32, #tpu.memory_space<vmem>> -> memref<16x128xf32, #tpu.memory_space<vmem>>
        tpu.wait_dma2 semaphore(%arg9 : memref<!tpu.dma_semaphore, #tpu.memory_space<semaphore_mem>>) src(%dma_wait3A_2254 : memref<16x128xf32, #tpu.memory_space<vmem>>) dst(%dma_wait3A_2250 : memref<16x128xf32, #tpu.memory_space<vmem_shared>>)
        %dma_wait3A_2255 = arith.constant 0 : i32
        %dma_wait3A_2256 = arith.constant 0 : i32
        %dma_wait3A_2257 = tpu.memref_slice %arg7[%cond3A_1047, %dma_wait3A_2255, %dma_wait3A_2256] : memref<3x80x128xf32, #tpu.memory_space<vmem>> -> memref<1x16x128xf32, #tpu.memory_space<vmem>>
        %dma_wait3A_2258 = tpu.memref_squeeze %dma_wait3A_2257 : memref<1x16x128xf32, #tpu.memory_space<vmem>> -> memref<16x128xf32, #tpu.memory_space<vmem>>
        %dma_wait3A_2259 = arith.constant 0 : i32
        %dma_wait3A_2260 = arith.constant 0 : i32
        %dma_wait3A_2261 = tpu.memref_slice %arg8[%dma_wait3A_2259, %dma_wait3A_2260] : memref<10000x128xf32, #tpu.memory_space<vmem_shared>> -> memref<16x128xf32, #tpu.memory_space<vmem_shared>>
        %dma_wait3A_2262 = arith.constant 0 : i32
        %dma_wait3A_2263 = arith.constant 0 : i32
        %dma_wait3A_2264 = tpu.memref_slice %arg8[%dma_wait3A_2262, %dma_wait3A_2263] : memref<10000x128xf32, #tpu.memory_space<vmem_shared>> -> memref<16x128xf32, #tpu.memory_space<vmem_shared>>
        %dma_wait3A_2265 = arith.constant 0 : i32
        %dma_wait3A_2266 = arith.constant 0 : i32
        %dma_wait3A_2267 = tpu.memref_slice %arg7[%cond3A_1047, %dma_wait3A_2265, %dma_wait3A_2266] : memref<3x80x128xf32, #tpu.memory_space<vmem>> -> memref<1x16x128xf32, #tpu.memory_space<vmem>>
        %dma_wait3A_2268 = tpu.memref_squeeze %dma_wait3A_2267 : memref<1x16x128xf32, #tpu.memory_space<vmem>> -> memref<16x128xf32, #tpu.memory_space<vmem>>
        tpu.wait_dma2 semaphore(%arg9 : memref<!tpu.dma_semaphore, #tpu.memory_space<semaphore_mem>>) src(%dma_wait3A_2268 : memref<16x128xf32, #tpu.memory_space<vmem>>) dst(%dma_wait3A_2264 : memref<16x128xf32, #tpu.memory_space<vmem_shared>>)
        %dma_wait3A_2269 = arith.constant 0 : i32
        %dma_wait3A_2270 = arith.constant 0 : i32
        %dma_wait3A_2271 = tpu.memref_slice %arg7[%cond3A_1047, %dma_wait3A_2269, %dma_wait3A_2270] : memref<3x80x128xf32, #tpu.memory_space<vmem>> -> memref<1x16x128xf32, #tpu.memory_space<vmem>>
        %dma_wait3A_2272 = tpu.memref_squeeze %dma_wait3A_2271 : memref<1x16x128xf32, #tpu.memory_space<vmem>> -> memref<16x128xf32, #tpu.memory_space<vmem>>
        %dma_wait3A_2273 = arith.constant 0 : i32
        %dma_wait3A_2274 = arith.constant 0 : i32
        %dma_wait3A_2275 = tpu.memref_slice %arg8[%dma_wait3A_2273, %dma_wait3A_2274] : memref<10000x128xf32, #tpu.memory_space<vmem_shared>> -> memref<16x128xf32, #tpu.memory_space<vmem_shared>>
        %dma_wait3A_2276 = arith.constant 0 : i32
        %dma_wait3A_2277 = arith.constant 0 : i32
        %dma_wait3A_2278 = tpu.memref_slice %arg8[%dma_wait3A_2276, %dma_wait3A_2277] : memref<10000x128xf32, #tpu.memory_space<vmem_shared>> -> memref<16x128xf32, #tpu.memory_space<vmem_shared>>
        %dma_wait3A_2279 = arith.constant 0 : i32
        %dma_wait3A_2280 = arith.constant 0 : i32
        %dma_wait3A_2281 = tpu.memref_slice %arg7[%cond3A_1047, %dma_wait3A_2279, %dma_wait3A_2280] : memref<3x80x128xf32, #tpu.memory_space<vmem>> -> memref<1x16x128xf32, #tpu.memory_space<vmem>>
        %dma_wait3A_2282 = tpu.memref_squeeze %dma_wait3A_2281 : memref<1x16x128xf32, #tpu.memory_space<vmem>> -> memref<16x128xf32, #tpu.memory_space<vmem>>
        tpu.wait_dma2 semaphore(%arg9 : memref<!tpu.dma_semaphore, #tpu.memory_space<semaphore_mem>>) src(%dma_wait3A_2282 : memref<16x128xf32, #tpu.memory_space<vmem>>) dst(%dma_wait3A_2278 : memref<16x128xf32, #tpu.memory_space<vmem_shared>>)
        %dma_wait3A_2283 = arith.constant 0 : i32
        %dma_wait3A_2284 = arith.constant 0 : i32
        %dma_wait3A_2285 = tpu.memref_slice %arg7[%cond3A_1047, %dma_wait3A_2283, %dma_wait3A_2284] : memref<3x80x128xf32, #tpu.memory_space<vmem>> -> memref<1x16x128xf32, #tpu.memory_space<vmem>>
        %dma_wait3A_2286 = tpu.memref_squeeze %dma_wait3A_2285 : memref<1x16x128xf32, #tpu.memory_space<vmem>> -> memref<16x128xf32, #tpu.memory_space<vmem>>
        %dma_wait3A_2287 = arith.constant 0 : i32
        %dma_wait3A_2288 = arith.constant 0 : i32
        %dma_wait3A_2289 = tpu.memref_slice %arg8[%dma_wait3A_2287, %dma_wait3A_2288] : memref<10000x128xf32, #tpu.memory_space<vmem_shared>> -> memref<16x128xf32, #tpu.memory_space<vmem_shared>>
        %dma_wait3A_2290 = arith.constant 0 : i32
        %dma_wait3A_2291 = arith.constant 0 : i32
        %dma_wait3A_2292 = tpu.memref_slice %arg8[%dma_wait3A_2290, %dma_wait3A_2291] : memref<10000x128xf32, #tpu.memory_space<vmem_shared>> -> memref<16x128xf32, #tpu.memory_space<vmem_shared>>
        %dma_wait3A_2293 = arith.constant 0 : i32
        %dma_wait3A_2294 = arith.constant 0 : i32
        %dma_wait3A_2295 = tpu.memref_slice %arg7[%cond3A_1047, %dma_wait3A_2293, %dma_wait3A_2294] : memref<3x80x128xf32, #tpu.memory_space<vmem>> -> memref<1x16x128xf32, #tpu.memory_space<vmem>>
        %dma_wait3A_2296 = tpu.memref_squeeze %dma_wait3A_2295 : memref<1x16x128xf32, #tpu.memory_space<vmem>> -> memref<16x128xf32, #tpu.memory_space<vmem>>
        tpu.wait_dma2 semaphore(%arg9 : memref<!tpu.dma_semaphore, #tpu.memory_space<semaphore_mem>>) src(%dma_wait3A_2296 : memref<16x128xf32, #tpu.memory_space<vmem>>) dst(%dma_wait3A_2292 : memref<16x128xf32, #tpu.memory_space<vmem_shared>>)
        %dma_wait3A_2297 = arith.constant 0 : i32
        %dma_wait3A_2298 = arith.constant 0 : i32
        %dma_wait3A_2299 = tpu.memref_slice %arg7[%cond3A_1047, %dma_wait3A_2297, %dma_wait3A_2298] : memref<3x80x128xf32, #tpu.memory_space<vmem>> -> memref<1x16x128xf32, #tpu.memory_space<vmem>>
        %dma_wait3A_2300 = tpu.memref_squeeze %dma_wait3A_2299 : memref<1x16x128xf32, #tpu.memory_space<vmem>> -> memref<16x128xf32, #tpu.memory_space<vmem>>
        %dma_wait3A_2301 = arith.constant 0 : i32
        %dma_wait3A_2302 = arith.constant 0 : i32
        %dma_wait3A_2303 = tpu.memref_slice %arg8[%dma_wait3A_2301, %dma_wait3A_2302] : memref<10000x128xf32, #tpu.memory_space<vmem_shared>> -> memref<16x128xf32, #tpu.memory_space<vmem_shared>>
        %dma_wait3A_2304 = arith.constant 0 : i32
        %dma_wait3A_2305 = arith.constant 0 : i32
        %dma_wait3A_2306 = tpu.memref_slice %arg8[%dma_wait3A_2304, %dma_wait3A_2305] : memref<10000x128xf32, #tpu.memory_space<vmem_shared>> -> memref<16x128xf32, #tpu.memory_space<vmem_shared>>
        %dma_wait3A_2307 = arith.constant 0 : i32
        %dma_wait3A_2308 = arith.constant 0 : i32
        %dma_wait3A_2309 = tpu.memref_slice %arg7[%cond3A_1047, %dma_wait3A_2307, %dma_wait3A_2308] : memref<3x80x128xf32, #tpu.memory_space<vmem>> -> memref<1x16x128xf32, #tpu.memory_space<vmem>>
        %dma_wait3A_2310 = tpu.memref_squeeze %dma_wait3A_2309 : memref<1x16x128xf32, #tpu.memory_space<vmem>> -> memref<16x128xf32, #tpu.memory_space<vmem>>
        tpu.wait_dma2 semaphore(%arg9 : memref<!tpu.dma_semaphore, #tpu.memory_space<semaphore_mem>>) src(%dma_wait3A_2310 : memref<16x128xf32, #tpu.memory_space<vmem>>) dst(%dma_wait3A_2306 : memref<16x128xf32, #tpu.memory_space<vmem_shared>>)
        %dma_wait3A_2311 = arith.constant 0 : i32
        %dma_wait3A_2312 = arith.constant 0 : i32
        %dma_wait3A_2313 = tpu.memref_slice %arg7[%cond3A_1047, %dma_wait3A_2311, %dma_wait3A_2312] : memref<3x80x128xf32, #tpu.memory_space<vmem>> -> memref<1x16x128xf32, #tpu.memory_space<vmem>>
        %dma_wait3A_2314 = tpu.memref_squeeze %dma_wait3A_2313 : memref<1x16x128xf32, #tpu.memory_space<vmem>> -> memref<16x128xf32, #tpu.memory_space<vmem>>
        %dma_wait3A_2315 = arith.constant 0 : i32
        %dma_wait3A_2316 = arith.constant 0 : i32
        %dma_wait3A_2317 = tpu.memref_slice %arg8[%dma_wait3A_2315, %dma_wait3A_2316] : memref<10000x128xf32, #tpu.memory_space<vmem_shared>> -> memref<16x128xf32, #tpu.memory_space<vmem_shared>>
        %dma_wait3A_2318 = arith.constant 0 : i32
        %dma_wait3A_2319 = arith.constant 0 : i32
        %dma_wait3A_2320 = tpu.memref_slice %arg8[%dma_wait3A_2318, %dma_wait3A_2319] : memref<10000x128xf32, #tpu.memory_space<vmem_shared>> -> memref<16x128xf32, #tpu.memory_space<vmem_shared>>
        %dma_wait3A_2321 = arith.constant 0 : i32
        %dma_wait3A_2322 = arith.constant 0 : i32
        %dma_wait3A_2323 = tpu.memref_slice %arg7[%cond3A_1047, %dma_wait3A_2321, %dma_wait3A_2322] : memref<3x80x128xf32, #tpu.memory_space<vmem>> -> memref<1x16x128xf32, #tpu.memory_space<vmem>>
        %dma_wait3A_2324 = tpu.memref_squeeze %dma_wait3A_2323 : memref<1x16x128xf32, #tpu.memory_space<vmem>> -> memref<16x128xf32, #tpu.memory_space<vmem>>
        tpu.wait_dma2 semaphore(%arg9 : memref<!tpu.dma_semaphore, #tpu.memory_space<semaphore_mem>>) src(%dma_wait3A_2324 : memref<16x128xf32, #tpu.memory_space<vmem>>) dst(%dma_wait3A_2320 : memref<16x128xf32, #tpu.memory_space<vmem_shared>>)
        %dma_wait3A_2325 = arith.constant 0 : i32
        %dma_wait3A_2326 = arith.constant 0 : i32
        %dma_wait3A_2327 = tpu.memref_slice %arg7[%cond3A_1047, %dma_wait3A_2325, %dma_wait3A_2326] : memref<3x80x128xf32, #tpu.memory_space<vmem>> -> memref<1x16x128xf32, #tpu.memory_space<vmem>>
        %dma_wait3A_2328 = tpu.memref_squeeze %dma_wait3A_2327 : memref<1x16x128xf32, #tpu.memory_space<vmem>> -> memref<16x128xf32, #tpu.memory_space<vmem>>
        %dma_wait3A_2329 = arith.constant 0 : i32
        %dma_wait3A_2330 = arith.constant 0 : i32
        %dma_wait3A_2331 = tpu.memref_slice %arg8[%dma_wait3A_2329, %dma_wait3A_2330] : memref<10000x128xf32, #tpu.memory_space<vmem_shared>> -> memref<16x128xf32, #tpu.memory_space<vmem_shared>>
        %dma_wait3A_2332 = arith.constant 0 : i32
        %dma_wait3A_2333 = arith.constant 0 : i32
        %dma_wait3A_2334 = tpu.memref_slice %arg8[%dma_wait3A_2332, %dma_wait3A_2333] : memref<10000x128xf32, #tpu.memory_space<vmem_shared>> -> memref<16x128xf32, #tpu.memory_space<vmem_shared>>
        %dma_wait3A_2335 = arith.constant 0 : i32
        %dma_wait3A_2336 = arith.constant 0 : i32
        %dma_wait3A_2337 = tpu.memref_slice %arg7[%cond3A_1047, %dma_wait3A_2335, %dma_wait3A_2336] : memref<3x80x128xf32, #tpu.memory_space<vmem>> -> memref<1x16x128xf32, #tpu.memory_space<vmem>>
        %dma_wait3A_2338 = tpu.memref_squeeze %dma_wait3A_2337 : memref<1x16x128xf32, #tpu.memory_space<vmem>> -> memref<16x128xf32, #tpu.memory_space<vmem>>
        tpu.wait_dma2 semaphore(%arg9 : memref<!tpu.dma_semaphore, #tpu.memory_space<semaphore_mem>>) src(%dma_wait3A_2338 : memref<16x128xf32, #tpu.memory_space<vmem>>) dst(%dma_wait3A_2334 : memref<16x128xf32, #tpu.memory_space<vmem_shared>>)
        %dma_wait3A_2339 = arith.constant 0 : i32
        %dma_wait3A_2340 = arith.constant 0 : i32
        %dma_wait3A_2341 = tpu.memref_slice %arg7[%cond3A_1047, %dma_wait3A_2339, %dma_wait3A_2340] : memref<3x80x128xf32, #tpu.memory_space<vmem>> -> memref<1x16x128xf32, #tpu.memory_space<vmem>>
        %dma_wait3A_2342 = tpu.memref_squeeze %dma_wait3A_2341 : memref<1x16x128xf32, #tpu.memory_space<vmem>> -> memref<16x128xf32, #tpu.memory_space<vmem>>
        %dma_wait3A_2343 = arith.constant 0 : i32
        %dma_wait3A_2344 = arith.constant 0 : i32
        %dma_wait3A_2345 = tpu.memref_slice %arg8[%dma_wait3A_2343, %dma_wait3A_2344] : memref<10000x128xf32, #tpu.memory_space<vmem_shared>> -> memref<16x128xf32, #tpu.memory_space<vmem_shared>>
        %dma_wait3A_2346 = arith.constant 0 : i32
        %dma_wait3A_2347 = arith.constant 0 : i32
        %dma_wait3A_2348 = tpu.memref_slice %arg8[%dma_wait3A_2346, %dma_wait3A_2347] : memref<10000x128xf32, #tpu.memory_space<vmem_shared>> -> memref<16x128xf32, #tpu.memory_space<vmem_shared>>
        %dma_wait3A_2349 = arith.constant 0 : i32
        %dma_wait3A_2350 = arith.constant 0 : i32
        %dma_wait3A_2351 = tpu.memref_slice %arg7[%cond3A_1047, %dma_wait3A_2349, %dma_wait3A_2350] : memref<3x80x128xf32, #tpu.memory_space<vmem>> -> memref<1x16x128xf32, #tpu.memory_space<vmem>>
        %dma_wait3A_2352 = tpu.memref_squeeze %dma_wait3A_2351 : memref<1x16x128xf32, #tpu.memory_space<vmem>> -> memref<16x128xf32, #tpu.memory_space<vmem>>
        tpu.wait_dma2 semaphore(%arg9 : memref<!tpu.dma_semaphore, #tpu.memory_space<semaphore_mem>>) src(%dma_wait3A_2352 : memref<16x128xf32, #tpu.memory_space<vmem>>) dst(%dma_wait3A_2348 : memref<16x128xf32, #tpu.memory_space<vmem_shared>>)
      } else {
      }
    } else {
    }
    %dma_wait3A = arith.constant 0 : i32
    %dma_wait3A_1050 = tpu.memref_slice %arg5[%dma_wait3A] : memref<20000xi32, #tpu.memory_space<vmem>> -> memref<10000xi32, #tpu.memory_space<vmem>>
    %dma_wait3A_1051 = tpu.memref_slice %arg3[%mul3A_1029] : memref<640000xi32, #tpu.memory_space<hbm>> -> memref<10000xi32, #tpu.memory_space<hbm>>
    %dma_wait3A_1052 = arith.constant 0 : i32
    %dma_wait3A_1053 = tpu.memref_slice %arg5[%dma_wait3A_1052] : memref<20000xi32, #tpu.memory_space<vmem>> -> memref<10000xi32, #tpu.memory_space<vmem>>
    %dma_wait3A_1054 = tpu.memref_slice %arg3[%mul3A_1029] : memref<640000xi32, #tpu.memory_space<hbm>> -> memref<10000xi32, #tpu.memory_space<hbm>>
    tpu.wait_dma2 semaphore(%arg10 : memref<!tpu.dma_semaphore, #tpu.memory_space<semaphore_mem>>) src(%dma_wait3A_1054 : memref<10000xi32, #tpu.memory_space<hbm>>) dst(%dma_wait3A_1053 : memref<10000xi32, #tpu.memory_space<vmem>>)
    %dma_wait3A_1055 = arith.constant 0 : i32
    %dma_wait3A_1056 = tpu.memref_slice %arg5[%dma_wait3A_1055] : memref<20000xi32, #tpu.memory_space<vmem>> -> memref<10000xi32, #tpu.memory_space<vmem>>
    %dma_wait3A_1057 = tpu.memref_slice %arg3[%mul3A_1029] : memref<640000xi32, #tpu.memory_space<hbm>> -> memref<10000xi32, #tpu.memory_space<hbm>>
    %dma_wait3A_1058 = arith.constant 0 : i32
    %dma_wait3A_1059 = tpu.memref_slice %arg5[%dma_wait3A_1058] : memref<20000xi32, #tpu.memory_space<vmem>> -> memref<10000xi32, #tpu.memory_space<vmem>>
    %dma_wait3A_1060 = tpu.memref_slice %arg3[%mul3A_1029] : memref<640000xi32, #tpu.memory_space<hbm>> -> memref<10000xi32, #tpu.memory_space<hbm>>
    tpu.wait_dma2 semaphore(%arg10 : memref<!tpu.dma_semaphore, #tpu.memory_space<semaphore_mem>>) src(%dma_wait3A_1060 : memref<10000xi32, #tpu.memory_space<hbm>>) dst(%dma_wait3A_1059 : memref<10000xi32, #tpu.memory_space<vmem>>)
    %barrier3A = arith.constant 0 : index
    tpu.barrier barrier_id(%barrier3A)
    %multiple_of3A = arith.constant 0 : i32
    %multiple_of3A_1061 = tpu.assume_multiple %multiple_of3A, 80 : i32
    %dma_start3A_1062 = arith.constant 0 : i32
    %dma_start3A_1063 = arith.constant 0 : i32
    %dma_start3A_1064 = arith.constant 0 : i32
    %dma_start3A_1065 = tpu.memref_slice %arg7[%dma_start3A_1062, %dma_start3A_1063, %dma_start3A_1064] : memref<3x80x128xf32, #tpu.memory_space<vmem>> -> memref<1x80x128xf32, #tpu.memory_space<vmem>>
    %dma_start3A_1066 = tpu.memref_squeeze %dma_start3A_1065 : memref<1x80x128xf32, #tpu.memory_space<vmem>> -> memref<80x128xf32, #tpu.memory_space<vmem>>
    %dma_start3A_1067 = tpu.memref_slice %arg5[%multiple_of3A_1061] : memref<20000xi32, #tpu.memory_space<vmem>> -> memref<80xi32, #tpu.memory_space<vmem>>
    %dma_start3A_1068 = arith.constant 0 : i32
    %dma_start3A_1069 = arith.constant 0 : i32
    %dma_start3A_1070 = tpu.memref_slice %arg2[%dma_start3A_1068, %dma_start3A_1069] : memref<10000x128xf32, #tpu.memory_space<hbm>> -> memref<10000x128xf32, #tpu.memory_space<hbm>>
    tpu.enqueue_indirect_dma source(%dma_start3A_1070 : memref<10000x128xf32, #tpu.memory_space<hbm>>) target(%dma_start3A_1066 : memref<80x128xf32, #tpu.memory_space<vmem>>) offsets(%dma_start3A_1067 : memref<80xi32, #tpu.memory_space<vmem>>) semaphore(%arg11 : memref<!tpu.dma_semaphore, #tpu.memory_space<semaphore_mem>>)
    %multiple_of3A_1071 = arith.constant 80 : i32
    %multiple_of3A_1072 = tpu.assume_multiple %multiple_of3A_1071, 80 : i32
    %dma_start3A_1073 = arith.constant 1 : i32
    %dma_start3A_1074 = arith.constant 0 : i32
    %dma_start3A_1075 = arith.constant 0 : i32
    %dma_start3A_1076 = tpu.memref_slice %arg7[%dma_start3A_1073, %dma_start3A_1074, %dma_start3A_1075] : memref<3x80x128xf32, #tpu.memory_space<vmem>> -> memref<1x80x128xf32, #tpu.memory_space<vmem>>
    %dma_start3A_1077 = tpu.memref_squeeze %dma_start3A_1076 : memref<1x80x128xf32, #tpu.memory_space<vmem>> -> memref<80x128xf32, #tpu.memory_space<vmem>>
    %dma_start3A_1078 = tpu.memref_slice %arg5[%multiple_of3A_1072] : memref<20000xi32, #tpu.memory_space<vmem>> -> memref<80xi32, #tpu.memory_space<vmem>>
    %dma_start3A_1079 = arith.constant 0 : i32
    %dma_start3A_1080 = arith.constant 0 : i32
    %dma_start3A_1081 = tpu.memref_slice %arg2[%dma_start3A_1079, %dma_start3A_1080] : memref<10000x128xf32, #tpu.memory_space<hbm>> -> memref<10000x128xf32, #tpu.memory_space<hbm>>
    tpu.enqueue_indirect_dma source(%dma_start3A_1081 : memref<10000x128xf32, #tpu.memory_space<hbm>>) target(%dma_start3A_1077 : memref<80x128xf32, #tpu.memory_space<vmem>>) offsets(%dma_start3A_1078 : memref<80xi32, #tpu.memory_space<vmem>>) semaphore(%arg12 : memref<!tpu.dma_semaphore, #tpu.memory_space<semaphore_mem>>)
    %multiple_of3A_1082 = arith.constant 160 : i32
    %multiple_of3A_1083 = tpu.assume_multiple %multiple_of3A_1082, 80 : i32
    %dma_start3A_1084 = arith.constant 2 : i32
    %dma_start3A_1085 = arith.constant 0 : i32
    %dma_start3A_1086 = arith.constant 0 : i32
    %dma_start3A_1087 = tpu.memref_slice %arg7[%dma_start3A_1084, %dma_start3A_1085, %dma_start3A_1086] : memref<3x80x128xf32, #tpu.memory_space<vmem>> -> memref<1x80x128xf32, #tpu.memory_space<vmem>>
    %dma_start3A_1088 = tpu.memref_squeeze %dma_start3A_1087 : memref<1x80x128xf32, #tpu.memory_space<vmem>> -> memref<80x128xf32, #tpu.memory_space<vmem>>
    %dma_start3A_1089 = tpu.memref_slice %arg5[%multiple_of3A_1083] : memref<20000xi32, #tpu.memory_space<vmem>> -> memref<80xi32, #tpu.memory_space<vmem>>
    %dma_start3A_1090 = arith.constant 0 : i32
    %dma_start3A_1091 = arith.constant 0 : i32
    %dma_start3A_1092 = tpu.memref_slice %arg2[%dma_start3A_1090, %dma_start3A_1091] : memref<10000x128xf32, #tpu.memory_space<hbm>> -> memref<10000x128xf32, #tpu.memory_space<hbm>>
    tpu.enqueue_indirect_dma source(%dma_start3A_1092 : memref<10000x128xf32, #tpu.memory_space<hbm>>) target(%dma_start3A_1088 : memref<80x128xf32, #tpu.memory_space<vmem>>) offsets(%dma_start3A_1089 : memref<80xi32, #tpu.memory_space<vmem>>) semaphore(%arg13 : memref<!tpu.dma_semaphore, #tpu.memory_space<semaphore_mem>>)
    %scan3A = arith.constant 0 : i32
    %scan3A_1093 = arith.constant 0 : i32
    %scan3A_1094 = arith.constant 41 : i32
    %scan3A_1095 = arith.addi %scan3A_1093, %scan3A_1094 : i32
    %scan3A_1096 = arith.constant 1 : i32
    scf.for %scan3A_1223 = %scan3A_1093 to %scan3A_1095 step %scan3A_1096  : i32 {
      %mul3A_1224 = arith.constant 3 : i32
      %mul3A_1225 = arith.muli %scan3A_1223, %mul3A_1224 : i32
      %add3A_1226 = arith.constant 0 : i32
      %add3A_1227 = arith.addi %mul3A_1225, %add3A_1226 : i32
      %multiple_of3A_1228 = arith.constant 0 : i32
      %multiple_of3A_1229 = tpu.assume_multiple %multiple_of3A_1228, 80 : i32
      %dma_wait3A_1230 = arith.constant 0 : i32
      %dma_wait3A_1231 = arith.constant 0 : i32
      %dma_wait3A_1232 = arith.constant 0 : i32
      %dma_wait3A_1233 = tpu.memref_slice %arg7[%dma_wait3A_1230, %dma_wait3A_1231, %dma_wait3A_1232] : memref<3x80x128xf32, #tpu.memory_space<vmem>> -> memref<1x80x128xf32, #tpu.memory_space<vmem>>
      %dma_wait3A_1234 = tpu.memref_squeeze %dma_wait3A_1233 : memref<1x80x128xf32, #tpu.memory_space<vmem>> -> memref<80x128xf32, #tpu.memory_space<vmem>>
      %dma_wait3A_1235 = tpu.memref_slice %arg5[%multiple_of3A_1229] : memref<20000xi32, #tpu.memory_space<vmem>> -> memref<80xi32, #tpu.memory_space<vmem>>
      %dma_wait3A_1236 = arith.constant 0 : i32
      %dma_wait3A_1237 = arith.constant 0 : i32
      %dma_wait3A_1238 = tpu.memref_slice %arg2[%dma_wait3A_1236, %dma_wait3A_1237] : memref<10000x128xf32, #tpu.memory_space<hbm>> -> memref<10000x128xf32, #tpu.memory_space<hbm>>
      tpu.wait_indirect_dma semaphore(%arg11 : memref<!tpu.dma_semaphore, #tpu.memory_space<semaphore_mem>>) src(%dma_wait3A_1238 : memref<10000x128xf32, #tpu.memory_space<hbm>>) dst(%dma_wait3A_1234 : memref<80x128xf32, #tpu.memory_space<vmem>>)
      %mul3A_1239 = arith.constant 80 : i32
      %mul3A_1240 = arith.muli %add3A_1227, %mul3A_1239 : i32
      %add3A_1241 = arith.constant 10000 : i32
      %add3A_1242 = arith.addi %add3A_1241, %mul3A_1240 : i32
      %multiple_of3A_1243 = tpu.assume_multiple %add3A_1242, 80 : i32
      %add3A_1244 = arith.constant 0 : i32
      %add3A_1245 = arith.addi %multiple_of3A_1243, %add3A_1244 : i32
      %get3A_1246 = arith.index_cast %add3A_1245 : i32 to index
      %get3A_1247 = tpu.vector_load %arg5[%get3A_1246] {strides = array<i32>} : memref<20000xi32, #tpu.memory_space<vmem>>, vector<16xi32>,
      %get3A_1248 = vector.shape_cast %get3A_1247 : vector<16xi32> to vector<16xi32>
      %swap3A_1249 = arith.constant 0 : index
      %swap3A_1250 = tpu.vector_load %arg6[%swap3A_1249] {strides = array<i32>} : memref<80xi32, #tpu.memory_space<vmem>>, vector<16xi32>,
      %swap3A_1251 = vector.shape_cast %swap3A_1250 : vector<16xi32> to vector<16xi32>
      %swap3A_1252 = vector.shape_cast %get3A_1248 : vector<16xi32> to vector<16xi32>
      tpu.vector_store %arg6[%swap3A_1249], %swap3A_1252 {strides = array<i32>} : memref<80xi32, #tpu.memory_space<vmem>>, vector<16xi32>,
      %add3A_1253 = arith.constant 16 : i32
      %add3A_1254 = arith.addi %multiple_of3A_1243, %add3A_1253 : i32
      %get3A_1255 = arith.index_cast %add3A_1254 : i32 to index
      %get3A_1256 = tpu.vector_load %arg5[%get3A_1255] {strides = array<i32>} : memref<20000xi32, #tpu.memory_space<vmem>>, vector<16xi32>,
      %get3A_1257 = vector.shape_cast %get3A_1256 : vector<16xi32> to vector<16xi32>
      %swap3A_1258 = arith.constant 16 : index
      %swap3A_1259 = tpu.vector_load %arg6[%swap3A_1258] {strides = array<i32>} : memref<80xi32, #tpu.memory_space<vmem>>, vector<16xi32>,
      %swap3A_1260 = vector.shape_cast %swap3A_1259 : vector<16xi32> to vector<16xi32>
      %swap3A_1261 = vector.shape_cast %get3A_1257 : vector<16xi32> to vector<16xi32>
      tpu.vector_store %arg6[%swap3A_1258], %swap3A_1261 {strides = array<i32>} : memref<80xi32, #tpu.memory_space<vmem>>, vector<16xi32>,
      %add3A_1262 = arith.constant 32 : i32
      %add3A_1263 = arith.addi %multiple_of3A_1243, %add3A_1262 : i32
      %get3A_1264 = arith.index_cast %add3A_1263 : i32 to index
      %get3A_1265 = tpu.vector_load %arg5[%get3A_1264] {strides = array<i32>} : memref<20000xi32, #tpu.memory_space<vmem>>, vector<16xi32>,
      %get3A_1266 = vector.shape_cast %get3A_1265 : vector<16xi32> to vector<16xi32>
      %swap3A_1267 = arith.constant 32 : index
      %swap3A_1268 = tpu.vector_load %arg6[%swap3A_1267] {strides = array<i32>} : memref<80xi32, #tpu.memory_space<vmem>>, vector<16xi32>,
      %swap3A_1269 = vector.shape_cast %swap3A_1268 : vector<16xi32> to vector<16xi32>
      %swap3A_1270 = vector.shape_cast %get3A_1266 : vector<16xi32> to vector<16xi32>
      tpu.vector_store %arg6[%swap3A_1267], %swap3A_1270 {strides = array<i32>} : memref<80xi32, #tpu.memory_space<vmem>>, vector<16xi32>,
      %add3A_1271 = arith.constant 48 : i32
      %add3A_1272 = arith.addi %multiple_of3A_1243, %add3A_1271 : i32
      %get3A_1273 = arith.index_cast %add3A_1272 : i32 to index
      %get3A_1274 = tpu.vector_load %arg5[%get3A_1273] {strides = array<i32>} : memref<20000xi32, #tpu.memory_space<vmem>>, vector<16xi32>,
      %get3A_1275 = vector.shape_cast %get3A_1274 : vector<16xi32> to vector<16xi32>
      %swap3A_1276 = arith.constant 48 : index
      %swap3A_1277 = tpu.vector_load %arg6[%swap3A_1276] {strides = array<i32>} : memref<80xi32, #tpu.memory_space<vmem>>, vector<16xi32>,
      %swap3A_1278 = vector.shape_cast %swap3A_1277 : vector<16xi32> to vector<16xi32>
      %swap3A_1279 = vector.shape_cast %get3A_1275 : vector<16xi32> to vector<16xi32>
      tpu.vector_store %arg6[%swap3A_1276], %swap3A_1279 {strides = array<i32>} : memref<80xi32, #tpu.memory_space<vmem>>, vector<16xi32>,
      %add3A_1280 = arith.constant 64 : i32
      %add3A_1281 = arith.addi %multiple_of3A_1243, %add3A_1280 : i32
      %get3A_1282 = arith.index_cast %add3A_1281 : i32 to index
      %get3A_1283 = tpu.vector_load %arg5[%get3A_1282] {strides = array<i32>} : memref<20000xi32, #tpu.memory_space<vmem>>, vector<16xi32>,
      %get3A_1284 = vector.shape_cast %get3A_1283 : vector<16xi32> to vector<16xi32>
      %swap3A_1285 = arith.constant 64 : index
      %swap3A_1286 = tpu.vector_load %arg6[%swap3A_1285] {strides = array<i32>} : memref<80xi32, #tpu.memory_space<vmem>>, vector<16xi32>,
      %swap3A_1287 = vector.shape_cast %swap3A_1286 : vector<16xi32> to vector<16xi32>
      %swap3A_1288 = vector.shape_cast %get3A_1284 : vector<16xi32> to vector<16xi32>
      tpu.vector_store %arg6[%swap3A_1285], %swap3A_1288 {strides = array<i32>} : memref<80xi32, #tpu.memory_space<vmem>>, vector<16xi32>,
      %run_scoped3A_1289 = arith.constant 0 : i32
      "tpu.region"() ({
        %run_scoped3A_1438 = tpu.sem_alloc : memref<!tpu.dma_semaphore, #tpu.memory_space<semaphore_mem>>
        %dma_start3A_1439 = arith.constant 0 : i32
        %dma_start3A_1440 = arith.constant 0 : i32
        %dma_start3A_1441 = tpu.memref_slice %arg7[%run_scoped3A_1289, %dma_start3A_1439, %dma_start3A_1440] : memref<3x80x128xf32, #tpu.memory_space<vmem>> -> memref<1x80x128xf32, #tpu.memory_space<vmem>>
        %dma_start3A_1442 = tpu.memref_squeeze %dma_start3A_1441 : memref<1x80x128xf32, #tpu.memory_space<vmem>> -> memref<80x128xf32, #tpu.memory_space<vmem>>
        %dma_start3A_1443 = arith.constant 0 : i32
        %dma_start3A_1444 = arith.constant 0 : i32
        %dma_start3A_1445 = tpu.memref_slice %arg8[%dma_start3A_1443, %dma_start3A_1444] : memref<10000x128xf32, #tpu.memory_space<vmem_shared>> -> memref<10000x128xf32, #tpu.memory_space<vmem_shared>>
        tpu.enqueue_indirect_dma source(%dma_start3A_1442 : memref<80x128xf32, #tpu.memory_space<vmem>>) target(%dma_start3A_1445 : memref<10000x128xf32, #tpu.memory_space<vmem_shared>>) offsets(%arg6 : memref<80xi32, #tpu.memory_space<vmem>>) semaphore(%run_scoped3A_1438 : memref<!tpu.dma_semaphore, #tpu.memory_space<semaphore_mem>>) {add = true}
        %dma_wait3A_1446 = arith.constant 0 : i32
        %dma_wait3A_1447 = arith.constant 0 : i32
        %dma_wait3A_1448 = tpu.memref_slice %arg7[%run_scoped3A_1289, %dma_wait3A_1446, %dma_wait3A_1447] : memref<3x80x128xf32, #tpu.memory_space<vmem>> -> memref<1x80x128xf32, #tpu.memory_space<vmem>>
        %dma_wait3A_1449 = tpu.memref_squeeze %dma_wait3A_1448 : memref<1x80x128xf32, #tpu.memory_space<vmem>> -> memref<80x128xf32, #tpu.memory_space<vmem>>
        %dma_wait3A_1450 = arith.constant 0 : i32
        %dma_wait3A_1451 = arith.constant 0 : i32
        %dma_wait3A_1452 = tpu.memref_slice %arg8[%dma_wait3A_1450, %dma_wait3A_1451] : memref<10000x128xf32, #tpu.memory_space<vmem_shared>> -> memref<10000x128xf32, #tpu.memory_space<vmem_shared>>
        tpu.wait_indirect_dma semaphore(%run_scoped3A_1438 : memref<!tpu.dma_semaphore, #tpu.memory_space<semaphore_mem>>) src(%dma_wait3A_1449 : memref<80x128xf32, #tpu.memory_space<vmem>>) dst(%dma_wait3A_1452 : memref<10000x128xf32, #tpu.memory_space<vmem_shared>>)
        tpu.yield
      }) : () -> ()
      %add3A_1290 = arith.constant 3 : i32
      %add3A_1291 = arith.addi %add3A_1227, %add3A_1290 : i32
      %lt3A = arith.constant 125 : i32
      %lt3A_1292 = arith.cmpi slt, %add3A_1291, %lt3A : i32
      %convert_element_type3A_1293 = arith.extui %lt3A_1292 : i1 to i32
      %cond3A_1294 = arith.constant 0 : i32
      %cond3A_1295 = arith.cmpi ne, %convert_element_type3A_1293, %cond3A_1294 : i32
      scf.if %cond3A_1295 {
        %add3A_1438 = arith.constant 3 : i32
        %add3A_1439 = arith.addi %add3A_1227, %add3A_1438 : i32
        %mul3A_1440 = arith.constant 80 : i32
        %mul3A_1441 = arith.muli %add3A_1439, %mul3A_1440 : i32
        %multiple_of3A_1442 = tpu.assume_multiple %mul3A_1441, 80 : i32
        %dma_start3A_1443 = arith.constant 0 : i32
        %dma_start3A_1444 = arith.constant 0 : i32
        %dma_start3A_1445 = arith.constant 0 : i32
        %dma_start3A_1446 = tpu.memref_slice %arg7[%dma_start3A_1443, %dma_start3A_1444, %dma_start3A_1445] : memref<3x80x128xf32, #tpu.memory_space<vmem>> -> memref<1x80x128xf32, #tpu.memory_space<vmem>>
        %dma_start3A_1447 = tpu.memref_squeeze %dma_start3A_1446 : memref<1x80x128xf32, #tpu.memory_space<vmem>> -> memref<80x128xf32, #tpu.memory_space<vmem>>
        %dma_start3A_1448 = tpu.memref_slice %arg5[%multiple_of3A_1442] : memref<20000xi32, #tpu.memory_space<vmem>> -> memref<80xi32, #tpu.memory_space<vmem>>
        %dma_start3A_1449 = arith.constant 0 : i32
        %dma_start3A_1450 = arith.constant 0 : i32
        %dma_start3A_1451 = tpu.memref_slice %arg2[%dma_start3A_1449, %dma_start3A_1450] : memref<10000x128xf32, #tpu.memory_space<hbm>> -> memref<10000x128xf32, #tpu.memory_space<hbm>>
        tpu.enqueue_indirect_dma source(%dma_start3A_1451 : memref<10000x128xf32, #tpu.memory_space<hbm>>) target(%dma_start3A_1447 : memref<80x128xf32, #tpu.memory_space<vmem>>) offsets(%dma_start3A_1448 : memref<80xi32, #tpu.memory_space<vmem>>) semaphore(%arg11 : memref<!tpu.dma_semaphore, #tpu.memory_space<semaphore_mem>>)
      } else {
      }
      %add3A_1296 = arith.constant 1 : i32
      %add3A_1297 = arith.addi %mul3A_1225, %add3A_1296 : i32
      %multiple_of3A_1298 = arith.constant 0 : i32
      %multiple_of3A_1299 = tpu.assume_multiple %multiple_of3A_1298, 80 : i32
      %dma_wait3A_1300 = arith.constant 1 : i32
      %dma_wait3A_1301 = arith.constant 0 : i32
      %dma_wait3A_1302 = arith.constant 0 : i32
      %dma_wait3A_1303 = tpu.memref_slice %arg7[%dma_wait3A_1300, %dma_wait3A_1301, %dma_wait3A_1302] : memref<3x80x128xf32, #tpu.memory_space<vmem>> -> memref<1x80x128xf32, #tpu.memory_space<vmem>>
      %dma_wait3A_1304 = tpu.memref_squeeze %dma_wait3A_1303 : memref<1x80x128xf32, #tpu.memory_space<vmem>> -> memref<80x128xf32, #tpu.memory_space<vmem>>
      %dma_wait3A_1305 = tpu.memref_slice %arg5[%multiple_of3A_1299] : memref<20000xi32, #tpu.memory_space<vmem>> -> memref<80xi32, #tpu.memory_space<vmem>>
      %dma_wait3A_1306 = arith.constant 0 : i32
      %dma_wait3A_1307 = arith.constant 0 : i32
      %dma_wait3A_1308 = tpu.memref_slice %arg2[%dma_wait3A_1306, %dma_wait3A_1307] : memref<10000x128xf32, #tpu.memory_space<hbm>> -> memref<10000x128xf32, #tpu.memory_space<hbm>>
      tpu.wait_indirect_dma semaphore(%arg12 : memref<!tpu.dma_semaphore, #tpu.memory_space<semaphore_mem>>) src(%dma_wait3A_1308 : memref<10000x128xf32, #tpu.memory_space<hbm>>) dst(%dma_wait3A_1304 : memref<80x128xf32, #tpu.memory_space<vmem>>)
      %mul3A_1309 = arith.constant 80 : i32
      %mul3A_1310 = arith.muli %add3A_1297, %mul3A_1309 : i32
      %add3A_1311 = arith.constant 10000 : i32
      %add3A_1312 = arith.addi %add3A_1311, %mul3A_1310 : i32
      %multiple_of3A_1313 = tpu.assume_multiple %add3A_1312, 80 : i32
      %add3A_1314 = arith.constant 0 : i32
      %add3A_1315 = arith.addi %multiple_of3A_1313, %add3A_1314 : i32
      %get3A_1316 = arith.index_cast %add3A_1315 : i32 to index
      %get3A_1317 = tpu.vector_load %arg5[%get3A_1316] {strides = array<i32>} : memref<20000xi32, #tpu.memory_space<vmem>>, vector<16xi32>,
      %get3A_1318 = vector.shape_cast %get3A_1317 : vector<16xi32> to vector<16xi32>
      %swap3A_1319 = arith.constant 0 : index
      %swap3A_1320 = tpu.vector_load %arg6[%swap3A_1319] {strides = array<i32>} : memref<80xi32, #tpu.memory_space<vmem>>, vector<16xi32>,
      %swap3A_1321 = vector.shape_cast %swap3A_1320 : vector<16xi32> to vector<16xi32>
      %swap3A_1322 = vector.shape_cast %get3A_1318 : vector<16xi32> to vector<16xi32>
      tpu.vector_store %arg6[%swap3A_1319], %swap3A_1322 {strides = array<i32>} : memref<80xi32, #tpu.memory_space<vmem>>, vector<16xi32>,
      %add3A_1323 = arith.constant 16 : i32
      %add3A_1324 = arith.addi %multiple_of3A_1313, %add3A_1323 : i32
      %get3A_1325 = arith.index_cast %add3A_1324 : i32 to index
      %get3A_1326 = tpu.vector_load %arg5[%get3A_1325] {strides = array<i32>} : memref<20000xi32, #tpu.memory_space<vmem>>, vector<16xi32>,
      %get3A_1327 = vector.shape_cast %get3A_1326 : vector<16xi32> to vector<16xi32>
      %swap3A_1328 = arith.constant 16 : index
      %swap3A_1329 = tpu.vector_load %arg6[%swap3A_1328] {strides = array<i32>} : memref<80xi32, #tpu.memory_space<vmem>>, vector<16xi32>,
      %swap3A_1330 = vector.shape_cast %swap3A_1329 : vector<16xi32> to vector<16xi32>
      %swap3A_1331 = vector.shape_cast %get3A_1327 : vector<16xi32> to vector<16xi32>
      tpu.vector_store %arg6[%swap3A_1328], %swap3A_1331 {strides = array<i32>} : memref<80xi32, #tpu.memory_space<vmem>>, vector<16xi32>,
      %add3A_1332 = arith.constant 32 : i32
      %add3A_1333 = arith.addi %multiple_of3A_1313, %add3A_1332 : i32
      %get3A_1334 = arith.index_cast %add3A_1333 : i32 to index
      %get3A_1335 = tpu.vector_load %arg5[%get3A_1334] {strides = array<i32>} : memref<20000xi32, #tpu.memory_space<vmem>>, vector<16xi32>,
      %get3A_1336 = vector.shape_cast %get3A_1335 : vector<16xi32> to vector<16xi32>
      %swap3A_1337 = arith.constant 32 : index
      %swap3A_1338 = tpu.vector_load %arg6[%swap3A_1337] {strides = array<i32>} : memref<80xi32, #tpu.memory_space<vmem>>, vector<16xi32>,
      %swap3A_1339 = vector.shape_cast %swap3A_1338 : vector<16xi32> to vector<16xi32>
      %swap3A_1340 = vector.shape_cast %get3A_1336 : vector<16xi32> to vector<16xi32>
      tpu.vector_store %arg6[%swap3A_1337], %swap3A_1340 {strides = array<i32>} : memref<80xi32, #tpu.memory_space<vmem>>, vector<16xi32>,
      %add3A_1341 = arith.constant 48 : i32
      %add3A_1342 = arith.addi %multiple_of3A_1313, %add3A_1341 : i32
      %get3A_1343 = arith.index_cast %add3A_1342 : i32 to index
      %get3A_1344 = tpu.vector_load %arg5[%get3A_1343] {strides = array<i32>} : memref<20000xi32, #tpu.memory_space<vmem>>, vector<16xi32>,
      %get3A_1345 = vector.shape_cast %get3A_1344 : vector<16xi32> to vector<16xi32>
      %swap3A_1346 = arith.constant 48 : index
      %swap3A_1347 = tpu.vector_load %arg6[%swap3A_1346] {strides = array<i32>} : memref<80xi32, #tpu.memory_space<vmem>>, vector<16xi32>,
      %swap3A_1348 = vector.shape_cast %swap3A_1347 : vector<16xi32> to vector<16xi32>
      %swap3A_1349 = vector.shape_cast %get3A_1345 : vector<16xi32> to vector<16xi32>
      tpu.vector_store %arg6[%swap3A_1346], %swap3A_1349 {strides = array<i32>} : memref<80xi32, #tpu.memory_space<vmem>>, vector<16xi32>,
      %add3A_1350 = arith.constant 64 : i32
      %add3A_1351 = arith.addi %multiple_of3A_1313, %add3A_1350 : i32
      %get3A_1352 = arith.index_cast %add3A_1351 : i32 to index
      %get3A_1353 = tpu.vector_load %arg5[%get3A_1352] {strides = array<i32>} : memref<20000xi32, #tpu.memory_space<vmem>>, vector<16xi32>,
      %get3A_1354 = vector.shape_cast %get3A_1353 : vector<16xi32> to vector<16xi32>
      %swap3A_1355 = arith.constant 64 : index
      %swap3A_1356 = tpu.vector_load %arg6[%swap3A_1355] {strides = array<i32>} : memref<80xi32, #tpu.memory_space<vmem>>, vector<16xi32>,
      %swap3A_1357 = vector.shape_cast %swap3A_1356 : vector<16xi32> to vector<16xi32>
      %swap3A_1358 = vector.shape_cast %get3A_1354 : vector<16xi32> to vector<16xi32>
      tpu.vector_store %arg6[%swap3A_1355], %swap3A_1358 {strides = array<i32>} : memref<80xi32, #tpu.memory_space<vmem>>, vector<16xi32>,
      %run_scoped3A_1359 = arith.constant 1 : i32
      "tpu.region"() ({
        %run_scoped3A_1438 = tpu.sem_alloc : memref<!tpu.dma_semaphore, #tpu.memory_space<semaphore_mem>>
        %dma_start3A_1439 = arith.constant 0 : i32
        %dma_start3A_1440 = arith.constant 0 : i32
        %dma_start3A_1441 = tpu.memref_slice %arg7[%run_scoped3A_1359, %dma_start3A_1439, %dma_start3A_1440] : memref<3x80x128xf32, #tpu.memory_space<vmem>> -> memref<1x80x128xf32, #tpu.memory_space<vmem>>
        %dma_start3A_1442 = tpu.memref_squeeze %dma_start3A_1441 : memref<1x80x128xf32, #tpu.memory_space<vmem>> -> memref<80x128xf32, #tpu.memory_space<vmem>>
        %dma_start3A_1443 = arith.constant 0 : i32
        %dma_start3A_1444 = arith.constant 0 : i32
        %dma_start3A_1445 = tpu.memref_slice %arg8[%dma_start3A_1443, %dma_start3A_1444] : memref<10000x128xf32, #tpu.memory_space<vmem_shared>> -> memref<10000x128xf32, #tpu.memory_space<vmem_shared>>
        tpu.enqueue_indirect_dma source(%dma_start3A_1442 : memref<80x128xf32, #tpu.memory_space<vmem>>) target(%dma_start3A_1445 : memref<10000x128xf32, #tpu.memory_space<vmem_shared>>) offsets(%arg6 : memref<80xi32, #tpu.memory_space<vmem>>) semaphore(%run_scoped3A_1438 : memref<!tpu.dma_semaphore, #tpu.memory_space<semaphore_mem>>) {add = true}
        %dma_wait3A_1446 = arith.constant 0 : i32
        %dma_wait3A_1447 = arith.constant 0 : i32
        %dma_wait3A_1448 = tpu.memref_slice %arg7[%run_scoped3A_1359, %dma_wait3A_1446, %dma_wait3A_1447] : memref<3x80x128xf32, #tpu.memory_space<vmem>> -> memref<1x80x128xf32, #tpu.memory_space<vmem>>
        %dma_wait3A_1449 = tpu.memref_squeeze %dma_wait3A_1448 : memref<1x80x128xf32, #tpu.memory_space<vmem>> -> memref<80x128xf32, #tpu.memory_space<vmem>>
        %dma_wait3A_1450 = arith.constant 0 : i32
        %dma_wait3A_1451 = arith.constant 0 : i32
        %dma_wait3A_1452 = tpu.memref_slice %arg8[%dma_wait3A_1450, %dma_wait3A_1451] : memref<10000x128xf32, #tpu.memory_space<vmem_shared>> -> memref<10000x128xf32, #tpu.memory_space<vmem_shared>>
        tpu.wait_indirect_dma semaphore(%run_scoped3A_1438 : memref<!tpu.dma_semaphore, #tpu.memory_space<semaphore_mem>>) src(%dma_wait3A_1449 : memref<80x128xf32, #tpu.memory_space<vmem>>) dst(%dma_wait3A_1452 : memref<10000x128xf32, #tpu.memory_space<vmem_shared>>)
        tpu.yield
      }) : () -> ()
      %add3A_1360 = arith.constant 3 : i32
      %add3A_1361 = arith.addi %add3A_1297, %add3A_1360 : i32
      %lt3A_1362 = arith.constant 125 : i32
      %lt3A_1363 = arith.cmpi slt, %add3A_1361, %lt3A_1362 : i32
      %convert_element_type3A_1364 = arith.extui %lt3A_1363 : i1 to i32
      %cond3A_1365 = arith.constant 0 : i32
      %cond3A_1366 = arith.cmpi ne, %convert_element_type3A_1364, %cond3A_1365 : i32
      scf.if %cond3A_1366 {
        %add3A_1438 = arith.constant 3 : i32
        %add3A_1439 = arith.addi %add3A_1297, %add3A_1438 : i32
        %mul3A_1440 = arith.constant 80 : i32
        %mul3A_1441 = arith.muli %add3A_1439, %mul3A_1440 : i32
        %multiple_of3A_1442 = tpu.assume_multiple %mul3A_1441, 80 : i32
        %dma_start3A_1443 = arith.constant 1 : i32
        %dma_start3A_1444 = arith.constant 0 : i32
        %dma_start3A_1445 = arith.constant 0 : i32
        %dma_start3A_1446 = tpu.memref_slice %arg7[%dma_start3A_1443, %dma_start3A_1444, %dma_start3A_1445] : memref<3x80x128xf32, #tpu.memory_space<vmem>> -> memref<1x80x128xf32, #tpu.memory_space<vmem>>
        %dma_start3A_1447 = tpu.memref_squeeze %dma_start3A_1446 : memref<1x80x128xf32, #tpu.memory_space<vmem>> -> memref<80x128xf32, #tpu.memory_space<vmem>>
        %dma_start3A_1448 = tpu.memref_slice %arg5[%multiple_of3A_1442] : memref<20000xi32, #tpu.memory_space<vmem>> -> memref<80xi32, #tpu.memory_space<vmem>>
        %dma_start3A_1449 = arith.constant 0 : i32
        %dma_start3A_1450 = arith.constant 0 : i32
        %dma_start3A_1451 = tpu.memref_slice %arg2[%dma_start3A_1449, %dma_start3A_1450] : memref<10000x128xf32, #tpu.memory_space<hbm>> -> memref<10000x128xf32, #tpu.memory_space<hbm>>
        tpu.enqueue_indirect_dma source(%dma_start3A_1451 : memref<10000x128xf32, #tpu.memory_space<hbm>>) target(%dma_start3A_1447 : memref<80x128xf32, #tpu.memory_space<vmem>>) offsets(%dma_start3A_1448 : memref<80xi32, #tpu.memory_space<vmem>>) semaphore(%arg12 : memref<!tpu.dma_semaphore, #tpu.memory_space<semaphore_mem>>)
      } else {
      }
      %add3A_1367 = arith.constant 2 : i32
      %add3A_1368 = arith.addi %mul3A_1225, %add3A_1367 : i32
      %multiple_of3A_1369 = arith.constant 0 : i32
      %multiple_of3A_1370 = tpu.assume_multiple %multiple_of3A_1369, 80 : i32
      %dma_wait3A_1371 = arith.constant 2 : i32
      %dma_wait3A_1372 = arith.constant 0 : i32
      %dma_wait3A_1373 = arith.constant 0 : i32
      %dma_wait3A_1374 = tpu.memref_slice %arg7[%dma_wait3A_1371, %dma_wait3A_1372, %dma_wait3A_1373] : memref<3x80x128xf32, #tpu.memory_space<vmem>> -> memref<1x80x128xf32, #tpu.memory_space<vmem>>
      %dma_wait3A_1375 = tpu.memref_squeeze %dma_wait3A_1374 : memref<1x80x128xf32, #tpu.memory_space<vmem>> -> memref<80x128xf32, #tpu.memory_space<vmem>>
      %dma_wait3A_1376 = tpu.memref_slice %arg5[%multiple_of3A_1370] : memref<20000xi32, #tpu.memory_space<vmem>> -> memref<80xi32, #tpu.memory_space<vmem>>
      %dma_wait3A_1377 = arith.constant 0 : i32
      %dma_wait3A_1378 = arith.constant 0 : i32
      %dma_wait3A_1379 = tpu.memref_slice %arg2[%dma_wait3A_1377, %dma_wait3A_1378] : memref<10000x128xf32, #tpu.memory_space<hbm>> -> memref<10000x128xf32, #tpu.memory_space<hbm>>
      tpu.wait_indirect_dma semaphore(%arg13 : memref<!tpu.dma_semaphore, #tpu.memory_space<semaphore_mem>>) src(%dma_wait3A_1379 : memref<10000x128xf32, #tpu.memory_space<hbm>>) dst(%dma_wait3A_1375 : memref<80x128xf32, #tpu.memory_space<vmem>>)
      %mul3A_1380 = arith.constant 80 : i32
      %mul3A_1381 = arith.muli %add3A_1368, %mul3A_1380 : i32
      %add3A_1382 = arith.constant 10000 : i32
      %add3A_1383 = arith.addi %add3A_1382, %mul3A_1381 : i32
      %multiple_of3A_1384 = tpu.assume_multiple %add3A_1383, 80 : i32
      %add3A_1385 = arith.constant 0 : i32
      %add3A_1386 = arith.addi %multiple_of3A_1384, %add3A_1385 : i32
      %get3A_1387 = arith.index_cast %add3A_1386 : i32 to index
      %get3A_1388 = tpu.vector_load %arg5[%get3A_1387] {strides = array<i32>} : memref<20000xi32, #tpu.memory_space<vmem>>, vector<16xi32>,
      %get3A_1389 = vector.shape_cast %get3A_1388 : vector<16xi32> to vector<16xi32>
      %swap3A_1390 = arith.constant 0 : index
      %swap3A_1391 = tpu.vector_load %arg6[%swap3A_1390] {strides = array<i32>} : memref<80xi32, #tpu.memory_space<vmem>>, vector<16xi32>,
      %swap3A_1392 = vector.shape_cast %swap3A_1391 : vector<16xi32> to vector<16xi32>
      %swap3A_1393 = vector.shape_cast %get3A_1389 : vector<16xi32> to vector<16xi32>
      tpu.vector_store %arg6[%swap3A_1390], %swap3A_1393 {strides = array<i32>} : memref<80xi32, #tpu.memory_space<vmem>>, vector<16xi32>,
      %add3A_1394 = arith.constant 16 : i32
      %add3A_1395 = arith.addi %multiple_of3A_1384, %add3A_1394 : i32
      %get3A_1396 = arith.index_cast %add3A_1395 : i32 to index
      %get3A_1397 = tpu.vector_load %arg5[%get3A_1396] {strides = array<i32>} : memref<20000xi32, #tpu.memory_space<vmem>>, vector<16xi32>,
      %get3A_1398 = vector.shape_cast %get3A_1397 : vector<16xi32> to vector<16xi32>
      %swap3A_1399 = arith.constant 16 : index
      %swap3A_1400 = tpu.vector_load %arg6[%swap3A_1399] {strides = array<i32>} : memref<80xi32, #tpu.memory_space<vmem>>, vector<16xi32>,
      %swap3A_1401 = vector.shape_cast %swap3A_1400 : vector<16xi32> to vector<16xi32>
      %swap3A_1402 = vector.shape_cast %get3A_1398 : vector<16xi32> to vector<16xi32>
      tpu.vector_store %arg6[%swap3A_1399], %swap3A_1402 {strides = array<i32>} : memref<80xi32, #tpu.memory_space<vmem>>, vector<16xi32>,
      %add3A_1403 = arith.constant 32 : i32
      %add3A_1404 = arith.addi %multiple_of3A_1384, %add3A_1403 : i32
      %get3A_1405 = arith.index_cast %add3A_1404 : i32 to index
      %get3A_1406 = tpu.vector_load %arg5[%get3A_1405] {strides = array<i32>} : memref<20000xi32, #tpu.memory_space<vmem>>, vector<16xi32>,
      %get3A_1407 = vector.shape_cast %get3A_1406 : vector<16xi32> to vector<16xi32>
      %swap3A_1408 = arith.constant 32 : index
      %swap3A_1409 = tpu.vector_load %arg6[%swap3A_1408] {strides = array<i32>} : memref<80xi32, #tpu.memory_space<vmem>>, vector<16xi32>,
      %swap3A_1410 = vector.shape_cast %swap3A_1409 : vector<16xi32> to vector<16xi32>
      %swap3A_1411 = vector.shape_cast %get3A_1407 : vector<16xi32> to vector<16xi32>
      tpu.vector_store %arg6[%swap3A_1408], %swap3A_1411 {strides = array<i32>} : memref<80xi32, #tpu.memory_space<vmem>>, vector<16xi32>,
      %add3A_1412 = arith.constant 48 : i32
      %add3A_1413 = arith.addi %multiple_of3A_1384, %add3A_1412 : i32
      %get3A_1414 = arith.index_cast %add3A_1413 : i32 to index
      %get3A_1415 = tpu.vector_load %arg5[%get3A_1414] {strides = array<i32>} : memref<20000xi32, #tpu.memory_space<vmem>>, vector<16xi32>,
      %get3A_1416 = vector.shape_cast %get3A_1415 : vector<16xi32> to vector<16xi32>
      %swap3A_1417 = arith.constant 48 : index
      %swap3A_1418 = tpu.vector_load %arg6[%swap3A_1417] {strides = array<i32>} : memref<80xi32, #tpu.memory_space<vmem>>, vector<16xi32>,
      %swap3A_1419 = vector.shape_cast %swap3A_1418 : vector<16xi32> to vector<16xi32>
      %swap3A_1420 = vector.shape_cast %get3A_1416 : vector<16xi32> to vector<16xi32>
      tpu.vector_store %arg6[%swap3A_1417], %swap3A_1420 {strides = array<i32>} : memref<80xi32, #tpu.memory_space<vmem>>, vector<16xi32>,
      %add3A_1421 = arith.constant 64 : i32
      %add3A_1422 = arith.addi %multiple_of3A_1384, %add3A_1421 : i32
      %get3A_1423 = arith.index_cast %add3A_1422 : i32 to index
      %get3A_1424 = tpu.vector_load %arg5[%get3A_1423] {strides = array<i32>} : memref<20000xi32, #tpu.memory_space<vmem>>, vector<16xi32>,
      %get3A_1425 = vector.shape_cast %get3A_1424 : vector<16xi32> to vector<16xi32>
      %swap3A_1426 = arith.constant 64 : index
      %swap3A_1427 = tpu.vector_load %arg6[%swap3A_1426] {strides = array<i32>} : memref<80xi32, #tpu.memory_space<vmem>>, vector<16xi32>,
      %swap3A_1428 = vector.shape_cast %swap3A_1427 : vector<16xi32> to vector<16xi32>
      %swap3A_1429 = vector.shape_cast %get3A_1425 : vector<16xi32> to vector<16xi32>
      tpu.vector_store %arg6[%swap3A_1426], %swap3A_1429 {strides = array<i32>} : memref<80xi32, #tpu.memory_space<vmem>>, vector<16xi32>,
      %run_scoped3A_1430 = arith.constant 2 : i32
      "tpu.region"() ({
        %run_scoped3A_1438 = tpu.sem_alloc : memref<!tpu.dma_semaphore, #tpu.memory_space<semaphore_mem>>
        %dma_start3A_1439 = arith.constant 0 : i32
        %dma_start3A_1440 = arith.constant 0 : i32
        %dma_start3A_1441 = tpu.memref_slice %arg7[%run_scoped3A_1430, %dma_start3A_1439, %dma_start3A_1440] : memref<3x80x128xf32, #tpu.memory_space<vmem>> -> memref<1x80x128xf32, #tpu.memory_space<vmem>>
        %dma_start3A_1442 = tpu.memref_squeeze %dma_start3A_1441 : memref<1x80x128xf32, #tpu.memory_space<vmem>> -> memref<80x128xf32, #tpu.memory_space<vmem>>
        %dma_start3A_1443 = arith.constant 0 : i32
        %dma_start3A_1444 = arith.constant 0 : i32
        %dma_start3A_1445 = tpu.memref_slice %arg8[%dma_start3A_1443, %dma_start3A_1444] : memref<10000x128xf32, #tpu.memory_space<vmem_shared>> -> memref<10000x128xf32, #tpu.memory_space<vmem_shared>>
        tpu.enqueue_indirect_dma source(%dma_start3A_1442 : memref<80x128xf32, #tpu.memory_space<vmem>>) target(%dma_start3A_1445 : memref<10000x128xf32, #tpu.memory_space<vmem_shared>>) offsets(%arg6 : memref<80xi32, #tpu.memory_space<vmem>>) semaphore(%run_scoped3A_1438 : memref<!tpu.dma_semaphore, #tpu.memory_space<semaphore_mem>>) {add = true}
        %dma_wait3A_1446 = arith.constant 0 : i32
        %dma_wait3A_1447 = arith.constant 0 : i32
        %dma_wait3A_1448 = tpu.memref_slice %arg7[%run_scoped3A_1430, %dma_wait3A_1446, %dma_wait3A_1447] : memref<3x80x128xf32, #tpu.memory_space<vmem>> -> memref<1x80x128xf32, #tpu.memory_space<vmem>>
        %dma_wait3A_1449 = tpu.memref_squeeze %dma_wait3A_1448 : memref<1x80x128xf32, #tpu.memory_space<vmem>> -> memref<80x128xf32, #tpu.memory_space<vmem>>
        %dma_wait3A_1450 = arith.constant 0 : i32
        %dma_wait3A_1451 = arith.constant 0 : i32
        %dma_wait3A_1452 = tpu.memref_slice %arg8[%dma_wait3A_1450, %dma_wait3A_1451] : memref<10000x128xf32, #tpu.memory_space<vmem_shared>> -> memref<10000x128xf32, #tpu.memory_space<vmem_shared>>
        tpu.wait_indirect_dma semaphore(%run_scoped3A_1438 : memref<!tpu.dma_semaphore, #tpu.memory_space<semaphore_mem>>) src(%dma_wait3A_1449 : memref<80x128xf32, #tpu.memory_space<vmem>>) dst(%dma_wait3A_1452 : memref<10000x128xf32, #tpu.memory_space<vmem_shared>>)
        tpu.yield
      }) : () -> ()
      %add3A_1431 = arith.constant 3 : i32
      %add3A_1432 = arith.addi %add3A_1368, %add3A_1431 : i32
      %lt3A_1433 = arith.constant 125 : i32
      %lt3A_1434 = arith.cmpi slt, %add3A_1432, %lt3A_1433 : i32
      %convert_element_type3A_1435 = arith.extui %lt3A_1434 : i1 to i32
      %cond3A_1436 = arith.constant 0 : i32
      %cond3A_1437 = arith.cmpi ne, %convert_element_type3A_1435, %cond3A_1436 : i32
      scf.if %cond3A_1437 {
        %add3A_1438 = arith.constant 3 : i32
        %add3A_1439 = arith.addi %add3A_1368, %add3A_1438 : i32
        %mul3A_1440 = arith.constant 80 : i32
        %mul3A_1441 = arith.muli %add3A_1439, %mul3A_1440 : i32
        %multiple_of3A_1442 = tpu.assume_multiple %mul3A_1441, 80 : i32
        %dma_start3A_1443 = arith.constant 2 : i32
        %dma_start3A_1444 = arith.constant 0 : i32
        %dma_start3A_1445 = arith.constant 0 : i32
        %dma_start3A_1446 = tpu.memref_slice %arg7[%dma_start3A_1443, %dma_start3A_1444, %dma_start3A_1445] : memref<3x80x128xf32, #tpu.memory_space<vmem>> -> memref<1x80x128xf32, #tpu.memory_space<vmem>>
        %dma_start3A_1447 = tpu.memref_squeeze %dma_start3A_1446 : memref<1x80x128xf32, #tpu.memory_space<vmem>> -> memref<80x128xf32, #tpu.memory_space<vmem>>
        %dma_start3A_1448 = tpu.memref_slice %arg5[%multiple_of3A_1442] : memref<20000xi32, #tpu.memory_space<vmem>> -> memref<80xi32, #tpu.memory_space<vmem>>
        %dma_start3A_1449 = arith.constant 0 : i32
        %dma_start3A_1450 = arith.constant 0 : i32
        %dma_start3A_1451 = tpu.memref_slice %arg2[%dma_start3A_1449, %dma_start3A_1450] : memref<10000x128xf32, #tpu.memory_space<hbm>> -> memref<10000x128xf32, #tpu.memory_space<hbm>>
        tpu.enqueue_indirect_dma source(%dma_start3A_1451 : memref<10000x128xf32, #tpu.memory_space<hbm>>) target(%dma_start3A_1447 : memref<80x128xf32, #tpu.memory_space<vmem>>) offsets(%dma_start3A_1448 : memref<80xi32, #tpu.memory_space<vmem>>) semaphore(%arg13 : memref<!tpu.dma_semaphore, #tpu.memory_space<semaphore_mem>>)
      } else {
      }
    }
    %scan3A_1097 = arith.constant 41 : i32
    %multiple_of3A_1098 = arith.constant 0 : i32
    %multiple_of3A_1099 = tpu.assume_multiple %multiple_of3A_1098, 80 : i32
    %dma_wait3A_1100 = arith.constant 0 : i32
    %dma_wait3A_1101 = arith.constant 0 : i32
    %dma_wait3A_1102 = arith.constant 0 : i32
    %dma_wait3A_1103 = tpu.memref_slice %arg7[%dma_wait3A_1100, %dma_wait3A_1101, %dma_wait3A_1102] : memref<3x80x128xf32, #tpu.memory_space<vmem>> -> memref<1x80x128xf32, #tpu.memory_space<vmem>>
    %dma_wait3A_1104 = tpu.memref_squeeze %dma_wait3A_1103 : memref<1x80x128xf32, #tpu.memory_space<vmem>> -> memref<80x128xf32, #tpu.memory_space<vmem>>
    %dma_wait3A_1105 = tpu.memref_slice %arg5[%multiple_of3A_1099] : memref<20000xi32, #tpu.memory_space<vmem>> -> memref<80xi32, #tpu.memory_space<vmem>>
    %dma_wait3A_1106 = arith.constant 0 : i32
    %dma_wait3A_1107 = arith.constant 0 : i32
    %dma_wait3A_1108 = tpu.memref_slice %arg2[%dma_wait3A_1106, %dma_wait3A_1107] : memref<10000x128xf32, #tpu.memory_space<hbm>> -> memref<10000x128xf32, #tpu.memory_space<hbm>>
    tpu.wait_indirect_dma semaphore(%arg11 : memref<!tpu.dma_semaphore, #tpu.memory_space<semaphore_mem>>) src(%dma_wait3A_1108 : memref<10000x128xf32, #tpu.memory_space<hbm>>) dst(%dma_wait3A_1104 : memref<80x128xf32, #tpu.memory_space<vmem>>)
    %multiple_of3A_1109 = arith.constant 19840 : i32
    %multiple_of3A_1110 = tpu.assume_multiple %multiple_of3A_1109, 80 : i32
    %add3A_1111 = arith.constant 0 : i32
    %add3A_1112 = arith.addi %multiple_of3A_1110, %add3A_1111 : i32
    %get3A = arith.index_cast %add3A_1112 : i32 to index
    %get3A_1113 = tpu.vector_load %arg5[%get3A] {strides = array<i32>} : memref<20000xi32, #tpu.memory_space<vmem>>, vector<16xi32>,
    %get3A_1114 = vector.shape_cast %get3A_1113 : vector<16xi32> to vector<16xi32>
    %swap3A_1115 = arith.constant 0 : index
    %swap3A_1116 = tpu.vector_load %arg6[%swap3A_1115] {strides = array<i32>} : memref<80xi32, #tpu.memory_space<vmem>>, vector<16xi32>,
    %swap3A_1117 = vector.shape_cast %swap3A_1116 : vector<16xi32> to vector<16xi32>
    %swap3A_1118 = vector.shape_cast %get3A_1114 : vector<16xi32> to vector<16xi32>
    tpu.vector_store %arg6[%swap3A_1115], %swap3A_1118 {strides = array<i32>} : memref<80xi32, #tpu.memory_space<vmem>>, vector<16xi32>,
    %add3A_1119 = arith.constant 16 : i32
    %add3A_1120 = arith.addi %multiple_of3A_1110, %add3A_1119 : i32
    %get3A_1121 = arith.index_cast %add3A_1120 : i32 to index
    %get3A_1122 = tpu.vector_load %arg5[%get3A_1121] {strides = array<i32>} : memref<20000xi32, #tpu.memory_space<vmem>>, vector<16xi32>,
    %get3A_1123 = vector.shape_cast %get3A_1122 : vector<16xi32> to vector<16xi32>
    %swap3A_1124 = arith.constant 16 : index
    %swap3A_1125 = tpu.vector_load %arg6[%swap3A_1124] {strides = array<i32>} : memref<80xi32, #tpu.memory_space<vmem>>, vector<16xi32>,
    %swap3A_1126 = vector.shape_cast %swap3A_1125 : vector<16xi32> to vector<16xi32>
    %swap3A_1127 = vector.shape_cast %get3A_1123 : vector<16xi32> to vector<16xi32>
    tpu.vector_store %arg6[%swap3A_1124], %swap3A_1127 {strides = array<i32>} : memref<80xi32, #tpu.memory_space<vmem>>, vector<16xi32>,
    %add3A_1128 = arith.constant 32 : i32
    %add3A_1129 = arith.addi %multiple_of3A_1110, %add3A_1128 : i32
    %get3A_1130 = arith.index_cast %add3A_1129 : i32 to index
    %get3A_1131 = tpu.vector_load %arg5[%get3A_1130] {strides = array<i32>} : memref<20000xi32, #tpu.memory_space<vmem>>, vector<16xi32>,
    %get3A_1132 = vector.shape_cast %get3A_1131 : vector<16xi32> to vector<16xi32>
    %swap3A_1133 = arith.constant 32 : index
    %swap3A_1134 = tpu.vector_load %arg6[%swap3A_1133] {strides = array<i32>} : memref<80xi32, #tpu.memory_space<vmem>>, vector<16xi32>,
    %swap3A_1135 = vector.shape_cast %swap3A_1134 : vector<16xi32> to vector<16xi32>
    %swap3A_1136 = vector.shape_cast %get3A_1132 : vector<16xi32> to vector<16xi32>
    tpu.vector_store %arg6[%swap3A_1133], %swap3A_1136 {strides = array<i32>} : memref<80xi32, #tpu.memory_space<vmem>>, vector<16xi32>,
    %add3A_1137 = arith.constant 48 : i32
    %add3A_1138 = arith.addi %multiple_of3A_1110, %add3A_1137 : i32
    %get3A_1139 = arith.index_cast %add3A_1138 : i32 to index
    %get3A_1140 = tpu.vector_load %arg5[%get3A_1139] {strides = array<i32>} : memref<20000xi32, #tpu.memory_space<vmem>>, vector<16xi32>,
    %get3A_1141 = vector.shape_cast %get3A_1140 : vector<16xi32> to vector<16xi32>
    %swap3A_1142 = arith.constant 48 : index
    %swap3A_1143 = tpu.vector_load %arg6[%swap3A_1142] {strides = array<i32>} : memref<80xi32, #tpu.memory_space<vmem>>, vector<16xi32>,
    %swap3A_1144 = vector.shape_cast %swap3A_1143 : vector<16xi32> to vector<16xi32>
    %swap3A_1145 = vector.shape_cast %get3A_1141 : vector<16xi32> to vector<16xi32>
    tpu.vector_store %arg6[%swap3A_1142], %swap3A_1145 {strides = array<i32>} : memref<80xi32, #tpu.memory_space<vmem>>, vector<16xi32>,
    %add3A_1146 = arith.constant 64 : i32
    %add3A_1147 = arith.addi %multiple_of3A_1110, %add3A_1146 : i32
    %get3A_1148 = arith.index_cast %add3A_1147 : i32 to index
    %get3A_1149 = tpu.vector_load %arg5[%get3A_1148] {strides = array<i32>} : memref<20000xi32, #tpu.memory_space<vmem>>, vector<16xi32>,
    %get3A_1150 = vector.shape_cast %get3A_1149 : vector<16xi32> to vector<16xi32>
    %swap3A_1151 = arith.constant 64 : index
    %swap3A_1152 = tpu.vector_load %arg6[%swap3A_1151] {strides = array<i32>} : memref<80xi32, #tpu.memory_space<vmem>>, vector<16xi32>,
    %swap3A_1153 = vector.shape_cast %swap3A_1152 : vector<16xi32> to vector<16xi32>
    %swap3A_1154 = vector.shape_cast %get3A_1150 : vector<16xi32> to vector<16xi32>
    tpu.vector_store %arg6[%swap3A_1151], %swap3A_1154 {strides = array<i32>} : memref<80xi32, #tpu.memory_space<vmem>>, vector<16xi32>,
    %run_scoped3A = arith.constant 0 : i32
    "tpu.region"() ({
      %run_scoped3A_1223 = tpu.sem_alloc : memref<!tpu.dma_semaphore, #tpu.memory_space<semaphore_mem>>
      %dma_start3A_1224 = arith.constant 0 : i32
      %dma_start3A_1225 = arith.constant 0 : i32
      %dma_start3A_1226 = tpu.memref_slice %arg7[%run_scoped3A, %dma_start3A_1224, %dma_start3A_1225] : memref<3x80x128xf32, #tpu.memory_space<vmem>> -> memref<1x80x128xf32, #tpu.memory_space<vmem>>
      %dma_start3A_1227 = tpu.memref_squeeze %dma_start3A_1226 : memref<1x80x128xf32, #tpu.memory_space<vmem>> -> memref<80x128xf32, #tpu.memory_space<vmem>>
      %dma_start3A_1228 = arith.constant 0 : i32
      %dma_start3A_1229 = arith.constant 0 : i32
      %dma_start3A_1230 = tpu.memref_slice %arg8[%dma_start3A_1228, %dma_start3A_1229] : memref<10000x128xf32, #tpu.memory_space<vmem_shared>> -> memref<10000x128xf32, #tpu.memory_space<vmem_shared>>
      tpu.enqueue_indirect_dma source(%dma_start3A_1227 : memref<80x128xf32, #tpu.memory_space<vmem>>) target(%dma_start3A_1230 : memref<10000x128xf32, #tpu.memory_space<vmem_shared>>) offsets(%arg6 : memref<80xi32, #tpu.memory_space<vmem>>) semaphore(%run_scoped3A_1223 : memref<!tpu.dma_semaphore, #tpu.memory_space<semaphore_mem>>) {add = true}
      %dma_wait3A_1231 = arith.constant 0 : i32
      %dma_wait3A_1232 = arith.constant 0 : i32
      %dma_wait3A_1233 = tpu.memref_slice %arg7[%run_scoped3A, %dma_wait3A_1231, %dma_wait3A_1232] : memref<3x80x128xf32, #tpu.memory_space<vmem>> -> memref<1x80x128xf32, #tpu.memory_space<vmem>>
      %dma_wait3A_1234 = tpu.memref_squeeze %dma_wait3A_1233 : memref<1x80x128xf32, #tpu.memory_space<vmem>> -> memref<80x128xf32, #tpu.memory_space<vmem>>
      %dma_wait3A_1235 = arith.constant 0 : i32
      %dma_wait3A_1236 = arith.constant 0 : i32
      %dma_wait3A_1237 = tpu.memref_slice %arg8[%dma_wait3A_1235, %dma_wait3A_1236] : memref<10000x128xf32, #tpu.memory_space<vmem_shared>> -> memref<10000x128xf32, #tpu.memory_space<vmem_shared>>
      tpu.wait_indirect_dma semaphore(%run_scoped3A_1223 : memref<!tpu.dma_semaphore, #tpu.memory_space<semaphore_mem>>) src(%dma_wait3A_1234 : memref<80x128xf32, #tpu.memory_space<vmem>>) dst(%dma_wait3A_1237 : memref<10000x128xf32, #tpu.memory_space<vmem_shared>>)
      tpu.yield
    }) : () -> ()
    %multiple_of3A_1155 = arith.constant 0 : i32
    %multiple_of3A_1156 = tpu.assume_multiple %multiple_of3A_1155, 80 : i32
    %dma_wait3A_1157 = arith.constant 1 : i32
    %dma_wait3A_1158 = arith.constant 0 : i32
    %dma_wait3A_1159 = arith.constant 0 : i32
    %dma_wait3A_1160 = tpu.memref_slice %arg7[%dma_wait3A_1157, %dma_wait3A_1158, %dma_wait3A_1159] : memref<3x80x128xf32, #tpu.memory_space<vmem>> -> memref<1x80x128xf32, #tpu.memory_space<vmem>>
    %dma_wait3A_1161 = tpu.memref_squeeze %dma_wait3A_1160 : memref<1x80x128xf32, #tpu.memory_space<vmem>> -> memref<80x128xf32, #tpu.memory_space<vmem>>
    %dma_wait3A_1162 = tpu.memref_slice %arg5[%multiple_of3A_1156] : memref<20000xi32, #tpu.memory_space<vmem>> -> memref<80xi32, #tpu.memory_space<vmem>>
    %dma_wait3A_1163 = arith.constant 0 : i32
    %dma_wait3A_1164 = arith.constant 0 : i32
    %dma_wait3A_1165 = tpu.memref_slice %arg2[%dma_wait3A_1163, %dma_wait3A_1164] : memref<10000x128xf32, #tpu.memory_space<hbm>> -> memref<10000x128xf32, #tpu.memory_space<hbm>>
    tpu.wait_indirect_dma semaphore(%arg12 : memref<!tpu.dma_semaphore, #tpu.memory_space<semaphore_mem>>) src(%dma_wait3A_1165 : memref<10000x128xf32, #tpu.memory_space<hbm>>) dst(%dma_wait3A_1161 : memref<80x128xf32, #tpu.memory_space<vmem>>)
    %multiple_of3A_1166 = arith.constant 19920 : i32
    %multiple_of3A_1167 = tpu.assume_multiple %multiple_of3A_1166, 80 : i32
    %add3A_1168 = arith.constant 0 : i32
    %add3A_1169 = arith.addi %multiple_of3A_1167, %add3A_1168 : i32
    %get3A_1170 = arith.index_cast %add3A_1169 : i32 to index
    %get3A_1171 = tpu.vector_load %arg5[%get3A_1170] {strides = array<i32>} : memref<20000xi32, #tpu.memory_space<vmem>>, vector<16xi32>,
    %get3A_1172 = vector.shape_cast %get3A_1171 : vector<16xi32> to vector<16xi32>
    %swap3A_1173 = arith.constant 0 : index
    %swap3A_1174 = tpu.vector_load %arg6[%swap3A_1173] {strides = array<i32>} : memref<80xi32, #tpu.memory_space<vmem>>, vector<16xi32>,
    %swap3A_1175 = vector.shape_cast %swap3A_1174 : vector<16xi32> to vector<16xi32>
    %swap3A_1176 = vector.shape_cast %get3A_1172 : vector<16xi32> to vector<16xi32>
    tpu.vector_store %arg6[%swap3A_1173], %swap3A_1176 {strides = array<i32>} : memref<80xi32, #tpu.memory_space<vmem>>, vector<16xi32>,
    %add3A_1177 = arith.constant 16 : i32
    %add3A_1178 = arith.addi %multiple_of3A_1167, %add3A_1177 : i32
    %get3A_1179 = arith.index_cast %add3A_1178 : i32 to index
    %get3A_1180 = tpu.vector_load %arg5[%get3A_1179] {strides = array<i32>} : memref<20000xi32, #tpu.memory_space<vmem>>, vector<16xi32>,
    %get3A_1181 = vector.shape_cast %get3A_1180 : vector<16xi32> to vector<16xi32>
    %swap3A_1182 = arith.constant 16 : index
    %swap3A_1183 = tpu.vector_load %arg6[%swap3A_1182] {strides = array<i32>} : memref<80xi32, #tpu.memory_space<vmem>>, vector<16xi32>,
    %swap3A_1184 = vector.shape_cast %swap3A_1183 : vector<16xi32> to vector<16xi32>
    %swap3A_1185 = vector.shape_cast %get3A_1181 : vector<16xi32> to vector<16xi32>
    tpu.vector_store %arg6[%swap3A_1182], %swap3A_1185 {strides = array<i32>} : memref<80xi32, #tpu.memory_space<vmem>>, vector<16xi32>,
    %add3A_1186 = arith.constant 32 : i32
    %add3A_1187 = arith.addi %multiple_of3A_1167, %add3A_1186 : i32
    %get3A_1188 = arith.index_cast %add3A_1187 : i32 to index
    %get3A_1189 = tpu.vector_load %arg5[%get3A_1188] {strides = array<i32>} : memref<20000xi32, #tpu.memory_space<vmem>>, vector<16xi32>,
    %get3A_1190 = vector.shape_cast %get3A_1189 : vector<16xi32> to vector<16xi32>
    %swap3A_1191 = arith.constant 32 : index
    %swap3A_1192 = tpu.vector_load %arg6[%swap3A_1191] {strides = array<i32>} : memref<80xi32, #tpu.memory_space<vmem>>, vector<16xi32>,
    %swap3A_1193 = vector.shape_cast %swap3A_1192 : vector<16xi32> to vector<16xi32>
    %swap3A_1194 = vector.shape_cast %get3A_1190 : vector<16xi32> to vector<16xi32>
    tpu.vector_store %arg6[%swap3A_1191], %swap3A_1194 {strides = array<i32>} : memref<80xi32, #tpu.memory_space<vmem>>, vector<16xi32>,
    %add3A_1195 = arith.constant 48 : i32
    %add3A_1196 = arith.addi %multiple_of3A_1167, %add3A_1195 : i32
    %get3A_1197 = arith.index_cast %add3A_1196 : i32 to index
    %get3A_1198 = tpu.vector_load %arg5[%get3A_1197] {strides = array<i32>} : memref<20000xi32, #tpu.memory_space<vmem>>, vector<16xi32>,
    %get3A_1199 = vector.shape_cast %get3A_1198 : vector<16xi32> to vector<16xi32>
    %swap3A_1200 = arith.constant 48 : index
    %swap3A_1201 = tpu.vector_load %arg6[%swap3A_1200] {strides = array<i32>} : memref<80xi32, #tpu.memory_space<vmem>>, vector<16xi32>,
    %swap3A_1202 = vector.shape_cast %swap3A_1201 : vector<16xi32> to vector<16xi32>
    %swap3A_1203 = vector.shape_cast %get3A_1199 : vector<16xi32> to vector<16xi32>
    tpu.vector_store %arg6[%swap3A_1200], %swap3A_1203 {strides = array<i32>} : memref<80xi32, #tpu.memory_space<vmem>>, vector<16xi32>,
    %add3A_1204 = arith.constant 64 : i32
    %add3A_1205 = arith.addi %multiple_of3A_1167, %add3A_1204 : i32
    %get3A_1206 = arith.index_cast %add3A_1205 : i32 to index
    %get3A_1207 = tpu.vector_load %arg5[%get3A_1206] {strides = array<i32>} : memref<20000xi32, #tpu.memory_space<vmem>>, vector<16xi32>,
    %get3A_1208 = vector.shape_cast %get3A_1207 : vector<16xi32> to vector<16xi32>
    %swap3A_1209 = arith.constant 64 : index
    %swap3A_1210 = tpu.vector_load %arg6[%swap3A_1209] {strides = array<i32>} : memref<80xi32, #tpu.memory_space<vmem>>, vector<16xi32>,
    %swap3A_1211 = vector.shape_cast %swap3A_1210 : vector<16xi32> to vector<16xi32>
    %swap3A_1212 = vector.shape_cast %get3A_1208 : vector<16xi32> to vector<16xi32>
    tpu.vector_store %arg6[%swap3A_1209], %swap3A_1212 {strides = array<i32>} : memref<80xi32, #tpu.memory_space<vmem>>, vector<16xi32>,
    %run_scoped3A_1213 = arith.constant 1 : i32
    "tpu.region"() ({
      %run_scoped3A_1223 = tpu.sem_alloc : memref<!tpu.dma_semaphore, #tpu.memory_space<semaphore_mem>>
      %dma_start3A_1224 = arith.constant 0 : i32
      %dma_start3A_1225 = arith.constant 0 : i32
      %dma_start3A_1226 = tpu.memref_slice %arg7[%run_scoped3A_1213, %dma_start3A_1224, %dma_start3A_1225] : memref<3x80x128xf32, #tpu.memory_space<vmem>> -> memref<1x80x128xf32, #tpu.memory_space<vmem>>
      %dma_start3A_1227 = tpu.memref_squeeze %dma_start3A_1226 : memref<1x80x128xf32, #tpu.memory_space<vmem>> -> memref<80x128xf32, #tpu.memory_space<vmem>>
      %dma_start3A_1228 = arith.constant 0 : i32
      %dma_start3A_1229 = arith.constant 0 : i32
      %dma_start3A_1230 = tpu.memref_slice %arg8[%dma_start3A_1228, %dma_start3A_1229] : memref<10000x128xf32, #tpu.memory_space<vmem_shared>> -> memref<10000x128xf32, #tpu.memory_space<vmem_shared>>
      tpu.enqueue_indirect_dma source(%dma_start3A_1227 : memref<80x128xf32, #tpu.memory_space<vmem>>) target(%dma_start3A_1230 : memref<10000x128xf32, #tpu.memory_space<vmem_shared>>) offsets(%arg6 : memref<80xi32, #tpu.memory_space<vmem>>) semaphore(%run_scoped3A_1223 : memref<!tpu.dma_semaphore, #tpu.memory_space<semaphore_mem>>) {add = true}
      %dma_wait3A_1231 = arith.constant 0 : i32
      %dma_wait3A_1232 = arith.constant 0 : i32
      %dma_wait3A_1233 = tpu.memref_slice %arg7[%run_scoped3A_1213, %dma_wait3A_1231, %dma_wait3A_1232] : memref<3x80x128xf32, #tpu.memory_space<vmem>> -> memref<1x80x128xf32, #tpu.memory_space<vmem>>
      %dma_wait3A_1234 = tpu.memref_squeeze %dma_wait3A_1233 : memref<1x80x128xf32, #tpu.memory_space<vmem>> -> memref<80x128xf32, #tpu.memory_space<vmem>>
      %dma_wait3A_1235 = arith.constant 0 : i32
      %dma_wait3A_1236 = arith.constant 0 : i32
      %dma_wait3A_1237 = tpu.memref_slice %arg8[%dma_wait3A_1235, %dma_wait3A_1236] : memref<10000x128xf32, #tpu.memory_space<vmem_shared>> -> memref<10000x128xf32, #tpu.memory_space<vmem_shared>>
      tpu.wait_indirect_dma semaphore(%run_scoped3A_1223 : memref<!tpu.dma_semaphore, #tpu.memory_space<semaphore_mem>>) src(%dma_wait3A_1234 : memref<80x128xf32, #tpu.memory_space<vmem>>) dst(%dma_wait3A_1237 : memref<10000x128xf32, #tpu.memory_space<vmem_shared>>)
      tpu.yield
    }) : () -> ()
    %barrier3A_1214 = arith.constant 0 : index
    tpu.barrier barrier_id(%barrier3A_1214)
    %not3A_1215 = arith.constant true
    %not3A_1216 = arith.xori %eq3A_1, %not3A_1215 : i1
    %convert_element_type3A_1217 = arith.extui %not3A_1216 : i1 to i32
    %cond3A_1218 = arith.constant 0 : i32
    %cond3A_1219 = arith.cmpi ne, %convert_element_type3A_1217, %cond3A_1218 : i32
    scf.if %cond3A_1219 {
      "tpu.region"() ({
        %run_scoped3A_1223 = tpu.sem_alloc : memref<!tpu.dma_semaphore, #tpu.memory_space<semaphore_mem>>
        %dma_start3A_1224 = arith.constant 0 : i32
        %dma_start3A_1225 = tpu.memref_slice %arg4[%arg0, %mul3A_3, %dma_start3A_1224] : memref<2x10000x128xf32, #tpu.memory_space<hbm>> -> memref<1x624x128xf32, #tpu.memory_space<hbm>>
        %dma_start3A_1226 = tpu.memref_squeeze %dma_start3A_1225 : memref<1x624x128xf32, #tpu.memory_space<hbm>> -> memref<624x128xf32, #tpu.memory_space<hbm>>
        %dma_start3A_1227 = arith.constant 0 : i32
        %dma_start3A_1228 = tpu.memref_slice %arg8[%mul3A_3, %dma_start3A_1227] : memref<10000x128xf32, #tpu.memory_space<vmem_shared>> -> memref<624x128xf32, #tpu.memory_space<vmem_shared>>
        tpu.enqueue_dma source(%dma_start3A_1228 : memref<624x128xf32, #tpu.memory_space<vmem_shared>>) target(%dma_start3A_1226 : memref<624x128xf32, #tpu.memory_space<hbm>>) target_semaphore(%run_scoped3A_1223 : memref<!tpu.dma_semaphore, #tpu.memory_space<semaphore_mem>>)
        %dma_wait3A_1229 = arith.constant 0 : i32
        %dma_wait3A_1230 = tpu.memref_slice %arg4[%arg0, %mul3A_3, %dma_wait3A_1229] : memref<2x10000x128xf32, #tpu.memory_space<hbm>> -> memref<1x624x128xf32, #tpu.memory_space<hbm>>
        %dma_wait3A_1231 = tpu.memref_squeeze %dma_wait3A_1230 : memref<1x624x128xf32, #tpu.memory_space<hbm>> -> memref<624x128xf32, #tpu.memory_space<hbm>>
        %dma_wait3A_1232 = arith.constant 0 : i32
        %dma_wait3A_1233 = tpu.memref_slice %arg8[%mul3A_3, %dma_wait3A_1232] : memref<10000x128xf32, #tpu.memory_space<vmem_shared>> -> memref<624x128xf32, #tpu.memory_space<vmem_shared>>
        tpu.wait_dma2 semaphore(%run_scoped3A_1223 : memref<!tpu.dma_semaphore, #tpu.memory_space<semaphore_mem>>) src(%dma_wait3A_1233 : memref<624x128xf32, #tpu.memory_space<vmem_shared>>) dst(%dma_wait3A_1231 : memref<624x128xf32, #tpu.memory_space<hbm>>)
        tpu.yield
      }) : () -> ()
    } else {
    }
    %convert_element_type3A_1220 = arith.extui %eq3A_1 : i1 to i32
    %cond3A_1221 = arith.constant 0 : i32
    %cond3A_1222 = arith.cmpi ne, %convert_element_type3A_1220, %cond3A_1221 : i32
    scf.if %cond3A_1222 {
      "tpu.region"() ({
        %run_scoped3A_1223 = tpu.sem_alloc : memref<!tpu.dma_semaphore, #tpu.memory_space<semaphore_mem>>
        %dma_start3A_1224 = arith.constant 9360 : i32
        %dma_start3A_1225 = arith.constant 0 : i32
        %dma_start3A_1226 = tpu.memref_slice %arg4[%arg0, %dma_start3A_1224, %dma_start3A_1225] : memref<2x10000x128xf32, #tpu.memory_space<hbm>> -> memref<1x640x128xf32, #tpu.memory_space<hbm>>
        %dma_start3A_1227 = tpu.memref_squeeze %dma_start3A_1226 : memref<1x640x128xf32, #tpu.memory_space<hbm>> -> memref<640x128xf32, #tpu.memory_space<hbm>>
        %dma_start3A_1228 = arith.constant 9360 : i32
        %dma_start3A_1229 = arith.constant 0 : i32
        %dma_start3A_1230 = tpu.memref_slice %arg8[%dma_start3A_1228, %dma_start3A_1229] : memref<10000x128xf32, #tpu.memory_space<vmem_shared>> -> memref<640x128xf32, #tpu.memory_space<vmem_shared>>
        tpu.enqueue_dma source(%dma_start3A_1230 : memref<640x128xf32, #tpu.memory_space<vmem_shared>>) target(%dma_start3A_1227 : memref<640x128xf32, #tpu.memory_space<hbm>>) target_semaphore(%run_scoped3A_1223 : memref<!tpu.dma_semaphore, #tpu.memory_space<semaphore_mem>>)
        %dma_wait3A_1231 = arith.constant 9360 : i32
        %dma_wait3A_1232 = arith.constant 0 : i32
        %dma_wait3A_1233 = tpu.memref_slice %arg4[%arg0, %dma_wait3A_1231, %dma_wait3A_1232] : memref<2x10000x128xf32, #tpu.memory_space<hbm>> -> memref<1x640x128xf32, #tpu.memory_space<hbm>>
        %dma_wait3A_1234 = tpu.memref_squeeze %dma_wait3A_1233 : memref<1x640x128xf32, #tpu.memory_space<hbm>> -> memref<640x128xf32, #tpu.memory_space<hbm>>
        %dma_wait3A_1235 = arith.constant 9360 : i32
        %dma_wait3A_1236 = arith.constant 0 : i32
        %dma_wait3A_1237 = tpu.memref_slice %arg8[%dma_wait3A_1235, %dma_wait3A_1236] : memref<10000x128xf32, #tpu.memory_space<vmem_shared>> -> memref<640x128xf32, #tpu.memory_space<vmem_shared>>
        tpu.wait_dma2 semaphore(%run_scoped3A_1223 : memref<!tpu.dma_semaphore, #tpu.memory_space<semaphore_mem>>) src(%dma_wait3A_1237 : memref<640x128xf32, #tpu.memory_space<vmem_shared>>) dst(%dma_wait3A_1234 : memref<640x128xf32, #tpu.memory_space<hbm>>)
        tpu.yield
      }) : () -> ()
    } else {
    }
    return
  }
}

module attributes {stable_mosaic.version = 14 : i64} {
  func.func @_mlp_body(%arg0: i32, %arg1: memref<2x2000x128xf32, #tpu.memory_space<vmem>>, %arg2: memref<128x128xf32, #tpu.memory_space<vmem>>, %arg3: memref<1x128xf32, #tpu.memory_space<vmem>>, %arg4: memref<128x128xf32, #tpu.memory_space<vmem>>, %arg5: memref<1x128xf32, #tpu.memory_space<vmem>>, %arg6: memref<2000x128xf32, #tpu.memory_space<vmem>>) attributes {dimension_semantics = [#tpu.dimension_semantics<arbitrary>], iteration_bounds = array<i64: 5>, scalar_prefetch = 0 : i64, scratch_operands = 0 : i64, tpu.core_type = #tpu.core_type<tc>, window_params = [{transform_indices = @transform_0, window_bounds = array<i64: 2, 2000, 128>}, {pipeline_mode = #tpu.pipeline_mode<synchronous>, transform_indices = @transform_1, window_bounds = array<i64: 128, 128>}, {pipeline_mode = #tpu.pipeline_mode<synchronous>, transform_indices = @transform_2, window_bounds = array<i64: 1, 128>}, {pipeline_mode = #tpu.pipeline_mode<synchronous>, transform_indices = @transform_3, window_bounds = array<i64: 128, 128>}, {pipeline_mode = #tpu.pipeline_mode<synchronous>, transform_indices = @transform_4, window_bounds = array<i64: 1, 128>}, {transform_indices = @transform_5, window_bounds = array<i64: 2000, 128>}]} {
    %get3A = arith.constant 0 : index
    %get3A_0 = arith.constant 0 : index
    %get3A_1 = arith.constant 0 : index
    %get3A_2 = vector.load %arg1[%get3A, %get3A_0, %get3A_1] : memref<2x2000x128xf32, #tpu.memory_space<vmem>>, vector<1x2000x128xf32>
    %get3A_3 = vector.shape_cast %get3A_2 : vector<1x2000x128xf32> to vector<2000x128xf32>
    %get3A_4 = arith.constant 1 : index
    %get3A_5 = arith.constant 0 : index
    %get3A_6 = arith.constant 0 : index
    %get3A_7 = vector.load %arg1[%get3A_4, %get3A_5, %get3A_6] : memref<2x2000x128xf32, #tpu.memory_space<vmem>>, vector<1x2000x128xf32>
    %get3A_8 = vector.shape_cast %get3A_7 : vector<1x2000x128xf32> to vector<2000x128xf32>
    %add3A = arith.addf %get3A_3, %get3A_8 : vector<2000x128xf32>
    %get3A_9 = arith.constant 0 : index
    %get3A_10 = arith.constant 0 : index
    %get3A_11 = vector.load %arg2[%get3A_9, %get3A_10] : memref<128x128xf32, #tpu.memory_space<vmem>>, vector<128x128xf32>
    %dot_general3A = arith.constant dense<0.000000e+00> : vector<2000x128xf32>
    %dot_general3A_12 = tpu.matmul %add3A, %get3A_11, %dot_general3A {dimension_numbers = #tpu.dot_dimension_numbers<[1], [0], [0], [1], [0, 0, 1, 1], [], []>, transpose_lhs_hint = false} : vector<2000x128xf32>, vector<128x128xf32>, vector<2000x128xf32> -> vector<2000x128xf32>
    %get3A_13 = arith.constant 0 : index
    %get3A_14 = arith.constant 0 : index
    %get3A_15 = vector.load %arg3[%get3A_13, %get3A_14] : memref<1x128xf32, #tpu.memory_space<vmem>>, vector<1x128xf32>
    %add3A_16 = vector.broadcast %get3A_15 : vector<1x128xf32> to vector<2000x128xf32>
    %add3A_17 = arith.addf %dot_general3A_12, %add3A_16 : vector<2000x128xf32>
    %mul3A = arith.constant 0.00999999977 : f32
    %mul3A_18 = vector.broadcast %mul3A : f32 to vector<2000x128xf32>
    %mul3A_19 = arith.mulf %mul3A_18, %add3A_17 : vector<2000x128xf32>
    %max3A = arith.maximumf %add3A_17, %mul3A_19 : vector<2000x128xf32>
    %get3A_20 = arith.constant 0 : index
    %get3A_21 = arith.constant 0 : index
    %get3A_22 = vector.load %arg4[%get3A_20, %get3A_21] : memref<128x128xf32, #tpu.memory_space<vmem>>, vector<128x128xf32>
    %dot_general3A_23 = arith.constant dense<0.000000e+00> : vector<2000x128xf32>
    %dot_general3A_24 = tpu.matmul %max3A, %get3A_22, %dot_general3A_23 {dimension_numbers = #tpu.dot_dimension_numbers<[1], [0], [0], [1], [0, 0, 1, 1], [], []>, transpose_lhs_hint = false} : vector<2000x128xf32>, vector<128x128xf32>, vector<2000x128xf32> -> vector<2000x128xf32>
    %get3A_25 = arith.constant 0 : index
    %get3A_26 = arith.constant 0 : index
    %get3A_27 = vector.load %arg5[%get3A_25, %get3A_26] : memref<1x128xf32, #tpu.memory_space<vmem>>, vector<1x128xf32>
    %add3A_28 = vector.broadcast %get3A_27 : vector<1x128xf32> to vector<2000x128xf32>
    %add3A_29 = arith.addf %dot_general3A_24, %add3A_28 : vector<2000x128xf32>
    %mul3A_30 = arith.constant 0.00999999977 : f32
    %mul3A_31 = vector.broadcast %mul3A_30 : f32 to vector<2000x128xf32>
    %mul3A_32 = arith.mulf %mul3A_31, %add3A_29 : vector<2000x128xf32>
    %max3A_33 = arith.maximumf %add3A_29, %mul3A_32 : vector<2000x128xf32>
    %swap3A = arith.constant 0 : index
    %swap3A_34 = arith.constant 0 : index
    %swap3A_35 = vector.load %arg6[%swap3A, %swap3A_34] : memref<2000x128xf32, #tpu.memory_space<vmem>>, vector<2000x128xf32>
    tpu.vector_store %arg6[%swap3A, %swap3A_34], %max3A_33 {strides = array<i32>} : memref<2000x128xf32, #tpu.memory_space<vmem>>, vector<2000x128xf32>,
    return
  }
  func.func @transform_0(%arg0: i32) -> (i32, i32, i32) {
    %c0_i32 = arith.constant 0 : i32
    %c0_i32_0 = arith.constant 0 : i32
    %c0_i32_1 = arith.constant 0 : i32
    return %c0_i32, %arg0, %c0_i32_0 : i32, i32, i32
  }
  func.func @transform_1(%arg0: i32) -> (i32, i32) {
    %c0_i32 = arith.constant 0 : i32
    %c0_i32_0 = arith.constant 0 : i32
    %c0_i32_1 = arith.constant 0 : i32
    return %c0_i32, %c0_i32_0 : i32, i32
  }
  func.func @transform_2(%arg0: i32) -> (i32, i32) {
    %c0_i32 = arith.constant 0 : i32
    %c0_i32_0 = arith.constant 0 : i32
    %c0_i32_1 = arith.constant 0 : i32
    return %c0_i32, %c0_i32_0 : i32, i32
  }
  func.func @transform_3(%arg0: i32) -> (i32, i32) {
    %c0_i32 = arith.constant 0 : i32
    %c0_i32_0 = arith.constant 0 : i32
    %c0_i32_1 = arith.constant 0 : i32
    return %c0_i32, %c0_i32_0 : i32, i32
  }
  func.func @transform_4(%arg0: i32) -> (i32, i32) {
    %c0_i32 = arith.constant 0 : i32
    %c0_i32_0 = arith.constant 0 : i32
    %c0_i32_1 = arith.constant 0 : i32
    return %c0_i32, %c0_i32_0 : i32, i32
  }
  func.func @transform_5(%arg0: i32) -> (i32, i32) {
    %c0_i32 = arith.constant 0 : i32
    %c0_i32_0 = arith.constant 0 : i32
    return %arg0, %c0_i32 : i32, i32
  }
}

</mosaic_0001>

<sc_bundles>
// kernel: kernel.4.cloned.1.call-start
scs
__scs_entry_jumppad:
0x0: {  	(pc) =	sbr.rel $0x88, $3  }
0x1: {  	(tag) =	ssettag $0x0;
	lr =	simm.s32 $0x1  }
0x2: {  	[smem:$0x3F9B] =	sst lr;
	_ =	strace $0xD0000000  }
0x3: {  	_ = 	snop  }
0x4: {  	_ = 	snop  }
0x5: {  	_ = 	snop  }
0x6: {  	_ = 	snop  }
0x7: {  	_ = 	snop  }
__scs_overlays_trampoline_lowered:
0x8: {  	[smem:$0x3FAA] =	sst s0  }
0x9: {  	[smem:$0x3FAB] =	sst s1  }
0xa: {  	[smem:$0x3FAC] =	sst s2  }
0xb: {  	[smem:$0x3FAD] =	sst s3  }
0xc: {  	[smem:$0x3FAE] =	sst s4  }
0xd: {  	[smem:$0x3FAF] =	sst s5  }
0xe: {  	[smem:$0x3FB0] =	sst s6  }
0xf: {  	[smem:$0x3FB1] =	sst s7  }
0x10: {  	[smem:$0x3FB2] =	sst s8  }
0x11: {  	[smem:$0x3FB3] =	sst s9;
	s0 =	simm.s32 @!p0 $0x0  }
0x12: {  	s1 =	sld [smem:$0x3F99];
	s0 =	simm.s32 @p0 $0x1  }
0x13: {  	[smem:$0x3FB4] =	sst s0;
	s0 =	simm.s32 @!p1 $0x0  }
0x14: {  	s2 =	sld [smem:$0x3F98];
	s0 =	simm.s32 @p1 $0x1  }
0x15: {  	[smem:$0x3FB5] =	sst s0;
	s0 =	simm.s32 @!p2 $0x0  }
0x16: {  	s3 =	sld [smem:$0x3FDB];
	s0 =	simm.s32 @p2 $0x1  }
0x17: {  	s4 =	simm.s32 $0x1BF5;
	[smem:$0x3FB7] =	sst s0  }
0x18: {  	s0 =	sld [smem:$0x3F9A];
	_ =	swait.ge [sflag:s4], $0x0  }
0x19: {  	s7 =	sld [smem:$0x3F9B]  }
0x1a: {  	s8 =	sadd.s32 $0xFFFFE003, lr  }
0x1b: {  	s9 =	sadd.s32 $0xFFFFFEF7, lr;
	s5 =	simm.s32 $0xFFFFFFFF;
	p2 =	slt.u32 s8, $0xFFFFF086  }
0x1c: {  	p1 =	slt.u32 s9, $0xF7A;
	s5 =	simm.s32 @!p2 $0x0  }
0x1d: {  	s5 =	simm.s32 @p1 $0x1;
	p0 =	seq.s32 s7, s2  }
0x1e: {  	s7 =	smul.u32 @!p0 $0xF7A, s2;
	p2 =	seq.s32 @!p0 s5, $0x0  }
0x1f: {  	s9 =	smul.u32 $0xF7A, s1;
	s8 =	simm.s32 @!p0 $0x1BF5;
	p2 =	por !p2, p0  }
0x20: {  	[sflag:s8] =	ssyncset.s32 @!p0 $0xFFFFF086;
	s6 =	sadd.s32 @!p0 s3, s7;
	s7 =	simm.s32 @!p0 $0x108  }
0x21: {  	s3 =	sadd.s32 s3, s9;
	s6 =	sadd.s32 @!p0 $0x88, s6;
	s7 =	simm.s32 @p2 $0x1082  }
0x22: {  	[simem:s7], [sflag:s8] =	dma.local @!p0 [hbm:s6], $0xF7A  }
0x23: {  	s9 =	sor.u32 $0xD0000000, s2;
	s6 =	simm.s32 $0x108;
	_ =	swait.ge @!p0 [sflag:s8], $0x0  }
0x24: {  	s3 =	sadd.s32 $0x88, s3;
	s6 =	simm.s32 @!p1 $0x1082;
	[sflag:s4] =	ssyncset.s32 $0xFFFFF086  }
0x25: {  	[simem:s6], [sflag:s4] =	dma.local [hbm:s3], $0xF7A  }
0x26: {  	[smem:$0x3F9B] =	sst s1;
	(tag) =	ssettag s2;
	_ =	strace s9  }
0x27: {  	s1 =	sld [smem:$0x3FAB]  }
0x28: {  	s2 =	sld [smem:$0x3FAC]  }
0x29: {  	s4 =	sld [smem:$0x3FAE]  }
0x2a: {  	p0 =	seq.s32 s5, $0x0;
	s5 =	sld [smem:$0x3FAF]  }
0x2b: {  	s6 =	sld [smem:$0x3FB0]  }
0x2c: {  	s7 =	sld [smem:$0x3FB1]  }
0x2d: {  	s3 =	simm.s32 $0x108;
	s8 =	sld [smem:$0x3FB2]  }
0x2e: {  	s3 =	simm.s32 @!p0 $0x1082;
	s9 =	sld [smem:$0x3FB3]  }
0x2f: {  	lr =	sadd.s32 s0, s3;
	s0 =	sld [smem:$0x3FAA]  }
0x30: {  	s3 =	sld [smem:$0x3FAD]  }
0x31: {  	[smem:$0x3FB6] =	sst s10  }
0x32: {  	s10 =	sld [smem:$0x3FB4];
	_ =	sdelay $0x3  }
0x33: {  	p0 =	seq.s32 s10, $0x1;
	s10 =	sld [smem:$0x3FB6];
	_ =	sdelay $0x3  }
0x34: {  	[smem:$0x3FB6] =	sst s10  }
0x35: {  	s10 =	sld [smem:$0x3FB5];
	_ =	sdelay $0x3  }
0x36: {  	p1 =	seq.s32 s10, $0x1;
	s10 =	sld [smem:$0x3FB6];
	_ =	sdelay $0x3  }
0x37: {  	[smem:$0x3FB6] =	sst s10  }
0x38: {  	s10 =	sld [smem:$0x3FB7]  }
0x39: {  	_ = 	snop;
	(pc) =	sbr.ind lr, $3  }
0x3a: {  	_ = 	snop  }
0x3b: {  	_ = 	snop  }
0x3c: {  	p2 =	seq.s32 s10, $0x1;
	s10 =	sld [smem:$0x3FB6]  }
0x3d: {  	_ =	shalt  }
0x3e: {  	_ =	shalt  }
0x3f: {  	_ =	shalt  }
0x40: {  	_ =	shalt  }
0x41: {  	_ =	shalt  }
0x42: {  	_ =	shalt  }
0x43: {  	_ =	shalt  }
0x44: {  	_ =	shalt  }
0x45: {  	_ =	shalt  }
0x46: {  	_ =	shalt  }
0x47: {  	_ =	shalt  }
0x48: {  	_ =	shalt  }
0x49: {  	_ =	shalt  }
0x4a: {  	_ =	shalt  }
0x4b: {  	_ =	shalt  }
0x4c: {  	_ =	shalt  }
0x4d: {  	_ =	shalt  }
0x4e: {  	_ =	shalt  }
0x4f: {  	_ =	shalt  }
0x50: {  	_ =	shalt  }
0x51: {  	_ =	shalt  }
0x52: {  	_ =	shalt  }
0x53: {  	_ =	shalt  }
0x54: {  	_ =	shalt  }
0x55: {  	_ =	shalt  }
0x56: {  	_ =	shalt  }
0x57: {  	_ =	shalt  }
0x58: {  	_ =	shalt  }
0x59: {  	_ =	shalt  }
0x5a: {  	_ =	shalt  }
0x5b: {  	_ =	shalt  }
0x5c: {  	_ =	shalt  }
0x5d: {  	_ =	shalt  }
0x5e: {  	_ =	shalt  }
0x5f: {  	_ =	shalt  }
0x60: {  	_ =	shalt  }
0x61: {  	_ =	shalt  }
0x62: {  	_ =	shalt  }
0x63: {  	_ =	shalt  }
0x64: {  	_ =	shalt  }
0x65: {  	_ =	shalt  }
0x66: {  	_ =	shalt  }
0x67: {  	_ =	shalt  }
0x68: {  	_ =	shalt  }
0x69: {  	_ =	shalt  }
0x6a: {  	_ =	shalt  }
0x6b: {  	_ =	shalt  }
0x6c: {  	_ =	shalt  }
0x6d: {  	_ =	shalt  }
0x6e: {  	_ =	shalt  }
0x6f: {  	_ =	shalt  }
0x70: {  	_ =	shalt  }
0x71: {  	_ =	shalt  }
0x72: {  	_ =	shalt  }
0x73: {  	_ =	shalt  }
0x74: {  	_ =	shalt  }
0x75: {  	_ =	shalt  }
0x76: {  	_ =	shalt  }
0x77: {  	_ =	shalt  }
0x78: {  	_ =	shalt  }
0x79: {  	_ =	shalt  }
0x7a: {  	_ =	shalt  }
0x7b: {  	_ =	shalt  }
0x7c: {  	_ =	shalt  }
0x7d: {  	_ =	shalt  }
0x7e: {  	_ =	shalt  }
0x7f: {  	_ =	shalt  }
0x80: {  	_ =	shalt  }
0x81: {  	_ =	shalt  }
0x82: {  	_ =	shalt  }
0x83: {  	_ =	shalt  }
0x84: {  	_ =	shalt  }
0x85: {  	_ =	shalt  }
0x86: {  	_ =	shalt  }
0x87: {  	_ =	shalt  }
.Lfunc_end0:
.L_simem_size_0:
called_computation_lowered:
.L_overlay_start_0:
0x88: {  	s2 =	sld [smem:$0x3FD9]  }
0x89: {  	s3 =	sld [smem:$0x3FFE];
	_ =	sdelay $0x1  }
0x8a: {  	s1 =	srdreg.scid  }
0x8b: {  	s0 =	sand.u32 $0x1, s1  }
0x8c: {  	s17 =	sshll.u32 s0, $0xA;
	s2 =	sadd.s32 s3, s2  }
0x8d: {  	s2 =	sadd.s32 s2, s17  }
0x8e: {  	[smem:$0x3FC2] =	sst s2  }
0x8f: {  	_ = 	snop  }
0x90: {  	s2 =	sld [smem:$0x3FC9]  }
0x91: {  	s18 =	sld [smem:$0x3FD0];
	(tm) =	ssettm $0x1  }
0x92: {  	s4 =	sld [smem:$0x3FFB];
	_ =	sdelay $0x3  }
0x93: {  	_ =	strace s4  }
0x94: {  	s4 =	sld [smem:$0x3FFC];
	_ =	sdelay $0x3  }
0x95: {  	_ =	strace s4  }
0x96: {  	s4 =	sld [smem:$0x3FFD];
	_ =	sdelay $0x3  }
0x97: {  	_ =	strace s4  }
0x98: {  	_ =	strace $0x8FFFFFFF  }
0x99: {  	s19 =	sld [smem:$0x3FDB];
	_ =	sdelay $0x1  }
0x9a: {  	s5 =	simm.s32 $_scs_section_size  }
0x9b: {  	s6 =	simm.s32 $_size__tile_overlayer_lowered;
	s7 =	simm.s32 $_tile_overlayer_lowered  }
0x9c: {  	s22 =	simm.s32 $0x1BFF;
	s21 =	sshll.u32 s7, $0x1;
	s4 =	sadd.s32 s5, s19  }
0x9d: {  	s8 =	simm.s32 $0x0;
	s20 =	sshll.u32 s6, $0x1;
	s6 =	sadd.s32 s21, s4  }
0x9e: {  	[timem:s8], [sflag:s22] =	dma.local [hbm:s6], s20  }
0x9f: {  	_ =	swait.ge [sflag:s22], s20  }
0xa0: {  	s5 =	ssub.s32 $0x0, s20;
	[sflag:s22] =	ssyncset.done $0x0  }
0xa1: {  	[sflag:s22] =	ssyncadd.s32 s5;
	_ =	sdelay $0x1  }
0xa2: {  	s23 =	simm.s32 $0x1B8B  }
0xa3: {  	_ =	swait.ge [sflag:s23], $0x1  }
0xa4: {  	[sflag:s23] =	ssyncset.done $0x0  }
0xa5: {  	s25 =	simm.s32 $0x1B8E;
	s24 =	sld [smem:$0x3FFE];
	[sflag:s23] =	ssyncadd.s32 $0xFFFFFFFF  }
0xa6: {  	s26 =	simm.s32 $execute0_lowered;
	[smem:$0x3FD2] =	sst s25  }
0xa7: {  	s6 =	sshll.u32 s26, $0x1;
	_ =	strace $0x80000046;
	[dreg:$0x1] =	wrdreg $0xFFFFFFFF  }
0xa8: {  	s28 =	simm.s32 $_size_execute0_lowered;
	s4 =	sadd.s32 s4, s6;
	[dreg:$0x0] =	wrdreg $0x0  }
0xa9: {  	s6 =	sshll.u32 s28, $0x1;
	[dreg:$0x2] =	wrdreg s4  }
0xaa: {  	[dreg:$0x3] =	wrdreg s6  }
0xab: {  	[dreg:$0x4] =	wrdreg $0xC0  }
0xac: {  	_ =	task [dreg:s8], $0x5FFFF  }
0xad: {  	[dreg:$0x1] =	wrdreg $0xFFFFFFFF  }
0xae: {  	[dreg:$0x0] =	wrdreg $0x60  }
0xaf: {  	[dreg:$0x2] =	wrdreg s2  }
0xb0: {  	[dreg:$0x3] =	wrdreg s18  }
0xb1: {  	[dreg:$0x4] =	wrdreg s24  }
0xb2: {  	[dreg:$0x5] =	wrdreg $0xC7000  }
0xb3: {  	[dreg:$0x6] =	wrdreg $0x9  }
0xb4: {  	_ =	task.clear_ibuf [dreg:s8], $0x7FFFF;
	_ =	strace $0x90000046  }
0xb5: {  	s29 =	simm.s32 $0x9;
	_ =	strace $0x80000048  }
0xb6: {  	_ =	swait.ge [sflag:s29], $0x1  }
0xb7: {  	[sflag:s29] =	ssyncadd.s32 $0xFFFFFFFF  }
0xb8: {  	_ =	strace $0x90000048  }
0xb9: {  	_ =	sfence  }
0xba: {  	s30 =	sld [smem:$0x0];
	_ =	sdelay $0x2  }
0xbb: {  	s31 =	sshll.u32 s1, $0xD;
	s1 =	sshrl.u32 s1, $0x2  }
0xbc: {  	s3 =	sand.u32 $0x4000, s31;
	s1 =	sadd.s32 s1, s30  }
0xbd: {  	s0 =	sor.u32 s3, s0;
	s1 =	sshll.u32 s1, $0x11  }
0xbe: {  	s0 =	sor.u32 s1, s0  }
0xbf: {  	s0 =	sadd.s32 $0x8F2B, s0  }
0xc0: {  	[sflag:s0] =	ssyncadd.remote.s32 $0x1  }
0xc1: {  	_ =	sfence.sel $0xFFFF  }
0xc2: {  	[dreg:$0x0] =	wrdreg $0xFFFFFFFF;
	(pc) =	sbr.abs _section_cstart, $3  }
0xc3: {  	[dreg:$0x1] =	wrdreg $0xFFFFFFFF  }
0xc4: {  	_ =	task.clear_ibuf [dreg:s8], $0x2FFFF;
	_ =	strace $0x9FFFFFFF  }
0xc5: {  	(tm) =	ssettm $0x7FFFFFFF  }
tec
execute0_lowered:
.L_overlay_start_1:
0x0: {  	(tag) =	ssettag $0x1  }
0x1: {  	s1 =	rddreg [dreg:$0x0]  }
0x2: {  	s4 =	srdreg.scid;
	s0 =	stileid.u32  }
0x3: {  	s2 =	rddreg [dreg:$0x1];
	s8 =	sand.u32 $0x1, s4;
	s10 =	smul.u32 $0x4E000, s0  }
0x4: {  	s5 =	rddreg [dreg:$0x2];
	s7 =	ssub.s32 $0x2, s8  }
0x5: {  	s3 =	rddreg [dreg:$0x3];
	s24 =	sshrl.u32 s7, $0x1;
	s26 =	sshrl.u32 s10, $0x2  }
0x6: {  	s4 =	simm.s32 $0x0;
	s11 =	ssub.s32 s7, s24;
	s7 =	sadd.s32 s26, s3  }
0x7: {  	[smem:$0x7FF] =	sst s4;
	s10 =	sadd.s32 $0x800, s7  }
0x8: {  	_ =	strace $0x80000047;
	s12 =	sadd.s32 $0x1000, s7;
	[dreg:$0x6] =	wrdreg s10  }
0x9: {  	s13 =	sadd.s32 $0x2000, s7;
	[dreg:$0x7] =	wrdreg s12  }
0xa: {  	s6 =	sshll.u32 s0, $0x1;
	s14 =	sadd.s32 $0x2800, s7;
	[dreg:$0x8] =	wrdreg s13  }
0xb: {  	s9 =	sadd.s32 $0xE00, s5;
	s15 =	sadd.s32 $0x3000, s7;
	[dreg:$0x9] =	wrdreg s14  }
0xc: {  	s25 =	smul.u32 $0x2700, s0;
	s17 =	sadd.s32 $0x3800, s7;
	[dreg:$0xa] =	wrdreg s15  }
0xd: {  	s19 =	smul.u32 $0x13800, s0;
	s18 =	sadd.s32 $0x4000, s7;
	[dreg:$0xb] =	wrdreg s17  }
0xe: {  	s6 =	sor.u32 s8, s6;
	s20 =	sadd.s32 $0x4800, s7;
	[dreg:$0xc] =	wrdreg s18  }
0xf: {  	p0 =	seq.s32 s8, $0x1;
	s21 =	sadd.s32 $0x5000, s7;
	[dreg:$0xd] =	wrdreg s20  }
0x10: {  	s16 =	smul.u32 $0x138800, s8;
	s22 =	sadd.s32 $0x6000, s7;
	[dreg:$0xe] =	wrdreg s21  }
0x11: {  	s6 =	smul.u32 $0x2710, s6;
	s24 =	sadd.s32 $0x7000, s7;
	[dreg:$0xf] =	wrdreg s22  }
0x12: {  	s8 =	sadd.s32 s19, s16;
	s26 =	sadd.s32 $0x8000, s7;
	[dreg:$0x11] =	wrdreg s24  }
0x13: {  	s23 =	sshrl.u32 s6, $0x3;
	s19 =	sadd.s32 $0xF000, s7;
	[dreg:$0x13] =	wrdreg s26  }
0x14: {  	s5 =	sadd.s32 s2, s23;
	s2 =	sadd.s32 s1, s25;
	[dreg:$0x1f] =	wrdreg s19  }
0x15: {  	s23 =	sadd.s32 $0x6800, s7;
	[dreg:$0x5] =	wrdreg s2  }
0x16: {  	s8 =	sshrl.u32 s8, $0x3;
	s25 =	sadd.s32 $0x7800, s7;
	[dreg:$0x10] =	wrdreg s23  }
0x17: {  	s22 =	sadd.s32 s9, s8;
	s8 =	sadd.s32 $0x8800, s7;
	[dreg:$0x12] =	wrdreg s25  }
0x18: {  	s10 =	sadd.s32 $0xA000, s7;
	[dreg:$0x14] =	wrdreg s8  }
0x19: {  	s12 =	sadd.s32 $0xB000, s7;
	[dreg:$0x16] =	wrdreg s10  }
0x1a: {  	s13 =	sadd.s32 $0xB800, s7;
	[dreg:$0x18] =	wrdreg s12  }
0x1b: {  	s14 =	sadd.s32 $0xC000, s7;
	[dreg:$0x19] =	wrdreg s13  }
0x1c: {  	s15 =	sadd.s32 $0xC800, s7;
	[dreg:$0x1a] =	wrdreg s14  }
0x1d: {  	s17 =	sadd.s32 $0xE000, s7;
	[dreg:$0x1b] =	wrdreg s15  }
0x1e: {  	s18 =	sadd.s32 $0xE800, s7;
	[dreg:$0x1d] =	wrdreg s17  }
0x1f: {  	s20 =	sadd.s32 $0xF800, s7;
	[dreg:$0x1e] =	wrdreg s18  }
0x20: {  	s21 =	sadd.s32 $0x10000, s7;
	[smem:$0x7CD] =	sst s20  }
0x21: {  	s26 =	sadd.s32 $0x11000, s7;
	[smem:$0x7CE] =	sst s21  }
0x22: {  	s19 =	sadd.s32 $0x128000, s3;
	[smem:$0x7D0] =	sst s26  }
0x23: {  	s25 =	smax.u32 s11, $0x1;
	s11 =	sadd.s32 $0xA800, s7;
	[smem:$0x7DC] =	sst s19  }
0x24: {  	s2 =	sshrl.u32 s16, $0x3;
	s16 =	sadd.s32 $0xD000, s7;
	[dreg:$0x17] =	wrdreg s11  }
0x25: {  	s23 =	sadd.s32 $0x10800, s7;
	[dreg:$0x1c] =	wrdreg s16  }
0x26: {  	s8 =	sadd.s32 $0x11800, s7;
	[smem:$0x7CF] =	sst s23  }
0x27: {  	s10 =	sadd.s32 $0x12800, s7;
	[smem:$0x7D1] =	sst s8  }
0x28: {  	s12 =	sadd.s32 $0x24900, s1;
	[smem:$0x7D3] =	sst s10  }
0x29: {  	s13 =	sadd.s32 $0x125800, s3;
	[smem:$0x7D5] =	sst s12  }
0x2a: {  	s14 =	sadd.s32 $0x125000, s3;
	[smem:$0x7D6] =	sst s13  }
0x2b: {  	s15 =	sadd.s32 $0x126000, s3;
	[smem:$0x7D7] =	sst s14  }
0x2c: {  	s17 =	sadd.s32 $0x127000, s3;
	[smem:$0x7D8] =	sst s15  }
0x2d: {  	s18 =	sadd.s32 $0x127800, s3;
	[smem:$0x7DA] =	sst s17  }
0x2e: {  	s20 =	sadd.s32 $0x9800, s7;
	[smem:$0x7DB] =	sst s18  }
0x2f: {  	s26 =	sadd.s32 $0x129800, s3;
	[smem:$0x7DD] =	sst s20  }
0x30: {  	s19 =	sadd.s32 $0x12E800, s3;
	[smem:$0x7DF] =	sst s26  }
0x31: {  	s2 =	sadd.s32 s9, s2;
	s9 =	sadd.s32 $0x9000, s7;
	[smem:$0x7EB] =	sst s19  }
0x32: {  	s11 =	sadd.s32 $0x13000, s7;
	[dreg:$0x15] =	wrdreg s9  }
0x33: {  	s16 =	sadd.s32 $0x126800, s3;
	[smem:$0x7D4] =	sst s11  }
0x34: {  	s23 =	sadd.s32 $0x128800, s3;
	[smem:$0x7D9] =	sst s16  }
0x35: {  	s8 =	sadd.s32 $0x129000, s3;
	[smem:$0x7DE] =	sst s23  }
0x36: {  	s10 =	sadd.s32 $0x12A800, s3;
	[smem:$0x7E0] =	sst s8  }
0x37: {  	s12 =	sadd.s32 $0x12B800, s3;
	[smem:$0x7E2] =	sst s10  }
0x38: {  	s13 =	sadd.s32 $0x12C000, s3;
	[smem:$0x7E4] =	sst s12  }
0x39: {  	s14 =	sadd.s32 $0xD800, s7;
	[smem:$0x7E5] =	sst s13  }
0x3a: {  	s15 =	sadd.s32 $0x12C800, s3;
	[smem:$0x7E6] =	sst s14  }
0x3b: {  	s17 =	sadd.s32 $0x12D000, s3;
	[smem:$0x7E7] =	sst s15  }
0x3c: {  	s18 =	sadd.s32 $0x12E000, s3;
	[smem:$0x7E9] =	sst s17  }
0x3d: {  	s20 =	sadd.s32 $0x12F000, s3;
	[smem:$0x7EA] =	sst s18  }
0x3e: {  	s26 =	sadd.s32 $0x130000, s3;
	[smem:$0x7EC] =	sst s20  }
0x3f: {  	s19 =	sadd.s32 $0x135800, s3;
	[smem:$0x7EE] =	sst s26  }
0x40: {  	s9 =	sadd.s32 $0x12000, s7;
	[smem:$0x7FA] =	sst s19  }
0x41: {  	s31 =	simm.s32 $0x2710;
	s11 =	sadd.s32 $0x12B000, s3;
	[smem:$0x7D2] =	sst s9  }
0x42: {  	p1 =	sne.s32 s0, $0xF;
	s16 =	sadd.s32 $0x12D800, s3;
	[smem:$0x7E3] =	sst s11  }
0x43: {  	p2 =	seq.s32 s0, $0xF;
	s23 =	sadd.s32 $0x12F800, s3;
	[smem:$0x7E8] =	sst s16  }
0x44: {  	s29 =	sadd.s32 $0x137800, s3;
	s8 =	sadd.s32 $0x1800, s7;
	[smem:$0x7ED] =	sst s23  }
0x45: {  	s28 =	sadd.s32 $0x137000, s3;
	s10 =	sadd.s32 $0x131800, s3;
	[smem:$0x7EF] =	sst s8  }
0x46: {  	s30 =	sadd.s32 $0x138000, s3;
	s12 =	sadd.s32 $0x132000, s3;
	[smem:$0x7F1] =	sst s10  }
0x47: {  	s6 =	sadd.s32 $0x9C40, s5;
	s13 =	sadd.s32 $0x132800, s3;
	[smem:$0x7F3] =	sst s12  }
0x48: {  	s21 =	sadd.s32 $0x124800, s3;
	s14 =	sadd.s32 $0x133000, s3;
	[smem:$0x7F4] =	sst s13  }
0x49: {  	s24 =	sadd.s32 $0x24900, s2;
	s15 =	sadd.s32 $0x133800, s3;
	[smem:$0x7F5] =	sst s14  }
0x4a: {  	s17 =	sadd.s32 $0x5800, s7;
	s18 =	sadd.s32 $0x134800, s3;
	[smem:$0x7F6] =	sst s15  }
0x4b: {  	s20 =	sadd.s32 $0x135000, s3;
	s26 =	sadd.s32 $0x136800, s3;
	[smem:$0x7F8] =	sst s17  }
0x4c: {  	s2 =	simm.s32 $0x4F00;
	s19 =	simm.s32 $0x0;
	[smem:$0x7F9] =	sst s18  }
0x4d: {  	s9 =	sadd.s32 $0x12A000, s3;
	s11 =	sadd.s32 $0x131000, s3;
	[smem:$0x7FB] =	sst s20  }
0x4e: {  	s16 =	sadd.s32 $0x134000, s3;
	s23 =	sadd.s32 $0x136000, s3;
	[smem:$0x7FD] =	sst s26  }
0x4f: {  	s8 =	simm.s32 $0x1;
	s10 =	simm.s32 $0x50;
	s12 =	simm.s32 $0xA0  }
.Ltmp0:
0x50: {  	s13 =	simm.s32 $0x9F00;
	[smem:$0x7E1] =	sst s9;
	(pc) =	sbr.rel .LBB2_1-.Ltmp0, $4  }
0x51: {  	s14 =	simm.s32 $0x3;
	s15 =	simm.s32 $0x4E80;
	[smem:$0x7F2] =	sst s11  }
0x52: {  	s17 =	simm.s32 $0x4;
	s18 =	simm.s32 $0x5;
	[smem:$0x7F7] =	sst s16  }
0x53: {  	s9 =	sadd.s32 $0x130800, s3;
	[smem:$0x7FC] =	sst s23;
	s11 =	simm.s32 $0x7700  }
0x54: {  	v0 =	vimm.f32 $0.0e+00;
	s16 =	simm.s32 $0x6;
	[smem:$0x7F0] =	sst s9;
	s9 =	simm.s32 $0x2  }
.LBB2_11:
0x55: {  	_ =	swait.ge [sflag:s14], $0x2800  }
0x56: {  	[sflag:s14] =	ssyncset.done $0x0  }
0x57: {  	[sflag:s14] =	ssyncadd.s32 $0xFFFFD800  }
0x58: {  	v1 =	vld [tilespmem:$0x4D80]  }
0x59: {  	v2 =	vld [tilespmem:$0x4D90]  }
0x5a: {  	v3 =	vld [tilespmem:$0x4DA0]  }
0x5b: {  	v4 =	vld [tilespmem:$0x4DB0]  }
0x5c: {  	v5 =	vld [tilespmem:$0x4DC0]  }
0x5d: {  	[tilespmem:$0x4E80] =	vst v1  }
0x5e: {  	[tilespmem:$0x4E90] =	vst v2  }
0x5f: {  	[tilespmem:$0x4EA0] =	vst v3  }
0x60: {  	[tilespmem:$0x4EB0] =	vst v4  }
0x61: {  	[tilespmem:$0x4EC0] =	vst v5  }
0x62: {  	[spmem:s3] =	stream.indirect.scatter.add.f32 [tilespmem:s2], [sflag:$0x6], $0x80, s15, s10, $0xb8;
	[tilespmem:$0x1FF80] =	vst v63  }
0x63: {  	_ =	swait.ge [sflag:s16], $0x2800  }
0x64: {  	[sflag:s16] =	ssyncset.done $0x0  }
0x65: {  	[sflag:s16] =	ssyncadd.s32 $0xFFFFD800  }
0x66: {  	_ =	swait.ge [sflag:s17], $0x2800  }
0x67: {  	[sflag:s17] =	ssyncset.done $0x0  }
0x68: {  	[sflag:s17] =	ssyncadd.s32 $0xFFFFD800  }
0x69: {  	v1 =	vld [tilespmem:$0x4DD0]  }
0x6a: {  	v2 =	vld [tilespmem:$0x4DE0]  }
0x6b: {  	v3 =	vld [tilespmem:$0x4DF0]  }
0x6c: {  	v62 =	vld [tilespmem:$0x4E00]  }
0x6d: {  	v63 =	vld [tilespmem:$0x4E10]  }
0x6e: {  	[tilespmem:$0x4E80] =	vst v1  }
0x6f: {  	[tilespmem:$0x4E90] =	vst v2  }
0x70: {  	[tilespmem:$0x4EA0] =	vst v3  }
0x71: {  	[tilespmem:$0x4EB0] =	vst v62  }
0x72: {  	[tilespmem:$0x4EC0] =	vst v63  }
0x73: {  	[spmem:s3] =	stream.indirect.scatter.add.f32 [tilespmem:s11], [sflag:$0x6], $0x80, s15, s10, $0xb8;
	[tilespmem:$0x1FF80] =	vst v63  }
0x74: {  	_ =	swait.ge [sflag:s16], $0x2800  }
0x75: {  	[sflag:s16] =	ssyncset.done $0x0  }
0x76: {  	[sflag:s16] =	ssyncadd.s32 $0xFFFFD800  }
0x77: {  	s20 =	sshrl.u32 @p2 s21, $0x3;
	s23 =	simm.s32 @p2 $0x1FC6;
	[bflag:$0x0] =	sbarrier.arrive $0xFFFF  }
0x78: {  	[hbm:s24], [sflag:s23] =	dma.local @p2 [spmem:s20], $0x2800  }
0x79: {  	s20 =	simm.s32 @p2 $0x6  }
0x7a: {  	s19 =	sadd.s32 $0x1, s19;
	_ =	swait.ge @p2 [sflag:s20], $0x2800  }
0x7b: {  	p3 =	sne.s32 s19, s25;
	s23 =	sshll.u32 @!p2 s0, $0x6;
	[sflag:s20] =	ssyncset.done @p2 $0x0  }
0x7c: {  	[sflag:s20] =	ssyncadd.s32 @p2 $0xFFFFD800;
	s20 =	sor.u32 @!p2 $0x1C06, s23;
	s23 =	sshrl.u32 @!p2 s7, $0x3  }
0x7d: {  	[hbm:s22], [sflag:s20] =	dma.local @!p2 [spmem:s23], $0x2700  }
.Ltmp1:
0x7e: {  	_ = 	snop;
	(pc) =	sbr.rel @!p3 .LBB2_12-.Ltmp1, $4  }
0x7f: {  	s20 =	simm.s32 @!p2 $0x6  }
0x80: {  	_ =	swait.ge @!p2 [sflag:s20], $0x2700  }
0x81: {  	[sflag:s20] =	ssyncset.done @!p2 $0x0  }
0x82: {  	[sflag:s20] =	ssyncadd.s32 @!p2 $0xFFFFD900  }
.LBB2_1:
0x83: {  	[tilespmem:$0x4F00] =	vst v0  }
0x84: {  	[tilespmem:$0x4F10] =	vst v0  }
0x85: {  	[tilespmem:$0x4F20] =	vst v0  }
0x86: {  	[tilespmem:$0x4F30] =	vst v0  }
0x87: {  	[tilespmem:$0x4F40] =	vst v0  }
0x88: {  	[tilespmem:$0x4F50] =	vst v0  }
0x89: {  	[tilespmem:$0x4F60] =	vst v0  }
0x8a: {  	[tilespmem:$0x4F70] =	vst v0  }
0x8b: {  	[tilespmem:$0x4F80] =	vst v0  }
0x8c: {  	[tilespmem:$0x4F90] =	vst v0  }
0x8d: {  	[tilespmem:$0x4FA0] =	vst v0  }
0x8e: {  	[tilespmem:$0x4FB0] =	vst v0  }
0x8f: {  	[tilespmem:$0x4FC0] =	vst v0  }
0x90: {  	[tilespmem:$0x4FD0] =	vst v0  }
0x91: {  	[tilespmem:$0x4FE0] =	vst v0  }
0x92: {  	[tilespmem:$0x4FF0] =	vst v0  }
0x93: {  	[tilespmem:$0x5000] =	vst v0  }
0x94: {  	[tilespmem:$0x5010] =	vst v0  }
0x95: {  	[tilespmem:$0x5020] =	vst v0  }
0x96: {  	[tilespmem:$0x5030] =	vst v0  }
0x97: {  	[tilespmem:$0x5040] =	vst v0  }
0x98: {  	[tilespmem:$0x5050] =	vst v0  }
0x99: {  	[tilespmem:$0x5060] =	vst v0  }
0x9a: {  	[tilespmem:$0x5070] =	vst v0  }
0x9b: {  	[tilespmem:$0x5080] =	vst v0  }
0x9c: {  	[tilespmem:$0x5090] =	vst v0  }
0x9d: {  	[tilespmem:$0x50A0] =	vst v0  }
0x9e: {  	[tilespmem:$0x50B0] =	vst v0  }
0x9f: {  	[tilespmem:$0x50C0] =	vst v0  }
0xa0: {  	[tilespmem:$0x50D0] =	vst v0  }
0xa1: {  	[tilespmem:$0x50E0] =	vst v0  }
0xa2: {  	[tilespmem:$0x50F0] =	vst v0  }
0xa3: {  	[tilespmem:$0x5100] =	vst v0  }
0xa4: {  	[tilespmem:$0x5110] =	vst v0  }
0xa5: {  	[tilespmem:$0x5120] =	vst v0  }
0xa6: {  	[tilespmem:$0x5130] =	vst v0  }
0xa7: {  	[tilespmem:$0x5140] =	vst v0  }
0xa8: {  	[tilespmem:$0x5150] =	vst v0  }
0xa9: {  	[tilespmem:$0x5160] =	vst v0  }
0xaa: {  	[tilespmem:$0x5170] =	vst v0  }
0xab: {  	[tilespmem:$0x5180] =	vst v0  }
0xac: {  	[tilespmem:$0x5190] =	vst v0  }
0xad: {  	[tilespmem:$0x51A0] =	vst v0  }
0xae: {  	[tilespmem:$0x51B0] =	vst v0  }
0xaf: {  	[tilespmem:$0x51C0] =	vst v0  }
0xb0: {  	[tilespmem:$0x51D0] =	vst v0  }
0xb1: {  	[tilespmem:$0x51E0] =	vst v0  }
0xb2: {  	[tilespmem:$0x51F0] =	vst v0  }
0xb3: {  	[tilespmem:$0x5200] =	vst v0  }
0xb4: {  	[tilespmem:$0x5210] =	vst v0  }
0xb5: {  	[tilespmem:$0x5220] =	vst v0  }
0xb6: {  	[tilespmem:$0x5230] =	vst v0  }
0xb7: {  	[tilespmem:$0x5240] =	vst v0  }
0xb8: {  	[tilespmem:$0x5250] =	vst v0  }
0xb9: {  	[tilespmem:$0x5260] =	vst v0  }
0xba: {  	[tilespmem:$0x5270] =	vst v0  }
0xbb: {  	[tilespmem:$0x5280] =	vst v0  }
0xbc: {  	[tilespmem:$0x5290] =	vst v0  }
0xbd: {  	[tilespmem:$0x52A0] =	vst v0  }
0xbe: {  	[tilespmem:$0x52B0] =	vst v0  }
0xbf: {  	[tilespmem:$0x52C0] =	vst v0  }
0xc0: {  	[tilespmem:$0x52D0] =	vst v0  }
0xc1: {  	[tilespmem:$0x52E0] =	vst v0  }
0xc2: {  	[tilespmem:$0x52F0] =	vst v0  }
0xc3: {  	[tilespmem:$0x5300] =	vst v0  }
0xc4: {  	[tilespmem:$0x5310] =	vst v0  }
0xc5: {  	[tilespmem:$0x5320] =	vst v0  }
0xc6: {  	[tilespmem:$0x5330] =	vst v0  }
0xc7: {  	[tilespmem:$0x5340] =	vst v0  }
0xc8: {  	[tilespmem:$0x5350] =	vst v0  }
0xc9: {  	[tilespmem:$0x5360] =	vst v0  }
0xca: {  	[tilespmem:$0x5370] =	vst v0  }
0xcb: {  	[tilespmem:$0x5380] =	vst v0  }
0xcc: {  	[tilespmem:$0x5390] =	vst v0  }
0xcd: {  	[tilespmem:$0x53A0] =	vst v0  }
0xce: {  	[tilespmem:$0x53B0] =	vst v0  }
0xcf: {  	[tilespmem:$0x53C0] =	vst v0  }
0xd0: {  	[tilespmem:$0x53D0] =	vst v0  }
0xd1: {  	[tilespmem:$0x53E0] =	vst v0  }
0xd2: {  	[tilespmem:$0x53F0] =	vst v0  }
0xd3: {  	[tilespmem:$0x5400] =	vst v0  }
0xd4: {  	[tilespmem:$0x5410] =	vst v0  }
0xd5: {  	[tilespmem:$0x5420] =	vst v0  }
0xd6: {  	[tilespmem:$0x5430] =	vst v0  }
0xd7: {  	[tilespmem:$0x5440] =	vst v0  }
0xd8: {  	[tilespmem:$0x5450] =	vst v0  }
0xd9: {  	[tilespmem:$0x5460] =	vst v0  }
0xda: {  	[tilespmem:$0x5470] =	vst v0  }
0xdb: {  	[tilespmem:$0x5480] =	vst v0  }
0xdc: {  	[tilespmem:$0x5490] =	vst v0  }
0xdd: {  	[tilespmem:$0x54A0] =	vst v0  }
0xde: {  	[tilespmem:$0x54B0] =	vst v0  }
0xdf: {  	[tilespmem:$0x54C0] =	vst v0  }
0xe0: {  	[tilespmem:$0x54D0] =	vst v0  }
0xe1: {  	[tilespmem:$0x54E0] =	vst v0  }
0xe2: {  	[tilespmem:$0x54F0] =	vst v0  }
0xe3: {  	[tilespmem:$0x5500] =	vst v0  }
0xe4: {  	[tilespmem:$0x5510] =	vst v0  }
0xe5: {  	[tilespmem:$0x5520] =	vst v0  }
0xe6: {  	[tilespmem:$0x5530] =	vst v0  }
0xe7: {  	[tilespmem:$0x5540] =	vst v0  }
0xe8: {  	[tilespmem:$0x5550] =	vst v0  }
0xe9: {  	[tilespmem:$0x5560] =	vst v0  }
0xea: {  	[tilespmem:$0x5570] =	vst v0  }
0xeb: {  	[tilespmem:$0x5580] =	vst v0  }
0xec: {  	[tilespmem:$0x5590] =	vst v0  }
0xed: {  	[tilespmem:$0x55A0] =	vst v0  }
0xee: {  	[tilespmem:$0x55B0] =	vst v0  }
0xef: {  	[tilespmem:$0x55C0] =	vst v0  }
0xf0: {  	[tilespmem:$0x55D0] =	vst v0  }
0xf1: {  	[tilespmem:$0x55E0] =	vst v0  }
0xf2: {  	[tilespmem:$0x55F0] =	vst v0  }
0xf3: {  	[tilespmem:$0x5600] =	vst v0  }
0xf4: {  	[tilespmem:$0x5610] =	vst v0  }
0xf5: {  	[tilespmem:$0x5620] =	vst v0  }
0xf6: {  	[tilespmem:$0x5630] =	vst v0  }
0xf7: {  	[tilespmem:$0x5640] =	vst v0  }
0xf8: {  	[tilespmem:$0x5650] =	vst v0  }
0xf9: {  	[tilespmem:$0x5660] =	vst v0  }
0xfa: {  	[tilespmem:$0x5670] =	vst v0  }
0xfb: {  	[tilespmem:$0x5680] =	vst v0  }
0xfc: {  	[tilespmem:$0x5690] =	vst v0  }
0xfd: {  	[tilespmem:$0x56A0] =	vst v0  }
0xfe: {  	[tilespmem:$0x56B0] =	vst v0  }
0xff: {  	[tilespmem:$0x56C0] =	vst v0  }
0x100: {  	[tilespmem:$0x56D0] =	vst v0  }
.Ltmp2:
0x101: {  	[tilespmem:$0x56E0] =	vst v0;
	(pc) =	sbr.rel @p1 .LBB2_5-.Ltmp2, $4  }
0x102: {  	[tilespmem:$0x56F0] =	vst v0  }
0x103: {  	[tilespmem:s4], [sflag:$0x2] =	stream.linear.gather [hbm4b:s5+s4], $0x2710, $0x38;
	[tilespmem:$0x1FF80] =	vst v63  }
0x104: {  	_ = 	snop  }
0x105: {  	[tilespmem:s31], [sflag:$0x2] =	stream.linear.gather [hbm4b:s6+s4], $0x2710, $0x38;
	[tilespmem:$0x1FF80] =	vst v63  }
.Ltmp3:
0x106: {  	(pc) =	sbr.rel @!p0 .LBB2_3-.Ltmp3, $1  }
0x107: {  	_ =	sdelay $0x3  }
0x108: {  	s20 =	sld [smem:$0x7D7]  }
0x109: {  	[spmem:s21] =	stream.linear.scatter [tilespmem:s2], [sflag:$0x1], $0x800, $0x38;
	[tilespmem:$0x1FF80] =	vst v63  }
0x10a: {  	s26 =	sld [smem:$0x7D6]  }
0x10b: {  	[spmem:s20] =	stream.linear.scatter [tilespmem:s2], [sflag:$0x1], $0x800, $0x38;
	[tilespmem:$0x1FF80] =	vst v63  }
0x10c: {  	s23 =	sld [smem:$0x7D8]  }
0x10d: {  	[spmem:s26] =	stream.linear.scatter [tilespmem:s2], [sflag:$0x1], $0x800, $0x38;
	[tilespmem:$0x1FF80] =	vst v63  }
0x10e: {  	s26 =	sld [smem:$0x7D9]  }
0x10f: {  	[spmem:s23] =	stream.linear.scatter [tilespmem:s2], [sflag:$0x1], $0x800, $0x38;
	[tilespmem:$0x1FF80] =	vst v63  }
0x110: {  	s23 =	sld [smem:$0x7DA]  }
0x111: {  	[spmem:s26] =	stream.linear.scatter [tilespmem:s2], [sflag:$0x1], $0x800, $0x38;
	[tilespmem:$0x1FF80] =	vst v63  }
0x112: {  	s26 =	sld [smem:$0x7DB]  }
0x113: {  	[spmem:s23] =	stream.linear.scatter [tilespmem:s2], [sflag:$0x1], $0x800, $0x38;
	[tilespmem:$0x1FF80] =	vst v63  }
0x114: {  	s23 =	sld [smem:$0x7DC]  }
0x115: {  	[spmem:s26] =	stream.linear.scatter [tilespmem:s2], [sflag:$0x1], $0x800, $0x38;
	[tilespmem:$0x1FF80] =	vst v63  }
0x116: {  	s26 =	sld [smem:$0x7DE]  }
0x117: {  	[spmem:s23] =	stream.linear.scatter [tilespmem:s2], [sflag:$0x1], $0x800, $0x38;
	[tilespmem:$0x1FF80] =	vst v63  }
0x118: {  	s23 =	sld [smem:$0x7E0]  }
0x119: {  	[spmem:s26] =	stream.linear.scatter [tilespmem:s2], [sflag:$0x1], $0x800, $0x38;
	[tilespmem:$0x1FF80] =	vst v63  }
0x11a: {  	s26 =	sld [smem:$0x7DF]  }
0x11b: {  	[spmem:s23] =	stream.linear.scatter [tilespmem:s2], [sflag:$0x1], $0x800, $0x38;
	[tilespmem:$0x1FF80] =	vst v63  }
0x11c: {  	s23 =	sld [smem:$0x7E1]  }
0x11d: {  	[spmem:s26] =	stream.linear.scatter [tilespmem:s2], [sflag:$0x1], $0x800, $0x38;
	[tilespmem:$0x1FF80] =	vst v63  }
0x11e: {  	s26 =	sld [smem:$0x7E2]  }
0x11f: {  	[spmem:s23] =	stream.linear.scatter [tilespmem:s2], [sflag:$0x1], $0x800, $0x38;
	[tilespmem:$0x1FF80] =	vst v63  }
0x120: {  	s23 =	sld [smem:$0x7E3]  }
0x121: {  	[spmem:s26] =	stream.linear.scatter [tilespmem:s2], [sflag:$0x1], $0x800, $0x38;
	[tilespmem:$0x1FF80] =	vst v63  }
0x122: {  	s26 =	sld [smem:$0x7E4]  }
0x123: {  	[spmem:s23] =	stream.linear.scatter [tilespmem:s2], [sflag:$0x1], $0x800, $0x38;
	[tilespmem:$0x1FF80] =	vst v63  }
0x124: {  	s23 =	sld [smem:$0x7E5]  }
0x125: {  	[spmem:s26] =	stream.linear.scatter [tilespmem:s2], [sflag:$0x1], $0x800, $0x38;
	[tilespmem:$0x1FF80] =	vst v63  }
0x126: {  	s26 =	sld [smem:$0x7E7]  }
0x127: {  	[spmem:s23] =	stream.linear.scatter [tilespmem:s2], [sflag:$0x1], $0x800, $0x38;
	[tilespmem:$0x1FF80] =	vst v63  }
0x128: {  	s23 =	sld [smem:$0x7E9]  }
0x129: {  	[spmem:s26] =	stream.linear.scatter [tilespmem:s2], [sflag:$0x1], $0x800, $0x38;
	[tilespmem:$0x1FF80] =	vst v63  }
0x12a: {  	s26 =	sld [smem:$0x7E8]  }
0x12b: {  	[spmem:s23] =	stream.linear.scatter [tilespmem:s2], [sflag:$0x1], $0x800, $0x38;
	[tilespmem:$0x1FF80] =	vst v63  }
0x12c: {  	s23 =	sld [smem:$0x7EA]  }
0x12d: {  	[spmem:s26] =	stream.linear.scatter [tilespmem:s2], [sflag:$0x1], $0x800, $0x38;
	[tilespmem:$0x1FF80] =	vst v63  }
0x12e: {  	s26 =	sld [smem:$0x7EB]  }
0x12f: {  	[spmem:s23] =	stream.linear.scatter [tilespmem:s2], [sflag:$0x1], $0x800, $0x38;
	[tilespmem:$0x1FF80] =	vst v63  }
0x130: {  	s23 =	sld [smem:$0x7EC]  }
0x131: {  	[spmem:s26] =	stream.linear.scatter [tilespmem:s2], [sflag:$0x1], $0x800, $0x38;
	[tilespmem:$0x1FF80] =	vst v63  }
0x132: {  	s26 =	sld [smem:$0x7ED]  }
0x133: {  	[spmem:s23] =	stream.linear.scatter [tilespmem:s2], [sflag:$0x1], $0x800, $0x38;
	[tilespmem:$0x1FF80] =	vst v63  }
0x134: {  	s23 =	sld [smem:$0x7EE]  }
0x135: {  	[spmem:s26] =	stream.linear.scatter [tilespmem:s2], [sflag:$0x1], $0x800, $0x38;
	[tilespmem:$0x1FF80] =	vst v63  }
0x136: {  	s26 =	sld [smem:$0x7F0]  }
0x137: {  	[spmem:s23] =	stream.linear.scatter [tilespmem:s2], [sflag:$0x1], $0x800, $0x38;
	[tilespmem:$0x1FF80] =	vst v63  }
0x138: {  	s23 =	sld [smem:$0x7F2]  }
0x139: {  	[spmem:s26] =	stream.linear.scatter [tilespmem:s2], [sflag:$0x1], $0x800, $0x38;
	[tilespmem:$0x1FF80] =	vst v63  }
0x13a: {  	s26 =	sld [smem:$0x7F1]  }
0x13b: {  	[spmem:s23] =	stream.linear.scatter [tilespmem:s2], [sflag:$0x1], $0x800, $0x38;
	[tilespmem:$0x1FF80] =	vst v63  }
0x13c: {  	s23 =	sld [smem:$0x7F3]  }
0x13d: {  	[spmem:s26] =	stream.linear.scatter [tilespmem:s2], [sflag:$0x1], $0x800, $0x38;
	[tilespmem:$0x1FF80] =	vst v63  }
0x13e: {  	s26 =	sld [smem:$0x7F4]  }
0x13f: {  	[spmem:s23] =	stream.linear.scatter [tilespmem:s2], [sflag:$0x1], $0x800, $0x38;
	[tilespmem:$0x1FF80] =	vst v63  }
0x140: {  	s23 =	sld [smem:$0x7F5]  }
0x141: {  	[spmem:s26] =	stream.linear.scatter [tilespmem:s2], [sflag:$0x1], $0x800, $0x38;
	[tilespmem:$0x1FF80] =	vst v63  }
0x142: {  	s26 =	sld [smem:$0x7F6]  }
0x143: {  	[spmem:s23] =	stream.linear.scatter [tilespmem:s2], [sflag:$0x1], $0x800, $0x38;
	[tilespmem:$0x1FF80] =	vst v63  }
0x144: {  	s23 =	sld [smem:$0x7F7]  }
0x145: {  	[spmem:s26] =	stream.linear.scatter [tilespmem:s2], [sflag:$0x1], $0x800, $0x38;
	[tilespmem:$0x1FF80] =	vst v63  }
0x146: {  	s26 =	sld [smem:$0x7F9]  }
0x147: {  	[spmem:s23] =	stream.linear.scatter [tilespmem:s2], [sflag:$0x1], $0x800, $0x38;
	[tilespmem:$0x1FF80] =	vst v63  }
0x148: {  	s23 =	sld [smem:$0x7FB]  }
0x149: {  	[spmem:s26] =	stream.linear.scatter [tilespmem:s2], [sflag:$0x1], $0x800, $0x38;
	[tilespmem:$0x1FF80] =	vst v63  }
0x14a: {  	s26 =	sld [smem:$0x7FA]  }
0x14b: {  	[spmem:s23] =	stream.linear.scatter [tilespmem:s2], [sflag:$0x1], $0x800, $0x38;
	[tilespmem:$0x1FF80] =	vst v63  }
0x14c: {  	s23 =	sld [smem:$0x7FC]  }
0x14d: {  	[spmem:s26] =	stream.linear.scatter [tilespmem:s2], [sflag:$0x1], $0x800, $0x38;
	[tilespmem:$0x1FF80] =	vst v63  }
0x14e: {  	s26 =	sld [smem:$0x7FD]  }
0x14f: {  	[spmem:s23] =	stream.linear.scatter [tilespmem:s2], [sflag:$0x1], $0x800, $0x38;
	[tilespmem:$0x1FF80] =	vst v63  }
0x150: {  	_ = 	snop  }
0x151: {  	[spmem:s26] =	stream.linear.scatter [tilespmem:s2], [sflag:$0x1], $0x800, $0x38;
	[tilespmem:$0x1FF80] =	vst v63  }
0x152: {  	_ = 	snop  }
0x153: {  	[spmem:s28] =	stream.linear.scatter [tilespmem:s2], [sflag:$0x1], $0x800, $0x38;
	[tilespmem:$0x1FF80] =	vst v63  }
0x154: {  	_ = 	snop  }
0x155: {  	[spmem:s29] =	stream.linear.scatter [tilespmem:s2], [sflag:$0x1], $0x800, $0x38;
	[tilespmem:$0x1FF80] =	vst v63  }
0x156: {  	_ = 	snop  }
0x157: {  	[spmem:s30] =	stream.linear.scatter [tilespmem:s2], [sflag:$0x1], $0x800, $0x38;
	[tilespmem:$0x1FF80] =	vst v63  }
0x158: {  	_ =	swait.ge [sflag:s8], $0x800  }
0x159: {  	[sflag:s8] =	ssyncset.done $0x0  }
0x15a: {  	[sflag:s8] =	ssyncadd.s32 $0xFFFFF800  }
0x15b: {  	_ =	swait.ge [sflag:s8], $0x800  }
0x15c: {  	[sflag:s8] =	ssyncset.done $0x0  }
0x15d: {  	[sflag:s8] =	ssyncadd.s32 $0xFFFFF800  }
0x15e: {  	_ =	swait.ge [sflag:s8], $0x800  }
0x15f: {  	[sflag:s8] =	ssyncset.done $0x0  }
0x160: {  	[sflag:s8] =	ssyncadd.s32 $0xFFFFF800  }
0x161: {  	_ =	swait.ge [sflag:s8], $0x800  }
0x162: {  	[sflag:s8] =	ssyncset.done $0x0  }
0x163: {  	[sflag:s8] =	ssyncadd.s32 $0xFFFFF800  }
0x164: {  	_ =	swait.ge [sflag:s8], $0x800  }
0x165: {  	[sflag:s8] =	ssyncset.done $0x0  }
0x166: {  	[sflag:s8] =	ssyncadd.s32 $0xFFFFF800  }
0x167: {  	_ =	swait.ge [sflag:s8], $0x800  }
0x168: {  	[sflag:s8] =	ssyncset.done $0x0  }
0x169: {  	[sflag:s8] =	ssyncadd.s32 $0xFFFFF800  }
0x16a: {  	_ =	swait.ge [sflag:s8], $0x800  }
0x16b: {  	[sflag:s8] =	ssyncset.done $0x0  }
0x16c: {  	[sflag:s8] =	ssyncadd.s32 $0xFFFFF800  }
0x16d: {  	_ =	swait.ge [sflag:s8], $0x800  }
0x16e: {  	[sflag:s8] =	ssyncset.done $0x0  }
0x16f: {  	[sflag:s8] =	ssyncadd.s32 $0xFFFFF800  }
0x170: {  	_ =	swait.ge [sflag:s8], $0x800  }
0x171: {  	[sflag:s8] =	ssyncset.done $0x0  }
0x172: {  	[sflag:s8] =	ssyncadd.s32 $0xFFFFF800  }
0x173: {  	_ =	swait.ge [sflag:s8], $0x800  }
0x174: {  	[sflag:s8] =	ssyncset.done $0x0  }
0x175: {  	[sflag:s8] =	ssyncadd.s32 $0xFFFFF800  }
0x176: {  	_ =	swait.ge [sflag:s8], $0x800  }
0x177: {  	[sflag:s8] =	ssyncset.done $0x0  }
0x178: {  	[sflag:s8] =	ssyncadd.s32 $0xFFFFF800  }
0x179: {  	_ =	swait.ge [sflag:s8], $0x800  }
0x17a: {  	[sflag:s8] =	ssyncset.done $0x0  }
0x17b: {  	[sflag:s8] =	ssyncadd.s32 $0xFFFFF800  }
0x17c: {  	_ =	swait.ge [sflag:s8], $0x800  }
0x17d: {  	[sflag:s8] =	ssyncset.done $0x0  }
0x17e: {  	[sflag:s8] =	ssyncadd.s32 $0xFFFFF800  }
0x17f: {  	_ =	swait.ge [sflag:s8], $0x800  }
0x180: {  	[sflag:s8] =	ssyncset.done $0x0  }
0x181: {  	[sflag:s8] =	ssyncadd.s32 $0xFFFFF800  }
0x182: {  	_ =	swait.ge [sflag:s8], $0x800  }
0x183: {  	[sflag:s8] =	ssyncset.done $0x0  }
0x184: {  	[sflag:s8] =	ssyncadd.s32 $0xFFFFF800  }
0x185: {  	_ =	swait.ge [sflag:s8], $0x800  }
0x186: {  	[sflag:s8] =	ssyncset.done $0x0  }
0x187: {  	[sflag:s8] =	ssyncadd.s32 $0xFFFFF800  }
0x188: {  	_ =	swait.ge [sflag:s8], $0x800  }
0x189: {  	[sflag:s8] =	ssyncset.done $0x0  }
0x18a: {  	[sflag:s8] =	ssyncadd.s32 $0xFFFFF800  }
0x18b: {  	_ =	swait.ge [sflag:s8], $0x800  }
0x18c: {  	[sflag:s8] =	ssyncset.done $0x0  }
0x18d: {  	[sflag:s8] =	ssyncadd.s32 $0xFFFFF800  }
0x18e: {  	_ =	swait.ge [sflag:s8], $0x800  }
0x18f: {  	[sflag:s8] =	ssyncset.done $0x0  }
0x190: {  	[sflag:s8] =	ssyncadd.s32 $0xFFFFF800  }
0x191: {  	_ =	swait.ge [sflag:s8], $0x800  }
0x192: {  	[sflag:s8] =	ssyncset.done $0x0  }
0x193: {  	[sflag:s8] =	ssyncadd.s32 $0xFFFFF800  }
0x194: {  	_ =	swait.ge [sflag:s8], $0x800  }
0x195: {  	[sflag:s8] =	ssyncset.done $0x0  }
0x196: {  	[sflag:s8] =	ssyncadd.s32 $0xFFFFF800  }
0x197: {  	_ =	swait.ge [sflag:s8], $0x800  }
0x198: {  	[sflag:s8] =	ssyncset.done $0x0  }
0x199: {  	[sflag:s8] =	ssyncadd.s32 $0xFFFFF800  }
0x19a: {  	_ =	swait.ge [sflag:s8], $0x800  }
0x19b: {  	[sflag:s8] =	ssyncset.done $0x0  }
0x19c: {  	[sflag:s8] =	ssyncadd.s32 $0xFFFFF800  }
0x19d: {  	_ =	swait.ge [sflag:s8], $0x800  }
0x19e: {  	[sflag:s8] =	ssyncset.done $0x0  }
0x19f: {  	[sflag:s8] =	ssyncadd.s32 $0xFFFFF800  }
0x1a0: {  	_ =	swait.ge [sflag:s8], $0x800  }
0x1a1: {  	[sflag:s8] =	ssyncset.done $0x0  }
0x1a2: {  	[sflag:s8] =	ssyncadd.s32 $0xFFFFF800  }
0x1a3: {  	_ =	swait.ge [sflag:s8], $0x800  }
0x1a4: {  	[sflag:s8] =	ssyncset.done $0x0  }
0x1a5: {  	[sflag:s8] =	ssyncadd.s32 $0xFFFFF800  }
0x1a6: {  	_ =	swait.ge [sflag:s8], $0x800  }
0x1a7: {  	[sflag:s8] =	ssyncset.done $0x0  }
0x1a8: {  	[sflag:s8] =	ssyncadd.s32 $0xFFFFF800  }
0x1a9: {  	_ =	swait.ge [sflag:s8], $0x800  }
0x1aa: {  	[sflag:s8] =	ssyncset.done $0x0  }
0x1ab: {  	[sflag:s8] =	ssyncadd.s32 $0xFFFFF800  }
0x1ac: {  	_ =	swait.ge [sflag:s8], $0x800  }
0x1ad: {  	[sflag:s8] =	ssyncset.done $0x0  }
0x1ae: {  	[sflag:s8] =	ssyncadd.s32 $0xFFFFF800  }
0x1af: {  	_ =	swait.ge [sflag:s8], $0x800  }
0x1b0: {  	[sflag:s8] =	ssyncset.done $0x0  }
0x1b1: {  	[sflag:s8] =	ssyncadd.s32 $0xFFFFF800  }
0x1b2: {  	_ =	swait.ge [sflag:s8], $0x800  }
0x1b3: {  	[sflag:s8] =	ssyncset.done $0x0  }
0x1b4: {  	[sflag:s8] =	ssyncadd.s32 $0xFFFFF800  }
0x1b5: {  	_ =	swait.ge [sflag:s8], $0x800  }
0x1b6: {  	[sflag:s8] =	ssyncset.done $0x0  }
0x1b7: {  	[sflag:s8] =	ssyncadd.s32 $0xFFFFF800  }
0x1b8: {  	_ =	swait.ge [sflag:s8], $0x800  }
0x1b9: {  	[sflag:s8] =	ssyncset.done $0x0  }
0x1ba: {  	[sflag:s8] =	ssyncadd.s32 $0xFFFFF800  }
0x1bb: {  	_ =	swait.ge [sflag:s8], $0x800  }
0x1bc: {  	[sflag:s8] =	ssyncset.done $0x0  }
0x1bd: {  	[sflag:s8] =	ssyncadd.s32 $0xFFFFF800  }
0x1be: {  	_ =	swait.ge [sflag:s8], $0x800  }
0x1bf: {  	[sflag:s8] =	ssyncset.done $0x0  }
0x1c0: {  	[sflag:s8] =	ssyncadd.s32 $0xFFFFF800  }
0x1c1: {  	_ =	swait.ge [sflag:s8], $0x800  }
0x1c2: {  	[sflag:s8] =	ssyncset.done $0x0  }
0x1c3: {  	[sflag:s8] =	ssyncadd.s32 $0xFFFFF800  }
0x1c4: {  	_ =	swait.ge [sflag:s8], $0x800  }
0x1c5: {  	[sflag:s8] =	ssyncset.done $0x0  }
0x1c6: {  	[sflag:s8] =	ssyncadd.s32 $0xFFFFF800  }
0x1c7: {  	_ =	swait.ge [sflag:s8], $0x800  }
0x1c8: {  	[sflag:s8] =	ssyncset.done $0x0  }
0x1c9: {  	[sflag:s8] =	ssyncadd.s32 $0xFFFFF800  }
0x1ca: {  	_ =	swait.ge [sflag:s8], $0x800  }
.Ltmp4:
0x1cb: {  	[sflag:s8] =	ssyncset.done $0x0;
	(pc) =	sbr.rel .LBB2_8-.Ltmp4, $4  }
0x1cc: {  	[sflag:s8] =	ssyncadd.s32 $0xFFFFF800  }
0x1cd: {  	_ =	swait.ge [sflag:s8], $0x800  }
0x1ce: {  	[sflag:s8] =	ssyncset.done $0x0  }
0x1cf: {  	[sflag:s8] =	ssyncadd.s32 $0xFFFFF800  }
.LBB2_5:
.Ltmp5:
0x1d0: {  	(pc) =	sbr.rel @!p0 .LBB2_6-.Ltmp5, $1  }
0x1d1: {  	_ =	sdelay $0x3  }
0x1d2: {  	[spmem:s7] =	stream.linear.scatter [tilespmem:s2], [sflag:$0x1], $0x800, $0x38;
	[tilespmem:$0x1FF80] =	vst v63  }
0x1d3: {  	s20 =	rddreg [dreg:$0x6]  }
0x1d4: {  	s26 =	rddreg [dreg:$0x7]  }
0x1d5: {  	[spmem:s20] =	stream.linear.scatter [tilespmem:s2], [sflag:$0x1], $0x800, $0x38;
	[tilespmem:$0x1FF80] =	vst v63  }
0x1d6: {  	s23 =	sld [smem:$0x7EF]  }
0x1d7: {  	[spmem:s26] =	stream.linear.scatter [tilespmem:s2], [sflag:$0x1], $0x800, $0x38;
	[tilespmem:$0x1FF80] =	vst v63  }
0x1d8: {  	s26 =	rddreg [dreg:$0x8]  }
0x1d9: {  	[spmem:s23] =	stream.linear.scatter [tilespmem:s2], [sflag:$0x1], $0x800, $0x38;
	[tilespmem:$0x1FF80] =	vst v63  }
0x1da: {  	s23 =	rddreg [dreg:$0x9]  }
0x1db: {  	[spmem:s26] =	stream.linear.scatter [tilespmem:s2], [sflag:$0x1], $0x800, $0x38;
	[tilespmem:$0x1FF80] =	vst v63  }
0x1dc: {  	s26 =	rddreg [dreg:$0xa]  }
0x1dd: {  	[spmem:s23] =	stream.linear.scatter [tilespmem:s2], [sflag:$0x1], $0x800, $0x38;
	[tilespmem:$0x1FF80] =	vst v63  }
0x1de: {  	s23 =	rddreg [dreg:$0xb]  }
0x1df: {  	[spmem:s26] =	stream.linear.scatter [tilespmem:s2], [sflag:$0x1], $0x800, $0x38;
	[tilespmem:$0x1FF80] =	vst v63  }
0x1e0: {  	s26 =	rddreg [dreg:$0xc]  }
0x1e1: {  	[spmem:s23] =	stream.linear.scatter [tilespmem:s2], [sflag:$0x1], $0x800, $0x38;
	[tilespmem:$0x1FF80] =	vst v63  }
0x1e2: {  	s23 =	rddreg [dreg:$0xd]  }
0x1e3: {  	[spmem:s26] =	stream.linear.scatter [tilespmem:s2], [sflag:$0x1], $0x800, $0x38;
	[tilespmem:$0x1FF80] =	vst v63  }
0x1e4: {  	s26 =	rddreg [dreg:$0xe]  }
0x1e5: {  	[spmem:s23] =	stream.linear.scatter [tilespmem:s2], [sflag:$0x1], $0x800, $0x38;
	[tilespmem:$0x1FF80] =	vst v63  }
0x1e6: {  	s23 =	sld [smem:$0x7F8]  }
0x1e7: {  	[spmem:s26] =	stream.linear.scatter [tilespmem:s2], [sflag:$0x1], $0x800, $0x38;
	[tilespmem:$0x1FF80] =	vst v63  }
0x1e8: {  	s26 =	rddreg [dreg:$0xf]  }
0x1e9: {  	[spmem:s23] =	stream.linear.scatter [tilespmem:s2], [sflag:$0x1], $0x800, $0x38;
	[tilespmem:$0x1FF80] =	vst v63  }
0x1ea: {  	s23 =	rddreg [dreg:$0x10]  }
0x1eb: {  	[spmem:s26] =	stream.linear.scatter [tilespmem:s2], [sflag:$0x1], $0x800, $0x38;
	[tilespmem:$0x1FF80] =	vst v63  }
0x1ec: {  	s26 =	rddreg [dreg:$0x11]  }
0x1ed: {  	[spmem:s23] =	stream.linear.scatter [tilespmem:s2], [sflag:$0x1], $0x800, $0x38;
	[tilespmem:$0x1FF80] =	vst v63  }
0x1ee: {  	s23 =	rddreg [dreg:$0x12]  }
0x1ef: {  	[spmem:s26] =	stream.linear.scatter [tilespmem:s2], [sflag:$0x1], $0x800, $0x38;
	[tilespmem:$0x1FF80] =	vst v63  }
0x1f0: {  	s26 =	rddreg [dreg:$0x13]  }
0x1f1: {  	[spmem:s23] =	stream.linear.scatter [tilespmem:s2], [sflag:$0x1], $0x800, $0x38;
	[tilespmem:$0x1FF80] =	vst v63  }
0x1f2: {  	s23 =	rddreg [dreg:$0x14]  }
0x1f3: {  	[spmem:s26] =	stream.linear.scatter [tilespmem:s2], [sflag:$0x1], $0x800, $0x38;
	[tilespmem:$0x1FF80] =	vst v63  }
0x1f4: {  	s26 =	rddreg [dreg:$0x15]  }
0x1f5: {  	[spmem:s23] =	stream.linear.scatter [tilespmem:s2], [sflag:$0x1], $0x800, $0x38;
	[tilespmem:$0x1FF80] =	vst v63  }
0x1f6: {  	s23 =	sld [smem:$0x7DD]  }
0x1f7: {  	[spmem:s26] =	stream.linear.scatter [tilespmem:s2], [sflag:$0x1], $0x800, $0x38;
	[tilespmem:$0x1FF80] =	vst v63  }
0x1f8: {  	s26 =	rddreg [dreg:$0x16]  }
0x1f9: {  	[spmem:s23] =	stream.linear.scatter [tilespmem:s2], [sflag:$0x1], $0x800, $0x38;
	[tilespmem:$0x1FF80] =	vst v63  }
0x1fa: {  	s23 =	rddreg [dreg:$0x17]  }
0x1fb: {  	[spmem:s26] =	stream.linear.scatter [tilespmem:s2], [sflag:$0x1], $0x800, $0x38;
	[tilespmem:$0x1FF80] =	vst v63  }
0x1fc: {  	s26 =	rddreg [dreg:$0x18]  }
0x1fd: {  	[spmem:s23] =	stream.linear.scatter [tilespmem:s2], [sflag:$0x1], $0x800, $0x38;
	[tilespmem:$0x1FF80] =	vst v63  }
0x1fe: {  	s23 =	rddreg [dreg:$0x19]  }
0x1ff: {  	[spmem:s26] =	stream.linear.scatter [tilespmem:s2], [sflag:$0x1], $0x800, $0x38;
	[tilespmem:$0x1FF80] =	vst v63  }
0x200: {  	s26 =	rddreg [dreg:$0x1a]  }
0x201: {  	[spmem:s23] =	stream.linear.scatter [tilespmem:s2], [sflag:$0x1], $0x800, $0x38;
	[tilespmem:$0x1FF80] =	vst v63  }
0x202: {  	s23 =	rddreg [dreg:$0x1b]  }
0x203: {  	[spmem:s26] =	stream.linear.scatter [tilespmem:s2], [sflag:$0x1], $0x800, $0x38;
	[tilespmem:$0x1FF80] =	vst v63  }
0x204: {  	s26 =	rddreg [dreg:$0x1c]  }
0x205: {  	[spmem:s23] =	stream.linear.scatter [tilespmem:s2], [sflag:$0x1], $0x800, $0x38;
	[tilespmem:$0x1FF80] =	vst v63  }
0x206: {  	s23 =	sld [smem:$0x7E6]  }
0x207: {  	[spmem:s26] =	stream.linear.scatter [tilespmem:s2], [sflag:$0x1], $0x800, $0x38;
	[tilespmem:$0x1FF80] =	vst v63  }
0x208: {  	s26 =	rddreg [dreg:$0x1d]  }
0x209: {  	[spmem:s23] =	stream.linear.scatter [tilespmem:s2], [sflag:$0x1], $0x800, $0x38;
	[tilespmem:$0x1FF80] =	vst v63  }
0x20a: {  	s23 =	rddreg [dreg:$0x1e]  }
0x20b: {  	[spmem:s26] =	stream.linear.scatter [tilespmem:s2], [sflag:$0x1], $0x800, $0x38;
	[tilespmem:$0x1FF80] =	vst v63  }
0x20c: {  	s26 =	rddreg [dreg:$0x1f]  }
0x20d: {  	[spmem:s23] =	stream.linear.scatter [tilespmem:s2], [sflag:$0x1], $0x800, $0x38;
	[tilespmem:$0x1FF80] =	vst v63  }
0x20e: {  	s23 =	sld [smem:$0x7CD]  }
0x20f: {  	[spmem:s26] =	stream.linear.scatter [tilespmem:s2], [sflag:$0x1], $0x800, $0x38;
	[tilespmem:$0x1FF80] =	vst v63  }
0x210: {  	s26 =	sld [smem:$0x7CE]  }
0x211: {  	[spmem:s23] =	stream.linear.scatter [tilespmem:s2], [sflag:$0x1], $0x800, $0x38;
	[tilespmem:$0x1FF80] =	vst v63  }
0x212: {  	s23 =	sld [smem:$0x7CF]  }
0x213: {  	[spmem:s26] =	stream.linear.scatter [tilespmem:s2], [sflag:$0x1], $0x800, $0x38;
	[tilespmem:$0x1FF80] =	vst v63  }
0x214: {  	s26 =	sld [smem:$0x7D0]  }
0x215: {  	[spmem:s23] =	stream.linear.scatter [tilespmem:s2], [sflag:$0x1], $0x800, $0x38;
	[tilespmem:$0x1FF80] =	vst v63  }
0x216: {  	s23 =	sld [smem:$0x7D1]  }
0x217: {  	[spmem:s26] =	stream.linear.scatter [tilespmem:s2], [sflag:$0x1], $0x800, $0x38;
	[tilespmem:$0x1FF80] =	vst v63  }
0x218: {  	s26 =	sld [smem:$0x7D2]  }
0x219: {  	[spmem:s23] =	stream.linear.scatter [tilespmem:s2], [sflag:$0x1], $0x800, $0x38;
	[tilespmem:$0x1FF80] =	vst v63  }
0x21a: {  	s23 =	sld [smem:$0x7D3]  }
0x21b: {  	[spmem:s26] =	stream.linear.scatter [tilespmem:s2], [sflag:$0x1], $0x800, $0x38;
	[tilespmem:$0x1FF80] =	vst v63  }
0x21c: {  	s26 =	sld [smem:$0x7D4]  }
0x21d: {  	[spmem:s23] =	stream.linear.scatter [tilespmem:s2], [sflag:$0x1], $0x800, $0x38;
	[tilespmem:$0x1FF80] =	vst v63  }
0x21e: {  	_ = 	snop  }
0x21f: {  	[spmem:s26] =	stream.linear.scatter [tilespmem:s2], [sflag:$0x1], $0x800, $0x38;
	[tilespmem:$0x1FF80] =	vst v63  }
0x220: {  	_ =	swait.ge [sflag:s8], $0x800  }
0x221: {  	[sflag:s8] =	ssyncset.done $0x0  }
0x222: {  	[sflag:s8] =	ssyncadd.s32 $0xFFFFF800  }
0x223: {  	_ =	swait.ge [sflag:s8], $0x800  }
0x224: {  	[sflag:s8] =	ssyncset.done $0x0  }
0x225: {  	[sflag:s8] =	ssyncadd.s32 $0xFFFFF800  }
0x226: {  	_ =	swait.ge [sflag:s8], $0x800  }
0x227: {  	[sflag:s8] =	ssyncset.done $0x0  }
0x228: {  	[sflag:s8] =	ssyncadd.s32 $0xFFFFF800  }
0x229: {  	_ =	swait.ge [sflag:s8], $0x800  }
0x22a: {  	[sflag:s8] =	ssyncset.done $0x0  }
0x22b: {  	[sflag:s8] =	ssyncadd.s32 $0xFFFFF800  }
0x22c: {  	_ =	swait.ge [sflag:s8], $0x800  }
0x22d: {  	[sflag:s8] =	ssyncset.done $0x0  }
0x22e: {  	[sflag:s8] =	ssyncadd.s32 $0xFFFFF800  }
0x22f: {  	_ =	swait.ge [sflag:s8], $0x800  }
0x230: {  	[sflag:s8] =	ssyncset.done $0x0  }
0x231: {  	[sflag:s8] =	ssyncadd.s32 $0xFFFFF800  }
0x232: {  	_ =	swait.ge [sflag:s8], $0x800  }
0x233: {  	[sflag:s8] =	ssyncset.done $0x0  }
0x234: {  	[sflag:s8] =	ssyncadd.s32 $0xFFFFF800  }
0x235: {  	_ =	swait.ge [sflag:s8], $0x800  }
0x236: {  	[sflag:s8] =	ssyncset.done $0x0  }
0x237: {  	[sflag:s8] =	ssyncadd.s32 $0xFFFFF800  }
0x238: {  	_ =	swait.ge [sflag:s8], $0x800  }
0x239: {  	[sflag:s8] =	ssyncset.done $0x0  }
0x23a: {  	[sflag:s8] =	ssyncadd.s32 $0xFFFFF800  }
0x23b: {  	_ =	swait.ge [sflag:s8], $0x800  }
0x23c: {  	[sflag:s8] =	ssyncset.done $0x0  }
0x23d: {  	[sflag:s8] =	ssyncadd.s32 $0xFFFFF800  }
0x23e: {  	_ =	swait.ge [sflag:s8], $0x800  }
0x23f: {  	[sflag:s8] =	ssyncset.done $0x0  }
0x240: {  	[sflag:s8] =	ssyncadd.s32 $0xFFFFF800  }
0x241: {  	_ =	swait.ge [sflag:s8], $0x800  }
0x242: {  	[sflag:s8] =	ssyncset.done $0x0  }
0x243: {  	[sflag:s8] =	ssyncadd.s32 $0xFFFFF800  }
0x244: {  	_ =	swait.ge [sflag:s8], $0x800  }
0x245: {  	[sflag:s8] =	ssyncset.done $0x0  }
0x246: {  	[sflag:s8] =	ssyncadd.s32 $0xFFFFF800  }
0x247: {  	_ =	swait.ge [sflag:s8], $0x800  }
0x248: {  	[sflag:s8] =	ssyncset.done $0x0  }
0x249: {  	[sflag:s8] =	ssyncadd.s32 $0xFFFFF800  }
0x24a: {  	_ =	swait.ge [sflag:s8], $0x800  }
0x24b: {  	[sflag:s8] =	ssyncset.done $0x0  }
0x24c: {  	[sflag:s8] =	ssyncadd.s32 $0xFFFFF800  }
0x24d: {  	_ =	swait.ge [sflag:s8], $0x800  }
0x24e: {  	[sflag:s8] =	ssyncset.done $0x0  }
0x24f: {  	[sflag:s8] =	ssyncadd.s32 $0xFFFFF800  }
0x250: {  	_ =	swait.ge [sflag:s8], $0x800  }
0x251: {  	[sflag:s8] =	ssyncset.done $0x0  }
0x252: {  	[sflag:s8] =	ssyncadd.s32 $0xFFFFF800  }
0x253: {  	_ =	swait.ge [sflag:s8], $0x800  }
0x254: {  	[sflag:s8] =	ssyncset.done $0x0  }
0x255: {  	[sflag:s8] =	ssyncadd.s32 $0xFFFFF800  }
0x256: {  	_ =	swait.ge [sflag:s8], $0x800  }
0x257: {  	[sflag:s8] =	ssyncset.done $0x0  }
0x258: {  	[sflag:s8] =	ssyncadd.s32 $0xFFFFF800  }
0x259: {  	_ =	swait.ge [sflag:s8], $0x800  }
0x25a: {  	[sflag:s8] =	ssyncset.done $0x0  }
0x25b: {  	[sflag:s8] =	ssyncadd.s32 $0xFFFFF800  }
0x25c: {  	_ =	swait.ge [sflag:s8], $0x800  }
0x25d: {  	[sflag:s8] =	ssyncset.done $0x0  }
0x25e: {  	[sflag:s8] =	ssyncadd.s32 $0xFFFFF800  }
0x25f: {  	_ =	swait.ge [sflag:s8], $0x800  }
0x260: {  	[sflag:s8] =	ssyncset.done $0x0  }
0x261: {  	[sflag:s8] =	ssyncadd.s32 $0xFFFFF800  }
0x262: {  	_ =	swait.ge [sflag:s8], $0x800  }
0x263: {  	[sflag:s8] =	ssyncset.done $0x0  }
0x264: {  	[sflag:s8] =	ssyncadd.s32 $0xFFFFF800  }
0x265: {  	_ =	swait.ge [sflag:s8], $0x800  }
0x266: {  	[sflag:s8] =	ssyncset.done $0x0  }
0x267: {  	[sflag:s8] =	ssyncadd.s32 $0xFFFFF800  }
0x268: {  	_ =	swait.ge [sflag:s8], $0x800  }
0x269: {  	[sflag:s8] =	ssyncset.done $0x0  }
0x26a: {  	[sflag:s8] =	ssyncadd.s32 $0xFFFFF800  }
0x26b: {  	_ =	swait.ge [sflag:s8], $0x800  }
0x26c: {  	[sflag:s8] =	ssyncset.done $0x0  }
0x26d: {  	[sflag:s8] =	ssyncadd.s32 $0xFFFFF800  }
0x26e: {  	_ =	swait.ge [sflag:s8], $0x800  }
0x26f: {  	[sflag:s8] =	ssyncset.done $0x0  }
0x270: {  	[sflag:s8] =	ssyncadd.s32 $0xFFFFF800  }
0x271: {  	_ =	swait.ge [sflag:s8], $0x800  }
0x272: {  	[sflag:s8] =	ssyncset.done $0x0  }
0x273: {  	[sflag:s8] =	ssyncadd.s32 $0xFFFFF800  }
0x274: {  	_ =	swait.ge [sflag:s8], $0x800  }
0x275: {  	[sflag:s8] =	ssyncset.done $0x0  }
0x276: {  	[sflag:s8] =	ssyncadd.s32 $0xFFFFF800  }
0x277: {  	_ =	swait.ge [sflag:s8], $0x800  }
0x278: {  	[sflag:s8] =	ssyncset.done $0x0  }
0x279: {  	[sflag:s8] =	ssyncadd.s32 $0xFFFFF800  }
0x27a: {  	_ =	swait.ge [sflag:s8], $0x800  }
0x27b: {  	[sflag:s8] =	ssyncset.done $0x0  }
0x27c: {  	[sflag:s8] =	ssyncadd.s32 $0xFFFFF800  }
0x27d: {  	_ =	swait.ge [sflag:s8], $0x800  }
0x27e: {  	[sflag:s8] =	ssyncset.done $0x0  }
0x27f: {  	[sflag:s8] =	ssyncadd.s32 $0xFFFFF800  }
0x280: {  	_ =	swait.ge [sflag:s8], $0x800  }
0x281: {  	[sflag:s8] =	ssyncset.done $0x0  }
0x282: {  	[sflag:s8] =	ssyncadd.s32 $0xFFFFF800  }
0x283: {  	_ =	swait.ge [sflag:s8], $0x800  }
0x284: {  	[sflag:s8] =	ssyncset.done $0x0  }
0x285: {  	[sflag:s8] =	ssyncadd.s32 $0xFFFFF800  }
0x286: {  	_ =	swait.ge [sflag:s8], $0x800  }
0x287: {  	[sflag:s8] =	ssyncset.done $0x0  }
0x288: {  	[sflag:s8] =	ssyncadd.s32 $0xFFFFF800  }
0x289: {  	_ =	swait.ge [sflag:s8], $0x800  }
0x28a: {  	[sflag:s8] =	ssyncset.done $0x0  }
0x28b: {  	[sflag:s8] =	ssyncadd.s32 $0xFFFFF800  }
0x28c: {  	_ =	swait.ge [sflag:s8], $0x800  }
0x28d: {  	[sflag:s8] =	ssyncset.done $0x0  }
0x28e: {  	[sflag:s8] =	ssyncadd.s32 $0xFFFFF800  }
0x28f: {  	_ =	swait.ge [sflag:s8], $0x800  }
.Ltmp6:
0x290: {  	[sflag:s8] =	ssyncset.done $0x0;
	(pc) =	sbr.rel .LBB2_8-.Ltmp6, $4  }
0x291: {  	[sflag:s8] =	ssyncadd.s32 $0xFFFFF800  }
0x292: {  	_ =	swait.ge [sflag:s8], $0x800  }
0x293: {  	[sflag:s8] =	ssyncset.done $0x0  }
0x294: {  	[sflag:s8] =	ssyncadd.s32 $0xFFFFF800  }
.LBB2_3:
0x295: {  	s23 =	sld [smem:$0x7D5];
	_ =	sdelay $0x1  }
.Ltmp7:
0x296: {  	s20 =	sshrl.u32 s21, $0x3;
	s26 =	simm.s32 $0x1FC1;
	(pc) =	sbr.rel .LBB2_8-.Ltmp7, $4  }
0x297: {  	[spmem:s20], [sflag:s26] =	dma.local [hbm:s23], $0x2800  }
0x298: {  	_ =	swait.ge [sflag:s8], $0x2800  }
0x299: {  	[sflag:s8] =	ssyncset.done $0x0  }
0x29a: {  	[sflag:s8] =	ssyncadd.s32 $0xFFFFD800  }
.LBB2_6:
0x29b: {  	s20 =	sshll.u32 s0, $0x6  }
0x29c: {  	s23 =	sshrl.u32 s7, $0x3;
	s26 =	rddreg [dreg:$0x5];
	s20 =	sor.u32 $0x1C01, s20  }
0x29d: {  	[spmem:s23], [sflag:s20] =	dma.local [hbm:s26], $0x2700  }
0x29e: {  	_ =	swait.ge [sflag:s8], $0x2700  }
0x29f: {  	[sflag:s8] =	ssyncset.done $0x0  }
0x2a0: {  	[sflag:s8] =	ssyncadd.s32 $0xFFFFD900  }
.LBB2_8:
0x2a1: {  	_ =	swait.ge [sflag:s9], $0x2710  }
0x2a2: {  	[sflag:s9] =	ssyncset.done $0x0  }
0x2a3: {  	[sflag:s9] =	ssyncadd.s32 $0xFFFFD8F0  }
0x2a4: {  	_ =	swait.ge [sflag:s9], $0x2710  }
0x2a5: {  	[sflag:s9] =	ssyncset.done $0x0  }
0x2a6: {  	[sflag:s9] =	ssyncadd.s32 $0xFFFFD8F0  }
0x2a7: {  	s20 =	simm.s32 $0x0;
	[bflag:$0x0] =	sbarrier.arrive $0xFFFF  }
0x2a8: {  	[tilespmem:s2], [sflag:$0x3] =	stream.indirect.gather [hbm4b:s1+s10], $0x80, s20, s10, $0xb8;
	[tilespmem:$0x1FF80] =	vst v63  }
0x2a9: {  	_ = 	snop  }
0x2aa: {  	[tilespmem:s11], [sflag:$0x4] =	stream.indirect.gather [hbm4b:s1+s10], $0x80, s10, s10, $0xb8;
	[tilespmem:$0x1FF80] =	vst v63  }
0x2ab: {  	s23 =	simm.s32 $0x27F0  }
0x2ac: {  	[tilespmem:s13], [sflag:$0x5] =	stream.indirect.gather [hbm4b:s1+s10], $0x80, s12, s10, $0xb8;
	[tilespmem:$0x1FF80] =	vst v63  }
.LBB2_9:
0x2ad: {  	_ =	swait.ge [sflag:s14], $0x2800  }
0x2ae: {  	[sflag:s14] =	ssyncset.done $0x0  }
0x2af: {  	[sflag:s14] =	ssyncadd.s32 $0xFFFFD800  }
0x2b0: {  	v1 =	vld [tilespmem:s23+$0xFFFFFF20];
	_ =	sdelay $0x4  }
0x2b1: {  	[tilespmem:$0x4E80] =	vst v1  }
0x2b2: {  	v1 =	vld [tilespmem:s23+$0xFFFFFF30];
	_ =	sdelay $0x4  }
0x2b3: {  	[tilespmem:$0x4E90] =	vst v1  }
0x2b4: {  	v1 =	vld [tilespmem:s23+$0xFFFFFF40];
	_ =	sdelay $0x4  }
0x2b5: {  	[tilespmem:$0x4EA0] =	vst v1  }
0x2b6: {  	v1 =	vld [tilespmem:s23+$0xFFFFFF50];
	_ =	sdelay $0x4  }
0x2b7: {  	[tilespmem:$0x4EB0] =	vst v1  }
0x2b8: {  	v1 =	vld [tilespmem:s23+$0xFFFFFF60];
	_ =	sdelay $0x4  }
0x2b9: {  	[tilespmem:$0x4EC0] =	vst v1  }
0x2ba: {  	[spmem:s3] =	stream.indirect.scatter.add.f32 [tilespmem:s2], [sflag:$0x6], $0x80, s15, s10, $0xb8;
	[tilespmem:$0x1FF80] =	vst v63  }
0x2bb: {  	_ =	swait.ge [sflag:s16], $0x2800  }
0x2bc: {  	[sflag:s16] =	ssyncset.done $0x0  }
0x2bd: {  	s26 =	sadd.s32 $0xFFFFD900, s23;
	[sflag:s16] =	ssyncadd.s32 $0xFFFFD800  }
0x2be: {  	[tilespmem:s2], [sflag:$0x3] =	stream.indirect.gather [hbm4b:s1+s10], $0x80, s26, s10, $0xb8;
	[tilespmem:$0x1FF80] =	vst v63  }
0x2bf: {  	_ =	swait.ge [sflag:s17], $0x2800  }
0x2c0: {  	[sflag:s17] =	ssyncset.done $0x0  }
0x2c1: {  	[sflag:s17] =	ssyncadd.s32 $0xFFFFD800  }
0x2c2: {  	v1 =	vld [tilespmem:s23+$0xFFFFFF70];
	_ =	sdelay $0x4  }
0x2c3: {  	[tilespmem:$0x4E80] =	vst v1  }
0x2c4: {  	v1 =	vld [tilespmem:s23+$0xFFFFFF80];
	_ =	sdelay $0x4  }
0x2c5: {  	s26 =	sand.u32 $0x3FF0, s20;
	[tilespmem:$0x4E90] =	vst v1  }
0x2c6: {  	v1 =	vld [tilespmem:s26+$0x2780];
	_ =	sdelay $0x4  }
0x2c7: {  	[tilespmem:$0x4EA0] =	vst v1  }
0x2c8: {  	v1 =	vld [tilespmem:s23+$0xFFFFFFA0];
	_ =	sdelay $0x4  }
0x2c9: {  	[tilespmem:$0x4EB0] =	vst v1  }
0x2ca: {  	v1 =	vld [tilespmem:s23+$0xFFFFFFB0];
	_ =	sdelay $0x4  }
0x2cb: {  	[tilespmem:$0x4EC0] =	vst v1  }
0x2cc: {  	[spmem:s3] =	stream.indirect.scatter.add.f32 [tilespmem:s11], [sflag:$0x6], $0x80, s15, s10, $0xb8;
	[tilespmem:$0x1FF80] =	vst v63  }
0x2cd: {  	_ =	swait.ge [sflag:s16], $0x2800  }
0x2ce: {  	[sflag:s16] =	ssyncset.done $0x0  }
0x2cf: {  	s26 =	sadd.s32 $0xFFFFD950, s23;
	[sflag:s16] =	ssyncadd.s32 $0xFFFFD800  }
0x2d0: {  	[tilespmem:s11], [sflag:$0x4] =	stream.indirect.gather [hbm4b:s1+s10], $0x80, s26, s10, $0xb8;
	[tilespmem:$0x1FF80] =	vst v63  }
0x2d1: {  	_ =	swait.ge [sflag:s18], $0x2800  }
0x2d2: {  	[sflag:s18] =	ssyncset.done $0x0  }
0x2d3: {  	[sflag:s18] =	ssyncadd.s32 $0xFFFFD800  }
0x2d4: {  	v1 =	vld [tilespmem:s23+$0xFFFFFFC0];
	_ =	sdelay $0x4  }
0x2d5: {  	[tilespmem:$0x4E80] =	vst v1  }
0x2d6: {  	v1 =	vld [tilespmem:s23+$0xFFFFFFD0];
	_ =	sdelay $0x4  }
0x2d7: {  	[tilespmem:$0x4E90] =	vst v1  }
0x2d8: {  	v1 =	vld [tilespmem:s23+$0xFFFFFFE0];
	_ =	sdelay $0x4  }
0x2d9: {  	[tilespmem:$0x4EA0] =	vst v1  }
0x2da: {  	v1 =	vld [tilespmem:s23+$0xFFFFFFF0];
	_ =	sdelay $0x4  }
0x2db: {  	[tilespmem:$0x4EB0] =	vst v1  }
0x2dc: {  	v1 =	vld [tilespmem:s23+$0x0];
	_ =	sdelay $0x3  }
0x2dd: {  	p3 =	seq.s32 s20, $0x2580  }
.Ltmp8:
0x2de: {  	[tilespmem:$0x4EC0] =	vst v1;
	(pc) =	sbr.rel @p3 .LBB2_11-.Ltmp8, $4  }
0x2df: {  	[spmem:s3] =	stream.indirect.scatter.add.f32 [tilespmem:s13], [sflag:$0x6], $0x80, s15, s10, $0xb8;
	[tilespmem:$0x1FF80] =	vst v63  }
0x2e0: {  	_ =	swait.ge [sflag:s16], $0x2800  }
0x2e1: {  	[sflag:s16] =	ssyncset.done $0x0  }
0x2e2: {  	[sflag:s16] =	ssyncadd.s32 $0xFFFFD800  }
.Ltmp9:
0x2e3: {  	(pc) =	sbr.rel .LBB2_9-.Ltmp9, $3  }
0x2e4: {  	_ =	sdelay $0x1  }
0x2e5: {  	s26 =	sadd.s32 $0xFFFFD9A0, s23;
	s23 =	sadd.s32 $0xF0, s23;
	s20 =	sadd.s32 $0xF0, s20  }
0x2e6: {  	[tilespmem:s13], [sflag:$0x5] =	stream.indirect.gather [hbm4b:s1+s10], $0x80, s26, s10, $0xb8;
	[tilespmem:$0x1FF80] =	vst v63  }
.LBB2_12:
0x2e7: {  	_ =	sfence.sel $0x180000  }
0x2e8: {  	[bflag:$0x0] =	sbarrier.arrive $0xFFFF  }
0x2e9: {  	_ =	strace $0x90000047  }
0x2ea: {  	[bflag:$0x2] =	sbarrier.arrive $0xFFFF  }
0x2eb: {  	p0 =	sne.s32 s0, $0x0;
	s0 =	rddreg [dreg:$0x4]  }
0x2ec: {  	s0 =	sadd.s32 @!p0 $0x100000, s0  }
0x2ed: {  	[sflag:s0] =	ssyncadd.tile.s32 @!p0 $0x1;
	_ =	shalt  }
.Lfunc_end2:
_tile_overlayer_lowered:
.L_overlay_start_2:
0x2ee: {  	(tag) =	ssettag $0x2  }
0x2ef: {  	s0 =	rddreg [dreg:$0x0];
	s2 =	stileid.u32  }
0x2f0: {  	s1 =	rddreg [dreg:$0x1];
	p0 =	sne.s32 s2, $0x0  }
0x2f1: {  	s3 =	rddreg [dreg:$0x2];
	[bflag:$0x3] =	sbarrier.arrive $0xFFFF;
	s2 =	simm.s32 @!p0 $0x1C06  }
0x2f2: {  	[timem:s3], [sflag:s2] =	dma.local @!p0 [hbm:s0], s1  }
0x2f3: {  	s0 =	simm.s32 @!p0 $0x6  }
0x2f4: {  	_ =	swait.ge @!p0 [sflag:s0], s1  }
0x2f5: {  	s1 =	ssub.s32 @!p0 $0x0, s1;
	[sflag:s0] =	ssyncset.done @!p0 $0x0  }
0x2f6: {  	[sflag:s0] =	ssyncadd.s32 @!p0 s1  }
0x2f7: {  	[bflag:$0x3] =	sbarrier.arrive $0xFFFF  }
0x2f8: {  	_ =	shalt  }

</sc_bundles>
